<compile_context>
chip_gen: v7x
topology: tpu7x:2x2x1
jax: 0.10.2.dev20260603
libtpu: 0.0.44.dev20260713+nightly
codegen_flags: <defaults>
</compile_context>

<pallas_src>
import functools

import jax
import jax.numpy as jnp
import numpy as np
from jax.experimental import pallas as pl
from jax.experimental.pallas import tpu as pltpu
from jax.experimental.pallas import tpu_sc as plsc

B = 4
S = 4096
HIDDEN = 2048
N = B * S
CAPACITY = 0.7
TEMPERATURE = 0.5
LB_WEIGHT = 0.005
Z_LOSS_WEIGHT = 5e-06
K = max(1, min(int(CAPACITY * N), N))
CHUNK = 1024
NSTEP = N // CHUNK

NWORK = 16
PER = N // NWORK
NV = PER // 16

_MSB = -2147483648
HBITS = 272


def _tc_kernel(h_ref, w_ref, u_ref, b_ref, key_ref, aux_ref,
               asig_ref, asq_ref):
    i = pl.program_id(0)
    h = h_ref[0].astype(jnp.bfloat16)
    w8 = jnp.broadcast_to(w_ref[...], (8, HIDDEN)).astype(jnp.bfloat16)
    o = jax.lax.dot_general(
        w8, h,
        (((1,), (1,)), ((), ())),
        preferred_element_type=jnp.float32,
    )
    s8 = o[0:1, :].reshape(8, 128) + b_ref[0]

    u = u_ref[...]
    gumbel = -jnp.log(-jnp.log(u + 1e-10) + 1e-10)
    noisy = (s8 + gumbel) / TEMPERATURE
    bits = jax.lax.bitcast_convert_type(noisy, jnp.int32)
    ukey8 = jnp.where(bits < 0, ~bits, bits ^ _MSB)
    key_ref[pl.ds(i * 8, 8), :] = ukey8

    sig8 = jax.nn.sigmoid(s8)
    sq8 = s8 * s8

    @pl.when(i == 0)
    def _():
        asig_ref[...] = sig8
        asq_ref[...] = sq8

    @pl.when(i > 0)
    def _():
        asig_ref[...] += sig8
        asq_ref[...] += sq8

    @pl.when(i == NSTEP - 1)
    def _():
        p = jnp.sum(asig_ref[...]) / N
        z = jnp.sum(asq_ref[...]) / N
        f = np.float32(np.float32(K) / np.float32(N))
        lb = (f - CAPACITY) ** 2 + (p - CAPACITY) ** 2
        aux_ref[...] = (LB_WEIGHT * lb + Z_LOSS_WEIGHT * z).reshape(1, 1)


def _srl(x, n):
    return jax.lax.shift_right_logical(x, jnp.int32(n) if isinstance(n, int) else n)


def _sc_topk_body(keys_hbm, out_hbm, keys_v, lhist, mask_v, idx2d, ones_v,
                  zeros_v, big_v, h0, h1, h2, h3, h4, h5, sem):
    wid = jax.lax.axis_index("s")
    base = wid * PER
    hists = (h0, h1, h2, h3, h4, h5)
    pltpu.sync_copy(keys_hbm.at[pl.ds(base, PER)], keys_v)

    iota16 = jax.lax.iota(jnp.int32, 16)

    def cbody(j, _):
        ones_v[pl.ds(j * 16, 16)] = jnp.ones((16,), jnp.float32)
        return 0
    jax.lax.fori_loop(0, 8, cbody, 0)

    def zbody(j, _):
        zeros_v[pl.ds(j * 16, 16)] = jnp.zeros((16,), jnp.float32)
        return 0
    jax.lax.fori_loop(0, HBITS // 16, zbody, 0)

    for hh in hists:
        pltpu.sync_copy(zeros_v, hh.at[pl.ds(wid * HBITS, HBITS)])
    plsc.subcore_barrier()

    def _vsum16(x):
        dnums = jax.lax.GatherDimensionNumbers(
            offset_dims=(), collapsed_slice_dims=(0,), start_index_map=(0,))
        for k in (8, 4, 2, 1):
            perm = (iota16 ^ k).reshape(16, 1)
            x = x + jax.lax.gather(
                x, perm, dnums, (1,),
                mode=jax.lax.GatherScatterMode.PROMISE_IN_BOUNDS)
        return x[0]

    def suffix_count(b):
        def sbody(j, acc):
            biota = j * 16 + iota16
            hj = lhist[pl.ds(j * 16, 16)]
            return acc + jnp.where(biota >= b, hj, np.float32(0.0))
        acc = jax.lax.fori_loop(0, 16, sbody, jnp.zeros((16,), jnp.float32))
        return _vsum16(acc)

    def find_digit(kp, nbits):
        kpf = kp.astype(jnp.float32)

        def fbody(step, bcur):
            bit = jnp.left_shift(jnp.int32(1), nbits - 1 - step)
            cand = bcur | bit
            return jnp.where(suffix_count(cand) >= kpf, cand, bcur)

        bstar = jax.lax.fori_loop(0, nbits, fbody, jnp.int32(0))
        return bstar, kp - suffix_count(bstar + 1).astype(jnp.int32)

    def run_round(r, bucket_of_vreg):
        def bbody(v, _):
            byte = bucket_of_vreg(v) + wid * HBITS
            idx2d[v // 8, pl.ds((v % 8) * 16, 16)] = byte
            return 0
        jax.lax.fori_loop(0, NV, bbody, 0)
        handles = [
            pltpu.async_copy(ones_v, hists[r].at[idx2d.at[j]], sem, add=True)
            for j in range(8)
        ]
        for hnd in handles:
            hnd.wait()
        plsc.subcore_barrier()
        pltpu.sync_copy(hists[r], big_v)

        def zb(j, _):
            lhist[pl.ds(j * 16, 16)] = jnp.zeros((16,), jnp.float32)
            return 0
        jax.lax.fori_loop(0, HBITS // 16, zb, 0)

        def mb(w, _):
            def mj(j, _):
                sl = pl.ds(j * 16, 16)
                lhist[sl] = lhist[sl] + big_v[pl.ds(w * HBITS + j * 16, 16)]
                return 0
            jax.lax.fori_loop(0, HBITS // 16, mj, 0)
            return 0
        jax.lax.fori_loop(0, NWORK, mb, 0)

    kp = jnp.int32(K)
    tu = jnp.int32(0)

    for r in range(4):
        shift = 24 - 8 * r

        def bucket(v, _r=r, _shift=shift, _tu=tu):
            uk = keys_v[pl.ds(v * 16, 16)]
            byte = _srl(uk, _shift) & 255
            if _r == 0:
                return byte
            matched = _srl(uk, _shift + 8) == _srl(_tu, _shift + 8)
            return jnp.where(matched, byte, jnp.int32(256))

        run_round(r, bucket)
        bstar, kp = find_digit(kp, 8)
        tu = tu | jnp.left_shift(bstar, shift)

    ceq = suffix_count(bstar) - suffix_count(bstar + 1)
    do_ties = ceq > kp.astype(jnp.float32)

    @pl.when(do_ties)
    def _():
        kp2 = kp
        b4 = jnp.int32(0)
        rqs = jnp.int32(0)
        for r in range(4, 6):

            def bucket(v, _r=r, _tu=tu, _b4=b4):
                uk = keys_v[pl.ds(v * 16, 16)]
                rq = (N - 1) - (base + v * 16 + iota16)
                matched = uk == _tu
                if _r == 4:
                    byte = _srl(rq, 7)
                else:
                    matched = matched & (_srl(rq, 7) == _b4)
                    byte = rq & 127
                return jnp.where(matched, byte, jnp.int32(256))

            run_round(r, bucket)
            bst2, kp2 = find_digit(kp2, 7)
            if r == 4:
                b4 = bst2
            else:
                rqs = jnp.left_shift(b4, 7) | bst2
        idx2d[0, pl.ds(0, 16)] = jnp.broadcast_to(rqs, (16,))

    @pl.when(jnp.logical_not(do_ties))
    def _():
        idx2d[0, pl.ds(0, 16)] = jnp.zeros((16,), jnp.int32)

    rqstar = idx2d[0, pl.ds(0, 16)][0]

    st = tu ^ jnp.int32(_MSB)

    def wbody(v, _):
        uk = keys_v[pl.ds(v * 16, 16)]
        sx = uk ^ jnp.int32(_MSB)
        rq = (N - 1) - (base + v * 16 + iota16)
        sel = (sx > st) | ((sx == st) & (rq >= rqstar))
        mask_v[pl.ds(v * 16, 16)] = jnp.where(sel, 1, 0).astype(jnp.int32)
        return 0
    jax.lax.fori_loop(0, NV, wbody, 0)

    pltpu.sync_copy(mask_v, out_hbm.at[pl.ds(base, PER)])


_sc_topk = functools.partial(
    pl.kernel,
    out_type=jax.ShapeDtypeStruct((N,), jnp.int32),
    mesh=plsc.VectorSubcoreMesh(
        core_axis_name="c", subcore_axis_name="s", num_cores=1),
    scratch_types=[
        pltpu.VMEM((PER,), jnp.int32),
        pltpu.VMEM((HBITS,), jnp.float32),
        pltpu.VMEM((PER,), jnp.int32),
        pltpu.VMEM((8, 128), jnp.int32),
        pltpu.VMEM((128,), jnp.float32),
        pltpu.VMEM((HBITS,), jnp.float32),
        pltpu.VMEM((NWORK * HBITS,), jnp.float32),
    ] + [pltpu.VMEM_SHARED((NWORK * HBITS,), jnp.float32) for _ in range(6)]
      + [pltpu.SemaphoreType.DMA],
)(_sc_topk_body)


@jax.jit
def kernel(hidden_states, active_mask, router_w, router_b, gumbel_u):
    del active_mask
    nper = S // CHUNK
    ukey128, aux = pl.pallas_call(
        _tc_kernel,
        grid=(NSTEP,),
        in_specs=[
            pl.BlockSpec((1, CHUNK, HIDDEN), lambda i: (i // nper, i % nper, 0)),
            pl.BlockSpec((1, HIDDEN), lambda i: (0, 0)),
            pl.BlockSpec((8, 128), lambda i: (i, 0)),
            pl.BlockSpec(memory_space=pltpu.SMEM),
        ],
        out_specs=(
            pl.BlockSpec((128, 128), lambda i: (0, 0)),
            pl.BlockSpec((1, 1), lambda i: (0, 0)),
        ),
        out_shape=(
            jax.ShapeDtypeStruct((128, 128), jnp.int32),
            jax.ShapeDtypeStruct((1, 1), jnp.float32),
        ),
        scratch_shapes=[
            pltpu.VMEM((8, 128), jnp.float32),
            pltpu.VMEM((8, 128), jnp.float32),
        ],
    )(hidden_states, router_w, gumbel_u.reshape(128, 128), router_b)

    mask_i32 = _sc_topk(ukey128.reshape(N))
    ffn_mask = (mask_i32 != 0).reshape(B, S)
    return ffn_mask, aux[0, 0]

# --- scband reference (transcript-rebuilt; emitter-appended) ---
"""Pipeline reference for scband-mo-erouter-1331439862153 (READ-ONLY COPY).

The authoritative reference and input builder live on the scoring server;
editing this copy changes nothing except your own understanding.
"""

import jax, jax.numpy as jnp
import numpy as np

B = 4
S = 4096
HIDDEN = 2048
CAPACITY = 0.7
TEMPERATURE = 0.5
LB_WEIGHT = 0.005
Z_LOSS_WEIGHT = 5e-06


def setup_inputs(seed: int = 0) -> dict:
    key = jax.random.key(seed)
    k1, k2, k3 = jax.random.split(key, 3)
    hidden_states = jax.random.normal(k1, (B, S, HIDDEN), dtype=jnp.float32)
    active_mask = jnp.ones((B, S), dtype=bool)
    # Learned params of nn.Linear(hidden_dim, 1): weight [1, hidden], bias [1]
    router_w = jax.random.normal(k2, (1, HIDDEN), dtype=jnp.float32) * 0.02
    router_b = jnp.zeros((1,), dtype=jnp.float32)
    # Pre-sampled uniforms standing in for torch.rand_like(scores) (gumbel noise)
    gumbel_u = jax.random.uniform(k3, (B, S), dtype=jnp.float32)
    return {
        "hidden_states": hidden_states,
        "active_mask": active_mask,
        "router_w": router_w,
        "router_b": router_b,
        "gumbel_u": gumbel_u,
    }


def reference(hidden_states, active_mask, router_w, router_b, gumbel_u):
    # scores = self.router(hidden_states).squeeze(-1)
    scores = (hidden_states @ router_w.T + router_b)[..., 0]  # [B, S]
    scores = jnp.where(active_mask, scores, -jnp.inf)
    # active_mask is all-ones here, so num_active = B*S (static for jit)
    num_active = B * S
    k = max(1, min(int(CAPACITY * num_active), num_active))
    # training branch: gumbel-noised top-k selection
    gumbel = -jnp.log(-jnp.log(gumbel_u + 1e-10) + 1e-10)
    noisy = (scores + gumbel) / TEMPERATURE
    flat_scores = noisy.reshape(-1)
    topk_vals, indices = jax.lax.top_k(flat_scores, k)
    ffn_mask = jnp.zeros(flat_scores.shape, dtype=bool).at[indices].set(True)
    ffn_mask = ffn_mask.reshape(B, S) & active_mask
    # router_probs = sigmoid(scores[active_mask]); mask is all True -> flatten
    router_probs = jax.nn.sigmoid(scores.reshape(-1))
    f = ffn_mask.astype(jnp.float32).sum() / num_active
    p = router_probs.mean()
    lb_loss = (f - CAPACITY) ** 2 + (p - CAPACITY) ** 2
    # z-loss over active logits (all active)
    z_loss = (scores.reshape(-1) ** 2).mean()
    aux_loss = LB_WEIGHT * lb_loss + Z_LOSS_WEIGHT * z_loss
    return ffn_mask, aux_loss

if __name__ == "__main__":
    import jax
    _d = setup_inputs()
    print(jax.jit(kernel)(*tuple(_d.values())))

</pallas_src>

<mosaic_0001>
#map = affine_map<(d0, d1) -> (0)>
module attributes {stable_mosaic.version = 14 : i64} {
  func.func @_sc_topk_body(%arg0: i32, %arg1: i32, %arg2: memref<16384xi32, #tpu.memory_space<hbm>>, %arg3: memref<16384xi32, #tpu.memory_space<hbm>>, %arg4: memref<1024xi32, #tpu.memory_space<vmem>>, %arg5: memref<272xf32, #tpu.memory_space<vmem>>, %arg6: memref<1024xi32, #tpu.memory_space<vmem>>, %arg7: memref<8x128xi32, #tpu.memory_space<vmem>>, %arg8: memref<128xf32, #tpu.memory_space<vmem>>, %arg9: memref<272xf32, #tpu.memory_space<vmem>>, %arg10: memref<4352xf32, #tpu.memory_space<vmem>>, %arg11: memref<4352xf32, #tpu.memory_space<vmem_shared>>, %arg12: memref<4352xf32, #tpu.memory_space<vmem_shared>>, %arg13: memref<4352xf32, #tpu.memory_space<vmem_shared>>, %arg14: memref<4352xf32, #tpu.memory_space<vmem_shared>>, %arg15: memref<4352xf32, #tpu.memory_space<vmem_shared>>, %arg16: memref<4352xf32, #tpu.memory_space<vmem_shared>>, %arg17: memref<!tpu.dma_semaphore, #tpu.memory_space<semaphore_mem>>) attributes {dimension_semantics = [#tpu.dimension_semantics<core_parallel>, #tpu.dimension_semantics<subcore_parallel>], iteration_bounds = array<i64: 1, 16>, scalar_prefetch = 0 : i64, scratch_operands = 14 : i64, tpu.core_type = #tpu.core_type<sc_vector_subcore>, window_params = [{transform_indices = #map}, {transform_indices = #map}]} {
    %mul3A = arith.constant 1024 : i32
    %mul3A_0 = arith.muli %arg1, %mul3A : i32
    "tpu.region"() ({
      %run_scoped3A = tpu.sem_alloc : memref<!tpu.dma_semaphore, #tpu.memory_space<semaphore_mem>>
      %dma_start3A_800 = tpu.memref_slice %arg2[%mul3A_0] : memref<16384xi32, #tpu.memory_space<hbm>> -> memref<1024xi32, #tpu.memory_space<hbm>>
      %dma_start3A_801 = tpu.memref_slice %arg2[%mul3A_0] : memref<16384xi32, #tpu.memory_space<hbm>> -> memref<1024xi32, #tpu.memory_space<hbm>>
      tpu.enqueue_dma source(%dma_start3A_801 : memref<1024xi32, #tpu.memory_space<hbm>>) target(%arg4 : memref<1024xi32, #tpu.memory_space<vmem>>) target_semaphore(%run_scoped3A : memref<!tpu.dma_semaphore, #tpu.memory_space<semaphore_mem>>)
      %dma_wait3A_802 = tpu.memref_slice %arg2[%mul3A_0] : memref<16384xi32, #tpu.memory_space<hbm>> -> memref<1024xi32, #tpu.memory_space<hbm>>
      %dma_wait3A_803 = tpu.memref_slice %arg2[%mul3A_0] : memref<16384xi32, #tpu.memory_space<hbm>> -> memref<1024xi32, #tpu.memory_space<hbm>>
      tpu.wait_dma2 semaphore(%run_scoped3A : memref<!tpu.dma_semaphore, #tpu.memory_space<semaphore_mem>>) src(%dma_wait3A_803 : memref<1024xi32, #tpu.memory_space<hbm>>) dst(%arg4 : memref<1024xi32, #tpu.memory_space<vmem>>)
      tpu.yield
    }) : () -> ()
    %iota3A = tpu.iota {dimensions = array<i32: 0>} : vector<16xi32>
    %scan3A = arith.constant 0 : i32
    %scan3A_1 = arith.constant 0 : i32
    %scan3A_2 = arith.constant 8 : i32
    %scan3A_3 = arith.addi %scan3A_1, %scan3A_2 : i32
    %scan3A_4 = arith.constant 1 : i32
    %scan3A_5 = scf.for %scan3A_800 = %scan3A_1 to %scan3A_3 step %scan3A_4 iter_args(%scan3A_801 = %scan3A) -> (i32)  : i32 {
      %broadcast_in_dim3A_802 = arith.constant 1.000000e+00 : f32
      %broadcast_in_dim3A_803 = vector.broadcast %broadcast_in_dim3A_802 : f32 to vector<16xf32>
      %mul3A_804 = arith.constant 16 : i32
      %mul3A_805 = arith.muli %scan3A_800, %mul3A_804 : i32
      %swap3A = arith.index_cast %mul3A_805 : i32 to index
      %swap3A_806 = tpu.vector_load %arg8[%swap3A] {strides = array<i32>} : memref<128xf32, #tpu.memory_space<vmem>>, vector<16xf32>,
      %swap3A_807 = vector.shape_cast %swap3A_806 : vector<16xf32> to vector<16xf32>
      %swap3A_808 = vector.shape_cast %broadcast_in_dim3A_803 : vector<16xf32> to vector<16xf32>
      tpu.vector_store %arg8[%swap3A], %swap3A_808 {strides = array<i32>} : memref<128xf32, #tpu.memory_space<vmem>>, vector<16xf32>,
      %scan3A_809 = arith.constant 0 : i32
      scf.yield %scan3A_809 : i32
    }
    %scan3A_6 = arith.constant 8 : i32
    %scan3A_7 = arith.constant 0 : i32
    %scan3A_8 = arith.constant 0 : i32
    %scan3A_9 = arith.constant 17 : i32
    %scan3A_10 = arith.addi %scan3A_8, %scan3A_9 : i32
    %scan3A_11 = arith.constant 1 : i32
    %scan3A_12 = scf.for %scan3A_800 = %scan3A_8 to %scan3A_10 step %scan3A_11 iter_args(%scan3A_801 = %scan3A_7) -> (i32)  : i32 {
      %broadcast_in_dim3A_802 = arith.constant 0.000000e+00 : f32
      %broadcast_in_dim3A_803 = vector.broadcast %broadcast_in_dim3A_802 : f32 to vector<16xf32>
      %mul3A_804 = arith.constant 16 : i32
      %mul3A_805 = arith.muli %scan3A_800, %mul3A_804 : i32
      %swap3A = arith.index_cast %mul3A_805 : i32 to index
      %swap3A_806 = tpu.vector_load %arg9[%swap3A] {strides = array<i32>} : memref<272xf32, #tpu.memory_space<vmem>>, vector<16xf32>,
      %swap3A_807 = vector.shape_cast %swap3A_806 : vector<16xf32> to vector<16xf32>
      %swap3A_808 = vector.shape_cast %broadcast_in_dim3A_803 : vector<16xf32> to vector<16xf32>
      tpu.vector_store %arg9[%swap3A], %swap3A_808 {strides = array<i32>} : memref<272xf32, #tpu.memory_space<vmem>>, vector<16xf32>,
      %scan3A_809 = arith.constant 0 : i32
      scf.yield %scan3A_809 : i32
    }
    %scan3A_13 = arith.constant 17 : i32
    %mul3A_14 = arith.constant 272 : i32
    %mul3A_15 = arith.muli %arg1, %mul3A_14 : i32
    "tpu.region"() ({
      %run_scoped3A = tpu.sem_alloc : memref<!tpu.dma_semaphore, #tpu.memory_space<semaphore_mem>>
      %dma_start3A_800 = tpu.memref_slice %arg11[%mul3A_15] : memref<4352xf32, #tpu.memory_space<vmem_shared>> -> memref<272xf32, #tpu.memory_space<vmem_shared>>
      %dma_start3A_801 = tpu.memref_slice %arg11[%mul3A_15] : memref<4352xf32, #tpu.memory_space<vmem_shared>> -> memref<272xf32, #tpu.memory_space<vmem_shared>>
      tpu.enqueue_dma source(%arg9 : memref<272xf32, #tpu.memory_space<vmem>>) target(%dma_start3A_801 : memref<272xf32, #tpu.memory_space<vmem_shared>>) target_semaphore(%run_scoped3A : memref<!tpu.dma_semaphore, #tpu.memory_space<semaphore_mem>>)
      %dma_wait3A_802 = tpu.memref_slice %arg11[%mul3A_15] : memref<4352xf32, #tpu.memory_space<vmem_shared>> -> memref<272xf32, #tpu.memory_space<vmem_shared>>
      %dma_wait3A_803 = tpu.memref_slice %arg11[%mul3A_15] : memref<4352xf32, #tpu.memory_space<vmem_shared>> -> memref<272xf32, #tpu.memory_space<vmem_shared>>
      tpu.wait_dma2 semaphore(%run_scoped3A : memref<!tpu.dma_semaphore, #tpu.memory_space<semaphore_mem>>) src(%arg9 : memref<272xf32, #tpu.memory_space<vmem>>) dst(%dma_wait3A_803 : memref<272xf32, #tpu.memory_space<vmem_shared>>)
      tpu.yield
    }) : () -> ()
    %mul3A_16 = arith.constant 272 : i32
    %mul3A_17 = arith.muli %arg1, %mul3A_16 : i32
    "tpu.region"() ({
      %run_scoped3A = tpu.sem_alloc : memref<!tpu.dma_semaphore, #tpu.memory_space<semaphore_mem>>
      %dma_start3A_800 = tpu.memref_slice %arg12[%mul3A_17] : memref<4352xf32, #tpu.memory_space<vmem_shared>> -> memref<272xf32, #tpu.memory_space<vmem_shared>>
      %dma_start3A_801 = tpu.memref_slice %arg12[%mul3A_17] : memref<4352xf32, #tpu.memory_space<vmem_shared>> -> memref<272xf32, #tpu.memory_space<vmem_shared>>
      tpu.enqueue_dma source(%arg9 : memref<272xf32, #tpu.memory_space<vmem>>) target(%dma_start3A_801 : memref<272xf32, #tpu.memory_space<vmem_shared>>) target_semaphore(%run_scoped3A : memref<!tpu.dma_semaphore, #tpu.memory_space<semaphore_mem>>)
      %dma_wait3A_802 = tpu.memref_slice %arg12[%mul3A_17] : memref<4352xf32, #tpu.memory_space<vmem_shared>> -> memref<272xf32, #tpu.memory_space<vmem_shared>>
      %dma_wait3A_803 = tpu.memref_slice %arg12[%mul3A_17] : memref<4352xf32, #tpu.memory_space<vmem_shared>> -> memref<272xf32, #tpu.memory_space<vmem_shared>>
      tpu.wait_dma2 semaphore(%run_scoped3A : memref<!tpu.dma_semaphore, #tpu.memory_space<semaphore_mem>>) src(%arg9 : memref<272xf32, #tpu.memory_space<vmem>>) dst(%dma_wait3A_803 : memref<272xf32, #tpu.memory_space<vmem_shared>>)
      tpu.yield
    }) : () -> ()
    %mul3A_18 = arith.constant 272 : i32
    %mul3A_19 = arith.muli %arg1, %mul3A_18 : i32
    "tpu.region"() ({
      %run_scoped3A = tpu.sem_alloc : memref<!tpu.dma_semaphore, #tpu.memory_space<semaphore_mem>>
      %dma_start3A_800 = tpu.memref_slice %arg13[%mul3A_19] : memref<4352xf32, #tpu.memory_space<vmem_shared>> -> memref<272xf32, #tpu.memory_space<vmem_shared>>
      %dma_start3A_801 = tpu.memref_slice %arg13[%mul3A_19] : memref<4352xf32, #tpu.memory_space<vmem_shared>> -> memref<272xf32, #tpu.memory_space<vmem_shared>>
      tpu.enqueue_dma source(%arg9 : memref<272xf32, #tpu.memory_space<vmem>>) target(%dma_start3A_801 : memref<272xf32, #tpu.memory_space<vmem_shared>>) target_semaphore(%run_scoped3A : memref<!tpu.dma_semaphore, #tpu.memory_space<semaphore_mem>>)
      %dma_wait3A_802 = tpu.memref_slice %arg13[%mul3A_19] : memref<4352xf32, #tpu.memory_space<vmem_shared>> -> memref<272xf32, #tpu.memory_space<vmem_shared>>
      %dma_wait3A_803 = tpu.memref_slice %arg13[%mul3A_19] : memref<4352xf32, #tpu.memory_space<vmem_shared>> -> memref<272xf32, #tpu.memory_space<vmem_shared>>
      tpu.wait_dma2 semaphore(%run_scoped3A : memref<!tpu.dma_semaphore, #tpu.memory_space<semaphore_mem>>) src(%arg9 : memref<272xf32, #tpu.memory_space<vmem>>) dst(%dma_wait3A_803 : memref<272xf32, #tpu.memory_space<vmem_shared>>)
      tpu.yield
    }) : () -> ()
    %mul3A_20 = arith.constant 272 : i32
    %mul3A_21 = arith.muli %arg1, %mul3A_20 : i32
    "tpu.region"() ({
      %run_scoped3A = tpu.sem_alloc : memref<!tpu.dma_semaphore, #tpu.memory_space<semaphore_mem>>
      %dma_start3A_800 = tpu.memref_slice %arg14[%mul3A_21] : memref<4352xf32, #tpu.memory_space<vmem_shared>> -> memref<272xf32, #tpu.memory_space<vmem_shared>>
      %dma_start3A_801 = tpu.memref_slice %arg14[%mul3A_21] : memref<4352xf32, #tpu.memory_space<vmem_shared>> -> memref<272xf32, #tpu.memory_space<vmem_shared>>
      tpu.enqueue_dma source(%arg9 : memref<272xf32, #tpu.memory_space<vmem>>) target(%dma_start3A_801 : memref<272xf32, #tpu.memory_space<vmem_shared>>) target_semaphore(%run_scoped3A : memref<!tpu.dma_semaphore, #tpu.memory_space<semaphore_mem>>)
      %dma_wait3A_802 = tpu.memref_slice %arg14[%mul3A_21] : memref<4352xf32, #tpu.memory_space<vmem_shared>> -> memref<272xf32, #tpu.memory_space<vmem_shared>>
      %dma_wait3A_803 = tpu.memref_slice %arg14[%mul3A_21] : memref<4352xf32, #tpu.memory_space<vmem_shared>> -> memref<272xf32, #tpu.memory_space<vmem_shared>>
      tpu.wait_dma2 semaphore(%run_scoped3A : memref<!tpu.dma_semaphore, #tpu.memory_space<semaphore_mem>>) src(%arg9 : memref<272xf32, #tpu.memory_space<vmem>>) dst(%dma_wait3A_803 : memref<272xf32, #tpu.memory_space<vmem_shared>>)
      tpu.yield
    }) : () -> ()
    %mul3A_22 = arith.constant 272 : i32
    %mul3A_23 = arith.muli %arg1, %mul3A_22 : i32
    "tpu.region"() ({
      %run_scoped3A = tpu.sem_alloc : memref<!tpu.dma_semaphore, #tpu.memory_space<semaphore_mem>>
      %dma_start3A_800 = tpu.memref_slice %arg15[%mul3A_23] : memref<4352xf32, #tpu.memory_space<vmem_shared>> -> memref<272xf32, #tpu.memory_space<vmem_shared>>
      %dma_start3A_801 = tpu.memref_slice %arg15[%mul3A_23] : memref<4352xf32, #tpu.memory_space<vmem_shared>> -> memref<272xf32, #tpu.memory_space<vmem_shared>>
      tpu.enqueue_dma source(%arg9 : memref<272xf32, #tpu.memory_space<vmem>>) target(%dma_start3A_801 : memref<272xf32, #tpu.memory_space<vmem_shared>>) target_semaphore(%run_scoped3A : memref<!tpu.dma_semaphore, #tpu.memory_space<semaphore_mem>>)
      %dma_wait3A_802 = tpu.memref_slice %arg15[%mul3A_23] : memref<4352xf32, #tpu.memory_space<vmem_shared>> -> memref<272xf32, #tpu.memory_space<vmem_shared>>
      %dma_wait3A_803 = tpu.memref_slice %arg15[%mul3A_23] : memref<4352xf32, #tpu.memory_space<vmem_shared>> -> memref<272xf32, #tpu.memory_space<vmem_shared>>
      tpu.wait_dma2 semaphore(%run_scoped3A : memref<!tpu.dma_semaphore, #tpu.memory_space<semaphore_mem>>) src(%arg9 : memref<272xf32, #tpu.memory_space<vmem>>) dst(%dma_wait3A_803 : memref<272xf32, #tpu.memory_space<vmem_shared>>)
      tpu.yield
    }) : () -> ()
    %mul3A_24 = arith.constant 272 : i32
    %mul3A_25 = arith.muli %arg1, %mul3A_24 : i32
    "tpu.region"() ({
      %run_scoped3A = tpu.sem_alloc : memref<!tpu.dma_semaphore, #tpu.memory_space<semaphore_mem>>
      %dma_start3A_800 = tpu.memref_slice %arg16[%mul3A_25] : memref<4352xf32, #tpu.memory_space<vmem_shared>> -> memref<272xf32, #tpu.memory_space<vmem_shared>>
      %dma_start3A_801 = tpu.memref_slice %arg16[%mul3A_25] : memref<4352xf32, #tpu.memory_space<vmem_shared>> -> memref<272xf32, #tpu.memory_space<vmem_shared>>
      tpu.enqueue_dma source(%arg9 : memref<272xf32, #tpu.memory_space<vmem>>) target(%dma_start3A_801 : memref<272xf32, #tpu.memory_space<vmem_shared>>) target_semaphore(%run_scoped3A : memref<!tpu.dma_semaphore, #tpu.memory_space<semaphore_mem>>)
      %dma_wait3A_802 = tpu.memref_slice %arg16[%mul3A_25] : memref<4352xf32, #tpu.memory_space<vmem_shared>> -> memref<272xf32, #tpu.memory_space<vmem_shared>>
      %dma_wait3A_803 = tpu.memref_slice %arg16[%mul3A_25] : memref<4352xf32, #tpu.memory_space<vmem_shared>> -> memref<272xf32, #tpu.memory_space<vmem_shared>>
      tpu.wait_dma2 semaphore(%run_scoped3A : memref<!tpu.dma_semaphore, #tpu.memory_space<semaphore_mem>>) src(%arg9 : memref<272xf32, #tpu.memory_space<vmem>>) dst(%dma_wait3A_803 : memref<272xf32, #tpu.memory_space<vmem_shared>>)
      tpu.yield
    }) : () -> ()
    %barrier3A = arith.constant 0 : index
    tpu.barrier barrier_id(%barrier3A)
    %scan3A_26 = arith.constant 0 : i32
    %scan3A_27 = arith.constant 0 : i32
    %scan3A_28 = arith.constant 64 : i32
    %scan3A_29 = arith.addi %scan3A_27, %scan3A_28 : i32
    %scan3A_30 = arith.constant 1 : i32
    %scan3A_31 = scf.for %scan3A_800 = %scan3A_27 to %scan3A_29 step %scan3A_30 iter_args(%scan3A_801 = %scan3A_26) -> (i32)  : i32 {
      %mul3A_802 = arith.constant 16 : i32
      %mul3A_803 = arith.muli %scan3A_800, %mul3A_802 : i32
      %get3A_804 = arith.index_cast %mul3A_803 : i32 to index
      %get3A_805 = tpu.vector_load %arg4[%get3A_804] {strides = array<i32>} : memref<1024xi32, #tpu.memory_space<vmem>>, vector<16xi32>,
      %get3A_806 = vector.shape_cast %get3A_805 : vector<16xi32> to vector<16xi32>
      %shift_right_logical3A = arith.constant 24 : i32
      %shift_right_logical3A_807 = vector.broadcast %shift_right_logical3A : i32 to vector<16xi32>
      %shift_right_logical3A_808 = arith.shrui %get3A_806, %shift_right_logical3A_807 : vector<16xi32>
      %and3A = arith.constant 255 : i32
      %and3A_809 = vector.broadcast %and3A : i32 to vector<16xi32>
      %and3A_810 = arith.andi %shift_right_logical3A_808, %and3A_809 : vector<16xi32>
      %mul3A_811 = arith.constant 272 : i32
      %mul3A_812 = arith.muli %arg1, %mul3A_811 : i32
      %add3A_813 = vector.broadcast %mul3A_812 : i32 to vector<16xi32>
      %add3A_814 = arith.addi %and3A_810, %add3A_813 : vector<16xi32>
      %jit3A = arith.constant 8 : i32
      %div3A = arith.divsi %scan3A_800, %jit3A : i32
      %sign3A = arith.constant 0 : i32
      %sign3A_815 = arith.cmpi sgt, %scan3A_800, %sign3A : i32
      %sign3A_816 = arith.extui %sign3A_815 : i1 to i32
      %sign3A_817 = arith.constant 0 : i32
      %sign3A_818 = arith.cmpi slt, %scan3A_800, %sign3A_817 : i32
      %sign3A_819 = arith.extui %sign3A_818 : i1 to i32
      %sign3A_820 = arith.subi %sign3A_816, %sign3A_819 : i32
      %sign3A_821 = arith.constant 0 : i32
      %sign3A_822 = arith.cmpi sgt, %jit3A, %sign3A_821 : i32
      %sign3A_823 = arith.extui %sign3A_822 : i1 to i32
      %sign3A_824 = arith.constant 0 : i32
      %sign3A_825 = arith.cmpi slt, %jit3A, %sign3A_824 : i32
      %sign3A_826 = arith.extui %sign3A_825 : i1 to i32
      %sign3A_827 = arith.subi %sign3A_823, %sign3A_826 : i32
      %ne3A = arith.cmpi ne, %sign3A_820, %sign3A_827 : i32
      %rem3A = arith.remsi %scan3A_800, %jit3A : i32
      %ne3A_828 = arith.constant 0 : i32
      %ne3A_829 = arith.cmpi ne, %rem3A, %ne3A_828 : i32
      %and3A_830 = arith.andi %ne3A, %ne3A_829 : i1
      %sub3A_831 = arith.constant 1 : i32
      %sub3A_832 = arith.subi %div3A, %sub3A_831 : i32
      %select_n3A = arith.select %and3A_830, %sub3A_832, %div3A : i32
      %jit3A_833 = arith.constant 8 : i32
      %eq3A = arith.constant 0 : i32
      %eq3A_834 = arith.cmpi eq, %jit3A_833, %eq3A : i32
      %jit3A_835 = arith.constant 1 : i32
      %select_n3A_836 = arith.select %eq3A_834, %jit3A_835, %jit3A_833 : i32
      %rem3A_837 = arith.remsi %scan3A_800, %select_n3A_836 : i32
      %ne3A_838 = arith.constant 0 : i32
      %ne3A_839 = arith.cmpi ne, %rem3A_837, %ne3A_838 : i32
      %lt3A = arith.constant 0 : i32
      %lt3A_840 = arith.cmpi slt, %rem3A_837, %lt3A : i32
      %lt3A_841 = arith.constant 0 : i32
      %lt3A_842 = arith.cmpi slt, %select_n3A_836, %lt3A_841 : i32
      %ne3A_843 = arith.xori %lt3A_840, %lt3A_842 : i1
      %and3A_844 = arith.andi %ne3A_843, %ne3A_839 : i1
      %add3A_845 = arith.addi %rem3A_837, %select_n3A_836 : i32
      %select_n3A_846 = arith.select %and3A_844, %add3A_845, %rem3A_837 : i32
      %mul3A_847 = arith.constant 16 : i32
      %mul3A_848 = arith.muli %select_n3A_846, %mul3A_847 : i32
      %swap3A = arith.index_cast %select_n3A : i32 to index
      %swap3A_849 = arith.index_cast %mul3A_848 : i32 to index
      %swap3A_850 = tpu.vector_load %arg7[%swap3A, %swap3A_849] {strides = array<i32>} : memref<8x128xi32, #tpu.memory_space<vmem>>, vector<1x16xi32>,
      %swap3A_851 = vector.shape_cast %swap3A_850 : vector<1x16xi32> to vector<16xi32>
      %swap3A_852 = vector.shape_cast %add3A_814 : vector<16xi32> to vector<1x16xi32>
      tpu.vector_store %arg7[%swap3A, %swap3A_849], %swap3A_852 {strides = array<i32>} : memref<8x128xi32, #tpu.memory_space<vmem>>, vector<1x16xi32>,
      %scan3A_853 = arith.constant 0 : i32
      scf.yield %scan3A_853 : i32
    }
    %scan3A_32 = arith.constant 64 : i32
    %dma_start3A = arith.constant 0 : i32
    %dma_start3A_33 = arith.constant 0 : i32
    %dma_start3A_34 = tpu.memref_slice %arg7[%dma_start3A, %dma_start3A_33] : memref<8x128xi32, #tpu.memory_space<vmem>> -> memref<1x128xi32, #tpu.memory_space<vmem>>
    %dma_start3A_35 = tpu.memref_squeeze %dma_start3A_34 : memref<1x128xi32, #tpu.memory_space<vmem>> -> memref<128xi32, #tpu.memory_space<vmem>>
    %dma_start3A_36 = arith.constant 0 : i32
    %dma_start3A_37 = tpu.memref_slice %arg11[%dma_start3A_36] : memref<4352xf32, #tpu.memory_space<vmem_shared>> -> memref<4352xf32, #tpu.memory_space<vmem_shared>>
    tpu.enqueue_indirect_dma source(%arg8 : memref<128xf32, #tpu.memory_space<vmem>>) target(%dma_start3A_37 : memref<4352xf32, #tpu.memory_space<vmem_shared>>) offsets(%dma_start3A_35 : memref<128xi32, #tpu.memory_space<vmem>>) semaphore(%arg17 : memref<!tpu.dma_semaphore, #tpu.memory_space<semaphore_mem>>) {add = true}
    %dma_start3A_38 = arith.constant 1 : i32
    %dma_start3A_39 = arith.constant 0 : i32
    %dma_start3A_40 = tpu.memref_slice %arg7[%dma_start3A_38, %dma_start3A_39] : memref<8x128xi32, #tpu.memory_space<vmem>> -> memref<1x128xi32, #tpu.memory_space<vmem>>
    %dma_start3A_41 = tpu.memref_squeeze %dma_start3A_40 : memref<1x128xi32, #tpu.memory_space<vmem>> -> memref<128xi32, #tpu.memory_space<vmem>>
    %dma_start3A_42 = arith.constant 0 : i32
    %dma_start3A_43 = tpu.memref_slice %arg11[%dma_start3A_42] : memref<4352xf32, #tpu.memory_space<vmem_shared>> -> memref<4352xf32, #tpu.memory_space<vmem_shared>>
    tpu.enqueue_indirect_dma source(%arg8 : memref<128xf32, #tpu.memory_space<vmem>>) target(%dma_start3A_43 : memref<4352xf32, #tpu.memory_space<vmem_shared>>) offsets(%dma_start3A_41 : memref<128xi32, #tpu.memory_space<vmem>>) semaphore(%arg17 : memref<!tpu.dma_semaphore, #tpu.memory_space<semaphore_mem>>) {add = true}
    %dma_start3A_44 = arith.constant 2 : i32
    %dma_start3A_45 = arith.constant 0 : i32
    %dma_start3A_46 = tpu.memref_slice %arg7[%dma_start3A_44, %dma_start3A_45] : memref<8x128xi32, #tpu.memory_space<vmem>> -> memref<1x128xi32, #tpu.memory_space<vmem>>
    %dma_start3A_47 = tpu.memref_squeeze %dma_start3A_46 : memref<1x128xi32, #tpu.memory_space<vmem>> -> memref<128xi32, #tpu.memory_space<vmem>>
    %dma_start3A_48 = arith.constant 0 : i32
    %dma_start3A_49 = tpu.memref_slice %arg11[%dma_start3A_48] : memref<4352xf32, #tpu.memory_space<vmem_shared>> -> memref<4352xf32, #tpu.memory_space<vmem_shared>>
    tpu.enqueue_indirect_dma source(%arg8 : memref<128xf32, #tpu.memory_space<vmem>>) target(%dma_start3A_49 : memref<4352xf32, #tpu.memory_space<vmem_shared>>) offsets(%dma_start3A_47 : memref<128xi32, #tpu.memory_space<vmem>>) semaphore(%arg17 : memref<!tpu.dma_semaphore, #tpu.memory_space<semaphore_mem>>) {add = true}
    %dma_start3A_50 = arith.constant 3 : i32
    %dma_start3A_51 = arith.constant 0 : i32
    %dma_start3A_52 = tpu.memref_slice %arg7[%dma_start3A_50, %dma_start3A_51] : memref<8x128xi32, #tpu.memory_space<vmem>> -> memref<1x128xi32, #tpu.memory_space<vmem>>
    %dma_start3A_53 = tpu.memref_squeeze %dma_start3A_52 : memref<1x128xi32, #tpu.memory_space<vmem>> -> memref<128xi32, #tpu.memory_space<vmem>>
    %dma_start3A_54 = arith.constant 0 : i32
    %dma_start3A_55 = tpu.memref_slice %arg11[%dma_start3A_54] : memref<4352xf32, #tpu.memory_space<vmem_shared>> -> memref<4352xf32, #tpu.memory_space<vmem_shared>>
    tpu.enqueue_indirect_dma source(%arg8 : memref<128xf32, #tpu.memory_space<vmem>>) target(%dma_start3A_55 : memref<4352xf32, #tpu.memory_space<vmem_shared>>) offsets(%dma_start3A_53 : memref<128xi32, #tpu.memory_space<vmem>>) semaphore(%arg17 : memref<!tpu.dma_semaphore, #tpu.memory_space<semaphore_mem>>) {add = true}
    %dma_start3A_56 = arith.constant 4 : i32
    %dma_start3A_57 = arith.constant 0 : i32
    %dma_start3A_58 = tpu.memref_slice %arg7[%dma_start3A_56, %dma_start3A_57] : memref<8x128xi32, #tpu.memory_space<vmem>> -> memref<1x128xi32, #tpu.memory_space<vmem>>
    %dma_start3A_59 = tpu.memref_squeeze %dma_start3A_58 : memref<1x128xi32, #tpu.memory_space<vmem>> -> memref<128xi32, #tpu.memory_space<vmem>>
    %dma_start3A_60 = arith.constant 0 : i32
    %dma_start3A_61 = tpu.memref_slice %arg11[%dma_start3A_60] : memref<4352xf32, #tpu.memory_space<vmem_shared>> -> memref<4352xf32, #tpu.memory_space<vmem_shared>>
    tpu.enqueue_indirect_dma source(%arg8 : memref<128xf32, #tpu.memory_space<vmem>>) target(%dma_start3A_61 : memref<4352xf32, #tpu.memory_space<vmem_shared>>) offsets(%dma_start3A_59 : memref<128xi32, #tpu.memory_space<vmem>>) semaphore(%arg17 : memref<!tpu.dma_semaphore, #tpu.memory_space<semaphore_mem>>) {add = true}
    %dma_start3A_62 = arith.constant 5 : i32
    %dma_start3A_63 = arith.constant 0 : i32
    %dma_start3A_64 = tpu.memref_slice %arg7[%dma_start3A_62, %dma_start3A_63] : memref<8x128xi32, #tpu.memory_space<vmem>> -> memref<1x128xi32, #tpu.memory_space<vmem>>
    %dma_start3A_65 = tpu.memref_squeeze %dma_start3A_64 : memref<1x128xi32, #tpu.memory_space<vmem>> -> memref<128xi32, #tpu.memory_space<vmem>>
    %dma_start3A_66 = arith.constant 0 : i32
    %dma_start3A_67 = tpu.memref_slice %arg11[%dma_start3A_66] : memref<4352xf32, #tpu.memory_space<vmem_shared>> -> memref<4352xf32, #tpu.memory_space<vmem_shared>>
    tpu.enqueue_indirect_dma source(%arg8 : memref<128xf32, #tpu.memory_space<vmem>>) target(%dma_start3A_67 : memref<4352xf32, #tpu.memory_space<vmem_shared>>) offsets(%dma_start3A_65 : memref<128xi32, #tpu.memory_space<vmem>>) semaphore(%arg17 : memref<!tpu.dma_semaphore, #tpu.memory_space<semaphore_mem>>) {add = true}
    %dma_start3A_68 = arith.constant 6 : i32
    %dma_start3A_69 = arith.constant 0 : i32
    %dma_start3A_70 = tpu.memref_slice %arg7[%dma_start3A_68, %dma_start3A_69] : memref<8x128xi32, #tpu.memory_space<vmem>> -> memref<1x128xi32, #tpu.memory_space<vmem>>
    %dma_start3A_71 = tpu.memref_squeeze %dma_start3A_70 : memref<1x128xi32, #tpu.memory_space<vmem>> -> memref<128xi32, #tpu.memory_space<vmem>>
    %dma_start3A_72 = arith.constant 0 : i32
    %dma_start3A_73 = tpu.memref_slice %arg11[%dma_start3A_72] : memref<4352xf32, #tpu.memory_space<vmem_shared>> -> memref<4352xf32, #tpu.memory_space<vmem_shared>>
    tpu.enqueue_indirect_dma source(%arg8 : memref<128xf32, #tpu.memory_space<vmem>>) target(%dma_start3A_73 : memref<4352xf32, #tpu.memory_space<vmem_shared>>) offsets(%dma_start3A_71 : memref<128xi32, #tpu.memory_space<vmem>>) semaphore(%arg17 : memref<!tpu.dma_semaphore, #tpu.memory_space<semaphore_mem>>) {add = true}
    %dma_start3A_74 = arith.constant 7 : i32
    %dma_start3A_75 = arith.constant 0 : i32
    %dma_start3A_76 = tpu.memref_slice %arg7[%dma_start3A_74, %dma_start3A_75] : memref<8x128xi32, #tpu.memory_space<vmem>> -> memref<1x128xi32, #tpu.memory_space<vmem>>
    %dma_start3A_77 = tpu.memref_squeeze %dma_start3A_76 : memref<1x128xi32, #tpu.memory_space<vmem>> -> memref<128xi32, #tpu.memory_space<vmem>>
    %dma_start3A_78 = arith.constant 0 : i32
    %dma_start3A_79 = tpu.memref_slice %arg11[%dma_start3A_78] : memref<4352xf32, #tpu.memory_space<vmem_shared>> -> memref<4352xf32, #tpu.memory_space<vmem_shared>>
    tpu.enqueue_indirect_dma source(%arg8 : memref<128xf32, #tpu.memory_space<vmem>>) target(%dma_start3A_79 : memref<4352xf32, #tpu.memory_space<vmem_shared>>) offsets(%dma_start3A_77 : memref<128xi32, #tpu.memory_space<vmem>>) semaphore(%arg17 : memref<!tpu.dma_semaphore, #tpu.memory_space<semaphore_mem>>) {add = true}
    %dma_wait3A = arith.constant 0 : i32
    %dma_wait3A_80 = arith.constant 0 : i32
    %dma_wait3A_81 = tpu.memref_slice %arg7[%dma_wait3A, %dma_wait3A_80] : memref<8x128xi32, #tpu.memory_space<vmem>> -> memref<1x128xi32, #tpu.memory_space<vmem>>
    %dma_wait3A_82 = tpu.memref_squeeze %dma_wait3A_81 : memref<1x128xi32, #tpu.memory_space<vmem>> -> memref<128xi32, #tpu.memory_space<vmem>>
    %dma_wait3A_83 = arith.constant 0 : i32
    %dma_wait3A_84 = tpu.memref_slice %arg11[%dma_wait3A_83] : memref<4352xf32, #tpu.memory_space<vmem_shared>> -> memref<4352xf32, #tpu.memory_space<vmem_shared>>
    tpu.wait_indirect_dma semaphore(%arg17 : memref<!tpu.dma_semaphore, #tpu.memory_space<semaphore_mem>>) src(%arg8 : memref<128xf32, #tpu.memory_space<vmem>>) dst(%dma_wait3A_84 : memref<4352xf32, #tpu.memory_space<vmem_shared>>)
    %dma_wait3A_85 = arith.constant 1 : i32
    %dma_wait3A_86 = arith.constant 0 : i32
    %dma_wait3A_87 = tpu.memref_slice %arg7[%dma_wait3A_85, %dma_wait3A_86] : memref<8x128xi32, #tpu.memory_space<vmem>> -> memref<1x128xi32, #tpu.memory_space<vmem>>
    %dma_wait3A_88 = tpu.memref_squeeze %dma_wait3A_87 : memref<1x128xi32, #tpu.memory_space<vmem>> -> memref<128xi32, #tpu.memory_space<vmem>>
    %dma_wait3A_89 = arith.constant 0 : i32
    %dma_wait3A_90 = tpu.memref_slice %arg11[%dma_wait3A_89] : memref<4352xf32, #tpu.memory_space<vmem_shared>> -> memref<4352xf32, #tpu.memory_space<vmem_shared>>
    tpu.wait_indirect_dma semaphore(%arg17 : memref<!tpu.dma_semaphore, #tpu.memory_space<semaphore_mem>>) src(%arg8 : memref<128xf32, #tpu.memory_space<vmem>>) dst(%dma_wait3A_90 : memref<4352xf32, #tpu.memory_space<vmem_shared>>)
    %dma_wait3A_91 = arith.constant 2 : i32
    %dma_wait3A_92 = arith.constant 0 : i32
    %dma_wait3A_93 = tpu.memref_slice %arg7[%dma_wait3A_91, %dma_wait3A_92] : memref<8x128xi32, #tpu.memory_space<vmem>> -> memref<1x128xi32, #tpu.memory_space<vmem>>
    %dma_wait3A_94 = tpu.memref_squeeze %dma_wait3A_93 : memref<1x128xi32, #tpu.memory_space<vmem>> -> memref<128xi32, #tpu.memory_space<vmem>>
    %dma_wait3A_95 = arith.constant 0 : i32
    %dma_wait3A_96 = tpu.memref_slice %arg11[%dma_wait3A_95] : memref<4352xf32, #tpu.memory_space<vmem_shared>> -> memref<4352xf32, #tpu.memory_space<vmem_shared>>
    tpu.wait_indirect_dma semaphore(%arg17 : memref<!tpu.dma_semaphore, #tpu.memory_space<semaphore_mem>>) src(%arg8 : memref<128xf32, #tpu.memory_space<vmem>>) dst(%dma_wait3A_96 : memref<4352xf32, #tpu.memory_space<vmem_shared>>)
    %dma_wait3A_97 = arith.constant 3 : i32
    %dma_wait3A_98 = arith.constant 0 : i32
    %dma_wait3A_99 = tpu.memref_slice %arg7[%dma_wait3A_97, %dma_wait3A_98] : memref<8x128xi32, #tpu.memory_space<vmem>> -> memref<1x128xi32, #tpu.memory_space<vmem>>
    %dma_wait3A_100 = tpu.memref_squeeze %dma_wait3A_99 : memref<1x128xi32, #tpu.memory_space<vmem>> -> memref<128xi32, #tpu.memory_space<vmem>>
    %dma_wait3A_101 = arith.constant 0 : i32
    %dma_wait3A_102 = tpu.memref_slice %arg11[%dma_wait3A_101] : memref<4352xf32, #tpu.memory_space<vmem_shared>> -> memref<4352xf32, #tpu.memory_space<vmem_shared>>
    tpu.wait_indirect_dma semaphore(%arg17 : memref<!tpu.dma_semaphore, #tpu.memory_space<semaphore_mem>>) src(%arg8 : memref<128xf32, #tpu.memory_space<vmem>>) dst(%dma_wait3A_102 : memref<4352xf32, #tpu.memory_space<vmem_shared>>)
    %dma_wait3A_103 = arith.constant 4 : i32
    %dma_wait3A_104 = arith.constant 0 : i32
    %dma_wait3A_105 = tpu.memref_slice %arg7[%dma_wait3A_103, %dma_wait3A_104] : memref<8x128xi32, #tpu.memory_space<vmem>> -> memref<1x128xi32, #tpu.memory_space<vmem>>
    %dma_wait3A_106 = tpu.memref_squeeze %dma_wait3A_105 : memref<1x128xi32, #tpu.memory_space<vmem>> -> memref<128xi32, #tpu.memory_space<vmem>>
    %dma_wait3A_107 = arith.constant 0 : i32
    %dma_wait3A_108 = tpu.memref_slice %arg11[%dma_wait3A_107] : memref<4352xf32, #tpu.memory_space<vmem_shared>> -> memref<4352xf32, #tpu.memory_space<vmem_shared>>
    tpu.wait_indirect_dma semaphore(%arg17 : memref<!tpu.dma_semaphore, #tpu.memory_space<semaphore_mem>>) src(%arg8 : memref<128xf32, #tpu.memory_space<vmem>>) dst(%dma_wait3A_108 : memref<4352xf32, #tpu.memory_space<vmem_shared>>)
    %dma_wait3A_109 = arith.constant 5 : i32
    %dma_wait3A_110 = arith.constant 0 : i32
    %dma_wait3A_111 = tpu.memref_slice %arg7[%dma_wait3A_109, %dma_wait3A_110] : memref<8x128xi32, #tpu.memory_space<vmem>> -> memref<1x128xi32, #tpu.memory_space<vmem>>
    %dma_wait3A_112 = tpu.memref_squeeze %dma_wait3A_111 : memref<1x128xi32, #tpu.memory_space<vmem>> -> memref<128xi32, #tpu.memory_space<vmem>>
    %dma_wait3A_113 = arith.constant 0 : i32
    %dma_wait3A_114 = tpu.memref_slice %arg11[%dma_wait3A_113] : memref<4352xf32, #tpu.memory_space<vmem_shared>> -> memref<4352xf32, #tpu.memory_space<vmem_shared>>
    tpu.wait_indirect_dma semaphore(%arg17 : memref<!tpu.dma_semaphore, #tpu.memory_space<semaphore_mem>>) src(%arg8 : memref<128xf32, #tpu.memory_space<vmem>>) dst(%dma_wait3A_114 : memref<4352xf32, #tpu.memory_space<vmem_shared>>)
    %dma_wait3A_115 = arith.constant 6 : i32
    %dma_wait3A_116 = arith.constant 0 : i32
    %dma_wait3A_117 = tpu.memref_slice %arg7[%dma_wait3A_115, %dma_wait3A_116] : memref<8x128xi32, #tpu.memory_space<vmem>> -> memref<1x128xi32, #tpu.memory_space<vmem>>
    %dma_wait3A_118 = tpu.memref_squeeze %dma_wait3A_117 : memref<1x128xi32, #tpu.memory_space<vmem>> -> memref<128xi32, #tpu.memory_space<vmem>>
    %dma_wait3A_119 = arith.constant 0 : i32
    %dma_wait3A_120 = tpu.memref_slice %arg11[%dma_wait3A_119] : memref<4352xf32, #tpu.memory_space<vmem_shared>> -> memref<4352xf32, #tpu.memory_space<vmem_shared>>
    tpu.wait_indirect_dma semaphore(%arg17 : memref<!tpu.dma_semaphore, #tpu.memory_space<semaphore_mem>>) src(%arg8 : memref<128xf32, #tpu.memory_space<vmem>>) dst(%dma_wait3A_120 : memref<4352xf32, #tpu.memory_space<vmem_shared>>)
    %dma_wait3A_121 = arith.constant 7 : i32
    %dma_wait3A_122 = arith.constant 0 : i32
    %dma_wait3A_123 = tpu.memref_slice %arg7[%dma_wait3A_121, %dma_wait3A_122] : memref<8x128xi32, #tpu.memory_space<vmem>> -> memref<1x128xi32, #tpu.memory_space<vmem>>
    %dma_wait3A_124 = tpu.memref_squeeze %dma_wait3A_123 : memref<1x128xi32, #tpu.memory_space<vmem>> -> memref<128xi32, #tpu.memory_space<vmem>>
    %dma_wait3A_125 = arith.constant 0 : i32
    %dma_wait3A_126 = tpu.memref_slice %arg11[%dma_wait3A_125] : memref<4352xf32, #tpu.memory_space<vmem_shared>> -> memref<4352xf32, #tpu.memory_space<vmem_shared>>
    tpu.wait_indirect_dma semaphore(%arg17 : memref<!tpu.dma_semaphore, #tpu.memory_space<semaphore_mem>>) src(%arg8 : memref<128xf32, #tpu.memory_space<vmem>>) dst(%dma_wait3A_126 : memref<4352xf32, #tpu.memory_space<vmem_shared>>)
    %barrier3A_127 = arith.constant 0 : index
    tpu.barrier barrier_id(%barrier3A_127)
    "tpu.region"() ({
      %run_scoped3A = tpu.sem_alloc : memref<!tpu.dma_semaphore, #tpu.memory_space<semaphore_mem>>
      tpu.enqueue_dma source(%arg11 : memref<4352xf32, #tpu.memory_space<vmem_shared>>) target(%arg10 : memref<4352xf32, #tpu.memory_space<vmem>>) target_semaphore(%run_scoped3A : memref<!tpu.dma_semaphore, #tpu.memory_space<semaphore_mem>>)
      tpu.wait_dma2 semaphore(%run_scoped3A : memref<!tpu.dma_semaphore, #tpu.memory_space<semaphore_mem>>) src(%arg11 : memref<4352xf32, #tpu.memory_space<vmem_shared>>) dst(%arg10 : memref<4352xf32, #tpu.memory_space<vmem>>)
      tpu.yield
    }) : () -> ()
    %scan3A_128 = arith.constant 0 : i32
    %scan3A_129 = arith.constant 0 : i32
    %scan3A_130 = arith.constant 17 : i32
    %scan3A_131 = arith.addi %scan3A_129, %scan3A_130 : i32
    %scan3A_132 = arith.constant 1 : i32
    %scan3A_133 = scf.for %scan3A_800 = %scan3A_129 to %scan3A_131 step %scan3A_132 iter_args(%scan3A_801 = %scan3A_128) -> (i32)  : i32 {
      %broadcast_in_dim3A_802 = arith.constant 0.000000e+00 : f32
      %broadcast_in_dim3A_803 = vector.broadcast %broadcast_in_dim3A_802 : f32 to vector<16xf32>
      %mul3A_804 = arith.constant 16 : i32
      %mul3A_805 = arith.muli %scan3A_800, %mul3A_804 : i32
      %swap3A = arith.index_cast %mul3A_805 : i32 to index
      %swap3A_806 = tpu.vector_load %arg5[%swap3A] {strides = array<i32>} : memref<272xf32, #tpu.memory_space<vmem>>, vector<16xf32>,
      %swap3A_807 = vector.shape_cast %swap3A_806 : vector<16xf32> to vector<16xf32>
      %swap3A_808 = vector.shape_cast %broadcast_in_dim3A_803 : vector<16xf32> to vector<16xf32>
      tpu.vector_store %arg5[%swap3A], %swap3A_808 {strides = array<i32>} : memref<272xf32, #tpu.memory_space<vmem>>, vector<16xf32>,
      %scan3A_809 = arith.constant 0 : i32
      scf.yield %scan3A_809 : i32
    }
    %scan3A_134 = arith.constant 17 : i32
    %scan3A_135 = arith.constant 0 : i32
    %scan3A_136 = arith.constant 0 : i32
    %scan3A_137 = arith.constant 16 : i32
    %scan3A_138 = arith.addi %scan3A_136, %scan3A_137 : i32
    %scan3A_139 = arith.constant 1 : i32
    %scan3A_140 = scf.for %scan3A_800 = %scan3A_136 to %scan3A_138 step %scan3A_139 iter_args(%scan3A_801 = %scan3A_135) -> (i32)  : i32 {
      %scan3A_802 = arith.constant 0 : i32
      %scan3A_803 = arith.constant 0 : i32
      %scan3A_804 = arith.constant 17 : i32
      %scan3A_805 = arith.addi %scan3A_803, %scan3A_804 : i32
      %scan3A_806 = arith.constant 1 : i32
      %scan3A_807 = scf.for %scan3A_810 = %scan3A_803 to %scan3A_805 step %scan3A_806 iter_args(%scan3A_811 = %scan3A_802) -> (i32)  : i32 {
        %mul3A_812 = arith.constant 16 : i32
        %mul3A_813 = arith.muli %scan3A_810, %mul3A_812 : i32
        %get3A_814 = arith.index_cast %mul3A_813 : i32 to index
        %get3A_815 = tpu.vector_load %arg5[%get3A_814] {strides = array<i32>} : memref<272xf32, #tpu.memory_space<vmem>>, vector<16xf32>,
        %get3A_816 = vector.shape_cast %get3A_815 : vector<16xf32> to vector<16xf32>
        %mul3A_817 = arith.constant 272 : i32
        %mul3A_818 = arith.muli %scan3A_800, %mul3A_817 : i32
        %mul3A_819 = arith.constant 16 : i32
        %mul3A_820 = arith.muli %scan3A_810, %mul3A_819 : i32
        %add3A_821 = arith.addi %mul3A_818, %mul3A_820 : i32
        %get3A_822 = arith.index_cast %add3A_821 : i32 to index
        %get3A_823 = tpu.vector_load %arg10[%get3A_822] {strides = array<i32>} : memref<4352xf32, #tpu.memory_space<vmem>>, vector<16xf32>,
        %get3A_824 = vector.shape_cast %get3A_823 : vector<16xf32> to vector<16xf32>
        %add3A_825 = arith.addf %get3A_816, %get3A_824 : vector<16xf32>
        %swap3A = arith.index_cast %mul3A_813 : i32 to index
        %swap3A_826 = tpu.vector_load %arg5[%swap3A] {strides = array<i32>} : memref<272xf32, #tpu.memory_space<vmem>>, vector<16xf32>,
        %swap3A_827 = vector.shape_cast %swap3A_826 : vector<16xf32> to vector<16xf32>
        %swap3A_828 = vector.shape_cast %add3A_825 : vector<16xf32> to vector<16xf32>
        tpu.vector_store %arg5[%swap3A], %swap3A_828 {strides = array<i32>} : memref<272xf32, #tpu.memory_space<vmem>>, vector<16xf32>,
        %scan3A_829 = arith.constant 0 : i32
        scf.yield %scan3A_829 : i32
      }
      %scan3A_808 = arith.constant 17 : i32
      %scan3A_809 = arith.constant 0 : i32
      scf.yield %scan3A_809 : i32
    }
    %scan3A_141 = arith.constant 16 : i32
    %scan3A_142 = arith.constant 1.146800e+04 : f32
    %scan3A_143 = arith.constant 0 : i32
    %scan3A_144 = arith.constant 0 : i32
    %scan3A_145 = arith.constant 8 : i32
    %scan3A_146 = arith.addi %scan3A_144, %scan3A_145 : i32
    %scan3A_147 = arith.constant 1 : i32
    %scan3A_148 = scf.for %scan3A_800 = %scan3A_144 to %scan3A_146 step %scan3A_147 iter_args(%scan3A_801 = %scan3A_143) -> (i32)  : i32 {
      %sub3A_802 = arith.constant 7 : i32
      %sub3A_803 = arith.subi %sub3A_802, %scan3A_800 : i32
      %shift_left3A_804 = arith.constant 1 : i32
      %shift_left3A_805 = arith.shli %shift_left3A_804, %sub3A_803 : i32
      %or3A_806 = arith.ori %scan3A_801, %shift_left3A_805 : i32
      %broadcast_in_dim3A_807 = arith.constant 0.000000e+00 : f32
      %broadcast_in_dim3A_808 = vector.broadcast %broadcast_in_dim3A_807 : f32 to vector<16xf32>
      %scan3A_809 = arith.constant 0 : i32
      %scan3A_810 = arith.constant 16 : i32
      %scan3A_811 = arith.addi %scan3A_809, %scan3A_810 : i32
      %scan3A_812 = arith.constant 1 : i32
      %scan3A_813 = scf.for %scan3A_845 = %scan3A_809 to %scan3A_811 step %scan3A_812 iter_args(%scan3A_846 = %broadcast_in_dim3A_808) -> (vector<16xf32>)  : i32 {
        %mul3A_847 = arith.constant 16 : i32
        %mul3A_848 = arith.muli %scan3A_845, %mul3A_847 : i32
        %add3A_849 = vector.broadcast %mul3A_848 : i32 to vector<16xi32>
        %add3A_850 = arith.addi %add3A_849, %iota3A : vector<16xi32>
        %mul3A_851 = arith.constant 16 : i32
        %mul3A_852 = arith.muli %scan3A_845, %mul3A_851 : i32
        %get3A_853 = arith.index_cast %mul3A_852 : i32 to index
        %get3A_854 = tpu.vector_load %arg5[%get3A_853] {strides = array<i32>} : memref<272xf32, #tpu.memory_space<vmem>>, vector<16xf32>,
        %get3A_855 = vector.shape_cast %get3A_854 : vector<16xf32> to vector<16xf32>
        %ge3A_856 = vector.broadcast %or3A_806 : i32 to vector<16xi32>
        %ge3A_857 = arith.cmpi sge, %add3A_850, %ge3A_856 : vector<16xi32>
        %jit3A = arith.constant 0.000000e+00 : f32
        %broadcast_in_dim3A_858 = vector.broadcast %jit3A : f32 to vector<16xf32>
        %select_n3A_859 = arith.select %ge3A_857, %get3A_855, %broadcast_in_dim3A_858 : vector<16xi1>, vector<16xf32>
        %add3A_860 = arith.addf %scan3A_846, %select_n3A_859 : vector<16xf32>
        scf.yield %add3A_860 : vector<16xf32>
      }
      %scan3A_814 = arith.constant 16 : i32
      %xor3A_815 = arith.constant 8 : i32
      %xor3A_816 = vector.broadcast %xor3A_815 : i32 to vector<16xi32>
      %xor3A_817 = arith.xori %iota3A, %xor3A_816 : vector<16xi32>
      %reshape3A_818 = vector.shape_cast %xor3A_817 : vector<16xi32> to vector<16x1xi32>
      %gather3A_819 = vector.shape_cast %reshape3A_818 : vector<16x1xi32> to vector<16xi32>
      %gather3A_820 = tpu.dynamic_gather %scan3A_813[%gather3A_819] in [0] : vector<16xf32>, vector<16xi32> -> vector<16xf32>
      %add3A_821 = arith.addf %scan3A_813, %gather3A_820 : vector<16xf32>
      %xor3A_822 = arith.constant 4 : i32
      %xor3A_823 = vector.broadcast %xor3A_822 : i32 to vector<16xi32>
      %xor3A_824 = arith.xori %iota3A, %xor3A_823 : vector<16xi32>
      %reshape3A_825 = vector.shape_cast %xor3A_824 : vector<16xi32> to vector<16x1xi32>
      %gather3A_826 = vector.shape_cast %reshape3A_825 : vector<16x1xi32> to vector<16xi32>
      %gather3A_827 = tpu.dynamic_gather %add3A_821[%gather3A_826] in [0] : vector<16xf32>, vector<16xi32> -> vector<16xf32>
      %add3A_828 = arith.addf %add3A_821, %gather3A_827 : vector<16xf32>
      %xor3A_829 = arith.constant 2 : i32
      %xor3A_830 = vector.broadcast %xor3A_829 : i32 to vector<16xi32>
      %xor3A_831 = arith.xori %iota3A, %xor3A_830 : vector<16xi32>
      %reshape3A_832 = vector.shape_cast %xor3A_831 : vector<16xi32> to vector<16x1xi32>
      %gather3A_833 = vector.shape_cast %reshape3A_832 : vector<16x1xi32> to vector<16xi32>
      %gather3A_834 = tpu.dynamic_gather %add3A_828[%gather3A_833] in [0] : vector<16xf32>, vector<16xi32> -> vector<16xf32>
      %add3A_835 = arith.addf %add3A_828, %gather3A_834 : vector<16xf32>
      %xor3A_836 = arith.constant 1 : i32
      %xor3A_837 = vector.broadcast %xor3A_836 : i32 to vector<16xi32>
      %xor3A_838 = arith.xori %iota3A, %xor3A_837 : vector<16xi32>
      %reshape3A_839 = vector.shape_cast %xor3A_838 : vector<16xi32> to vector<16x1xi32>
      %gather3A_840 = vector.shape_cast %reshape3A_839 : vector<16x1xi32> to vector<16xi32>
      %gather3A_841 = tpu.dynamic_gather %add3A_835[%gather3A_840] in [0] : vector<16xf32>, vector<16xi32> -> vector<16xf32>
      %add3A_842 = arith.addf %add3A_835, %gather3A_841 : vector<16xf32>
      %slice3A_843 = vector.extract_strided_slice %add3A_842 {offsets = [0], sizes = [1], strides = [1]} : vector<16xf32> to vector<1xf32>
      %squeeze3A_844 = vector.extract %slice3A_843[0] : f32 from vector<1xf32>
      %ge3A = arith.cmpf oge, %squeeze3A_844, %scan3A_142 : f32
      %select_n3A = arith.select %ge3A, %or3A_806, %scan3A_801 : i32
      scf.yield %select_n3A : i32
    }
    %scan3A_149 = arith.constant 8 : i32
    %add3A = arith.constant 1 : i32
    %add3A_150 = arith.addi %scan3A_148, %add3A : i32
    %broadcast_in_dim3A = arith.constant 0.000000e+00 : f32
    %broadcast_in_dim3A_151 = vector.broadcast %broadcast_in_dim3A : f32 to vector<16xf32>
    %scan3A_152 = arith.constant 0 : i32
    %scan3A_153 = arith.constant 16 : i32
    %scan3A_154 = arith.addi %scan3A_152, %scan3A_153 : i32
    %scan3A_155 = arith.constant 1 : i32
    %scan3A_156 = scf.for %scan3A_800 = %scan3A_152 to %scan3A_154 step %scan3A_155 iter_args(%scan3A_801 = %broadcast_in_dim3A_151) -> (vector<16xf32>)  : i32 {
      %mul3A_802 = arith.constant 16 : i32
      %mul3A_803 = arith.muli %scan3A_800, %mul3A_802 : i32
      %add3A_804 = vector.broadcast %mul3A_803 : i32 to vector<16xi32>
      %add3A_805 = arith.addi %add3A_804, %iota3A : vector<16xi32>
      %mul3A_806 = arith.constant 16 : i32
      %mul3A_807 = arith.muli %scan3A_800, %mul3A_806 : i32
      %get3A_808 = arith.index_cast %mul3A_807 : i32 to index
      %get3A_809 = tpu.vector_load %arg5[%get3A_808] {strides = array<i32>} : memref<272xf32, #tpu.memory_space<vmem>>, vector<16xf32>,
      %get3A_810 = vector.shape_cast %get3A_809 : vector<16xf32> to vector<16xf32>
      %ge3A = vector.broadcast %add3A_150 : i32 to vector<16xi32>
      %ge3A_811 = arith.cmpi sge, %add3A_805, %ge3A : vector<16xi32>
      %jit3A = arith.constant 0.000000e+00 : f32
      %broadcast_in_dim3A_812 = vector.broadcast %jit3A : f32 to vector<16xf32>
      %select_n3A = arith.select %ge3A_811, %get3A_810, %broadcast_in_dim3A_812 : vector<16xi1>, vector<16xf32>
      %add3A_813 = arith.addf %scan3A_801, %select_n3A : vector<16xf32>
      scf.yield %add3A_813 : vector<16xf32>
    }
    %scan3A_157 = arith.constant 16 : i32
    %xor3A = arith.constant 8 : i32
    %xor3A_158 = vector.broadcast %xor3A : i32 to vector<16xi32>
    %xor3A_159 = arith.xori %iota3A, %xor3A_158 : vector<16xi32>
    %reshape3A = vector.shape_cast %xor3A_159 : vector<16xi32> to vector<16x1xi32>
    %gather3A = vector.shape_cast %reshape3A : vector<16x1xi32> to vector<16xi32>
    %gather3A_160 = tpu.dynamic_gather %scan3A_156[%gather3A] in [0] : vector<16xf32>, vector<16xi32> -> vector<16xf32>
    %add3A_161 = arith.addf %scan3A_156, %gather3A_160 : vector<16xf32>
    %xor3A_162 = arith.constant 4 : i32
    %xor3A_163 = vector.broadcast %xor3A_162 : i32 to vector<16xi32>
    %xor3A_164 = arith.xori %iota3A, %xor3A_163 : vector<16xi32>
    %reshape3A_165 = vector.shape_cast %xor3A_164 : vector<16xi32> to vector<16x1xi32>
    %gather3A_166 = vector.shape_cast %reshape3A_165 : vector<16x1xi32> to vector<16xi32>
    %gather3A_167 = tpu.dynamic_gather %add3A_161[%gather3A_166] in [0] : vector<16xf32>, vector<16xi32> -> vector<16xf32>
    %add3A_168 = arith.addf %add3A_161, %gather3A_167 : vector<16xf32>
    %xor3A_169 = arith.constant 2 : i32
    %xor3A_170 = vector.broadcast %xor3A_169 : i32 to vector<16xi32>
    %xor3A_171 = arith.xori %iota3A, %xor3A_170 : vector<16xi32>
    %reshape3A_172 = vector.shape_cast %xor3A_171 : vector<16xi32> to vector<16x1xi32>
    %gather3A_173 = vector.shape_cast %reshape3A_172 : vector<16x1xi32> to vector<16xi32>
    %gather3A_174 = tpu.dynamic_gather %add3A_168[%gather3A_173] in [0] : vector<16xf32>, vector<16xi32> -> vector<16xf32>
    %add3A_175 = arith.addf %add3A_168, %gather3A_174 : vector<16xf32>
    %xor3A_176 = arith.constant 1 : i32
    %xor3A_177 = vector.broadcast %xor3A_176 : i32 to vector<16xi32>
    %xor3A_178 = arith.xori %iota3A, %xor3A_177 : vector<16xi32>
    %reshape3A_179 = vector.shape_cast %xor3A_178 : vector<16xi32> to vector<16x1xi32>
    %gather3A_180 = vector.shape_cast %reshape3A_179 : vector<16x1xi32> to vector<16xi32>
    %gather3A_181 = tpu.dynamic_gather %add3A_175[%gather3A_180] in [0] : vector<16xf32>, vector<16xi32> -> vector<16xf32>
    %add3A_182 = arith.addf %add3A_175, %gather3A_181 : vector<16xf32>
    %slice3A = vector.extract_strided_slice %add3A_182 {offsets = [0], sizes = [1], strides = [1]} : vector<16xf32> to vector<1xf32>
    %squeeze3A = vector.extract %slice3A[0] : f32 from vector<1xf32>
    %convert_element_type3A = arith.fptosi %squeeze3A : f32 to i32
    %sub3A = arith.constant 11468 : i32
    %sub3A_183 = arith.subi %sub3A, %convert_element_type3A : i32
    %shift_left3A = arith.constant 24 : i32
    %shift_left3A_184 = arith.shli %scan3A_148, %shift_left3A : i32
    %or3A = arith.constant 0 : i32
    %or3A_185 = arith.ori %or3A, %shift_left3A_184 : i32
    %scan3A_186 = arith.constant 0 : i32
    %scan3A_187 = arith.constant 0 : i32
    %scan3A_188 = arith.constant 64 : i32
    %scan3A_189 = arith.addi %scan3A_187, %scan3A_188 : i32
    %scan3A_190 = arith.constant 1 : i32
    %scan3A_191 = scf.for %scan3A_800 = %scan3A_187 to %scan3A_189 step %scan3A_190 iter_args(%scan3A_801 = %scan3A_186) -> (i32)  : i32 {
      %mul3A_802 = arith.constant 16 : i32
      %mul3A_803 = arith.muli %scan3A_800, %mul3A_802 : i32
      %get3A_804 = arith.index_cast %mul3A_803 : i32 to index
      %get3A_805 = tpu.vector_load %arg4[%get3A_804] {strides = array<i32>} : memref<1024xi32, #tpu.memory_space<vmem>>, vector<16xi32>,
      %get3A_806 = vector.shape_cast %get3A_805 : vector<16xi32> to vector<16xi32>
      %shift_right_logical3A = arith.constant 16 : i32
      %shift_right_logical3A_807 = vector.broadcast %shift_right_logical3A : i32 to vector<16xi32>
      %shift_right_logical3A_808 = arith.shrui %get3A_806, %shift_right_logical3A_807 : vector<16xi32>
      %and3A = arith.constant 255 : i32
      %and3A_809 = vector.broadcast %and3A : i32 to vector<16xi32>
      %and3A_810 = arith.andi %shift_right_logical3A_808, %and3A_809 : vector<16xi32>
      %shift_right_logical3A_811 = arith.constant 24 : i32
      %shift_right_logical3A_812 = vector.broadcast %shift_right_logical3A_811 : i32 to vector<16xi32>
      %shift_right_logical3A_813 = arith.shrui %get3A_806, %shift_right_logical3A_812 : vector<16xi32>
      %shift_right_logical3A_814 = arith.constant 24 : i32
      %shift_right_logical3A_815 = arith.shrui %or3A_185, %shift_right_logical3A_814 : i32
      %eq3A = vector.broadcast %shift_right_logical3A_815 : i32 to vector<16xi32>
      %eq3A_816 = arith.cmpi eq, %shift_right_logical3A_813, %eq3A : vector<16xi32>
      %jit3A = arith.constant 256 : i32
      %broadcast_in_dim3A_817 = vector.broadcast %jit3A : i32 to vector<16xi32>
      %select_n3A = arith.select %eq3A_816, %and3A_810, %broadcast_in_dim3A_817 : vector<16xi1>, vector<16xi32>
      %mul3A_818 = arith.constant 272 : i32
      %mul3A_819 = arith.muli %arg1, %mul3A_818 : i32
      %add3A_820 = vector.broadcast %mul3A_819 : i32 to vector<16xi32>
      %add3A_821 = arith.addi %select_n3A, %add3A_820 : vector<16xi32>
      %jit3A_822 = arith.constant 8 : i32
      %div3A = arith.divsi %scan3A_800, %jit3A_822 : i32
      %sign3A = arith.constant 0 : i32
      %sign3A_823 = arith.cmpi sgt, %scan3A_800, %sign3A : i32
      %sign3A_824 = arith.extui %sign3A_823 : i1 to i32
      %sign3A_825 = arith.constant 0 : i32
      %sign3A_826 = arith.cmpi slt, %scan3A_800, %sign3A_825 : i32
      %sign3A_827 = arith.extui %sign3A_826 : i1 to i32
      %sign3A_828 = arith.subi %sign3A_824, %sign3A_827 : i32
      %sign3A_829 = arith.constant 0 : i32
      %sign3A_830 = arith.cmpi sgt, %jit3A_822, %sign3A_829 : i32
      %sign3A_831 = arith.extui %sign3A_830 : i1 to i32
      %sign3A_832 = arith.constant 0 : i32
      %sign3A_833 = arith.cmpi slt, %jit3A_822, %sign3A_832 : i32
      %sign3A_834 = arith.extui %sign3A_833 : i1 to i32
      %sign3A_835 = arith.subi %sign3A_831, %sign3A_834 : i32
      %ne3A = arith.cmpi ne, %sign3A_828, %sign3A_835 : i32
      %rem3A = arith.remsi %scan3A_800, %jit3A_822 : i32
      %ne3A_836 = arith.constant 0 : i32
      %ne3A_837 = arith.cmpi ne, %rem3A, %ne3A_836 : i32
      %and3A_838 = arith.andi %ne3A, %ne3A_837 : i1
      %sub3A_839 = arith.constant 1 : i32
      %sub3A_840 = arith.subi %div3A, %sub3A_839 : i32
      %select_n3A_841 = arith.select %and3A_838, %sub3A_840, %div3A : i32
      %jit3A_842 = arith.constant 8 : i32
      %eq3A_843 = arith.constant 0 : i32
      %eq3A_844 = arith.cmpi eq, %jit3A_842, %eq3A_843 : i32
      %jit3A_845 = arith.constant 1 : i32
      %select_n3A_846 = arith.select %eq3A_844, %jit3A_845, %jit3A_842 : i32
      %rem3A_847 = arith.remsi %scan3A_800, %select_n3A_846 : i32
      %ne3A_848 = arith.constant 0 : i32
      %ne3A_849 = arith.cmpi ne, %rem3A_847, %ne3A_848 : i32
      %lt3A = arith.constant 0 : i32
      %lt3A_850 = arith.cmpi slt, %rem3A_847, %lt3A : i32
      %lt3A_851 = arith.constant 0 : i32
      %lt3A_852 = arith.cmpi slt, %select_n3A_846, %lt3A_851 : i32
      %ne3A_853 = arith.xori %lt3A_850, %lt3A_852 : i1
      %and3A_854 = arith.andi %ne3A_853, %ne3A_849 : i1
      %add3A_855 = arith.addi %rem3A_847, %select_n3A_846 : i32
      %select_n3A_856 = arith.select %and3A_854, %add3A_855, %rem3A_847 : i32
      %mul3A_857 = arith.constant 16 : i32
      %mul3A_858 = arith.muli %select_n3A_856, %mul3A_857 : i32
      %swap3A = arith.index_cast %select_n3A_841 : i32 to index
      %swap3A_859 = arith.index_cast %mul3A_858 : i32 to index
      %swap3A_860 = tpu.vector_load %arg7[%swap3A, %swap3A_859] {strides = array<i32>} : memref<8x128xi32, #tpu.memory_space<vmem>>, vector<1x16xi32>,
      %swap3A_861 = vector.shape_cast %swap3A_860 : vector<1x16xi32> to vector<16xi32>
      %swap3A_862 = vector.shape_cast %add3A_821 : vector<16xi32> to vector<1x16xi32>
      tpu.vector_store %arg7[%swap3A, %swap3A_859], %swap3A_862 {strides = array<i32>} : memref<8x128xi32, #tpu.memory_space<vmem>>, vector<1x16xi32>,
      %scan3A_863 = arith.constant 0 : i32
      scf.yield %scan3A_863 : i32
    }
    %scan3A_192 = arith.constant 64 : i32
    %dma_start3A_193 = arith.constant 0 : i32
    %dma_start3A_194 = arith.constant 0 : i32
    %dma_start3A_195 = tpu.memref_slice %arg7[%dma_start3A_193, %dma_start3A_194] : memref<8x128xi32, #tpu.memory_space<vmem>> -> memref<1x128xi32, #tpu.memory_space<vmem>>
    %dma_start3A_196 = tpu.memref_squeeze %dma_start3A_195 : memref<1x128xi32, #tpu.memory_space<vmem>> -> memref<128xi32, #tpu.memory_space<vmem>>
    %dma_start3A_197 = arith.constant 0 : i32
    %dma_start3A_198 = tpu.memref_slice %arg12[%dma_start3A_197] : memref<4352xf32, #tpu.memory_space<vmem_shared>> -> memref<4352xf32, #tpu.memory_space<vmem_shared>>
    tpu.enqueue_indirect_dma source(%arg8 : memref<128xf32, #tpu.memory_space<vmem>>) target(%dma_start3A_198 : memref<4352xf32, #tpu.memory_space<vmem_shared>>) offsets(%dma_start3A_196 : memref<128xi32, #tpu.memory_space<vmem>>) semaphore(%arg17 : memref<!tpu.dma_semaphore, #tpu.memory_space<semaphore_mem>>) {add = true}
    %dma_start3A_199 = arith.constant 1 : i32
    %dma_start3A_200 = arith.constant 0 : i32
    %dma_start3A_201 = tpu.memref_slice %arg7[%dma_start3A_199, %dma_start3A_200] : memref<8x128xi32, #tpu.memory_space<vmem>> -> memref<1x128xi32, #tpu.memory_space<vmem>>
    %dma_start3A_202 = tpu.memref_squeeze %dma_start3A_201 : memref<1x128xi32, #tpu.memory_space<vmem>> -> memref<128xi32, #tpu.memory_space<vmem>>
    %dma_start3A_203 = arith.constant 0 : i32
    %dma_start3A_204 = tpu.memref_slice %arg12[%dma_start3A_203] : memref<4352xf32, #tpu.memory_space<vmem_shared>> -> memref<4352xf32, #tpu.memory_space<vmem_shared>>
    tpu.enqueue_indirect_dma source(%arg8 : memref<128xf32, #tpu.memory_space<vmem>>) target(%dma_start3A_204 : memref<4352xf32, #tpu.memory_space<vmem_shared>>) offsets(%dma_start3A_202 : memref<128xi32, #tpu.memory_space<vmem>>) semaphore(%arg17 : memref<!tpu.dma_semaphore, #tpu.memory_space<semaphore_mem>>) {add = true}
    %dma_start3A_205 = arith.constant 2 : i32
    %dma_start3A_206 = arith.constant 0 : i32
    %dma_start3A_207 = tpu.memref_slice %arg7[%dma_start3A_205, %dma_start3A_206] : memref<8x128xi32, #tpu.memory_space<vmem>> -> memref<1x128xi32, #tpu.memory_space<vmem>>
    %dma_start3A_208 = tpu.memref_squeeze %dma_start3A_207 : memref<1x128xi32, #tpu.memory_space<vmem>> -> memref<128xi32, #tpu.memory_space<vmem>>
    %dma_start3A_209 = arith.constant 0 : i32
    %dma_start3A_210 = tpu.memref_slice %arg12[%dma_start3A_209] : memref<4352xf32, #tpu.memory_space<vmem_shared>> -> memref<4352xf32, #tpu.memory_space<vmem_shared>>
    tpu.enqueue_indirect_dma source(%arg8 : memref<128xf32, #tpu.memory_space<vmem>>) target(%dma_start3A_210 : memref<4352xf32, #tpu.memory_space<vmem_shared>>) offsets(%dma_start3A_208 : memref<128xi32, #tpu.memory_space<vmem>>) semaphore(%arg17 : memref<!tpu.dma_semaphore, #tpu.memory_space<semaphore_mem>>) {add = true}
    %dma_start3A_211 = arith.constant 3 : i32
    %dma_start3A_212 = arith.constant 0 : i32
    %dma_start3A_213 = tpu.memref_slice %arg7[%dma_start3A_211, %dma_start3A_212] : memref<8x128xi32, #tpu.memory_space<vmem>> -> memref<1x128xi32, #tpu.memory_space<vmem>>
    %dma_start3A_214 = tpu.memref_squeeze %dma_start3A_213 : memref<1x128xi32, #tpu.memory_space<vmem>> -> memref<128xi32, #tpu.memory_space<vmem>>
    %dma_start3A_215 = arith.constant 0 : i32
    %dma_start3A_216 = tpu.memref_slice %arg12[%dma_start3A_215] : memref<4352xf32, #tpu.memory_space<vmem_shared>> -> memref<4352xf32, #tpu.memory_space<vmem_shared>>
    tpu.enqueue_indirect_dma source(%arg8 : memref<128xf32, #tpu.memory_space<vmem>>) target(%dma_start3A_216 : memref<4352xf32, #tpu.memory_space<vmem_shared>>) offsets(%dma_start3A_214 : memref<128xi32, #tpu.memory_space<vmem>>) semaphore(%arg17 : memref<!tpu.dma_semaphore, #tpu.memory_space<semaphore_mem>>) {add = true}
    %dma_start3A_217 = arith.constant 4 : i32
    %dma_start3A_218 = arith.constant 0 : i32
    %dma_start3A_219 = tpu.memref_slice %arg7[%dma_start3A_217, %dma_start3A_218] : memref<8x128xi32, #tpu.memory_space<vmem>> -> memref<1x128xi32, #tpu.memory_space<vmem>>
    %dma_start3A_220 = tpu.memref_squeeze %dma_start3A_219 : memref<1x128xi32, #tpu.memory_space<vmem>> -> memref<128xi32, #tpu.memory_space<vmem>>
    %dma_start3A_221 = arith.constant 0 : i32
    %dma_start3A_222 = tpu.memref_slice %arg12[%dma_start3A_221] : memref<4352xf32, #tpu.memory_space<vmem_shared>> -> memref<4352xf32, #tpu.memory_space<vmem_shared>>
    tpu.enqueue_indirect_dma source(%arg8 : memref<128xf32, #tpu.memory_space<vmem>>) target(%dma_start3A_222 : memref<4352xf32, #tpu.memory_space<vmem_shared>>) offsets(%dma_start3A_220 : memref<128xi32, #tpu.memory_space<vmem>>) semaphore(%arg17 : memref<!tpu.dma_semaphore, #tpu.memory_space<semaphore_mem>>) {add = true}
    %dma_start3A_223 = arith.constant 5 : i32
    %dma_start3A_224 = arith.constant 0 : i32
    %dma_start3A_225 = tpu.memref_slice %arg7[%dma_start3A_223, %dma_start3A_224] : memref<8x128xi32, #tpu.memory_space<vmem>> -> memref<1x128xi32, #tpu.memory_space<vmem>>
    %dma_start3A_226 = tpu.memref_squeeze %dma_start3A_225 : memref<1x128xi32, #tpu.memory_space<vmem>> -> memref<128xi32, #tpu.memory_space<vmem>>
    %dma_start3A_227 = arith.constant 0 : i32
    %dma_start3A_228 = tpu.memref_slice %arg12[%dma_start3A_227] : memref<4352xf32, #tpu.memory_space<vmem_shared>> -> memref<4352xf32, #tpu.memory_space<vmem_shared>>
    tpu.enqueue_indirect_dma source(%arg8 : memref<128xf32, #tpu.memory_space<vmem>>) target(%dma_start3A_228 : memref<4352xf32, #tpu.memory_space<vmem_shared>>) offsets(%dma_start3A_226 : memref<128xi32, #tpu.memory_space<vmem>>) semaphore(%arg17 : memref<!tpu.dma_semaphore, #tpu.memory_space<semaphore_mem>>) {add = true}
    %dma_start3A_229 = arith.constant 6 : i32
    %dma_start3A_230 = arith.constant 0 : i32
    %dma_start3A_231 = tpu.memref_slice %arg7[%dma_start3A_229, %dma_start3A_230] : memref<8x128xi32, #tpu.memory_space<vmem>> -> memref<1x128xi32, #tpu.memory_space<vmem>>
    %dma_start3A_232 = tpu.memref_squeeze %dma_start3A_231 : memref<1x128xi32, #tpu.memory_space<vmem>> -> memref<128xi32, #tpu.memory_space<vmem>>
    %dma_start3A_233 = arith.constant 0 : i32
    %dma_start3A_234 = tpu.memref_slice %arg12[%dma_start3A_233] : memref<4352xf32, #tpu.memory_space<vmem_shared>> -> memref<4352xf32, #tpu.memory_space<vmem_shared>>
    tpu.enqueue_indirect_dma source(%arg8 : memref<128xf32, #tpu.memory_space<vmem>>) target(%dma_start3A_234 : memref<4352xf32, #tpu.memory_space<vmem_shared>>) offsets(%dma_start3A_232 : memref<128xi32, #tpu.memory_space<vmem>>) semaphore(%arg17 : memref<!tpu.dma_semaphore, #tpu.memory_space<semaphore_mem>>) {add = true}
    %dma_start3A_235 = arith.constant 7 : i32
    %dma_start3A_236 = arith.constant 0 : i32
    %dma_start3A_237 = tpu.memref_slice %arg7[%dma_start3A_235, %dma_start3A_236] : memref<8x128xi32, #tpu.memory_space<vmem>> -> memref<1x128xi32, #tpu.memory_space<vmem>>
    %dma_start3A_238 = tpu.memref_squeeze %dma_start3A_237 : memref<1x128xi32, #tpu.memory_space<vmem>> -> memref<128xi32, #tpu.memory_space<vmem>>
    %dma_start3A_239 = arith.constant 0 : i32
    %dma_start3A_240 = tpu.memref_slice %arg12[%dma_start3A_239] : memref<4352xf32, #tpu.memory_space<vmem_shared>> -> memref<4352xf32, #tpu.memory_space<vmem_shared>>
    tpu.enqueue_indirect_dma source(%arg8 : memref<128xf32, #tpu.memory_space<vmem>>) target(%dma_start3A_240 : memref<4352xf32, #tpu.memory_space<vmem_shared>>) offsets(%dma_start3A_238 : memref<128xi32, #tpu.memory_space<vmem>>) semaphore(%arg17 : memref<!tpu.dma_semaphore, #tpu.memory_space<semaphore_mem>>) {add = true}
    %dma_wait3A_241 = arith.constant 0 : i32
    %dma_wait3A_242 = arith.constant 0 : i32
    %dma_wait3A_243 = tpu.memref_slice %arg7[%dma_wait3A_241, %dma_wait3A_242] : memref<8x128xi32, #tpu.memory_space<vmem>> -> memref<1x128xi32, #tpu.memory_space<vmem>>
    %dma_wait3A_244 = tpu.memref_squeeze %dma_wait3A_243 : memref<1x128xi32, #tpu.memory_space<vmem>> -> memref<128xi32, #tpu.memory_space<vmem>>
    %dma_wait3A_245 = arith.constant 0 : i32
    %dma_wait3A_246 = tpu.memref_slice %arg12[%dma_wait3A_245] : memref<4352xf32, #tpu.memory_space<vmem_shared>> -> memref<4352xf32, #tpu.memory_space<vmem_shared>>
    tpu.wait_indirect_dma semaphore(%arg17 : memref<!tpu.dma_semaphore, #tpu.memory_space<semaphore_mem>>) src(%arg8 : memref<128xf32, #tpu.memory_space<vmem>>) dst(%dma_wait3A_246 : memref<4352xf32, #tpu.memory_space<vmem_shared>>)
    %dma_wait3A_247 = arith.constant 1 : i32
    %dma_wait3A_248 = arith.constant 0 : i32
    %dma_wait3A_249 = tpu.memref_slice %arg7[%dma_wait3A_247, %dma_wait3A_248] : memref<8x128xi32, #tpu.memory_space<vmem>> -> memref<1x128xi32, #tpu.memory_space<vmem>>
    %dma_wait3A_250 = tpu.memref_squeeze %dma_wait3A_249 : memref<1x128xi32, #tpu.memory_space<vmem>> -> memref<128xi32, #tpu.memory_space<vmem>>
    %dma_wait3A_251 = arith.constant 0 : i32
    %dma_wait3A_252 = tpu.memref_slice %arg12[%dma_wait3A_251] : memref<4352xf32, #tpu.memory_space<vmem_shared>> -> memref<4352xf32, #tpu.memory_space<vmem_shared>>
    tpu.wait_indirect_dma semaphore(%arg17 : memref<!tpu.dma_semaphore, #tpu.memory_space<semaphore_mem>>) src(%arg8 : memref<128xf32, #tpu.memory_space<vmem>>) dst(%dma_wait3A_252 : memref<4352xf32, #tpu.memory_space<vmem_shared>>)
    %dma_wait3A_253 = arith.constant 2 : i32
    %dma_wait3A_254 = arith.constant 0 : i32
    %dma_wait3A_255 = tpu.memref_slice %arg7[%dma_wait3A_253, %dma_wait3A_254] : memref<8x128xi32, #tpu.memory_space<vmem>> -> memref<1x128xi32, #tpu.memory_space<vmem>>
    %dma_wait3A_256 = tpu.memref_squeeze %dma_wait3A_255 : memref<1x128xi32, #tpu.memory_space<vmem>> -> memref<128xi32, #tpu.memory_space<vmem>>
    %dma_wait3A_257 = arith.constant 0 : i32
    %dma_wait3A_258 = tpu.memref_slice %arg12[%dma_wait3A_257] : memref<4352xf32, #tpu.memory_space<vmem_shared>> -> memref<4352xf32, #tpu.memory_space<vmem_shared>>
    tpu.wait_indirect_dma semaphore(%arg17 : memref<!tpu.dma_semaphore, #tpu.memory_space<semaphore_mem>>) src(%arg8 : memref<128xf32, #tpu.memory_space<vmem>>) dst(%dma_wait3A_258 : memref<4352xf32, #tpu.memory_space<vmem_shared>>)
    %dma_wait3A_259 = arith.constant 3 : i32
    %dma_wait3A_260 = arith.constant 0 : i32
    %dma_wait3A_261 = tpu.memref_slice %arg7[%dma_wait3A_259, %dma_wait3A_260] : memref<8x128xi32, #tpu.memory_space<vmem>> -> memref<1x128xi32, #tpu.memory_space<vmem>>
    %dma_wait3A_262 = tpu.memref_squeeze %dma_wait3A_261 : memref<1x128xi32, #tpu.memory_space<vmem>> -> memref<128xi32, #tpu.memory_space<vmem>>
    %dma_wait3A_263 = arith.constant 0 : i32
    %dma_wait3A_264 = tpu.memref_slice %arg12[%dma_wait3A_263] : memref<4352xf32, #tpu.memory_space<vmem_shared>> -> memref<4352xf32, #tpu.memory_space<vmem_shared>>
    tpu.wait_indirect_dma semaphore(%arg17 : memref<!tpu.dma_semaphore, #tpu.memory_space<semaphore_mem>>) src(%arg8 : memref<128xf32, #tpu.memory_space<vmem>>) dst(%dma_wait3A_264 : memref<4352xf32, #tpu.memory_space<vmem_shared>>)
    %dma_wait3A_265 = arith.constant 4 : i32
    %dma_wait3A_266 = arith.constant 0 : i32
    %dma_wait3A_267 = tpu.memref_slice %arg7[%dma_wait3A_265, %dma_wait3A_266] : memref<8x128xi32, #tpu.memory_space<vmem>> -> memref<1x128xi32, #tpu.memory_space<vmem>>
    %dma_wait3A_268 = tpu.memref_squeeze %dma_wait3A_267 : memref<1x128xi32, #tpu.memory_space<vmem>> -> memref<128xi32, #tpu.memory_space<vmem>>
    %dma_wait3A_269 = arith.constant 0 : i32
    %dma_wait3A_270 = tpu.memref_slice %arg12[%dma_wait3A_269] : memref<4352xf32, #tpu.memory_space<vmem_shared>> -> memref<4352xf32, #tpu.memory_space<vmem_shared>>
    tpu.wait_indirect_dma semaphore(%arg17 : memref<!tpu.dma_semaphore, #tpu.memory_space<semaphore_mem>>) src(%arg8 : memref<128xf32, #tpu.memory_space<vmem>>) dst(%dma_wait3A_270 : memref<4352xf32, #tpu.memory_space<vmem_shared>>)
    %dma_wait3A_271 = arith.constant 5 : i32
    %dma_wait3A_272 = arith.constant 0 : i32
    %dma_wait3A_273 = tpu.memref_slice %arg7[%dma_wait3A_271, %dma_wait3A_272] : memref<8x128xi32, #tpu.memory_space<vmem>> -> memref<1x128xi32, #tpu.memory_space<vmem>>
    %dma_wait3A_274 = tpu.memref_squeeze %dma_wait3A_273 : memref<1x128xi32, #tpu.memory_space<vmem>> -> memref<128xi32, #tpu.memory_space<vmem>>
    %dma_wait3A_275 = arith.constant 0 : i32
    %dma_wait3A_276 = tpu.memref_slice %arg12[%dma_wait3A_275] : memref<4352xf32, #tpu.memory_space<vmem_shared>> -> memref<4352xf32, #tpu.memory_space<vmem_shared>>
    tpu.wait_indirect_dma semaphore(%arg17 : memref<!tpu.dma_semaphore, #tpu.memory_space<semaphore_mem>>) src(%arg8 : memref<128xf32, #tpu.memory_space<vmem>>) dst(%dma_wait3A_276 : memref<4352xf32, #tpu.memory_space<vmem_shared>>)
    %dma_wait3A_277 = arith.constant 6 : i32
    %dma_wait3A_278 = arith.constant 0 : i32
    %dma_wait3A_279 = tpu.memref_slice %arg7[%dma_wait3A_277, %dma_wait3A_278] : memref<8x128xi32, #tpu.memory_space<vmem>> -> memref<1x128xi32, #tpu.memory_space<vmem>>
    %dma_wait3A_280 = tpu.memref_squeeze %dma_wait3A_279 : memref<1x128xi32, #tpu.memory_space<vmem>> -> memref<128xi32, #tpu.memory_space<vmem>>
    %dma_wait3A_281 = arith.constant 0 : i32
    %dma_wait3A_282 = tpu.memref_slice %arg12[%dma_wait3A_281] : memref<4352xf32, #tpu.memory_space<vmem_shared>> -> memref<4352xf32, #tpu.memory_space<vmem_shared>>
    tpu.wait_indirect_dma semaphore(%arg17 : memref<!tpu.dma_semaphore, #tpu.memory_space<semaphore_mem>>) src(%arg8 : memref<128xf32, #tpu.memory_space<vmem>>) dst(%dma_wait3A_282 : memref<4352xf32, #tpu.memory_space<vmem_shared>>)
    %dma_wait3A_283 = arith.constant 7 : i32
    %dma_wait3A_284 = arith.constant 0 : i32
    %dma_wait3A_285 = tpu.memref_slice %arg7[%dma_wait3A_283, %dma_wait3A_284] : memref<8x128xi32, #tpu.memory_space<vmem>> -> memref<1x128xi32, #tpu.memory_space<vmem>>
    %dma_wait3A_286 = tpu.memref_squeeze %dma_wait3A_285 : memref<1x128xi32, #tpu.memory_space<vmem>> -> memref<128xi32, #tpu.memory_space<vmem>>
    %dma_wait3A_287 = arith.constant 0 : i32
    %dma_wait3A_288 = tpu.memref_slice %arg12[%dma_wait3A_287] : memref<4352xf32, #tpu.memory_space<vmem_shared>> -> memref<4352xf32, #tpu.memory_space<vmem_shared>>
    tpu.wait_indirect_dma semaphore(%arg17 : memref<!tpu.dma_semaphore, #tpu.memory_space<semaphore_mem>>) src(%arg8 : memref<128xf32, #tpu.memory_space<vmem>>) dst(%dma_wait3A_288 : memref<4352xf32, #tpu.memory_space<vmem_shared>>)
    %barrier3A_289 = arith.constant 0 : index
    tpu.barrier barrier_id(%barrier3A_289)
    "tpu.region"() ({
      %run_scoped3A = tpu.sem_alloc : memref<!tpu.dma_semaphore, #tpu.memory_space<semaphore_mem>>
      tpu.enqueue_dma source(%arg12 : memref<4352xf32, #tpu.memory_space<vmem_shared>>) target(%arg10 : memref<4352xf32, #tpu.memory_space<vmem>>) target_semaphore(%run_scoped3A : memref<!tpu.dma_semaphore, #tpu.memory_space<semaphore_mem>>)
      tpu.wait_dma2 semaphore(%run_scoped3A : memref<!tpu.dma_semaphore, #tpu.memory_space<semaphore_mem>>) src(%arg12 : memref<4352xf32, #tpu.memory_space<vmem_shared>>) dst(%arg10 : memref<4352xf32, #tpu.memory_space<vmem>>)
      tpu.yield
    }) : () -> ()
    %scan3A_290 = arith.constant 0 : i32
    %scan3A_291 = arith.constant 0 : i32
    %scan3A_292 = arith.constant 17 : i32
    %scan3A_293 = arith.addi %scan3A_291, %scan3A_292 : i32
    %scan3A_294 = arith.constant 1 : i32
    %scan3A_295 = scf.for %scan3A_800 = %scan3A_291 to %scan3A_293 step %scan3A_294 iter_args(%scan3A_801 = %scan3A_290) -> (i32)  : i32 {
      %broadcast_in_dim3A_802 = arith.constant 0.000000e+00 : f32
      %broadcast_in_dim3A_803 = vector.broadcast %broadcast_in_dim3A_802 : f32 to vector<16xf32>
      %mul3A_804 = arith.constant 16 : i32
      %mul3A_805 = arith.muli %scan3A_800, %mul3A_804 : i32
      %swap3A = arith.index_cast %mul3A_805 : i32 to index
      %swap3A_806 = tpu.vector_load %arg5[%swap3A] {strides = array<i32>} : memref<272xf32, #tpu.memory_space<vmem>>, vector<16xf32>,
      %swap3A_807 = vector.shape_cast %swap3A_806 : vector<16xf32> to vector<16xf32>
      %swap3A_808 = vector.shape_cast %broadcast_in_dim3A_803 : vector<16xf32> to vector<16xf32>
      tpu.vector_store %arg5[%swap3A], %swap3A_808 {strides = array<i32>} : memref<272xf32, #tpu.memory_space<vmem>>, vector<16xf32>,
      %scan3A_809 = arith.constant 0 : i32
      scf.yield %scan3A_809 : i32
    }
    %scan3A_296 = arith.constant 17 : i32
    %scan3A_297 = arith.constant 0 : i32
    %scan3A_298 = arith.constant 0 : i32
    %scan3A_299 = arith.constant 16 : i32
    %scan3A_300 = arith.addi %scan3A_298, %scan3A_299 : i32
    %scan3A_301 = arith.constant 1 : i32
    %scan3A_302 = scf.for %scan3A_800 = %scan3A_298 to %scan3A_300 step %scan3A_301 iter_args(%scan3A_801 = %scan3A_297) -> (i32)  : i32 {
      %scan3A_802 = arith.constant 0 : i32
      %scan3A_803 = arith.constant 0 : i32
      %scan3A_804 = arith.constant 17 : i32
      %scan3A_805 = arith.addi %scan3A_803, %scan3A_804 : i32
      %scan3A_806 = arith.constant 1 : i32
      %scan3A_807 = scf.for %scan3A_810 = %scan3A_803 to %scan3A_805 step %scan3A_806 iter_args(%scan3A_811 = %scan3A_802) -> (i32)  : i32 {
        %mul3A_812 = arith.constant 16 : i32
        %mul3A_813 = arith.muli %scan3A_810, %mul3A_812 : i32
        %get3A_814 = arith.index_cast %mul3A_813 : i32 to index
        %get3A_815 = tpu.vector_load %arg5[%get3A_814] {strides = array<i32>} : memref<272xf32, #tpu.memory_space<vmem>>, vector<16xf32>,
        %get3A_816 = vector.shape_cast %get3A_815 : vector<16xf32> to vector<16xf32>
        %mul3A_817 = arith.constant 272 : i32
        %mul3A_818 = arith.muli %scan3A_800, %mul3A_817 : i32
        %mul3A_819 = arith.constant 16 : i32
        %mul3A_820 = arith.muli %scan3A_810, %mul3A_819 : i32
        %add3A_821 = arith.addi %mul3A_818, %mul3A_820 : i32
        %get3A_822 = arith.index_cast %add3A_821 : i32 to index
        %get3A_823 = tpu.vector_load %arg10[%get3A_822] {strides = array<i32>} : memref<4352xf32, #tpu.memory_space<vmem>>, vector<16xf32>,
        %get3A_824 = vector.shape_cast %get3A_823 : vector<16xf32> to vector<16xf32>
        %add3A_825 = arith.addf %get3A_816, %get3A_824 : vector<16xf32>
        %swap3A = arith.index_cast %mul3A_813 : i32 to index
        %swap3A_826 = tpu.vector_load %arg5[%swap3A] {strides = array<i32>} : memref<272xf32, #tpu.memory_space<vmem>>, vector<16xf32>,
        %swap3A_827 = vector.shape_cast %swap3A_826 : vector<16xf32> to vector<16xf32>
        %swap3A_828 = vector.shape_cast %add3A_825 : vector<16xf32> to vector<16xf32>
        tpu.vector_store %arg5[%swap3A], %swap3A_828 {strides = array<i32>} : memref<272xf32, #tpu.memory_space<vmem>>, vector<16xf32>,
        %scan3A_829 = arith.constant 0 : i32
        scf.yield %scan3A_829 : i32
      }
      %scan3A_808 = arith.constant 17 : i32
      %scan3A_809 = arith.constant 0 : i32
      scf.yield %scan3A_809 : i32
    }
    %scan3A_303 = arith.constant 16 : i32
    %convert_element_type3A_304 = arith.sitofp %sub3A_183 : i32 to f32
    %scan3A_305 = arith.constant 0 : i32
    %scan3A_306 = arith.constant 0 : i32
    %scan3A_307 = arith.constant 8 : i32
    %scan3A_308 = arith.addi %scan3A_306, %scan3A_307 : i32
    %scan3A_309 = arith.constant 1 : i32
    %scan3A_310 = scf.for %scan3A_800 = %scan3A_306 to %scan3A_308 step %scan3A_309 iter_args(%scan3A_801 = %scan3A_305) -> (i32)  : i32 {
      %sub3A_802 = arith.constant 7 : i32
      %sub3A_803 = arith.subi %sub3A_802, %scan3A_800 : i32
      %shift_left3A_804 = arith.constant 1 : i32
      %shift_left3A_805 = arith.shli %shift_left3A_804, %sub3A_803 : i32
      %or3A_806 = arith.ori %scan3A_801, %shift_left3A_805 : i32
      %broadcast_in_dim3A_807 = arith.constant 0.000000e+00 : f32
      %broadcast_in_dim3A_808 = vector.broadcast %broadcast_in_dim3A_807 : f32 to vector<16xf32>
      %scan3A_809 = arith.constant 0 : i32
      %scan3A_810 = arith.constant 16 : i32
      %scan3A_811 = arith.addi %scan3A_809, %scan3A_810 : i32
      %scan3A_812 = arith.constant 1 : i32
      %scan3A_813 = scf.for %scan3A_845 = %scan3A_809 to %scan3A_811 step %scan3A_812 iter_args(%scan3A_846 = %broadcast_in_dim3A_808) -> (vector<16xf32>)  : i32 {
        %mul3A_847 = arith.constant 16 : i32
        %mul3A_848 = arith.muli %scan3A_845, %mul3A_847 : i32
        %add3A_849 = vector.broadcast %mul3A_848 : i32 to vector<16xi32>
        %add3A_850 = arith.addi %add3A_849, %iota3A : vector<16xi32>
        %mul3A_851 = arith.constant 16 : i32
        %mul3A_852 = arith.muli %scan3A_845, %mul3A_851 : i32
        %get3A_853 = arith.index_cast %mul3A_852 : i32 to index
        %get3A_854 = tpu.vector_load %arg5[%get3A_853] {strides = array<i32>} : memref<272xf32, #tpu.memory_space<vmem>>, vector<16xf32>,
        %get3A_855 = vector.shape_cast %get3A_854 : vector<16xf32> to vector<16xf32>
        %ge3A_856 = vector.broadcast %or3A_806 : i32 to vector<16xi32>
        %ge3A_857 = arith.cmpi sge, %add3A_850, %ge3A_856 : vector<16xi32>
        %jit3A = arith.constant 0.000000e+00 : f32
        %broadcast_in_dim3A_858 = vector.broadcast %jit3A : f32 to vector<16xf32>
        %select_n3A_859 = arith.select %ge3A_857, %get3A_855, %broadcast_in_dim3A_858 : vector<16xi1>, vector<16xf32>
        %add3A_860 = arith.addf %scan3A_846, %select_n3A_859 : vector<16xf32>
        scf.yield %add3A_860 : vector<16xf32>
      }
      %scan3A_814 = arith.constant 16 : i32
      %xor3A_815 = arith.constant 8 : i32
      %xor3A_816 = vector.broadcast %xor3A_815 : i32 to vector<16xi32>
      %xor3A_817 = arith.xori %iota3A, %xor3A_816 : vector<16xi32>
      %reshape3A_818 = vector.shape_cast %xor3A_817 : vector<16xi32> to vector<16x1xi32>
      %gather3A_819 = vector.shape_cast %reshape3A_818 : vector<16x1xi32> to vector<16xi32>
      %gather3A_820 = tpu.dynamic_gather %scan3A_813[%gather3A_819] in [0] : vector<16xf32>, vector<16xi32> -> vector<16xf32>
      %add3A_821 = arith.addf %scan3A_813, %gather3A_820 : vector<16xf32>
      %xor3A_822 = arith.constant 4 : i32
      %xor3A_823 = vector.broadcast %xor3A_822 : i32 to vector<16xi32>
      %xor3A_824 = arith.xori %iota3A, %xor3A_823 : vector<16xi32>
      %reshape3A_825 = vector.shape_cast %xor3A_824 : vector<16xi32> to vector<16x1xi32>
      %gather3A_826 = vector.shape_cast %reshape3A_825 : vector<16x1xi32> to vector<16xi32>
      %gather3A_827 = tpu.dynamic_gather %add3A_821[%gather3A_826] in [0] : vector<16xf32>, vector<16xi32> -> vector<16xf32>
      %add3A_828 = arith.addf %add3A_821, %gather3A_827 : vector<16xf32>
      %xor3A_829 = arith.constant 2 : i32
      %xor3A_830 = vector.broadcast %xor3A_829 : i32 to vector<16xi32>
      %xor3A_831 = arith.xori %iota3A, %xor3A_830 : vector<16xi32>
      %reshape3A_832 = vector.shape_cast %xor3A_831 : vector<16xi32> to vector<16x1xi32>
      %gather3A_833 = vector.shape_cast %reshape3A_832 : vector<16x1xi32> to vector<16xi32>
      %gather3A_834 = tpu.dynamic_gather %add3A_828[%gather3A_833] in [0] : vector<16xf32>, vector<16xi32> -> vector<16xf32>
      %add3A_835 = arith.addf %add3A_828, %gather3A_834 : vector<16xf32>
      %xor3A_836 = arith.constant 1 : i32
      %xor3A_837 = vector.broadcast %xor3A_836 : i32 to vector<16xi32>
      %xor3A_838 = arith.xori %iota3A, %xor3A_837 : vector<16xi32>
      %reshape3A_839 = vector.shape_cast %xor3A_838 : vector<16xi32> to vector<16x1xi32>
      %gather3A_840 = vector.shape_cast %reshape3A_839 : vector<16x1xi32> to vector<16xi32>
      %gather3A_841 = tpu.dynamic_gather %add3A_835[%gather3A_840] in [0] : vector<16xf32>, vector<16xi32> -> vector<16xf32>
      %add3A_842 = arith.addf %add3A_835, %gather3A_841 : vector<16xf32>
      %slice3A_843 = vector.extract_strided_slice %add3A_842 {offsets = [0], sizes = [1], strides = [1]} : vector<16xf32> to vector<1xf32>
      %squeeze3A_844 = vector.extract %slice3A_843[0] : f32 from vector<1xf32>
      %ge3A = arith.cmpf oge, %squeeze3A_844, %convert_element_type3A_304 : f32
      %select_n3A = arith.select %ge3A, %or3A_806, %scan3A_801 : i32
      scf.yield %select_n3A : i32
    }
    %scan3A_311 = arith.constant 8 : i32
    %add3A_312 = arith.constant 1 : i32
    %add3A_313 = arith.addi %scan3A_310, %add3A_312 : i32
    %broadcast_in_dim3A_314 = arith.constant 0.000000e+00 : f32
    %broadcast_in_dim3A_315 = vector.broadcast %broadcast_in_dim3A_314 : f32 to vector<16xf32>
    %scan3A_316 = arith.constant 0 : i32
    %scan3A_317 = arith.constant 16 : i32
    %scan3A_318 = arith.addi %scan3A_316, %scan3A_317 : i32
    %scan3A_319 = arith.constant 1 : i32
    %scan3A_320 = scf.for %scan3A_800 = %scan3A_316 to %scan3A_318 step %scan3A_319 iter_args(%scan3A_801 = %broadcast_in_dim3A_315) -> (vector<16xf32>)  : i32 {
      %mul3A_802 = arith.constant 16 : i32
      %mul3A_803 = arith.muli %scan3A_800, %mul3A_802 : i32
      %add3A_804 = vector.broadcast %mul3A_803 : i32 to vector<16xi32>
      %add3A_805 = arith.addi %add3A_804, %iota3A : vector<16xi32>
      %mul3A_806 = arith.constant 16 : i32
      %mul3A_807 = arith.muli %scan3A_800, %mul3A_806 : i32
      %get3A_808 = arith.index_cast %mul3A_807 : i32 to index
      %get3A_809 = tpu.vector_load %arg5[%get3A_808] {strides = array<i32>} : memref<272xf32, #tpu.memory_space<vmem>>, vector<16xf32>,
      %get3A_810 = vector.shape_cast %get3A_809 : vector<16xf32> to vector<16xf32>
      %ge3A = vector.broadcast %add3A_313 : i32 to vector<16xi32>
      %ge3A_811 = arith.cmpi sge, %add3A_805, %ge3A : vector<16xi32>
      %jit3A = arith.constant 0.000000e+00 : f32
      %broadcast_in_dim3A_812 = vector.broadcast %jit3A : f32 to vector<16xf32>
      %select_n3A = arith.select %ge3A_811, %get3A_810, %broadcast_in_dim3A_812 : vector<16xi1>, vector<16xf32>
      %add3A_813 = arith.addf %scan3A_801, %select_n3A : vector<16xf32>
      scf.yield %add3A_813 : vector<16xf32>
    }
    %scan3A_321 = arith.constant 16 : i32
    %xor3A_322 = arith.constant 8 : i32
    %xor3A_323 = vector.broadcast %xor3A_322 : i32 to vector<16xi32>
    %xor3A_324 = arith.xori %iota3A, %xor3A_323 : vector<16xi32>
    %reshape3A_325 = vector.shape_cast %xor3A_324 : vector<16xi32> to vector<16x1xi32>
    %gather3A_326 = vector.shape_cast %reshape3A_325 : vector<16x1xi32> to vector<16xi32>
    %gather3A_327 = tpu.dynamic_gather %scan3A_320[%gather3A_326] in [0] : vector<16xf32>, vector<16xi32> -> vector<16xf32>
    %add3A_328 = arith.addf %scan3A_320, %gather3A_327 : vector<16xf32>
    %xor3A_329 = arith.constant 4 : i32
    %xor3A_330 = vector.broadcast %xor3A_329 : i32 to vector<16xi32>
    %xor3A_331 = arith.xori %iota3A, %xor3A_330 : vector<16xi32>
    %reshape3A_332 = vector.shape_cast %xor3A_331 : vector<16xi32> to vector<16x1xi32>
    %gather3A_333 = vector.shape_cast %reshape3A_332 : vector<16x1xi32> to vector<16xi32>
    %gather3A_334 = tpu.dynamic_gather %add3A_328[%gather3A_333] in [0] : vector<16xf32>, vector<16xi32> -> vector<16xf32>
    %add3A_335 = arith.addf %add3A_328, %gather3A_334 : vector<16xf32>
    %xor3A_336 = arith.constant 2 : i32
    %xor3A_337 = vector.broadcast %xor3A_336 : i32 to vector<16xi32>
    %xor3A_338 = arith.xori %iota3A, %xor3A_337 : vector<16xi32>
    %reshape3A_339 = vector.shape_cast %xor3A_338 : vector<16xi32> to vector<16x1xi32>
    %gather3A_340 = vector.shape_cast %reshape3A_339 : vector<16x1xi32> to vector<16xi32>
    %gather3A_341 = tpu.dynamic_gather %add3A_335[%gather3A_340] in [0] : vector<16xf32>, vector<16xi32> -> vector<16xf32>
    %add3A_342 = arith.addf %add3A_335, %gather3A_341 : vector<16xf32>
    %xor3A_343 = arith.constant 1 : i32
    %xor3A_344 = vector.broadcast %xor3A_343 : i32 to vector<16xi32>
    %xor3A_345 = arith.xori %iota3A, %xor3A_344 : vector<16xi32>
    %reshape3A_346 = vector.shape_cast %xor3A_345 : vector<16xi32> to vector<16x1xi32>
    %gather3A_347 = vector.shape_cast %reshape3A_346 : vector<16x1xi32> to vector<16xi32>
    %gather3A_348 = tpu.dynamic_gather %add3A_342[%gather3A_347] in [0] : vector<16xf32>, vector<16xi32> -> vector<16xf32>
    %add3A_349 = arith.addf %add3A_342, %gather3A_348 : vector<16xf32>
    %slice3A_350 = vector.extract_strided_slice %add3A_349 {offsets = [0], sizes = [1], strides = [1]} : vector<16xf32> to vector<1xf32>
    %squeeze3A_351 = vector.extract %slice3A_350[0] : f32 from vector<1xf32>
    %convert_element_type3A_352 = arith.fptosi %squeeze3A_351 : f32 to i32
    %sub3A_353 = arith.subi %sub3A_183, %convert_element_type3A_352 : i32
    %shift_left3A_354 = arith.constant 16 : i32
    %shift_left3A_355 = arith.shli %scan3A_310, %shift_left3A_354 : i32
    %or3A_356 = arith.ori %or3A_185, %shift_left3A_355 : i32
    %scan3A_357 = arith.constant 0 : i32
    %scan3A_358 = arith.constant 0 : i32
    %scan3A_359 = arith.constant 64 : i32
    %scan3A_360 = arith.addi %scan3A_358, %scan3A_359 : i32
    %scan3A_361 = arith.constant 1 : i32
    %scan3A_362 = scf.for %scan3A_800 = %scan3A_358 to %scan3A_360 step %scan3A_361 iter_args(%scan3A_801 = %scan3A_357) -> (i32)  : i32 {
      %mul3A_802 = arith.constant 16 : i32
      %mul3A_803 = arith.muli %scan3A_800, %mul3A_802 : i32
      %get3A_804 = arith.index_cast %mul3A_803 : i32 to index
      %get3A_805 = tpu.vector_load %arg4[%get3A_804] {strides = array<i32>} : memref<1024xi32, #tpu.memory_space<vmem>>, vector<16xi32>,
      %get3A_806 = vector.shape_cast %get3A_805 : vector<16xi32> to vector<16xi32>
      %shift_right_logical3A = arith.constant 8 : i32
      %shift_right_logical3A_807 = vector.broadcast %shift_right_logical3A : i32 to vector<16xi32>
      %shift_right_logical3A_808 = arith.shrui %get3A_806, %shift_right_logical3A_807 : vector<16xi32>
      %and3A = arith.constant 255 : i32
      %and3A_809 = vector.broadcast %and3A : i32 to vector<16xi32>
      %and3A_810 = arith.andi %shift_right_logical3A_808, %and3A_809 : vector<16xi32>
      %shift_right_logical3A_811 = arith.constant 16 : i32
      %shift_right_logical3A_812 = vector.broadcast %shift_right_logical3A_811 : i32 to vector<16xi32>
      %shift_right_logical3A_813 = arith.shrui %get3A_806, %shift_right_logical3A_812 : vector<16xi32>
      %shift_right_logical3A_814 = arith.constant 16 : i32
      %shift_right_logical3A_815 = arith.shrui %or3A_356, %shift_right_logical3A_814 : i32
      %eq3A = vector.broadcast %shift_right_logical3A_815 : i32 to vector<16xi32>
      %eq3A_816 = arith.cmpi eq, %shift_right_logical3A_813, %eq3A : vector<16xi32>
      %jit3A = arith.constant 256 : i32
      %broadcast_in_dim3A_817 = vector.broadcast %jit3A : i32 to vector<16xi32>
      %select_n3A = arith.select %eq3A_816, %and3A_810, %broadcast_in_dim3A_817 : vector<16xi1>, vector<16xi32>
      %mul3A_818 = arith.constant 272 : i32
      %mul3A_819 = arith.muli %arg1, %mul3A_818 : i32
      %add3A_820 = vector.broadcast %mul3A_819 : i32 to vector<16xi32>
      %add3A_821 = arith.addi %select_n3A, %add3A_820 : vector<16xi32>
      %jit3A_822 = arith.constant 8 : i32
      %div3A = arith.divsi %scan3A_800, %jit3A_822 : i32
      %sign3A = arith.constant 0 : i32
      %sign3A_823 = arith.cmpi sgt, %scan3A_800, %sign3A : i32
      %sign3A_824 = arith.extui %sign3A_823 : i1 to i32
      %sign3A_825 = arith.constant 0 : i32
      %sign3A_826 = arith.cmpi slt, %scan3A_800, %sign3A_825 : i32
      %sign3A_827 = arith.extui %sign3A_826 : i1 to i32
      %sign3A_828 = arith.subi %sign3A_824, %sign3A_827 : i32
      %sign3A_829 = arith.constant 0 : i32
      %sign3A_830 = arith.cmpi sgt, %jit3A_822, %sign3A_829 : i32
      %sign3A_831 = arith.extui %sign3A_830 : i1 to i32
      %sign3A_832 = arith.constant 0 : i32
      %sign3A_833 = arith.cmpi slt, %jit3A_822, %sign3A_832 : i32
      %sign3A_834 = arith.extui %sign3A_833 : i1 to i32
      %sign3A_835 = arith.subi %sign3A_831, %sign3A_834 : i32
      %ne3A = arith.cmpi ne, %sign3A_828, %sign3A_835 : i32
      %rem3A = arith.remsi %scan3A_800, %jit3A_822 : i32
      %ne3A_836 = arith.constant 0 : i32
      %ne3A_837 = arith.cmpi ne, %rem3A, %ne3A_836 : i32
      %and3A_838 = arith.andi %ne3A, %ne3A_837 : i1
      %sub3A_839 = arith.constant 1 : i32
      %sub3A_840 = arith.subi %div3A, %sub3A_839 : i32
      %select_n3A_841 = arith.select %and3A_838, %sub3A_840, %div3A : i32
      %jit3A_842 = arith.constant 8 : i32
      %eq3A_843 = arith.constant 0 : i32
      %eq3A_844 = arith.cmpi eq, %jit3A_842, %eq3A_843 : i32
      %jit3A_845 = arith.constant 1 : i32
      %select_n3A_846 = arith.select %eq3A_844, %jit3A_845, %jit3A_842 : i32
      %rem3A_847 = arith.remsi %scan3A_800, %select_n3A_846 : i32
      %ne3A_848 = arith.constant 0 : i32
      %ne3A_849 = arith.cmpi ne, %rem3A_847, %ne3A_848 : i32
      %lt3A = arith.constant 0 : i32
      %lt3A_850 = arith.cmpi slt, %rem3A_847, %lt3A : i32
      %lt3A_851 = arith.constant 0 : i32
      %lt3A_852 = arith.cmpi slt, %select_n3A_846, %lt3A_851 : i32
      %ne3A_853 = arith.xori %lt3A_850, %lt3A_852 : i1
      %and3A_854 = arith.andi %ne3A_853, %ne3A_849 : i1
      %add3A_855 = arith.addi %rem3A_847, %select_n3A_846 : i32
      %select_n3A_856 = arith.select %and3A_854, %add3A_855, %rem3A_847 : i32
      %mul3A_857 = arith.constant 16 : i32
      %mul3A_858 = arith.muli %select_n3A_856, %mul3A_857 : i32
      %swap3A = arith.index_cast %select_n3A_841 : i32 to index
      %swap3A_859 = arith.index_cast %mul3A_858 : i32 to index
      %swap3A_860 = tpu.vector_load %arg7[%swap3A, %swap3A_859] {strides = array<i32>} : memref<8x128xi32, #tpu.memory_space<vmem>>, vector<1x16xi32>,
      %swap3A_861 = vector.shape_cast %swap3A_860 : vector<1x16xi32> to vector<16xi32>
      %swap3A_862 = vector.shape_cast %add3A_821 : vector<16xi32> to vector<1x16xi32>
      tpu.vector_store %arg7[%swap3A, %swap3A_859], %swap3A_862 {strides = array<i32>} : memref<8x128xi32, #tpu.memory_space<vmem>>, vector<1x16xi32>,
      %scan3A_863 = arith.constant 0 : i32
      scf.yield %scan3A_863 : i32
    }
    %scan3A_363 = arith.constant 64 : i32
    %dma_start3A_364 = arith.constant 0 : i32
    %dma_start3A_365 = arith.constant 0 : i32
    %dma_start3A_366 = tpu.memref_slice %arg7[%dma_start3A_364, %dma_start3A_365] : memref<8x128xi32, #tpu.memory_space<vmem>> -> memref<1x128xi32, #tpu.memory_space<vmem>>
    %dma_start3A_367 = tpu.memref_squeeze %dma_start3A_366 : memref<1x128xi32, #tpu.memory_space<vmem>> -> memref<128xi32, #tpu.memory_space<vmem>>
    %dma_start3A_368 = arith.constant 0 : i32
    %dma_start3A_369 = tpu.memref_slice %arg13[%dma_start3A_368] : memref<4352xf32, #tpu.memory_space<vmem_shared>> -> memref<4352xf32, #tpu.memory_space<vmem_shared>>
    tpu.enqueue_indirect_dma source(%arg8 : memref<128xf32, #tpu.memory_space<vmem>>) target(%dma_start3A_369 : memref<4352xf32, #tpu.memory_space<vmem_shared>>) offsets(%dma_start3A_367 : memref<128xi32, #tpu.memory_space<vmem>>) semaphore(%arg17 : memref<!tpu.dma_semaphore, #tpu.memory_space<semaphore_mem>>) {add = true}
    %dma_start3A_370 = arith.constant 1 : i32
    %dma_start3A_371 = arith.constant 0 : i32
    %dma_start3A_372 = tpu.memref_slice %arg7[%dma_start3A_370, %dma_start3A_371] : memref<8x128xi32, #tpu.memory_space<vmem>> -> memref<1x128xi32, #tpu.memory_space<vmem>>
    %dma_start3A_373 = tpu.memref_squeeze %dma_start3A_372 : memref<1x128xi32, #tpu.memory_space<vmem>> -> memref<128xi32, #tpu.memory_space<vmem>>
    %dma_start3A_374 = arith.constant 0 : i32
    %dma_start3A_375 = tpu.memref_slice %arg13[%dma_start3A_374] : memref<4352xf32, #tpu.memory_space<vmem_shared>> -> memref<4352xf32, #tpu.memory_space<vmem_shared>>
    tpu.enqueue_indirect_dma source(%arg8 : memref<128xf32, #tpu.memory_space<vmem>>) target(%dma_start3A_375 : memref<4352xf32, #tpu.memory_space<vmem_shared>>) offsets(%dma_start3A_373 : memref<128xi32, #tpu.memory_space<vmem>>) semaphore(%arg17 : memref<!tpu.dma_semaphore, #tpu.memory_space<semaphore_mem>>) {add = true}
    %dma_start3A_376 = arith.constant 2 : i32
    %dma_start3A_377 = arith.constant 0 : i32
    %dma_start3A_378 = tpu.memref_slice %arg7[%dma_start3A_376, %dma_start3A_377] : memref<8x128xi32, #tpu.memory_space<vmem>> -> memref<1x128xi32, #tpu.memory_space<vmem>>
    %dma_start3A_379 = tpu.memref_squeeze %dma_start3A_378 : memref<1x128xi32, #tpu.memory_space<vmem>> -> memref<128xi32, #tpu.memory_space<vmem>>
    %dma_start3A_380 = arith.constant 0 : i32
    %dma_start3A_381 = tpu.memref_slice %arg13[%dma_start3A_380] : memref<4352xf32, #tpu.memory_space<vmem_shared>> -> memref<4352xf32, #tpu.memory_space<vmem_shared>>
    tpu.enqueue_indirect_dma source(%arg8 : memref<128xf32, #tpu.memory_space<vmem>>) target(%dma_start3A_381 : memref<4352xf32, #tpu.memory_space<vmem_shared>>) offsets(%dma_start3A_379 : memref<128xi32, #tpu.memory_space<vmem>>) semaphore(%arg17 : memref<!tpu.dma_semaphore, #tpu.memory_space<semaphore_mem>>) {add = true}
    %dma_start3A_382 = arith.constant 3 : i32
    %dma_start3A_383 = arith.constant 0 : i32
    %dma_start3A_384 = tpu.memref_slice %arg7[%dma_start3A_382, %dma_start3A_383] : memref<8x128xi32, #tpu.memory_space<vmem>> -> memref<1x128xi32, #tpu.memory_space<vmem>>
    %dma_start3A_385 = tpu.memref_squeeze %dma_start3A_384 : memref<1x128xi32, #tpu.memory_space<vmem>> -> memref<128xi32, #tpu.memory_space<vmem>>
    %dma_start3A_386 = arith.constant 0 : i32
    %dma_start3A_387 = tpu.memref_slice %arg13[%dma_start3A_386] : memref<4352xf32, #tpu.memory_space<vmem_shared>> -> memref<4352xf32, #tpu.memory_space<vmem_shared>>
    tpu.enqueue_indirect_dma source(%arg8 : memref<128xf32, #tpu.memory_space<vmem>>) target(%dma_start3A_387 : memref<4352xf32, #tpu.memory_space<vmem_shared>>) offsets(%dma_start3A_385 : memref<128xi32, #tpu.memory_space<vmem>>) semaphore(%arg17 : memref<!tpu.dma_semaphore, #tpu.memory_space<semaphore_mem>>) {add = true}
    %dma_start3A_388 = arith.constant 4 : i32
    %dma_start3A_389 = arith.constant 0 : i32
    %dma_start3A_390 = tpu.memref_slice %arg7[%dma_start3A_388, %dma_start3A_389] : memref<8x128xi32, #tpu.memory_space<vmem>> -> memref<1x128xi32, #tpu.memory_space<vmem>>
    %dma_start3A_391 = tpu.memref_squeeze %dma_start3A_390 : memref<1x128xi32, #tpu.memory_space<vmem>> -> memref<128xi32, #tpu.memory_space<vmem>>
    %dma_start3A_392 = arith.constant 0 : i32
    %dma_start3A_393 = tpu.memref_slice %arg13[%dma_start3A_392] : memref<4352xf32, #tpu.memory_space<vmem_shared>> -> memref<4352xf32, #tpu.memory_space<vmem_shared>>
    tpu.enqueue_indirect_dma source(%arg8 : memref<128xf32, #tpu.memory_space<vmem>>) target(%dma_start3A_393 : memref<4352xf32, #tpu.memory_space<vmem_shared>>) offsets(%dma_start3A_391 : memref<128xi32, #tpu.memory_space<vmem>>) semaphore(%arg17 : memref<!tpu.dma_semaphore, #tpu.memory_space<semaphore_mem>>) {add = true}
    %dma_start3A_394 = arith.constant 5 : i32
    %dma_start3A_395 = arith.constant 0 : i32
    %dma_start3A_396 = tpu.memref_slice %arg7[%dma_start3A_394, %dma_start3A_395] : memref<8x128xi32, #tpu.memory_space<vmem>> -> memref<1x128xi32, #tpu.memory_space<vmem>>
    %dma_start3A_397 = tpu.memref_squeeze %dma_start3A_396 : memref<1x128xi32, #tpu.memory_space<vmem>> -> memref<128xi32, #tpu.memory_space<vmem>>
    %dma_start3A_398 = arith.constant 0 : i32
    %dma_start3A_399 = tpu.memref_slice %arg13[%dma_start3A_398] : memref<4352xf32, #tpu.memory_space<vmem_shared>> -> memref<4352xf32, #tpu.memory_space<vmem_shared>>
    tpu.enqueue_indirect_dma source(%arg8 : memref<128xf32, #tpu.memory_space<vmem>>) target(%dma_start3A_399 : memref<4352xf32, #tpu.memory_space<vmem_shared>>) offsets(%dma_start3A_397 : memref<128xi32, #tpu.memory_space<vmem>>) semaphore(%arg17 : memref<!tpu.dma_semaphore, #tpu.memory_space<semaphore_mem>>) {add = true}
    %dma_start3A_400 = arith.constant 6 : i32
    %dma_start3A_401 = arith.constant 0 : i32
    %dma_start3A_402 = tpu.memref_slice %arg7[%dma_start3A_400, %dma_start3A_401] : memref<8x128xi32, #tpu.memory_space<vmem>> -> memref<1x128xi32, #tpu.memory_space<vmem>>
    %dma_start3A_403 = tpu.memref_squeeze %dma_start3A_402 : memref<1x128xi32, #tpu.memory_space<vmem>> -> memref<128xi32, #tpu.memory_space<vmem>>
    %dma_start3A_404 = arith.constant 0 : i32
    %dma_start3A_405 = tpu.memref_slice %arg13[%dma_start3A_404] : memref<4352xf32, #tpu.memory_space<vmem_shared>> -> memref<4352xf32, #tpu.memory_space<vmem_shared>>
    tpu.enqueue_indirect_dma source(%arg8 : memref<128xf32, #tpu.memory_space<vmem>>) target(%dma_start3A_405 : memref<4352xf32, #tpu.memory_space<vmem_shared>>) offsets(%dma_start3A_403 : memref<128xi32, #tpu.memory_space<vmem>>) semaphore(%arg17 : memref<!tpu.dma_semaphore, #tpu.memory_space<semaphore_mem>>) {add = true}
    %dma_start3A_406 = arith.constant 7 : i32
    %dma_start3A_407 = arith.constant 0 : i32
    %dma_start3A_408 = tpu.memref_slice %arg7[%dma_start3A_406, %dma_start3A_407] : memref<8x128xi32, #tpu.memory_space<vmem>> -> memref<1x128xi32, #tpu.memory_space<vmem>>
    %dma_start3A_409 = tpu.memref_squeeze %dma_start3A_408 : memref<1x128xi32, #tpu.memory_space<vmem>> -> memref<128xi32, #tpu.memory_space<vmem>>
    %dma_start3A_410 = arith.constant 0 : i32
    %dma_start3A_411 = tpu.memref_slice %arg13[%dma_start3A_410] : memref<4352xf32, #tpu.memory_space<vmem_shared>> -> memref<4352xf32, #tpu.memory_space<vmem_shared>>
    tpu.enqueue_indirect_dma source(%arg8 : memref<128xf32, #tpu.memory_space<vmem>>) target(%dma_start3A_411 : memref<4352xf32, #tpu.memory_space<vmem_shared>>) offsets(%dma_start3A_409 : memref<128xi32, #tpu.memory_space<vmem>>) semaphore(%arg17 : memref<!tpu.dma_semaphore, #tpu.memory_space<semaphore_mem>>) {add = true}
    %dma_wait3A_412 = arith.constant 0 : i32
    %dma_wait3A_413 = arith.constant 0 : i32
    %dma_wait3A_414 = tpu.memref_slice %arg7[%dma_wait3A_412, %dma_wait3A_413] : memref<8x128xi32, #tpu.memory_space<vmem>> -> memref<1x128xi32, #tpu.memory_space<vmem>>
    %dma_wait3A_415 = tpu.memref_squeeze %dma_wait3A_414 : memref<1x128xi32, #tpu.memory_space<vmem>> -> memref<128xi32, #tpu.memory_space<vmem>>
    %dma_wait3A_416 = arith.constant 0 : i32
    %dma_wait3A_417 = tpu.memref_slice %arg13[%dma_wait3A_416] : memref<4352xf32, #tpu.memory_space<vmem_shared>> -> memref<4352xf32, #tpu.memory_space<vmem_shared>>
    tpu.wait_indirect_dma semaphore(%arg17 : memref<!tpu.dma_semaphore, #tpu.memory_space<semaphore_mem>>) src(%arg8 : memref<128xf32, #tpu.memory_space<vmem>>) dst(%dma_wait3A_417 : memref<4352xf32, #tpu.memory_space<vmem_shared>>)
    %dma_wait3A_418 = arith.constant 1 : i32
    %dma_wait3A_419 = arith.constant 0 : i32
    %dma_wait3A_420 = tpu.memref_slice %arg7[%dma_wait3A_418, %dma_wait3A_419] : memref<8x128xi32, #tpu.memory_space<vmem>> -> memref<1x128xi32, #tpu.memory_space<vmem>>
    %dma_wait3A_421 = tpu.memref_squeeze %dma_wait3A_420 : memref<1x128xi32, #tpu.memory_space<vmem>> -> memref<128xi32, #tpu.memory_space<vmem>>
    %dma_wait3A_422 = arith.constant 0 : i32
    %dma_wait3A_423 = tpu.memref_slice %arg13[%dma_wait3A_422] : memref<4352xf32, #tpu.memory_space<vmem_shared>> -> memref<4352xf32, #tpu.memory_space<vmem_shared>>
    tpu.wait_indirect_dma semaphore(%arg17 : memref<!tpu.dma_semaphore, #tpu.memory_space<semaphore_mem>>) src(%arg8 : memref<128xf32, #tpu.memory_space<vmem>>) dst(%dma_wait3A_423 : memref<4352xf32, #tpu.memory_space<vmem_shared>>)
    %dma_wait3A_424 = arith.constant 2 : i32
    %dma_wait3A_425 = arith.constant 0 : i32
    %dma_wait3A_426 = tpu.memref_slice %arg7[%dma_wait3A_424, %dma_wait3A_425] : memref<8x128xi32, #tpu.memory_space<vmem>> -> memref<1x128xi32, #tpu.memory_space<vmem>>
    %dma_wait3A_427 = tpu.memref_squeeze %dma_wait3A_426 : memref<1x128xi32, #tpu.memory_space<vmem>> -> memref<128xi32, #tpu.memory_space<vmem>>
    %dma_wait3A_428 = arith.constant 0 : i32
    %dma_wait3A_429 = tpu.memref_slice %arg13[%dma_wait3A_428] : memref<4352xf32, #tpu.memory_space<vmem_shared>> -> memref<4352xf32, #tpu.memory_space<vmem_shared>>
    tpu.wait_indirect_dma semaphore(%arg17 : memref<!tpu.dma_semaphore, #tpu.memory_space<semaphore_mem>>) src(%arg8 : memref<128xf32, #tpu.memory_space<vmem>>) dst(%dma_wait3A_429 : memref<4352xf32, #tpu.memory_space<vmem_shared>>)
    %dma_wait3A_430 = arith.constant 3 : i32
    %dma_wait3A_431 = arith.constant 0 : i32
    %dma_wait3A_432 = tpu.memref_slice %arg7[%dma_wait3A_430, %dma_wait3A_431] : memref<8x128xi32, #tpu.memory_space<vmem>> -> memref<1x128xi32, #tpu.memory_space<vmem>>
    %dma_wait3A_433 = tpu.memref_squeeze %dma_wait3A_432 : memref<1x128xi32, #tpu.memory_space<vmem>> -> memref<128xi32, #tpu.memory_space<vmem>>
    %dma_wait3A_434 = arith.constant 0 : i32
    %dma_wait3A_435 = tpu.memref_slice %arg13[%dma_wait3A_434] : memref<4352xf32, #tpu.memory_space<vmem_shared>> -> memref<4352xf32, #tpu.memory_space<vmem_shared>>
    tpu.wait_indirect_dma semaphore(%arg17 : memref<!tpu.dma_semaphore, #tpu.memory_space<semaphore_mem>>) src(%arg8 : memref<128xf32, #tpu.memory_space<vmem>>) dst(%dma_wait3A_435 : memref<4352xf32, #tpu.memory_space<vmem_shared>>)
    %dma_wait3A_436 = arith.constant 4 : i32
    %dma_wait3A_437 = arith.constant 0 : i32
    %dma_wait3A_438 = tpu.memref_slice %arg7[%dma_wait3A_436, %dma_wait3A_437] : memref<8x128xi32, #tpu.memory_space<vmem>> -> memref<1x128xi32, #tpu.memory_space<vmem>>
    %dma_wait3A_439 = tpu.memref_squeeze %dma_wait3A_438 : memref<1x128xi32, #tpu.memory_space<vmem>> -> memref<128xi32, #tpu.memory_space<vmem>>
    %dma_wait3A_440 = arith.constant 0 : i32
    %dma_wait3A_441 = tpu.memref_slice %arg13[%dma_wait3A_440] : memref<4352xf32, #tpu.memory_space<vmem_shared>> -> memref<4352xf32, #tpu.memory_space<vmem_shared>>
    tpu.wait_indirect_dma semaphore(%arg17 : memref<!tpu.dma_semaphore, #tpu.memory_space<semaphore_mem>>) src(%arg8 : memref<128xf32, #tpu.memory_space<vmem>>) dst(%dma_wait3A_441 : memref<4352xf32, #tpu.memory_space<vmem_shared>>)
    %dma_wait3A_442 = arith.constant 5 : i32
    %dma_wait3A_443 = arith.constant 0 : i32
    %dma_wait3A_444 = tpu.memref_slice %arg7[%dma_wait3A_442, %dma_wait3A_443] : memref<8x128xi32, #tpu.memory_space<vmem>> -> memref<1x128xi32, #tpu.memory_space<vmem>>
    %dma_wait3A_445 = tpu.memref_squeeze %dma_wait3A_444 : memref<1x128xi32, #tpu.memory_space<vmem>> -> memref<128xi32, #tpu.memory_space<vmem>>
    %dma_wait3A_446 = arith.constant 0 : i32
    %dma_wait3A_447 = tpu.memref_slice %arg13[%dma_wait3A_446] : memref<4352xf32, #tpu.memory_space<vmem_shared>> -> memref<4352xf32, #tpu.memory_space<vmem_shared>>
    tpu.wait_indirect_dma semaphore(%arg17 : memref<!tpu.dma_semaphore, #tpu.memory_space<semaphore_mem>>) src(%arg8 : memref<128xf32, #tpu.memory_space<vmem>>) dst(%dma_wait3A_447 : memref<4352xf32, #tpu.memory_space<vmem_shared>>)
    %dma_wait3A_448 = arith.constant 6 : i32
    %dma_wait3A_449 = arith.constant 0 : i32
    %dma_wait3A_450 = tpu.memref_slice %arg7[%dma_wait3A_448, %dma_wait3A_449] : memref<8x128xi32, #tpu.memory_space<vmem>> -> memref<1x128xi32, #tpu.memory_space<vmem>>
    %dma_wait3A_451 = tpu.memref_squeeze %dma_wait3A_450 : memref<1x128xi32, #tpu.memory_space<vmem>> -> memref<128xi32, #tpu.memory_space<vmem>>
    %dma_wait3A_452 = arith.constant 0 : i32
    %dma_wait3A_453 = tpu.memref_slice %arg13[%dma_wait3A_452] : memref<4352xf32, #tpu.memory_space<vmem_shared>> -> memref<4352xf32, #tpu.memory_space<vmem_shared>>
    tpu.wait_indirect_dma semaphore(%arg17 : memref<!tpu.dma_semaphore, #tpu.memory_space<semaphore_mem>>) src(%arg8 : memref<128xf32, #tpu.memory_space<vmem>>) dst(%dma_wait3A_453 : memref<4352xf32, #tpu.memory_space<vmem_shared>>)
    %dma_wait3A_454 = arith.constant 7 : i32
    %dma_wait3A_455 = arith.constant 0 : i32
    %dma_wait3A_456 = tpu.memref_slice %arg7[%dma_wait3A_454, %dma_wait3A_455] : memref<8x128xi32, #tpu.memory_space<vmem>> -> memref<1x128xi32, #tpu.memory_space<vmem>>
    %dma_wait3A_457 = tpu.memref_squeeze %dma_wait3A_456 : memref<1x128xi32, #tpu.memory_space<vmem>> -> memref<128xi32, #tpu.memory_space<vmem>>
    %dma_wait3A_458 = arith.constant 0 : i32
    %dma_wait3A_459 = tpu.memref_slice %arg13[%dma_wait3A_458] : memref<4352xf32, #tpu.memory_space<vmem_shared>> -> memref<4352xf32, #tpu.memory_space<vmem_shared>>
    tpu.wait_indirect_dma semaphore(%arg17 : memref<!tpu.dma_semaphore, #tpu.memory_space<semaphore_mem>>) src(%arg8 : memref<128xf32, #tpu.memory_space<vmem>>) dst(%dma_wait3A_459 : memref<4352xf32, #tpu.memory_space<vmem_shared>>)
    %barrier3A_460 = arith.constant 0 : index
    tpu.barrier barrier_id(%barrier3A_460)
    "tpu.region"() ({
      %run_scoped3A = tpu.sem_alloc : memref<!tpu.dma_semaphore, #tpu.memory_space<semaphore_mem>>
      tpu.enqueue_dma source(%arg13 : memref<4352xf32, #tpu.memory_space<vmem_shared>>) target(%arg10 : memref<4352xf32, #tpu.memory_space<vmem>>) target_semaphore(%run_scoped3A : memref<!tpu.dma_semaphore, #tpu.memory_space<semaphore_mem>>)
      tpu.wait_dma2 semaphore(%run_scoped3A : memref<!tpu.dma_semaphore, #tpu.memory_space<semaphore_mem>>) src(%arg13 : memref<4352xf32, #tpu.memory_space<vmem_shared>>) dst(%arg10 : memref<4352xf32, #tpu.memory_space<vmem>>)
      tpu.yield
    }) : () -> ()
    %scan3A_461 = arith.constant 0 : i32
    %scan3A_462 = arith.constant 0 : i32
    %scan3A_463 = arith.constant 17 : i32
    %scan3A_464 = arith.addi %scan3A_462, %scan3A_463 : i32
    %scan3A_465 = arith.constant 1 : i32
    %scan3A_466 = scf.for %scan3A_800 = %scan3A_462 to %scan3A_464 step %scan3A_465 iter_args(%scan3A_801 = %scan3A_461) -> (i32)  : i32 {
      %broadcast_in_dim3A_802 = arith.constant 0.000000e+00 : f32
      %broadcast_in_dim3A_803 = vector.broadcast %broadcast_in_dim3A_802 : f32 to vector<16xf32>
      %mul3A_804 = arith.constant 16 : i32
      %mul3A_805 = arith.muli %scan3A_800, %mul3A_804 : i32
      %swap3A = arith.index_cast %mul3A_805 : i32 to index
      %swap3A_806 = tpu.vector_load %arg5[%swap3A] {strides = array<i32>} : memref<272xf32, #tpu.memory_space<vmem>>, vector<16xf32>,
      %swap3A_807 = vector.shape_cast %swap3A_806 : vector<16xf32> to vector<16xf32>
      %swap3A_808 = vector.shape_cast %broadcast_in_dim3A_803 : vector<16xf32> to vector<16xf32>
      tpu.vector_store %arg5[%swap3A], %swap3A_808 {strides = array<i32>} : memref<272xf32, #tpu.memory_space<vmem>>, vector<16xf32>,
      %scan3A_809 = arith.constant 0 : i32
      scf.yield %scan3A_809 : i32
    }
    %scan3A_467 = arith.constant 17 : i32
    %scan3A_468 = arith.constant 0 : i32
    %scan3A_469 = arith.constant 0 : i32
    %scan3A_470 = arith.constant 16 : i32
    %scan3A_471 = arith.addi %scan3A_469, %scan3A_470 : i32
    %scan3A_472 = arith.constant 1 : i32
    %scan3A_473 = scf.for %scan3A_800 = %scan3A_469 to %scan3A_471 step %scan3A_472 iter_args(%scan3A_801 = %scan3A_468) -> (i32)  : i32 {
      %scan3A_802 = arith.constant 0 : i32
      %scan3A_803 = arith.constant 0 : i32
      %scan3A_804 = arith.constant 17 : i32
      %scan3A_805 = arith.addi %scan3A_803, %scan3A_804 : i32
      %scan3A_806 = arith.constant 1 : i32
      %scan3A_807 = scf.for %scan3A_810 = %scan3A_803 to %scan3A_805 step %scan3A_806 iter_args(%scan3A_811 = %scan3A_802) -> (i32)  : i32 {
        %mul3A_812 = arith.constant 16 : i32
        %mul3A_813 = arith.muli %scan3A_810, %mul3A_812 : i32
        %get3A_814 = arith.index_cast %mul3A_813 : i32 to index
        %get3A_815 = tpu.vector_load %arg5[%get3A_814] {strides = array<i32>} : memref<272xf32, #tpu.memory_space<vmem>>, vector<16xf32>,
        %get3A_816 = vector.shape_cast %get3A_815 : vector<16xf32> to vector<16xf32>
        %mul3A_817 = arith.constant 272 : i32
        %mul3A_818 = arith.muli %scan3A_800, %mul3A_817 : i32
        %mul3A_819 = arith.constant 16 : i32
        %mul3A_820 = arith.muli %scan3A_810, %mul3A_819 : i32
        %add3A_821 = arith.addi %mul3A_818, %mul3A_820 : i32
        %get3A_822 = arith.index_cast %add3A_821 : i32 to index
        %get3A_823 = tpu.vector_load %arg10[%get3A_822] {strides = array<i32>} : memref<4352xf32, #tpu.memory_space<vmem>>, vector<16xf32>,
        %get3A_824 = vector.shape_cast %get3A_823 : vector<16xf32> to vector<16xf32>
        %add3A_825 = arith.addf %get3A_816, %get3A_824 : vector<16xf32>
        %swap3A = arith.index_cast %mul3A_813 : i32 to index
        %swap3A_826 = tpu.vector_load %arg5[%swap3A] {strides = array<i32>} : memref<272xf32, #tpu.memory_space<vmem>>, vector<16xf32>,
        %swap3A_827 = vector.shape_cast %swap3A_826 : vector<16xf32> to vector<16xf32>
        %swap3A_828 = vector.shape_cast %add3A_825 : vector<16xf32> to vector<16xf32>
        tpu.vector_store %arg5[%swap3A], %swap3A_828 {strides = array<i32>} : memref<272xf32, #tpu.memory_space<vmem>>, vector<16xf32>,
        %scan3A_829 = arith.constant 0 : i32
        scf.yield %scan3A_829 : i32
      }
      %scan3A_808 = arith.constant 17 : i32
      %scan3A_809 = arith.constant 0 : i32
      scf.yield %scan3A_809 : i32
    }
    %scan3A_474 = arith.constant 16 : i32
    %convert_element_type3A_475 = arith.sitofp %sub3A_353 : i32 to f32
    %scan3A_476 = arith.constant 0 : i32
    %scan3A_477 = arith.constant 0 : i32
    %scan3A_478 = arith.constant 8 : i32
    %scan3A_479 = arith.addi %scan3A_477, %scan3A_478 : i32
    %scan3A_480 = arith.constant 1 : i32
    %scan3A_481 = scf.for %scan3A_800 = %scan3A_477 to %scan3A_479 step %scan3A_480 iter_args(%scan3A_801 = %scan3A_476) -> (i32)  : i32 {
      %sub3A_802 = arith.constant 7 : i32
      %sub3A_803 = arith.subi %sub3A_802, %scan3A_800 : i32
      %shift_left3A_804 = arith.constant 1 : i32
      %shift_left3A_805 = arith.shli %shift_left3A_804, %sub3A_803 : i32
      %or3A_806 = arith.ori %scan3A_801, %shift_left3A_805 : i32
      %broadcast_in_dim3A_807 = arith.constant 0.000000e+00 : f32
      %broadcast_in_dim3A_808 = vector.broadcast %broadcast_in_dim3A_807 : f32 to vector<16xf32>
      %scan3A_809 = arith.constant 0 : i32
      %scan3A_810 = arith.constant 16 : i32
      %scan3A_811 = arith.addi %scan3A_809, %scan3A_810 : i32
      %scan3A_812 = arith.constant 1 : i32
      %scan3A_813 = scf.for %scan3A_845 = %scan3A_809 to %scan3A_811 step %scan3A_812 iter_args(%scan3A_846 = %broadcast_in_dim3A_808) -> (vector<16xf32>)  : i32 {
        %mul3A_847 = arith.constant 16 : i32
        %mul3A_848 = arith.muli %scan3A_845, %mul3A_847 : i32
        %add3A_849 = vector.broadcast %mul3A_848 : i32 to vector<16xi32>
        %add3A_850 = arith.addi %add3A_849, %iota3A : vector<16xi32>
        %mul3A_851 = arith.constant 16 : i32
        %mul3A_852 = arith.muli %scan3A_845, %mul3A_851 : i32
        %get3A_853 = arith.index_cast %mul3A_852 : i32 to index
        %get3A_854 = tpu.vector_load %arg5[%get3A_853] {strides = array<i32>} : memref<272xf32, #tpu.memory_space<vmem>>, vector<16xf32>,
        %get3A_855 = vector.shape_cast %get3A_854 : vector<16xf32> to vector<16xf32>
        %ge3A_856 = vector.broadcast %or3A_806 : i32 to vector<16xi32>
        %ge3A_857 = arith.cmpi sge, %add3A_850, %ge3A_856 : vector<16xi32>
        %jit3A = arith.constant 0.000000e+00 : f32
        %broadcast_in_dim3A_858 = vector.broadcast %jit3A : f32 to vector<16xf32>
        %select_n3A_859 = arith.select %ge3A_857, %get3A_855, %broadcast_in_dim3A_858 : vector<16xi1>, vector<16xf32>
        %add3A_860 = arith.addf %scan3A_846, %select_n3A_859 : vector<16xf32>
        scf.yield %add3A_860 : vector<16xf32>
      }
      %scan3A_814 = arith.constant 16 : i32
      %xor3A_815 = arith.constant 8 : i32
      %xor3A_816 = vector.broadcast %xor3A_815 : i32 to vector<16xi32>
      %xor3A_817 = arith.xori %iota3A, %xor3A_816 : vector<16xi32>
      %reshape3A_818 = vector.shape_cast %xor3A_817 : vector<16xi32> to vector<16x1xi32>
      %gather3A_819 = vector.shape_cast %reshape3A_818 : vector<16x1xi32> to vector<16xi32>
      %gather3A_820 = tpu.dynamic_gather %scan3A_813[%gather3A_819] in [0] : vector<16xf32>, vector<16xi32> -> vector<16xf32>
      %add3A_821 = arith.addf %scan3A_813, %gather3A_820 : vector<16xf32>
      %xor3A_822 = arith.constant 4 : i32
      %xor3A_823 = vector.broadcast %xor3A_822 : i32 to vector<16xi32>
      %xor3A_824 = arith.xori %iota3A, %xor3A_823 : vector<16xi32>
      %reshape3A_825 = vector.shape_cast %xor3A_824 : vector<16xi32> to vector<16x1xi32>
      %gather3A_826 = vector.shape_cast %reshape3A_825 : vector<16x1xi32> to vector<16xi32>
      %gather3A_827 = tpu.dynamic_gather %add3A_821[%gather3A_826] in [0] : vector<16xf32>, vector<16xi32> -> vector<16xf32>
      %add3A_828 = arith.addf %add3A_821, %gather3A_827 : vector<16xf32>
      %xor3A_829 = arith.constant 2 : i32
      %xor3A_830 = vector.broadcast %xor3A_829 : i32 to vector<16xi32>
      %xor3A_831 = arith.xori %iota3A, %xor3A_830 : vector<16xi32>
      %reshape3A_832 = vector.shape_cast %xor3A_831 : vector<16xi32> to vector<16x1xi32>
      %gather3A_833 = vector.shape_cast %reshape3A_832 : vector<16x1xi32> to vector<16xi32>
      %gather3A_834 = tpu.dynamic_gather %add3A_828[%gather3A_833] in [0] : vector<16xf32>, vector<16xi32> -> vector<16xf32>
      %add3A_835 = arith.addf %add3A_828, %gather3A_834 : vector<16xf32>
      %xor3A_836 = arith.constant 1 : i32
      %xor3A_837 = vector.broadcast %xor3A_836 : i32 to vector<16xi32>
      %xor3A_838 = arith.xori %iota3A, %xor3A_837 : vector<16xi32>
      %reshape3A_839 = vector.shape_cast %xor3A_838 : vector<16xi32> to vector<16x1xi32>
      %gather3A_840 = vector.shape_cast %reshape3A_839 : vector<16x1xi32> to vector<16xi32>
      %gather3A_841 = tpu.dynamic_gather %add3A_835[%gather3A_840] in [0] : vector<16xf32>, vector<16xi32> -> vector<16xf32>
      %add3A_842 = arith.addf %add3A_835, %gather3A_841 : vector<16xf32>
      %slice3A_843 = vector.extract_strided_slice %add3A_842 {offsets = [0], sizes = [1], strides = [1]} : vector<16xf32> to vector<1xf32>
      %squeeze3A_844 = vector.extract %slice3A_843[0] : f32 from vector<1xf32>
      %ge3A = arith.cmpf oge, %squeeze3A_844, %convert_element_type3A_475 : f32
      %select_n3A = arith.select %ge3A, %or3A_806, %scan3A_801 : i32
      scf.yield %select_n3A : i32
    }
    %scan3A_482 = arith.constant 8 : i32
    %add3A_483 = arith.constant 1 : i32
    %add3A_484 = arith.addi %scan3A_481, %add3A_483 : i32
    %broadcast_in_dim3A_485 = arith.constant 0.000000e+00 : f32
    %broadcast_in_dim3A_486 = vector.broadcast %broadcast_in_dim3A_485 : f32 to vector<16xf32>
    %scan3A_487 = arith.constant 0 : i32
    %scan3A_488 = arith.constant 16 : i32
    %scan3A_489 = arith.addi %scan3A_487, %scan3A_488 : i32
    %scan3A_490 = arith.constant 1 : i32
    %scan3A_491 = scf.for %scan3A_800 = %scan3A_487 to %scan3A_489 step %scan3A_490 iter_args(%scan3A_801 = %broadcast_in_dim3A_486) -> (vector<16xf32>)  : i32 {
      %mul3A_802 = arith.constant 16 : i32
      %mul3A_803 = arith.muli %scan3A_800, %mul3A_802 : i32
      %add3A_804 = vector.broadcast %mul3A_803 : i32 to vector<16xi32>
      %add3A_805 = arith.addi %add3A_804, %iota3A : vector<16xi32>
      %mul3A_806 = arith.constant 16 : i32
      %mul3A_807 = arith.muli %scan3A_800, %mul3A_806 : i32
      %get3A_808 = arith.index_cast %mul3A_807 : i32 to index
      %get3A_809 = tpu.vector_load %arg5[%get3A_808] {strides = array<i32>} : memref<272xf32, #tpu.memory_space<vmem>>, vector<16xf32>,
      %get3A_810 = vector.shape_cast %get3A_809 : vector<16xf32> to vector<16xf32>
      %ge3A = vector.broadcast %add3A_484 : i32 to vector<16xi32>
      %ge3A_811 = arith.cmpi sge, %add3A_805, %ge3A : vector<16xi32>
      %jit3A = arith.constant 0.000000e+00 : f32
      %broadcast_in_dim3A_812 = vector.broadcast %jit3A : f32 to vector<16xf32>
      %select_n3A = arith.select %ge3A_811, %get3A_810, %broadcast_in_dim3A_812 : vector<16xi1>, vector<16xf32>
      %add3A_813 = arith.addf %scan3A_801, %select_n3A : vector<16xf32>
      scf.yield %add3A_813 : vector<16xf32>
    }
    %scan3A_492 = arith.constant 16 : i32
    %xor3A_493 = arith.constant 8 : i32
    %xor3A_494 = vector.broadcast %xor3A_493 : i32 to vector<16xi32>
    %xor3A_495 = arith.xori %iota3A, %xor3A_494 : vector<16xi32>
    %reshape3A_496 = vector.shape_cast %xor3A_495 : vector<16xi32> to vector<16x1xi32>
    %gather3A_497 = vector.shape_cast %reshape3A_496 : vector<16x1xi32> to vector<16xi32>
    %gather3A_498 = tpu.dynamic_gather %scan3A_491[%gather3A_497] in [0] : vector<16xf32>, vector<16xi32> -> vector<16xf32>
    %add3A_499 = arith.addf %scan3A_491, %gather3A_498 : vector<16xf32>
    %xor3A_500 = arith.constant 4 : i32
    %xor3A_501 = vector.broadcast %xor3A_500 : i32 to vector<16xi32>
    %xor3A_502 = arith.xori %iota3A, %xor3A_501 : vector<16xi32>
    %reshape3A_503 = vector.shape_cast %xor3A_502 : vector<16xi32> to vector<16x1xi32>
    %gather3A_504 = vector.shape_cast %reshape3A_503 : vector<16x1xi32> to vector<16xi32>
    %gather3A_505 = tpu.dynamic_gather %add3A_499[%gather3A_504] in [0] : vector<16xf32>, vector<16xi32> -> vector<16xf32>
    %add3A_506 = arith.addf %add3A_499, %gather3A_505 : vector<16xf32>
    %xor3A_507 = arith.constant 2 : i32
    %xor3A_508 = vector.broadcast %xor3A_507 : i32 to vector<16xi32>
    %xor3A_509 = arith.xori %iota3A, %xor3A_508 : vector<16xi32>
    %reshape3A_510 = vector.shape_cast %xor3A_509 : vector<16xi32> to vector<16x1xi32>
    %gather3A_511 = vector.shape_cast %reshape3A_510 : vector<16x1xi32> to vector<16xi32>
    %gather3A_512 = tpu.dynamic_gather %add3A_506[%gather3A_511] in [0] : vector<16xf32>, vector<16xi32> -> vector<16xf32>
    %add3A_513 = arith.addf %add3A_506, %gather3A_512 : vector<16xf32>
    %xor3A_514 = arith.constant 1 : i32
    %xor3A_515 = vector.broadcast %xor3A_514 : i32 to vector<16xi32>
    %xor3A_516 = arith.xori %iota3A, %xor3A_515 : vector<16xi32>
    %reshape3A_517 = vector.shape_cast %xor3A_516 : vector<16xi32> to vector<16x1xi32>
    %gather3A_518 = vector.shape_cast %reshape3A_517 : vector<16x1xi32> to vector<16xi32>
    %gather3A_519 = tpu.dynamic_gather %add3A_513[%gather3A_518] in [0] : vector<16xf32>, vector<16xi32> -> vector<16xf32>
    %add3A_520 = arith.addf %add3A_513, %gather3A_519 : vector<16xf32>
    %slice3A_521 = vector.extract_strided_slice %add3A_520 {offsets = [0], sizes = [1], strides = [1]} : vector<16xf32> to vector<1xf32>
    %squeeze3A_522 = vector.extract %slice3A_521[0] : f32 from vector<1xf32>
    %convert_element_type3A_523 = arith.fptosi %squeeze3A_522 : f32 to i32
    %sub3A_524 = arith.subi %sub3A_353, %convert_element_type3A_523 : i32
    %shift_left3A_525 = arith.constant 8 : i32
    %shift_left3A_526 = arith.shli %scan3A_481, %shift_left3A_525 : i32
    %or3A_527 = arith.ori %or3A_356, %shift_left3A_526 : i32
    %scan3A_528 = arith.constant 0 : i32
    %scan3A_529 = arith.constant 0 : i32
    %scan3A_530 = arith.constant 64 : i32
    %scan3A_531 = arith.addi %scan3A_529, %scan3A_530 : i32
    %scan3A_532 = arith.constant 1 : i32
    %scan3A_533 = scf.for %scan3A_800 = %scan3A_529 to %scan3A_531 step %scan3A_532 iter_args(%scan3A_801 = %scan3A_528) -> (i32)  : i32 {
      %mul3A_802 = arith.constant 16 : i32
      %mul3A_803 = arith.muli %scan3A_800, %mul3A_802 : i32
      %get3A_804 = arith.index_cast %mul3A_803 : i32 to index
      %get3A_805 = tpu.vector_load %arg4[%get3A_804] {strides = array<i32>} : memref<1024xi32, #tpu.memory_space<vmem>>, vector<16xi32>,
      %get3A_806 = vector.shape_cast %get3A_805 : vector<16xi32> to vector<16xi32>
      %shift_right_logical3A = arith.constant 0 : i32
      %shift_right_logical3A_807 = vector.broadcast %shift_right_logical3A : i32 to vector<16xi32>
      %shift_right_logical3A_808 = arith.shrui %get3A_806, %shift_right_logical3A_807 : vector<16xi32>
      %and3A = arith.constant 255 : i32
      %and3A_809 = vector.broadcast %and3A : i32 to vector<16xi32>
      %and3A_810 = arith.andi %shift_right_logical3A_808, %and3A_809 : vector<16xi32>
      %shift_right_logical3A_811 = arith.constant 8 : i32
      %shift_right_logical3A_812 = vector.broadcast %shift_right_logical3A_811 : i32 to vector<16xi32>
      %shift_right_logical3A_813 = arith.shrui %get3A_806, %shift_right_logical3A_812 : vector<16xi32>
      %shift_right_logical3A_814 = arith.constant 8 : i32
      %shift_right_logical3A_815 = arith.shrui %or3A_527, %shift_right_logical3A_814 : i32
      %eq3A = vector.broadcast %shift_right_logical3A_815 : i32 to vector<16xi32>
      %eq3A_816 = arith.cmpi eq, %shift_right_logical3A_813, %eq3A : vector<16xi32>
      %jit3A = arith.constant 256 : i32
      %broadcast_in_dim3A_817 = vector.broadcast %jit3A : i32 to vector<16xi32>
      %select_n3A = arith.select %eq3A_816, %and3A_810, %broadcast_in_dim3A_817 : vector<16xi1>, vector<16xi32>
      %mul3A_818 = arith.constant 272 : i32
      %mul3A_819 = arith.muli %arg1, %mul3A_818 : i32
      %add3A_820 = vector.broadcast %mul3A_819 : i32 to vector<16xi32>
      %add3A_821 = arith.addi %select_n3A, %add3A_820 : vector<16xi32>
      %jit3A_822 = arith.constant 8 : i32
      %div3A = arith.divsi %scan3A_800, %jit3A_822 : i32
      %sign3A = arith.constant 0 : i32
      %sign3A_823 = arith.cmpi sgt, %scan3A_800, %sign3A : i32
      %sign3A_824 = arith.extui %sign3A_823 : i1 to i32
      %sign3A_825 = arith.constant 0 : i32
      %sign3A_826 = arith.cmpi slt, %scan3A_800, %sign3A_825 : i32
      %sign3A_827 = arith.extui %sign3A_826 : i1 to i32
      %sign3A_828 = arith.subi %sign3A_824, %sign3A_827 : i32
      %sign3A_829 = arith.constant 0 : i32
      %sign3A_830 = arith.cmpi sgt, %jit3A_822, %sign3A_829 : i32
      %sign3A_831 = arith.extui %sign3A_830 : i1 to i32
      %sign3A_832 = arith.constant 0 : i32
      %sign3A_833 = arith.cmpi slt, %jit3A_822, %sign3A_832 : i32
      %sign3A_834 = arith.extui %sign3A_833 : i1 to i32
      %sign3A_835 = arith.subi %sign3A_831, %sign3A_834 : i32
      %ne3A = arith.cmpi ne, %sign3A_828, %sign3A_835 : i32
      %rem3A = arith.remsi %scan3A_800, %jit3A_822 : i32
      %ne3A_836 = arith.constant 0 : i32
      %ne3A_837 = arith.cmpi ne, %rem3A, %ne3A_836 : i32
      %and3A_838 = arith.andi %ne3A, %ne3A_837 : i1
      %sub3A_839 = arith.constant 1 : i32
      %sub3A_840 = arith.subi %div3A, %sub3A_839 : i32
      %select_n3A_841 = arith.select %and3A_838, %sub3A_840, %div3A : i32
      %jit3A_842 = arith.constant 8 : i32
      %eq3A_843 = arith.constant 0 : i32
      %eq3A_844 = arith.cmpi eq, %jit3A_842, %eq3A_843 : i32
      %jit3A_845 = arith.constant 1 : i32
      %select_n3A_846 = arith.select %eq3A_844, %jit3A_845, %jit3A_842 : i32
      %rem3A_847 = arith.remsi %scan3A_800, %select_n3A_846 : i32
      %ne3A_848 = arith.constant 0 : i32
      %ne3A_849 = arith.cmpi ne, %rem3A_847, %ne3A_848 : i32
      %lt3A = arith.constant 0 : i32
      %lt3A_850 = arith.cmpi slt, %rem3A_847, %lt3A : i32
      %lt3A_851 = arith.constant 0 : i32
      %lt3A_852 = arith.cmpi slt, %select_n3A_846, %lt3A_851 : i32
      %ne3A_853 = arith.xori %lt3A_850, %lt3A_852 : i1
      %and3A_854 = arith.andi %ne3A_853, %ne3A_849 : i1
      %add3A_855 = arith.addi %rem3A_847, %select_n3A_846 : i32
      %select_n3A_856 = arith.select %and3A_854, %add3A_855, %rem3A_847 : i32
      %mul3A_857 = arith.constant 16 : i32
      %mul3A_858 = arith.muli %select_n3A_856, %mul3A_857 : i32
      %swap3A = arith.index_cast %select_n3A_841 : i32 to index
      %swap3A_859 = arith.index_cast %mul3A_858 : i32 to index
      %swap3A_860 = tpu.vector_load %arg7[%swap3A, %swap3A_859] {strides = array<i32>} : memref<8x128xi32, #tpu.memory_space<vmem>>, vector<1x16xi32>,
      %swap3A_861 = vector.shape_cast %swap3A_860 : vector<1x16xi32> to vector<16xi32>
      %swap3A_862 = vector.shape_cast %add3A_821 : vector<16xi32> to vector<1x16xi32>
      tpu.vector_store %arg7[%swap3A, %swap3A_859], %swap3A_862 {strides = array<i32>} : memref<8x128xi32, #tpu.memory_space<vmem>>, vector<1x16xi32>,
      %scan3A_863 = arith.constant 0 : i32
      scf.yield %scan3A_863 : i32
    }
    %scan3A_534 = arith.constant 64 : i32
    %dma_start3A_535 = arith.constant 0 : i32
    %dma_start3A_536 = arith.constant 0 : i32
    %dma_start3A_537 = tpu.memref_slice %arg7[%dma_start3A_535, %dma_start3A_536] : memref<8x128xi32, #tpu.memory_space<vmem>> -> memref<1x128xi32, #tpu.memory_space<vmem>>
    %dma_start3A_538 = tpu.memref_squeeze %dma_start3A_537 : memref<1x128xi32, #tpu.memory_space<vmem>> -> memref<128xi32, #tpu.memory_space<vmem>>
    %dma_start3A_539 = arith.constant 0 : i32
    %dma_start3A_540 = tpu.memref_slice %arg14[%dma_start3A_539] : memref<4352xf32, #tpu.memory_space<vmem_shared>> -> memref<4352xf32, #tpu.memory_space<vmem_shared>>
    tpu.enqueue_indirect_dma source(%arg8 : memref<128xf32, #tpu.memory_space<vmem>>) target(%dma_start3A_540 : memref<4352xf32, #tpu.memory_space<vmem_shared>>) offsets(%dma_start3A_538 : memref<128xi32, #tpu.memory_space<vmem>>) semaphore(%arg17 : memref<!tpu.dma_semaphore, #tpu.memory_space<semaphore_mem>>) {add = true}
    %dma_start3A_541 = arith.constant 1 : i32
    %dma_start3A_542 = arith.constant 0 : i32
    %dma_start3A_543 = tpu.memref_slice %arg7[%dma_start3A_541, %dma_start3A_542] : memref<8x128xi32, #tpu.memory_space<vmem>> -> memref<1x128xi32, #tpu.memory_space<vmem>>
    %dma_start3A_544 = tpu.memref_squeeze %dma_start3A_543 : memref<1x128xi32, #tpu.memory_space<vmem>> -> memref<128xi32, #tpu.memory_space<vmem>>
    %dma_start3A_545 = arith.constant 0 : i32
    %dma_start3A_546 = tpu.memref_slice %arg14[%dma_start3A_545] : memref<4352xf32, #tpu.memory_space<vmem_shared>> -> memref<4352xf32, #tpu.memory_space<vmem_shared>>
    tpu.enqueue_indirect_dma source(%arg8 : memref<128xf32, #tpu.memory_space<vmem>>) target(%dma_start3A_546 : memref<4352xf32, #tpu.memory_space<vmem_shared>>) offsets(%dma_start3A_544 : memref<128xi32, #tpu.memory_space<vmem>>) semaphore(%arg17 : memref<!tpu.dma_semaphore, #tpu.memory_space<semaphore_mem>>) {add = true}
    %dma_start3A_547 = arith.constant 2 : i32
    %dma_start3A_548 = arith.constant 0 : i32
    %dma_start3A_549 = tpu.memref_slice %arg7[%dma_start3A_547, %dma_start3A_548] : memref<8x128xi32, #tpu.memory_space<vmem>> -> memref<1x128xi32, #tpu.memory_space<vmem>>
    %dma_start3A_550 = tpu.memref_squeeze %dma_start3A_549 : memref<1x128xi32, #tpu.memory_space<vmem>> -> memref<128xi32, #tpu.memory_space<vmem>>
    %dma_start3A_551 = arith.constant 0 : i32
    %dma_start3A_552 = tpu.memref_slice %arg14[%dma_start3A_551] : memref<4352xf32, #tpu.memory_space<vmem_shared>> -> memref<4352xf32, #tpu.memory_space<vmem_shared>>
    tpu.enqueue_indirect_dma source(%arg8 : memref<128xf32, #tpu.memory_space<vmem>>) target(%dma_start3A_552 : memref<4352xf32, #tpu.memory_space<vmem_shared>>) offsets(%dma_start3A_550 : memref<128xi32, #tpu.memory_space<vmem>>) semaphore(%arg17 : memref<!tpu.dma_semaphore, #tpu.memory_space<semaphore_mem>>) {add = true}
    %dma_start3A_553 = arith.constant 3 : i32
    %dma_start3A_554 = arith.constant 0 : i32
    %dma_start3A_555 = tpu.memref_slice %arg7[%dma_start3A_553, %dma_start3A_554] : memref<8x128xi32, #tpu.memory_space<vmem>> -> memref<1x128xi32, #tpu.memory_space<vmem>>
    %dma_start3A_556 = tpu.memref_squeeze %dma_start3A_555 : memref<1x128xi32, #tpu.memory_space<vmem>> -> memref<128xi32, #tpu.memory_space<vmem>>
    %dma_start3A_557 = arith.constant 0 : i32
    %dma_start3A_558 = tpu.memref_slice %arg14[%dma_start3A_557] : memref<4352xf32, #tpu.memory_space<vmem_shared>> -> memref<4352xf32, #tpu.memory_space<vmem_shared>>
    tpu.enqueue_indirect_dma source(%arg8 : memref<128xf32, #tpu.memory_space<vmem>>) target(%dma_start3A_558 : memref<4352xf32, #tpu.memory_space<vmem_shared>>) offsets(%dma_start3A_556 : memref<128xi32, #tpu.memory_space<vmem>>) semaphore(%arg17 : memref<!tpu.dma_semaphore, #tpu.memory_space<semaphore_mem>>) {add = true}
    %dma_start3A_559 = arith.constant 4 : i32
    %dma_start3A_560 = arith.constant 0 : i32
    %dma_start3A_561 = tpu.memref_slice %arg7[%dma_start3A_559, %dma_start3A_560] : memref<8x128xi32, #tpu.memory_space<vmem>> -> memref<1x128xi32, #tpu.memory_space<vmem>>
    %dma_start3A_562 = tpu.memref_squeeze %dma_start3A_561 : memref<1x128xi32, #tpu.memory_space<vmem>> -> memref<128xi32, #tpu.memory_space<vmem>>
    %dma_start3A_563 = arith.constant 0 : i32
    %dma_start3A_564 = tpu.memref_slice %arg14[%dma_start3A_563] : memref<4352xf32, #tpu.memory_space<vmem_shared>> -> memref<4352xf32, #tpu.memory_space<vmem_shared>>
    tpu.enqueue_indirect_dma source(%arg8 : memref<128xf32, #tpu.memory_space<vmem>>) target(%dma_start3A_564 : memref<4352xf32, #tpu.memory_space<vmem_shared>>) offsets(%dma_start3A_562 : memref<128xi32, #tpu.memory_space<vmem>>) semaphore(%arg17 : memref<!tpu.dma_semaphore, #tpu.memory_space<semaphore_mem>>) {add = true}
    %dma_start3A_565 = arith.constant 5 : i32
    %dma_start3A_566 = arith.constant 0 : i32
    %dma_start3A_567 = tpu.memref_slice %arg7[%dma_start3A_565, %dma_start3A_566] : memref<8x128xi32, #tpu.memory_space<vmem>> -> memref<1x128xi32, #tpu.memory_space<vmem>>
    %dma_start3A_568 = tpu.memref_squeeze %dma_start3A_567 : memref<1x128xi32, #tpu.memory_space<vmem>> -> memref<128xi32, #tpu.memory_space<vmem>>
    %dma_start3A_569 = arith.constant 0 : i32
    %dma_start3A_570 = tpu.memref_slice %arg14[%dma_start3A_569] : memref<4352xf32, #tpu.memory_space<vmem_shared>> -> memref<4352xf32, #tpu.memory_space<vmem_shared>>
    tpu.enqueue_indirect_dma source(%arg8 : memref<128xf32, #tpu.memory_space<vmem>>) target(%dma_start3A_570 : memref<4352xf32, #tpu.memory_space<vmem_shared>>) offsets(%dma_start3A_568 : memref<128xi32, #tpu.memory_space<vmem>>) semaphore(%arg17 : memref<!tpu.dma_semaphore, #tpu.memory_space<semaphore_mem>>) {add = true}
    %dma_start3A_571 = arith.constant 6 : i32
    %dma_start3A_572 = arith.constant 0 : i32
    %dma_start3A_573 = tpu.memref_slice %arg7[%dma_start3A_571, %dma_start3A_572] : memref<8x128xi32, #tpu.memory_space<vmem>> -> memref<1x128xi32, #tpu.memory_space<vmem>>
    %dma_start3A_574 = tpu.memref_squeeze %dma_start3A_573 : memref<1x128xi32, #tpu.memory_space<vmem>> -> memref<128xi32, #tpu.memory_space<vmem>>
    %dma_start3A_575 = arith.constant 0 : i32
    %dma_start3A_576 = tpu.memref_slice %arg14[%dma_start3A_575] : memref<4352xf32, #tpu.memory_space<vmem_shared>> -> memref<4352xf32, #tpu.memory_space<vmem_shared>>
    tpu.enqueue_indirect_dma source(%arg8 : memref<128xf32, #tpu.memory_space<vmem>>) target(%dma_start3A_576 : memref<4352xf32, #tpu.memory_space<vmem_shared>>) offsets(%dma_start3A_574 : memref<128xi32, #tpu.memory_space<vmem>>) semaphore(%arg17 : memref<!tpu.dma_semaphore, #tpu.memory_space<semaphore_mem>>) {add = true}
    %dma_start3A_577 = arith.constant 7 : i32
    %dma_start3A_578 = arith.constant 0 : i32
    %dma_start3A_579 = tpu.memref_slice %arg7[%dma_start3A_577, %dma_start3A_578] : memref<8x128xi32, #tpu.memory_space<vmem>> -> memref<1x128xi32, #tpu.memory_space<vmem>>
    %dma_start3A_580 = tpu.memref_squeeze %dma_start3A_579 : memref<1x128xi32, #tpu.memory_space<vmem>> -> memref<128xi32, #tpu.memory_space<vmem>>
    %dma_start3A_581 = arith.constant 0 : i32
    %dma_start3A_582 = tpu.memref_slice %arg14[%dma_start3A_581] : memref<4352xf32, #tpu.memory_space<vmem_shared>> -> memref<4352xf32, #tpu.memory_space<vmem_shared>>
    tpu.enqueue_indirect_dma source(%arg8 : memref<128xf32, #tpu.memory_space<vmem>>) target(%dma_start3A_582 : memref<4352xf32, #tpu.memory_space<vmem_shared>>) offsets(%dma_start3A_580 : memref<128xi32, #tpu.memory_space<vmem>>) semaphore(%arg17 : memref<!tpu.dma_semaphore, #tpu.memory_space<semaphore_mem>>) {add = true}
    %dma_wait3A_583 = arith.constant 0 : i32
    %dma_wait3A_584 = arith.constant 0 : i32
    %dma_wait3A_585 = tpu.memref_slice %arg7[%dma_wait3A_583, %dma_wait3A_584] : memref<8x128xi32, #tpu.memory_space<vmem>> -> memref<1x128xi32, #tpu.memory_space<vmem>>
    %dma_wait3A_586 = tpu.memref_squeeze %dma_wait3A_585 : memref<1x128xi32, #tpu.memory_space<vmem>> -> memref<128xi32, #tpu.memory_space<vmem>>
    %dma_wait3A_587 = arith.constant 0 : i32
    %dma_wait3A_588 = tpu.memref_slice %arg14[%dma_wait3A_587] : memref<4352xf32, #tpu.memory_space<vmem_shared>> -> memref<4352xf32, #tpu.memory_space<vmem_shared>>
    tpu.wait_indirect_dma semaphore(%arg17 : memref<!tpu.dma_semaphore, #tpu.memory_space<semaphore_mem>>) src(%arg8 : memref<128xf32, #tpu.memory_space<vmem>>) dst(%dma_wait3A_588 : memref<4352xf32, #tpu.memory_space<vmem_shared>>)
    %dma_wait3A_589 = arith.constant 1 : i32
    %dma_wait3A_590 = arith.constant 0 : i32
    %dma_wait3A_591 = tpu.memref_slice %arg7[%dma_wait3A_589, %dma_wait3A_590] : memref<8x128xi32, #tpu.memory_space<vmem>> -> memref<1x128xi32, #tpu.memory_space<vmem>>
    %dma_wait3A_592 = tpu.memref_squeeze %dma_wait3A_591 : memref<1x128xi32, #tpu.memory_space<vmem>> -> memref<128xi32, #tpu.memory_space<vmem>>
    %dma_wait3A_593 = arith.constant 0 : i32
    %dma_wait3A_594 = tpu.memref_slice %arg14[%dma_wait3A_593] : memref<4352xf32, #tpu.memory_space<vmem_shared>> -> memref<4352xf32, #tpu.memory_space<vmem_shared>>
    tpu.wait_indirect_dma semaphore(%arg17 : memref<!tpu.dma_semaphore, #tpu.memory_space<semaphore_mem>>) src(%arg8 : memref<128xf32, #tpu.memory_space<vmem>>) dst(%dma_wait3A_594 : memref<4352xf32, #tpu.memory_space<vmem_shared>>)
    %dma_wait3A_595 = arith.constant 2 : i32
    %dma_wait3A_596 = arith.constant 0 : i32
    %dma_wait3A_597 = tpu.memref_slice %arg7[%dma_wait3A_595, %dma_wait3A_596] : memref<8x128xi32, #tpu.memory_space<vmem>> -> memref<1x128xi32, #tpu.memory_space<vmem>>
    %dma_wait3A_598 = tpu.memref_squeeze %dma_wait3A_597 : memref<1x128xi32, #tpu.memory_space<vmem>> -> memref<128xi32, #tpu.memory_space<vmem>>
    %dma_wait3A_599 = arith.constant 0 : i32
    %dma_wait3A_600 = tpu.memref_slice %arg14[%dma_wait3A_599] : memref<4352xf32, #tpu.memory_space<vmem_shared>> -> memref<4352xf32, #tpu.memory_space<vmem_shared>>
    tpu.wait_indirect_dma semaphore(%arg17 : memref<!tpu.dma_semaphore, #tpu.memory_space<semaphore_mem>>) src(%arg8 : memref<128xf32, #tpu.memory_space<vmem>>) dst(%dma_wait3A_600 : memref<4352xf32, #tpu.memory_space<vmem_shared>>)
    %dma_wait3A_601 = arith.constant 3 : i32
    %dma_wait3A_602 = arith.constant 0 : i32
    %dma_wait3A_603 = tpu.memref_slice %arg7[%dma_wait3A_601, %dma_wait3A_602] : memref<8x128xi32, #tpu.memory_space<vmem>> -> memref<1x128xi32, #tpu.memory_space<vmem>>
    %dma_wait3A_604 = tpu.memref_squeeze %dma_wait3A_603 : memref<1x128xi32, #tpu.memory_space<vmem>> -> memref<128xi32, #tpu.memory_space<vmem>>
    %dma_wait3A_605 = arith.constant 0 : i32
    %dma_wait3A_606 = tpu.memref_slice %arg14[%dma_wait3A_605] : memref<4352xf32, #tpu.memory_space<vmem_shared>> -> memref<4352xf32, #tpu.memory_space<vmem_shared>>
    tpu.wait_indirect_dma semaphore(%arg17 : memref<!tpu.dma_semaphore, #tpu.memory_space<semaphore_mem>>) src(%arg8 : memref<128xf32, #tpu.memory_space<vmem>>) dst(%dma_wait3A_606 : memref<4352xf32, #tpu.memory_space<vmem_shared>>)
    %dma_wait3A_607 = arith.constant 4 : i32
    %dma_wait3A_608 = arith.constant 0 : i32
    %dma_wait3A_609 = tpu.memref_slice %arg7[%dma_wait3A_607, %dma_wait3A_608] : memref<8x128xi32, #tpu.memory_space<vmem>> -> memref<1x128xi32, #tpu.memory_space<vmem>>
    %dma_wait3A_610 = tpu.memref_squeeze %dma_wait3A_609 : memref<1x128xi32, #tpu.memory_space<vmem>> -> memref<128xi32, #tpu.memory_space<vmem>>
    %dma_wait3A_611 = arith.constant 0 : i32
    %dma_wait3A_612 = tpu.memref_slice %arg14[%dma_wait3A_611] : memref<4352xf32, #tpu.memory_space<vmem_shared>> -> memref<4352xf32, #tpu.memory_space<vmem_shared>>
    tpu.wait_indirect_dma semaphore(%arg17 : memref<!tpu.dma_semaphore, #tpu.memory_space<semaphore_mem>>) src(%arg8 : memref<128xf32, #tpu.memory_space<vmem>>) dst(%dma_wait3A_612 : memref<4352xf32, #tpu.memory_space<vmem_shared>>)
    %dma_wait3A_613 = arith.constant 5 : i32
    %dma_wait3A_614 = arith.constant 0 : i32
    %dma_wait3A_615 = tpu.memref_slice %arg7[%dma_wait3A_613, %dma_wait3A_614] : memref<8x128xi32, #tpu.memory_space<vmem>> -> memref<1x128xi32, #tpu.memory_space<vmem>>
    %dma_wait3A_616 = tpu.memref_squeeze %dma_wait3A_615 : memref<1x128xi32, #tpu.memory_space<vmem>> -> memref<128xi32, #tpu.memory_space<vmem>>
    %dma_wait3A_617 = arith.constant 0 : i32
    %dma_wait3A_618 = tpu.memref_slice %arg14[%dma_wait3A_617] : memref<4352xf32, #tpu.memory_space<vmem_shared>> -> memref<4352xf32, #tpu.memory_space<vmem_shared>>
    tpu.wait_indirect_dma semaphore(%arg17 : memref<!tpu.dma_semaphore, #tpu.memory_space<semaphore_mem>>) src(%arg8 : memref<128xf32, #tpu.memory_space<vmem>>) dst(%dma_wait3A_618 : memref<4352xf32, #tpu.memory_space<vmem_shared>>)
    %dma_wait3A_619 = arith.constant 6 : i32
    %dma_wait3A_620 = arith.constant 0 : i32
    %dma_wait3A_621 = tpu.memref_slice %arg7[%dma_wait3A_619, %dma_wait3A_620] : memref<8x128xi32, #tpu.memory_space<vmem>> -> memref<1x128xi32, #tpu.memory_space<vmem>>
    %dma_wait3A_622 = tpu.memref_squeeze %dma_wait3A_621 : memref<1x128xi32, #tpu.memory_space<vmem>> -> memref<128xi32, #tpu.memory_space<vmem>>
    %dma_wait3A_623 = arith.constant 0 : i32
    %dma_wait3A_624 = tpu.memref_slice %arg14[%dma_wait3A_623] : memref<4352xf32, #tpu.memory_space<vmem_shared>> -> memref<4352xf32, #tpu.memory_space<vmem_shared>>
    tpu.wait_indirect_dma semaphore(%arg17 : memref<!tpu.dma_semaphore, #tpu.memory_space<semaphore_mem>>) src(%arg8 : memref<128xf32, #tpu.memory_space<vmem>>) dst(%dma_wait3A_624 : memref<4352xf32, #tpu.memory_space<vmem_shared>>)
    %dma_wait3A_625 = arith.constant 7 : i32
    %dma_wait3A_626 = arith.constant 0 : i32
    %dma_wait3A_627 = tpu.memref_slice %arg7[%dma_wait3A_625, %dma_wait3A_626] : memref<8x128xi32, #tpu.memory_space<vmem>> -> memref<1x128xi32, #tpu.memory_space<vmem>>
    %dma_wait3A_628 = tpu.memref_squeeze %dma_wait3A_627 : memref<1x128xi32, #tpu.memory_space<vmem>> -> memref<128xi32, #tpu.memory_space<vmem>>
    %dma_wait3A_629 = arith.constant 0 : i32
    %dma_wait3A_630 = tpu.memref_slice %arg14[%dma_wait3A_629] : memref<4352xf32, #tpu.memory_space<vmem_shared>> -> memref<4352xf32, #tpu.memory_space<vmem_shared>>
    tpu.wait_indirect_dma semaphore(%arg17 : memref<!tpu.dma_semaphore, #tpu.memory_space<semaphore_mem>>) src(%arg8 : memref<128xf32, #tpu.memory_space<vmem>>) dst(%dma_wait3A_630 : memref<4352xf32, #tpu.memory_space<vmem_shared>>)
    %barrier3A_631 = arith.constant 0 : index
    tpu.barrier barrier_id(%barrier3A_631)
    "tpu.region"() ({
      %run_scoped3A = tpu.sem_alloc : memref<!tpu.dma_semaphore, #tpu.memory_space<semaphore_mem>>
      tpu.enqueue_dma source(%arg14 : memref<4352xf32, #tpu.memory_space<vmem_shared>>) target(%arg10 : memref<4352xf32, #tpu.memory_space<vmem>>) target_semaphore(%run_scoped3A : memref<!tpu.dma_semaphore, #tpu.memory_space<semaphore_mem>>)
      tpu.wait_dma2 semaphore(%run_scoped3A : memref<!tpu.dma_semaphore, #tpu.memory_space<semaphore_mem>>) src(%arg14 : memref<4352xf32, #tpu.memory_space<vmem_shared>>) dst(%arg10 : memref<4352xf32, #tpu.memory_space<vmem>>)
      tpu.yield
    }) : () -> ()
    %scan3A_632 = arith.constant 0 : i32
    %scan3A_633 = arith.constant 0 : i32
    %scan3A_634 = arith.constant 17 : i32
    %scan3A_635 = arith.addi %scan3A_633, %scan3A_634 : i32
    %scan3A_636 = arith.constant 1 : i32
    %scan3A_637 = scf.for %scan3A_800 = %scan3A_633 to %scan3A_635 step %scan3A_636 iter_args(%scan3A_801 = %scan3A_632) -> (i32)  : i32 {
      %broadcast_in_dim3A_802 = arith.constant 0.000000e+00 : f32
      %broadcast_in_dim3A_803 = vector.broadcast %broadcast_in_dim3A_802 : f32 to vector<16xf32>
      %mul3A_804 = arith.constant 16 : i32
      %mul3A_805 = arith.muli %scan3A_800, %mul3A_804 : i32
      %swap3A = arith.index_cast %mul3A_805 : i32 to index
      %swap3A_806 = tpu.vector_load %arg5[%swap3A] {strides = array<i32>} : memref<272xf32, #tpu.memory_space<vmem>>, vector<16xf32>,
      %swap3A_807 = vector.shape_cast %swap3A_806 : vector<16xf32> to vector<16xf32>
      %swap3A_808 = vector.shape_cast %broadcast_in_dim3A_803 : vector<16xf32> to vector<16xf32>
      tpu.vector_store %arg5[%swap3A], %swap3A_808 {strides = array<i32>} : memref<272xf32, #tpu.memory_space<vmem>>, vector<16xf32>,
      %scan3A_809 = arith.constant 0 : i32
      scf.yield %scan3A_809 : i32
    }
    %scan3A_638 = arith.constant 17 : i32
    %scan3A_639 = arith.constant 0 : i32
    %scan3A_640 = arith.constant 0 : i32
    %scan3A_641 = arith.constant 16 : i32
    %scan3A_642 = arith.addi %scan3A_640, %scan3A_641 : i32
    %scan3A_643 = arith.constant 1 : i32
    %scan3A_644 = scf.for %scan3A_800 = %scan3A_640 to %scan3A_642 step %scan3A_643 iter_args(%scan3A_801 = %scan3A_639) -> (i32)  : i32 {
      %scan3A_802 = arith.constant 0 : i32
      %scan3A_803 = arith.constant 0 : i32
      %scan3A_804 = arith.constant 17 : i32
      %scan3A_805 = arith.addi %scan3A_803, %scan3A_804 : i32
      %scan3A_806 = arith.constant 1 : i32
      %scan3A_807 = scf.for %scan3A_810 = %scan3A_803 to %scan3A_805 step %scan3A_806 iter_args(%scan3A_811 = %scan3A_802) -> (i32)  : i32 {
        %mul3A_812 = arith.constant 16 : i32
        %mul3A_813 = arith.muli %scan3A_810, %mul3A_812 : i32
        %get3A_814 = arith.index_cast %mul3A_813 : i32 to index
        %get3A_815 = tpu.vector_load %arg5[%get3A_814] {strides = array<i32>} : memref<272xf32, #tpu.memory_space<vmem>>, vector<16xf32>,
        %get3A_816 = vector.shape_cast %get3A_815 : vector<16xf32> to vector<16xf32>
        %mul3A_817 = arith.constant 272 : i32
        %mul3A_818 = arith.muli %scan3A_800, %mul3A_817 : i32
        %mul3A_819 = arith.constant 16 : i32
        %mul3A_820 = arith.muli %scan3A_810, %mul3A_819 : i32
        %add3A_821 = arith.addi %mul3A_818, %mul3A_820 : i32
        %get3A_822 = arith.index_cast %add3A_821 : i32 to index
        %get3A_823 = tpu.vector_load %arg10[%get3A_822] {strides = array<i32>} : memref<4352xf32, #tpu.memory_space<vmem>>, vector<16xf32>,
        %get3A_824 = vector.shape_cast %get3A_823 : vector<16xf32> to vector<16xf32>
        %add3A_825 = arith.addf %get3A_816, %get3A_824 : vector<16xf32>
        %swap3A = arith.index_cast %mul3A_813 : i32 to index
        %swap3A_826 = tpu.vector_load %arg5[%swap3A] {strides = array<i32>} : memref<272xf32, #tpu.memory_space<vmem>>, vector<16xf32>,
        %swap3A_827 = vector.shape_cast %swap3A_826 : vector<16xf32> to vector<16xf32>
        %swap3A_828 = vector.shape_cast %add3A_825 : vector<16xf32> to vector<16xf32>
        tpu.vector_store %arg5[%swap3A], %swap3A_828 {strides = array<i32>} : memref<272xf32, #tpu.memory_space<vmem>>, vector<16xf32>,
        %scan3A_829 = arith.constant 0 : i32
        scf.yield %scan3A_829 : i32
      }
      %scan3A_808 = arith.constant 17 : i32
      %scan3A_809 = arith.constant 0 : i32
      scf.yield %scan3A_809 : i32
    }
    %scan3A_645 = arith.constant 16 : i32
    %convert_element_type3A_646 = arith.sitofp %sub3A_524 : i32 to f32
    %scan3A_647 = arith.constant 0 : i32
    %scan3A_648 = arith.constant 0 : i32
    %scan3A_649 = arith.constant 8 : i32
    %scan3A_650 = arith.addi %scan3A_648, %scan3A_649 : i32
    %scan3A_651 = arith.constant 1 : i32
    %scan3A_652 = scf.for %scan3A_800 = %scan3A_648 to %scan3A_650 step %scan3A_651 iter_args(%scan3A_801 = %scan3A_647) -> (i32)  : i32 {
      %sub3A_802 = arith.constant 7 : i32
      %sub3A_803 = arith.subi %sub3A_802, %scan3A_800 : i32
      %shift_left3A_804 = arith.constant 1 : i32
      %shift_left3A_805 = arith.shli %shift_left3A_804, %sub3A_803 : i32
      %or3A_806 = arith.ori %scan3A_801, %shift_left3A_805 : i32
      %broadcast_in_dim3A_807 = arith.constant 0.000000e+00 : f32
      %broadcast_in_dim3A_808 = vector.broadcast %broadcast_in_dim3A_807 : f32 to vector<16xf32>
      %scan3A_809 = arith.constant 0 : i32
      %scan3A_810 = arith.constant 16 : i32
      %scan3A_811 = arith.addi %scan3A_809, %scan3A_810 : i32
      %scan3A_812 = arith.constant 1 : i32
      %scan3A_813 = scf.for %scan3A_845 = %scan3A_809 to %scan3A_811 step %scan3A_812 iter_args(%scan3A_846 = %broadcast_in_dim3A_808) -> (vector<16xf32>)  : i32 {
        %mul3A_847 = arith.constant 16 : i32
        %mul3A_848 = arith.muli %scan3A_845, %mul3A_847 : i32
        %add3A_849 = vector.broadcast %mul3A_848 : i32 to vector<16xi32>
        %add3A_850 = arith.addi %add3A_849, %iota3A : vector<16xi32>
        %mul3A_851 = arith.constant 16 : i32
        %mul3A_852 = arith.muli %scan3A_845, %mul3A_851 : i32
        %get3A_853 = arith.index_cast %mul3A_852 : i32 to index
        %get3A_854 = tpu.vector_load %arg5[%get3A_853] {strides = array<i32>} : memref<272xf32, #tpu.memory_space<vmem>>, vector<16xf32>,
        %get3A_855 = vector.shape_cast %get3A_854 : vector<16xf32> to vector<16xf32>
        %ge3A_856 = vector.broadcast %or3A_806 : i32 to vector<16xi32>
        %ge3A_857 = arith.cmpi sge, %add3A_850, %ge3A_856 : vector<16xi32>
        %jit3A = arith.constant 0.000000e+00 : f32
        %broadcast_in_dim3A_858 = vector.broadcast %jit3A : f32 to vector<16xf32>
        %select_n3A_859 = arith.select %ge3A_857, %get3A_855, %broadcast_in_dim3A_858 : vector<16xi1>, vector<16xf32>
        %add3A_860 = arith.addf %scan3A_846, %select_n3A_859 : vector<16xf32>
        scf.yield %add3A_860 : vector<16xf32>
      }
      %scan3A_814 = arith.constant 16 : i32
      %xor3A_815 = arith.constant 8 : i32
      %xor3A_816 = vector.broadcast %xor3A_815 : i32 to vector<16xi32>
      %xor3A_817 = arith.xori %iota3A, %xor3A_816 : vector<16xi32>
      %reshape3A_818 = vector.shape_cast %xor3A_817 : vector<16xi32> to vector<16x1xi32>
      %gather3A_819 = vector.shape_cast %reshape3A_818 : vector<16x1xi32> to vector<16xi32>
      %gather3A_820 = tpu.dynamic_gather %scan3A_813[%gather3A_819] in [0] : vector<16xf32>, vector<16xi32> -> vector<16xf32>
      %add3A_821 = arith.addf %scan3A_813, %gather3A_820 : vector<16xf32>
      %xor3A_822 = arith.constant 4 : i32
      %xor3A_823 = vector.broadcast %xor3A_822 : i32 to vector<16xi32>
      %xor3A_824 = arith.xori %iota3A, %xor3A_823 : vector<16xi32>
      %reshape3A_825 = vector.shape_cast %xor3A_824 : vector<16xi32> to vector<16x1xi32>
      %gather3A_826 = vector.shape_cast %reshape3A_825 : vector<16x1xi32> to vector<16xi32>
      %gather3A_827 = tpu.dynamic_gather %add3A_821[%gather3A_826] in [0] : vector<16xf32>, vector<16xi32> -> vector<16xf32>
      %add3A_828 = arith.addf %add3A_821, %gather3A_827 : vector<16xf32>
      %xor3A_829 = arith.constant 2 : i32
      %xor3A_830 = vector.broadcast %xor3A_829 : i32 to vector<16xi32>
      %xor3A_831 = arith.xori %iota3A, %xor3A_830 : vector<16xi32>
      %reshape3A_832 = vector.shape_cast %xor3A_831 : vector<16xi32> to vector<16x1xi32>
      %gather3A_833 = vector.shape_cast %reshape3A_832 : vector<16x1xi32> to vector<16xi32>
      %gather3A_834 = tpu.dynamic_gather %add3A_828[%gather3A_833] in [0] : vector<16xf32>, vector<16xi32> -> vector<16xf32>
      %add3A_835 = arith.addf %add3A_828, %gather3A_834 : vector<16xf32>
      %xor3A_836 = arith.constant 1 : i32
      %xor3A_837 = vector.broadcast %xor3A_836 : i32 to vector<16xi32>
      %xor3A_838 = arith.xori %iota3A, %xor3A_837 : vector<16xi32>
      %reshape3A_839 = vector.shape_cast %xor3A_838 : vector<16xi32> to vector<16x1xi32>
      %gather3A_840 = vector.shape_cast %reshape3A_839 : vector<16x1xi32> to vector<16xi32>
      %gather3A_841 = tpu.dynamic_gather %add3A_835[%gather3A_840] in [0] : vector<16xf32>, vector<16xi32> -> vector<16xf32>
      %add3A_842 = arith.addf %add3A_835, %gather3A_841 : vector<16xf32>
      %slice3A_843 = vector.extract_strided_slice %add3A_842 {offsets = [0], sizes = [1], strides = [1]} : vector<16xf32> to vector<1xf32>
      %squeeze3A_844 = vector.extract %slice3A_843[0] : f32 from vector<1xf32>
      %ge3A = arith.cmpf oge, %squeeze3A_844, %convert_element_type3A_646 : f32
      %select_n3A = arith.select %ge3A, %or3A_806, %scan3A_801 : i32
      scf.yield %select_n3A : i32
    }
    %scan3A_653 = arith.constant 8 : i32
    %add3A_654 = arith.constant 1 : i32
    %add3A_655 = arith.addi %scan3A_652, %add3A_654 : i32
    %broadcast_in_dim3A_656 = arith.constant 0.000000e+00 : f32
    %broadcast_in_dim3A_657 = vector.broadcast %broadcast_in_dim3A_656 : f32 to vector<16xf32>
    %scan3A_658 = arith.constant 0 : i32
    %scan3A_659 = arith.constant 16 : i32
    %scan3A_660 = arith.addi %scan3A_658, %scan3A_659 : i32
    %scan3A_661 = arith.constant 1 : i32
    %scan3A_662 = scf.for %scan3A_800 = %scan3A_658 to %scan3A_660 step %scan3A_661 iter_args(%scan3A_801 = %broadcast_in_dim3A_657) -> (vector<16xf32>)  : i32 {
      %mul3A_802 = arith.constant 16 : i32
      %mul3A_803 = arith.muli %scan3A_800, %mul3A_802 : i32
      %add3A_804 = vector.broadcast %mul3A_803 : i32 to vector<16xi32>
      %add3A_805 = arith.addi %add3A_804, %iota3A : vector<16xi32>
      %mul3A_806 = arith.constant 16 : i32
      %mul3A_807 = arith.muli %scan3A_800, %mul3A_806 : i32
      %get3A_808 = arith.index_cast %mul3A_807 : i32 to index
      %get3A_809 = tpu.vector_load %arg5[%get3A_808] {strides = array<i32>} : memref<272xf32, #tpu.memory_space<vmem>>, vector<16xf32>,
      %get3A_810 = vector.shape_cast %get3A_809 : vector<16xf32> to vector<16xf32>
      %ge3A = vector.broadcast %add3A_655 : i32 to vector<16xi32>
      %ge3A_811 = arith.cmpi sge, %add3A_805, %ge3A : vector<16xi32>
      %jit3A = arith.constant 0.000000e+00 : f32
      %broadcast_in_dim3A_812 = vector.broadcast %jit3A : f32 to vector<16xf32>
      %select_n3A = arith.select %ge3A_811, %get3A_810, %broadcast_in_dim3A_812 : vector<16xi1>, vector<16xf32>
      %add3A_813 = arith.addf %scan3A_801, %select_n3A : vector<16xf32>
      scf.yield %add3A_813 : vector<16xf32>
    }
    %scan3A_663 = arith.constant 16 : i32
    %xor3A_664 = arith.constant 8 : i32
    %xor3A_665 = vector.broadcast %xor3A_664 : i32 to vector<16xi32>
    %xor3A_666 = arith.xori %iota3A, %xor3A_665 : vector<16xi32>
    %reshape3A_667 = vector.shape_cast %xor3A_666 : vector<16xi32> to vector<16x1xi32>
    %gather3A_668 = vector.shape_cast %reshape3A_667 : vector<16x1xi32> to vector<16xi32>
    %gather3A_669 = tpu.dynamic_gather %scan3A_662[%gather3A_668] in [0] : vector<16xf32>, vector<16xi32> -> vector<16xf32>
    %add3A_670 = arith.addf %scan3A_662, %gather3A_669 : vector<16xf32>
    %xor3A_671 = arith.constant 4 : i32
    %xor3A_672 = vector.broadcast %xor3A_671 : i32 to vector<16xi32>
    %xor3A_673 = arith.xori %iota3A, %xor3A_672 : vector<16xi32>
    %reshape3A_674 = vector.shape_cast %xor3A_673 : vector<16xi32> to vector<16x1xi32>
    %gather3A_675 = vector.shape_cast %reshape3A_674 : vector<16x1xi32> to vector<16xi32>
    %gather3A_676 = tpu.dynamic_gather %add3A_670[%gather3A_675] in [0] : vector<16xf32>, vector<16xi32> -> vector<16xf32>
    %add3A_677 = arith.addf %add3A_670, %gather3A_676 : vector<16xf32>
    %xor3A_678 = arith.constant 2 : i32
    %xor3A_679 = vector.broadcast %xor3A_678 : i32 to vector<16xi32>
    %xor3A_680 = arith.xori %iota3A, %xor3A_679 : vector<16xi32>
    %reshape3A_681 = vector.shape_cast %xor3A_680 : vector<16xi32> to vector<16x1xi32>
    %gather3A_682 = vector.shape_cast %reshape3A_681 : vector<16x1xi32> to vector<16xi32>
    %gather3A_683 = tpu.dynamic_gather %add3A_677[%gather3A_682] in [0] : vector<16xf32>, vector<16xi32> -> vector<16xf32>
    %add3A_684 = arith.addf %add3A_677, %gather3A_683 : vector<16xf32>
    %xor3A_685 = arith.constant 1 : i32
    %xor3A_686 = vector.broadcast %xor3A_685 : i32 to vector<16xi32>
    %xor3A_687 = arith.xori %iota3A, %xor3A_686 : vector<16xi32>
    %reshape3A_688 = vector.shape_cast %xor3A_687 : vector<16xi32> to vector<16x1xi32>
    %gather3A_689 = vector.shape_cast %reshape3A_688 : vector<16x1xi32> to vector<16xi32>
    %gather3A_690 = tpu.dynamic_gather %add3A_684[%gather3A_689] in [0] : vector<16xf32>, vector<16xi32> -> vector<16xf32>
    %add3A_691 = arith.addf %add3A_684, %gather3A_690 : vector<16xf32>
    %slice3A_692 = vector.extract_strided_slice %add3A_691 {offsets = [0], sizes = [1], strides = [1]} : vector<16xf32> to vector<1xf32>
    %squeeze3A_693 = vector.extract %slice3A_692[0] : f32 from vector<1xf32>
    %convert_element_type3A_694 = arith.fptosi %squeeze3A_693 : f32 to i32
    %sub3A_695 = arith.subi %sub3A_524, %convert_element_type3A_694 : i32
    %shift_left3A_696 = arith.constant 0 : i32
    %shift_left3A_697 = arith.shli %scan3A_652, %shift_left3A_696 : i32
    %or3A_698 = arith.ori %or3A_527, %shift_left3A_697 : i32
    %broadcast_in_dim3A_699 = arith.constant 0.000000e+00 : f32
    %broadcast_in_dim3A_700 = vector.broadcast %broadcast_in_dim3A_699 : f32 to vector<16xf32>
    %scan3A_701 = arith.constant 0 : i32
    %scan3A_702 = arith.constant 16 : i32
    %scan3A_703 = arith.addi %scan3A_701, %scan3A_702 : i32
    %scan3A_704 = arith.constant 1 : i32
    %scan3A_705 = scf.for %scan3A_800 = %scan3A_701 to %scan3A_703 step %scan3A_704 iter_args(%scan3A_801 = %broadcast_in_dim3A_700) -> (vector<16xf32>)  : i32 {
      %mul3A_802 = arith.constant 16 : i32
      %mul3A_803 = arith.muli %scan3A_800, %mul3A_802 : i32
      %add3A_804 = vector.broadcast %mul3A_803 : i32 to vector<16xi32>
      %add3A_805 = arith.addi %add3A_804, %iota3A : vector<16xi32>
      %mul3A_806 = arith.constant 16 : i32
      %mul3A_807 = arith.muli %scan3A_800, %mul3A_806 : i32
      %get3A_808 = arith.index_cast %mul3A_807 : i32 to index
      %get3A_809 = tpu.vector_load %arg5[%get3A_808] {strides = array<i32>} : memref<272xf32, #tpu.memory_space<vmem>>, vector<16xf32>,
      %get3A_810 = vector.shape_cast %get3A_809 : vector<16xf32> to vector<16xf32>
      %ge3A = vector.broadcast %scan3A_652 : i32 to vector<16xi32>
      %ge3A_811 = arith.cmpi sge, %add3A_805, %ge3A : vector<16xi32>
      %jit3A = arith.constant 0.000000e+00 : f32
      %broadcast_in_dim3A_812 = vector.broadcast %jit3A : f32 to vector<16xf32>
      %select_n3A = arith.select %ge3A_811, %get3A_810, %broadcast_in_dim3A_812 : vector<16xi1>, vector<16xf32>
      %add3A_813 = arith.addf %scan3A_801, %select_n3A : vector<16xf32>
      scf.yield %add3A_813 : vector<16xf32>
    }
    %scan3A_706 = arith.constant 16 : i32
    %xor3A_707 = arith.constant 8 : i32
    %xor3A_708 = vector.broadcast %xor3A_707 : i32 to vector<16xi32>
    %xor3A_709 = arith.xori %iota3A, %xor3A_708 : vector<16xi32>
    %reshape3A_710 = vector.shape_cast %xor3A_709 : vector<16xi32> to vector<16x1xi32>
    %gather3A_711 = vector.shape_cast %reshape3A_710 : vector<16x1xi32> to vector<16xi32>
    %gather3A_712 = tpu.dynamic_gather %scan3A_705[%gather3A_711] in [0] : vector<16xf32>, vector<16xi32> -> vector<16xf32>
    %add3A_713 = arith.addf %scan3A_705, %gather3A_712 : vector<16xf32>
    %xor3A_714 = arith.constant 4 : i32
    %xor3A_715 = vector.broadcast %xor3A_714 : i32 to vector<16xi32>
    %xor3A_716 = arith.xori %iota3A, %xor3A_715 : vector<16xi32>
    %reshape3A_717 = vector.shape_cast %xor3A_716 : vector<16xi32> to vector<16x1xi32>
    %gather3A_718 = vector.shape_cast %reshape3A_717 : vector<16x1xi32> to vector<16xi32>
    %gather3A_719 = tpu.dynamic_gather %add3A_713[%gather3A_718] in [0] : vector<16xf32>, vector<16xi32> -> vector<16xf32>
    %add3A_720 = arith.addf %add3A_713, %gather3A_719 : vector<16xf32>
    %xor3A_721 = arith.constant 2 : i32
    %xor3A_722 = vector.broadcast %xor3A_721 : i32 to vector<16xi32>
    %xor3A_723 = arith.xori %iota3A, %xor3A_722 : vector<16xi32>
    %reshape3A_724 = vector.shape_cast %xor3A_723 : vector<16xi32> to vector<16x1xi32>
    %gather3A_725 = vector.shape_cast %reshape3A_724 : vector<16x1xi32> to vector<16xi32>
    %gather3A_726 = tpu.dynamic_gather %add3A_720[%gather3A_725] in [0] : vector<16xf32>, vector<16xi32> -> vector<16xf32>
    %add3A_727 = arith.addf %add3A_720, %gather3A_726 : vector<16xf32>
    %xor3A_728 = arith.constant 1 : i32
    %xor3A_729 = vector.broadcast %xor3A_728 : i32 to vector<16xi32>
    %xor3A_730 = arith.xori %iota3A, %xor3A_729 : vector<16xi32>
    %reshape3A_731 = vector.shape_cast %xor3A_730 : vector<16xi32> to vector<16x1xi32>
    %gather3A_732 = vector.shape_cast %reshape3A_731 : vector<16x1xi32> to vector<16xi32>
    %gather3A_733 = tpu.dynamic_gather %add3A_727[%gather3A_732] in [0] : vector<16xf32>, vector<16xi32> -> vector<16xf32>
    %add3A_734 = arith.addf %add3A_727, %gather3A_733 : vector<16xf32>
    %slice3A_735 = vector.extract_strided_slice %add3A_734 {offsets = [0], sizes = [1], strides = [1]} : vector<16xf32> to vector<1xf32>
    %squeeze3A_736 = vector.extract %slice3A_735[0] : f32 from vector<1xf32>
    %add3A_737 = arith.constant 1 : i32
    %add3A_738 = arith.addi %scan3A_652, %add3A_737 : i32
    %broadcast_in_dim3A_739 = arith.constant 0.000000e+00 : f32
    %broadcast_in_dim3A_740 = vector.broadcast %broadcast_in_dim3A_739 : f32 to vector<16xf32>
    %scan3A_741 = arith.constant 0 : i32
    %scan3A_742 = arith.constant 16 : i32
    %scan3A_743 = arith.addi %scan3A_741, %scan3A_742 : i32
    %scan3A_744 = arith.constant 1 : i32
    %scan3A_745 = scf.for %scan3A_800 = %scan3A_741 to %scan3A_743 step %scan3A_744 iter_args(%scan3A_801 = %broadcast_in_dim3A_740) -> (vector<16xf32>)  : i32 {
      %mul3A_802 = arith.constant 16 : i32
      %mul3A_803 = arith.muli %scan3A_800, %mul3A_802 : i32
      %add3A_804 = vector.broadcast %mul3A_803 : i32 to vector<16xi32>
      %add3A_805 = arith.addi %add3A_804, %iota3A : vector<16xi32>
      %mul3A_806 = arith.constant 16 : i32
      %mul3A_807 = arith.muli %scan3A_800, %mul3A_806 : i32
      %get3A_808 = arith.index_cast %mul3A_807 : i32 to index
      %get3A_809 = tpu.vector_load %arg5[%get3A_808] {strides = array<i32>} : memref<272xf32, #tpu.memory_space<vmem>>, vector<16xf32>,
      %get3A_810 = vector.shape_cast %get3A_809 : vector<16xf32> to vector<16xf32>
      %ge3A = vector.broadcast %add3A_738 : i32 to vector<16xi32>
      %ge3A_811 = arith.cmpi sge, %add3A_805, %ge3A : vector<16xi32>
      %jit3A = arith.constant 0.000000e+00 : f32
      %broadcast_in_dim3A_812 = vector.broadcast %jit3A : f32 to vector<16xf32>
      %select_n3A = arith.select %ge3A_811, %get3A_810, %broadcast_in_dim3A_812 : vector<16xi1>, vector<16xf32>
      %add3A_813 = arith.addf %scan3A_801, %select_n3A : vector<16xf32>
      scf.yield %add3A_813 : vector<16xf32>
    }
    %scan3A_746 = arith.constant 16 : i32
    %xor3A_747 = arith.constant 8 : i32
    %xor3A_748 = vector.broadcast %xor3A_747 : i32 to vector<16xi32>
    %xor3A_749 = arith.xori %iota3A, %xor3A_748 : vector<16xi32>
    %reshape3A_750 = vector.shape_cast %xor3A_749 : vector<16xi32> to vector<16x1xi32>
    %gather3A_751 = vector.shape_cast %reshape3A_750 : vector<16x1xi32> to vector<16xi32>
    %gather3A_752 = tpu.dynamic_gather %scan3A_745[%gather3A_751] in [0] : vector<16xf32>, vector<16xi32> -> vector<16xf32>
    %add3A_753 = arith.addf %scan3A_745, %gather3A_752 : vector<16xf32>
    %xor3A_754 = arith.constant 4 : i32
    %xor3A_755 = vector.broadcast %xor3A_754 : i32 to vector<16xi32>
    %xor3A_756 = arith.xori %iota3A, %xor3A_755 : vector<16xi32>
    %reshape3A_757 = vector.shape_cast %xor3A_756 : vector<16xi32> to vector<16x1xi32>
    %gather3A_758 = vector.shape_cast %reshape3A_757 : vector<16x1xi32> to vector<16xi32>
    %gather3A_759 = tpu.dynamic_gather %add3A_753[%gather3A_758] in [0] : vector<16xf32>, vector<16xi32> -> vector<16xf32>
    %add3A_760 = arith.addf %add3A_753, %gather3A_759 : vector<16xf32>
    %xor3A_761 = arith.constant 2 : i32
    %xor3A_762 = vector.broadcast %xor3A_761 : i32 to vector<16xi32>
    %xor3A_763 = arith.xori %iota3A, %xor3A_762 : vector<16xi32>
    %reshape3A_764 = vector.shape_cast %xor3A_763 : vector<16xi32> to vector<16x1xi32>
    %gather3A_765 = vector.shape_cast %reshape3A_764 : vector<16x1xi32> to vector<16xi32>
    %gather3A_766 = tpu.dynamic_gather %add3A_760[%gather3A_765] in [0] : vector<16xf32>, vector<16xi32> -> vector<16xf32>
    %add3A_767 = arith.addf %add3A_760, %gather3A_766 : vector<16xf32>
    %xor3A_768 = arith.constant 1 : i32
    %xor3A_769 = vector.broadcast %xor3A_768 : i32 to vector<16xi32>
    %xor3A_770 = arith.xori %iota3A, %xor3A_769 : vector<16xi32>
    %reshape3A_771 = vector.shape_cast %xor3A_770 : vector<16xi32> to vector<16x1xi32>
    %gather3A_772 = vector.shape_cast %reshape3A_771 : vector<16x1xi32> to vector<16xi32>
    %gather3A_773 = tpu.dynamic_gather %add3A_767[%gather3A_772] in [0] : vector<16xf32>, vector<16xi32> -> vector<16xf32>
    %add3A_774 = arith.addf %add3A_767, %gather3A_773 : vector<16xf32>
    %slice3A_775 = vector.extract_strided_slice %add3A_774 {offsets = [0], sizes = [1], strides = [1]} : vector<16xf32> to vector<1xf32>
    %squeeze3A_776 = vector.extract %slice3A_775[0] : f32 from vector<1xf32>
    %sub3A_777 = arith.subf %squeeze3A_736, %squeeze3A_776 : f32
    %convert_element_type3A_778 = arith.sitofp %sub3A_695 : i32 to f32
    %gt3A = arith.cmpf ogt, %sub3A_777, %convert_element_type3A_778 : f32
    %convert_element_type3A_779 = arith.extui %gt3A : i1 to i32
    %cond3A = arith.constant 0 : i32
    %cond3A_780 = arith.cmpi ne, %convert_element_type3A_779, %cond3A : i32
    scf.if %cond3A_780 {
      %scan3A_800 = arith.constant 0 : i32
      %scan3A_801 = arith.constant 0 : i32
      %scan3A_802 = arith.constant 64 : i32
      %scan3A_803 = arith.addi %scan3A_801, %scan3A_802 : i32
      %scan3A_804 = arith.constant 1 : i32
      %scan3A_805 = scf.for %scan3A_1145 = %scan3A_801 to %scan3A_803 step %scan3A_804 iter_args(%scan3A_1146 = %scan3A_800) -> (i32)  : i32 {
        %mul3A_1147 = arith.constant 16 : i32
        %mul3A_1148 = arith.muli %scan3A_1145, %mul3A_1147 : i32
        %get3A_1149 = arith.index_cast %mul3A_1148 : i32 to index
        %get3A_1150 = tpu.vector_load %arg4[%get3A_1149] {strides = array<i32>} : memref<1024xi32, #tpu.memory_space<vmem>>, vector<16xi32>,
        %get3A_1151 = vector.shape_cast %get3A_1150 : vector<16xi32> to vector<16xi32>
        %mul3A_1152 = arith.constant 16 : i32
        %mul3A_1153 = arith.muli %scan3A_1145, %mul3A_1152 : i32
        %add3A_1154 = arith.addi %mul3A_0, %mul3A_1153 : i32
        %add3A_1155 = vector.broadcast %add3A_1154 : i32 to vector<16xi32>
        %add3A_1156 = arith.addi %add3A_1155, %iota3A : vector<16xi32>
        %sub3A_1157 = arith.constant 16383 : i32
        %sub3A_1158 = vector.broadcast %sub3A_1157 : i32 to vector<16xi32>
        %sub3A_1159 = arith.subi %sub3A_1158, %add3A_1156 : vector<16xi32>
        %eq3A = vector.broadcast %or3A_698 : i32 to vector<16xi32>
        %eq3A_1160 = arith.cmpi eq, %get3A_1151, %eq3A : vector<16xi32>
        %shift_right_logical3A = arith.constant 7 : i32
        %shift_right_logical3A_1161 = vector.broadcast %shift_right_logical3A : i32 to vector<16xi32>
        %shift_right_logical3A_1162 = arith.shrui %sub3A_1159, %shift_right_logical3A_1161 : vector<16xi32>
        %jit3A = arith.constant 256 : i32
        %broadcast_in_dim3A_1163 = vector.broadcast %jit3A : i32 to vector<16xi32>
        %select_n3A = arith.select %eq3A_1160, %shift_right_logical3A_1162, %broadcast_in_dim3A_1163 : vector<16xi1>, vector<16xi32>
        %mul3A_1164 = arith.constant 272 : i32
        %mul3A_1165 = arith.muli %arg1, %mul3A_1164 : i32
        %add3A_1166 = vector.broadcast %mul3A_1165 : i32 to vector<16xi32>
        %add3A_1167 = arith.addi %select_n3A, %add3A_1166 : vector<16xi32>
        %jit3A_1168 = arith.constant 8 : i32
        %div3A = arith.divsi %scan3A_1145, %jit3A_1168 : i32
        %sign3A = arith.constant 0 : i32
        %sign3A_1169 = arith.cmpi sgt, %scan3A_1145, %sign3A : i32
        %sign3A_1170 = arith.extui %sign3A_1169 : i1 to i32
        %sign3A_1171 = arith.constant 0 : i32
        %sign3A_1172 = arith.cmpi slt, %scan3A_1145, %sign3A_1171 : i32
        %sign3A_1173 = arith.extui %sign3A_1172 : i1 to i32
        %sign3A_1174 = arith.subi %sign3A_1170, %sign3A_1173 : i32
        %sign3A_1175 = arith.constant 0 : i32
        %sign3A_1176 = arith.cmpi sgt, %jit3A_1168, %sign3A_1175 : i32
        %sign3A_1177 = arith.extui %sign3A_1176 : i1 to i32
        %sign3A_1178 = arith.constant 0 : i32
        %sign3A_1179 = arith.cmpi slt, %jit3A_1168, %sign3A_1178 : i32
        %sign3A_1180 = arith.extui %sign3A_1179 : i1 to i32
        %sign3A_1181 = arith.subi %sign3A_1177, %sign3A_1180 : i32
        %ne3A = arith.cmpi ne, %sign3A_1174, %sign3A_1181 : i32
        %rem3A = arith.remsi %scan3A_1145, %jit3A_1168 : i32
        %ne3A_1182 = arith.constant 0 : i32
        %ne3A_1183 = arith.cmpi ne, %rem3A, %ne3A_1182 : i32
        %and3A = arith.andi %ne3A, %ne3A_1183 : i1
        %sub3A_1184 = arith.constant 1 : i32
        %sub3A_1185 = arith.subi %div3A, %sub3A_1184 : i32
        %select_n3A_1186 = arith.select %and3A, %sub3A_1185, %div3A : i32
        %jit3A_1187 = arith.constant 8 : i32
        %eq3A_1188 = arith.constant 0 : i32
        %eq3A_1189 = arith.cmpi eq, %jit3A_1187, %eq3A_1188 : i32
        %jit3A_1190 = arith.constant 1 : i32
        %select_n3A_1191 = arith.select %eq3A_1189, %jit3A_1190, %jit3A_1187 : i32
        %rem3A_1192 = arith.remsi %scan3A_1145, %select_n3A_1191 : i32
        %ne3A_1193 = arith.constant 0 : i32
        %ne3A_1194 = arith.cmpi ne, %rem3A_1192, %ne3A_1193 : i32
        %lt3A = arith.constant 0 : i32
        %lt3A_1195 = arith.cmpi slt, %rem3A_1192, %lt3A : i32
        %lt3A_1196 = arith.constant 0 : i32
        %lt3A_1197 = arith.cmpi slt, %select_n3A_1191, %lt3A_1196 : i32
        %ne3A_1198 = arith.xori %lt3A_1195, %lt3A_1197 : i1
        %and3A_1199 = arith.andi %ne3A_1198, %ne3A_1194 : i1
        %add3A_1200 = arith.addi %rem3A_1192, %select_n3A_1191 : i32
        %select_n3A_1201 = arith.select %and3A_1199, %add3A_1200, %rem3A_1192 : i32
        %mul3A_1202 = arith.constant 16 : i32
        %mul3A_1203 = arith.muli %select_n3A_1201, %mul3A_1202 : i32
        %swap3A_1204 = arith.index_cast %select_n3A_1186 : i32 to index
        %swap3A_1205 = arith.index_cast %mul3A_1203 : i32 to index
        %swap3A_1206 = tpu.vector_load %arg7[%swap3A_1204, %swap3A_1205] {strides = array<i32>} : memref<8x128xi32, #tpu.memory_space<vmem>>, vector<1x16xi32>,
        %swap3A_1207 = vector.shape_cast %swap3A_1206 : vector<1x16xi32> to vector<16xi32>
        %swap3A_1208 = vector.shape_cast %add3A_1167 : vector<16xi32> to vector<1x16xi32>
        tpu.vector_store %arg7[%swap3A_1204, %swap3A_1205], %swap3A_1208 {strides = array<i32>} : memref<8x128xi32, #tpu.memory_space<vmem>>, vector<1x16xi32>,
        %scan3A_1209 = arith.constant 0 : i32
        scf.yield %scan3A_1209 : i32
      }
      %scan3A_806 = arith.constant 64 : i32
      %dma_start3A_807 = arith.constant 0 : i32
      %dma_start3A_808 = arith.constant 0 : i32
      %dma_start3A_809 = tpu.memref_slice %arg7[%dma_start3A_807, %dma_start3A_808] : memref<8x128xi32, #tpu.memory_space<vmem>> -> memref<1x128xi32, #tpu.memory_space<vmem>>
      %dma_start3A_810 = tpu.memref_squeeze %dma_start3A_809 : memref<1x128xi32, #tpu.memory_space<vmem>> -> memref<128xi32, #tpu.memory_space<vmem>>
      %dma_start3A_811 = arith.constant 0 : i32
      %dma_start3A_812 = tpu.memref_slice %arg15[%dma_start3A_811] : memref<4352xf32, #tpu.memory_space<vmem_shared>> -> memref<4352xf32, #tpu.memory_space<vmem_shared>>
      tpu.enqueue_indirect_dma source(%arg8 : memref<128xf32, #tpu.memory_space<vmem>>) target(%dma_start3A_812 : memref<4352xf32, #tpu.memory_space<vmem_shared>>) offsets(%dma_start3A_810 : memref<128xi32, #tpu.memory_space<vmem>>) semaphore(%arg17 : memref<!tpu.dma_semaphore, #tpu.memory_space<semaphore_mem>>) {add = true}
      %dma_start3A_813 = arith.constant 1 : i32
      %dma_start3A_814 = arith.constant 0 : i32
      %dma_start3A_815 = tpu.memref_slice %arg7[%dma_start3A_813, %dma_start3A_814] : memref<8x128xi32, #tpu.memory_space<vmem>> -> memref<1x128xi32, #tpu.memory_space<vmem>>
      %dma_start3A_816 = tpu.memref_squeeze %dma_start3A_815 : memref<1x128xi32, #tpu.memory_space<vmem>> -> memref<128xi32, #tpu.memory_space<vmem>>
      %dma_start3A_817 = arith.constant 0 : i32
      %dma_start3A_818 = tpu.memref_slice %arg15[%dma_start3A_817] : memref<4352xf32, #tpu.memory_space<vmem_shared>> -> memref<4352xf32, #tpu.memory_space<vmem_shared>>
      tpu.enqueue_indirect_dma source(%arg8 : memref<128xf32, #tpu.memory_space<vmem>>) target(%dma_start3A_818 : memref<4352xf32, #tpu.memory_space<vmem_shared>>) offsets(%dma_start3A_816 : memref<128xi32, #tpu.memory_space<vmem>>) semaphore(%arg17 : memref<!tpu.dma_semaphore, #tpu.memory_space<semaphore_mem>>) {add = true}
      %dma_start3A_819 = arith.constant 2 : i32
      %dma_start3A_820 = arith.constant 0 : i32
      %dma_start3A_821 = tpu.memref_slice %arg7[%dma_start3A_819, %dma_start3A_820] : memref<8x128xi32, #tpu.memory_space<vmem>> -> memref<1x128xi32, #tpu.memory_space<vmem>>
      %dma_start3A_822 = tpu.memref_squeeze %dma_start3A_821 : memref<1x128xi32, #tpu.memory_space<vmem>> -> memref<128xi32, #tpu.memory_space<vmem>>
      %dma_start3A_823 = arith.constant 0 : i32
      %dma_start3A_824 = tpu.memref_slice %arg15[%dma_start3A_823] : memref<4352xf32, #tpu.memory_space<vmem_shared>> -> memref<4352xf32, #tpu.memory_space<vmem_shared>>
      tpu.enqueue_indirect_dma source(%arg8 : memref<128xf32, #tpu.memory_space<vmem>>) target(%dma_start3A_824 : memref<4352xf32, #tpu.memory_space<vmem_shared>>) offsets(%dma_start3A_822 : memref<128xi32, #tpu.memory_space<vmem>>) semaphore(%arg17 : memref<!tpu.dma_semaphore, #tpu.memory_space<semaphore_mem>>) {add = true}
      %dma_start3A_825 = arith.constant 3 : i32
      %dma_start3A_826 = arith.constant 0 : i32
      %dma_start3A_827 = tpu.memref_slice %arg7[%dma_start3A_825, %dma_start3A_826] : memref<8x128xi32, #tpu.memory_space<vmem>> -> memref<1x128xi32, #tpu.memory_space<vmem>>
      %dma_start3A_828 = tpu.memref_squeeze %dma_start3A_827 : memref<1x128xi32, #tpu.memory_space<vmem>> -> memref<128xi32, #tpu.memory_space<vmem>>
      %dma_start3A_829 = arith.constant 0 : i32
      %dma_start3A_830 = tpu.memref_slice %arg15[%dma_start3A_829] : memref<4352xf32, #tpu.memory_space<vmem_shared>> -> memref<4352xf32, #tpu.memory_space<vmem_shared>>
      tpu.enqueue_indirect_dma source(%arg8 : memref<128xf32, #tpu.memory_space<vmem>>) target(%dma_start3A_830 : memref<4352xf32, #tpu.memory_space<vmem_shared>>) offsets(%dma_start3A_828 : memref<128xi32, #tpu.memory_space<vmem>>) semaphore(%arg17 : memref<!tpu.dma_semaphore, #tpu.memory_space<semaphore_mem>>) {add = true}
      %dma_start3A_831 = arith.constant 4 : i32
      %dma_start3A_832 = arith.constant 0 : i32
      %dma_start3A_833 = tpu.memref_slice %arg7[%dma_start3A_831, %dma_start3A_832] : memref<8x128xi32, #tpu.memory_space<vmem>> -> memref<1x128xi32, #tpu.memory_space<vmem>>
      %dma_start3A_834 = tpu.memref_squeeze %dma_start3A_833 : memref<1x128xi32, #tpu.memory_space<vmem>> -> memref<128xi32, #tpu.memory_space<vmem>>
      %dma_start3A_835 = arith.constant 0 : i32
      %dma_start3A_836 = tpu.memref_slice %arg15[%dma_start3A_835] : memref<4352xf32, #tpu.memory_space<vmem_shared>> -> memref<4352xf32, #tpu.memory_space<vmem_shared>>
      tpu.enqueue_indirect_dma source(%arg8 : memref<128xf32, #tpu.memory_space<vmem>>) target(%dma_start3A_836 : memref<4352xf32, #tpu.memory_space<vmem_shared>>) offsets(%dma_start3A_834 : memref<128xi32, #tpu.memory_space<vmem>>) semaphore(%arg17 : memref<!tpu.dma_semaphore, #tpu.memory_space<semaphore_mem>>) {add = true}
      %dma_start3A_837 = arith.constant 5 : i32
      %dma_start3A_838 = arith.constant 0 : i32
      %dma_start3A_839 = tpu.memref_slice %arg7[%dma_start3A_837, %dma_start3A_838] : memref<8x128xi32, #tpu.memory_space<vmem>> -> memref<1x128xi32, #tpu.memory_space<vmem>>
      %dma_start3A_840 = tpu.memref_squeeze %dma_start3A_839 : memref<1x128xi32, #tpu.memory_space<vmem>> -> memref<128xi32, #tpu.memory_space<vmem>>
      %dma_start3A_841 = arith.constant 0 : i32
      %dma_start3A_842 = tpu.memref_slice %arg15[%dma_start3A_841] : memref<4352xf32, #tpu.memory_space<vmem_shared>> -> memref<4352xf32, #tpu.memory_space<vmem_shared>>
      tpu.enqueue_indirect_dma source(%arg8 : memref<128xf32, #tpu.memory_space<vmem>>) target(%dma_start3A_842 : memref<4352xf32, #tpu.memory_space<vmem_shared>>) offsets(%dma_start3A_840 : memref<128xi32, #tpu.memory_space<vmem>>) semaphore(%arg17 : memref<!tpu.dma_semaphore, #tpu.memory_space<semaphore_mem>>) {add = true}
      %dma_start3A_843 = arith.constant 6 : i32
      %dma_start3A_844 = arith.constant 0 : i32
      %dma_start3A_845 = tpu.memref_slice %arg7[%dma_start3A_843, %dma_start3A_844] : memref<8x128xi32, #tpu.memory_space<vmem>> -> memref<1x128xi32, #tpu.memory_space<vmem>>
      %dma_start3A_846 = tpu.memref_squeeze %dma_start3A_845 : memref<1x128xi32, #tpu.memory_space<vmem>> -> memref<128xi32, #tpu.memory_space<vmem>>
      %dma_start3A_847 = arith.constant 0 : i32
      %dma_start3A_848 = tpu.memref_slice %arg15[%dma_start3A_847] : memref<4352xf32, #tpu.memory_space<vmem_shared>> -> memref<4352xf32, #tpu.memory_space<vmem_shared>>
      tpu.enqueue_indirect_dma source(%arg8 : memref<128xf32, #tpu.memory_space<vmem>>) target(%dma_start3A_848 : memref<4352xf32, #tpu.memory_space<vmem_shared>>) offsets(%dma_start3A_846 : memref<128xi32, #tpu.memory_space<vmem>>) semaphore(%arg17 : memref<!tpu.dma_semaphore, #tpu.memory_space<semaphore_mem>>) {add = true}
      %dma_start3A_849 = arith.constant 7 : i32
      %dma_start3A_850 = arith.constant 0 : i32
      %dma_start3A_851 = tpu.memref_slice %arg7[%dma_start3A_849, %dma_start3A_850] : memref<8x128xi32, #tpu.memory_space<vmem>> -> memref<1x128xi32, #tpu.memory_space<vmem>>
      %dma_start3A_852 = tpu.memref_squeeze %dma_start3A_851 : memref<1x128xi32, #tpu.memory_space<vmem>> -> memref<128xi32, #tpu.memory_space<vmem>>
      %dma_start3A_853 = arith.constant 0 : i32
      %dma_start3A_854 = tpu.memref_slice %arg15[%dma_start3A_853] : memref<4352xf32, #tpu.memory_space<vmem_shared>> -> memref<4352xf32, #tpu.memory_space<vmem_shared>>
      tpu.enqueue_indirect_dma source(%arg8 : memref<128xf32, #tpu.memory_space<vmem>>) target(%dma_start3A_854 : memref<4352xf32, #tpu.memory_space<vmem_shared>>) offsets(%dma_start3A_852 : memref<128xi32, #tpu.memory_space<vmem>>) semaphore(%arg17 : memref<!tpu.dma_semaphore, #tpu.memory_space<semaphore_mem>>) {add = true}
      %dma_wait3A_855 = arith.constant 0 : i32
      %dma_wait3A_856 = arith.constant 0 : i32
      %dma_wait3A_857 = tpu.memref_slice %arg7[%dma_wait3A_855, %dma_wait3A_856] : memref<8x128xi32, #tpu.memory_space<vmem>> -> memref<1x128xi32, #tpu.memory_space<vmem>>
      %dma_wait3A_858 = tpu.memref_squeeze %dma_wait3A_857 : memref<1x128xi32, #tpu.memory_space<vmem>> -> memref<128xi32, #tpu.memory_space<vmem>>
      %dma_wait3A_859 = arith.constant 0 : i32
      %dma_wait3A_860 = tpu.memref_slice %arg15[%dma_wait3A_859] : memref<4352xf32, #tpu.memory_space<vmem_shared>> -> memref<4352xf32, #tpu.memory_space<vmem_shared>>
      tpu.wait_indirect_dma semaphore(%arg17 : memref<!tpu.dma_semaphore, #tpu.memory_space<semaphore_mem>>) src(%arg8 : memref<128xf32, #tpu.memory_space<vmem>>) dst(%dma_wait3A_860 : memref<4352xf32, #tpu.memory_space<vmem_shared>>)
      %dma_wait3A_861 = arith.constant 1 : i32
      %dma_wait3A_862 = arith.constant 0 : i32
      %dma_wait3A_863 = tpu.memref_slice %arg7[%dma_wait3A_861, %dma_wait3A_862] : memref<8x128xi32, #tpu.memory_space<vmem>> -> memref<1x128xi32, #tpu.memory_space<vmem>>
      %dma_wait3A_864 = tpu.memref_squeeze %dma_wait3A_863 : memref<1x128xi32, #tpu.memory_space<vmem>> -> memref<128xi32, #tpu.memory_space<vmem>>
      %dma_wait3A_865 = arith.constant 0 : i32
      %dma_wait3A_866 = tpu.memref_slice %arg15[%dma_wait3A_865] : memref<4352xf32, #tpu.memory_space<vmem_shared>> -> memref<4352xf32, #tpu.memory_space<vmem_shared>>
      tpu.wait_indirect_dma semaphore(%arg17 : memref<!tpu.dma_semaphore, #tpu.memory_space<semaphore_mem>>) src(%arg8 : memref<128xf32, #tpu.memory_space<vmem>>) dst(%dma_wait3A_866 : memref<4352xf32, #tpu.memory_space<vmem_shared>>)
      %dma_wait3A_867 = arith.constant 2 : i32
      %dma_wait3A_868 = arith.constant 0 : i32
      %dma_wait3A_869 = tpu.memref_slice %arg7[%dma_wait3A_867, %dma_wait3A_868] : memref<8x128xi32, #tpu.memory_space<vmem>> -> memref<1x128xi32, #tpu.memory_space<vmem>>
      %dma_wait3A_870 = tpu.memref_squeeze %dma_wait3A_869 : memref<1x128xi32, #tpu.memory_space<vmem>> -> memref<128xi32, #tpu.memory_space<vmem>>
      %dma_wait3A_871 = arith.constant 0 : i32
      %dma_wait3A_872 = tpu.memref_slice %arg15[%dma_wait3A_871] : memref<4352xf32, #tpu.memory_space<vmem_shared>> -> memref<4352xf32, #tpu.memory_space<vmem_shared>>
      tpu.wait_indirect_dma semaphore(%arg17 : memref<!tpu.dma_semaphore, #tpu.memory_space<semaphore_mem>>) src(%arg8 : memref<128xf32, #tpu.memory_space<vmem>>) dst(%dma_wait3A_872 : memref<4352xf32, #tpu.memory_space<vmem_shared>>)
      %dma_wait3A_873 = arith.constant 3 : i32
      %dma_wait3A_874 = arith.constant 0 : i32
      %dma_wait3A_875 = tpu.memref_slice %arg7[%dma_wait3A_873, %dma_wait3A_874] : memref<8x128xi32, #tpu.memory_space<vmem>> -> memref<1x128xi32, #tpu.memory_space<vmem>>
      %dma_wait3A_876 = tpu.memref_squeeze %dma_wait3A_875 : memref<1x128xi32, #tpu.memory_space<vmem>> -> memref<128xi32, #tpu.memory_space<vmem>>
      %dma_wait3A_877 = arith.constant 0 : i32
      %dma_wait3A_878 = tpu.memref_slice %arg15[%dma_wait3A_877] : memref<4352xf32, #tpu.memory_space<vmem_shared>> -> memref<4352xf32, #tpu.memory_space<vmem_shared>>
      tpu.wait_indirect_dma semaphore(%arg17 : memref<!tpu.dma_semaphore, #tpu.memory_space<semaphore_mem>>) src(%arg8 : memref<128xf32, #tpu.memory_space<vmem>>) dst(%dma_wait3A_878 : memref<4352xf32, #tpu.memory_space<vmem_shared>>)
      %dma_wait3A_879 = arith.constant 4 : i32
      %dma_wait3A_880 = arith.constant 0 : i32
      %dma_wait3A_881 = tpu.memref_slice %arg7[%dma_wait3A_879, %dma_wait3A_880] : memref<8x128xi32, #tpu.memory_space<vmem>> -> memref<1x128xi32, #tpu.memory_space<vmem>>
      %dma_wait3A_882 = tpu.memref_squeeze %dma_wait3A_881 : memref<1x128xi32, #tpu.memory_space<vmem>> -> memref<128xi32, #tpu.memory_space<vmem>>
      %dma_wait3A_883 = arith.constant 0 : i32
      %dma_wait3A_884 = tpu.memref_slice %arg15[%dma_wait3A_883] : memref<4352xf32, #tpu.memory_space<vmem_shared>> -> memref<4352xf32, #tpu.memory_space<vmem_shared>>
      tpu.wait_indirect_dma semaphore(%arg17 : memref<!tpu.dma_semaphore, #tpu.memory_space<semaphore_mem>>) src(%arg8 : memref<128xf32, #tpu.memory_space<vmem>>) dst(%dma_wait3A_884 : memref<4352xf32, #tpu.memory_space<vmem_shared>>)
      %dma_wait3A_885 = arith.constant 5 : i32
      %dma_wait3A_886 = arith.constant 0 : i32
      %dma_wait3A_887 = tpu.memref_slice %arg7[%dma_wait3A_885, %dma_wait3A_886] : memref<8x128xi32, #tpu.memory_space<vmem>> -> memref<1x128xi32, #tpu.memory_space<vmem>>
      %dma_wait3A_888 = tpu.memref_squeeze %dma_wait3A_887 : memref<1x128xi32, #tpu.memory_space<vmem>> -> memref<128xi32, #tpu.memory_space<vmem>>
      %dma_wait3A_889 = arith.constant 0 : i32
      %dma_wait3A_890 = tpu.memref_slice %arg15[%dma_wait3A_889] : memref<4352xf32, #tpu.memory_space<vmem_shared>> -> memref<4352xf32, #tpu.memory_space<vmem_shared>>
      tpu.wait_indirect_dma semaphore(%arg17 : memref<!tpu.dma_semaphore, #tpu.memory_space<semaphore_mem>>) src(%arg8 : memref<128xf32, #tpu.memory_space<vmem>>) dst(%dma_wait3A_890 : memref<4352xf32, #tpu.memory_space<vmem_shared>>)
      %dma_wait3A_891 = arith.constant 6 : i32
      %dma_wait3A_892 = arith.constant 0 : i32
      %dma_wait3A_893 = tpu.memref_slice %arg7[%dma_wait3A_891, %dma_wait3A_892] : memref<8x128xi32, #tpu.memory_space<vmem>> -> memref<1x128xi32, #tpu.memory_space<vmem>>
      %dma_wait3A_894 = tpu.memref_squeeze %dma_wait3A_893 : memref<1x128xi32, #tpu.memory_space<vmem>> -> memref<128xi32, #tpu.memory_space<vmem>>
      %dma_wait3A_895 = arith.constant 0 : i32
      %dma_wait3A_896 = tpu.memref_slice %arg15[%dma_wait3A_895] : memref<4352xf32, #tpu.memory_space<vmem_shared>> -> memref<4352xf32, #tpu.memory_space<vmem_shared>>
      tpu.wait_indirect_dma semaphore(%arg17 : memref<!tpu.dma_semaphore, #tpu.memory_space<semaphore_mem>>) src(%arg8 : memref<128xf32, #tpu.memory_space<vmem>>) dst(%dma_wait3A_896 : memref<4352xf32, #tpu.memory_space<vmem_shared>>)
      %dma_wait3A_897 = arith.constant 7 : i32
      %dma_wait3A_898 = arith.constant 0 : i32
      %dma_wait3A_899 = tpu.memref_slice %arg7[%dma_wait3A_897, %dma_wait3A_898] : memref<8x128xi32, #tpu.memory_space<vmem>> -> memref<1x128xi32, #tpu.memory_space<vmem>>
      %dma_wait3A_900 = tpu.memref_squeeze %dma_wait3A_899 : memref<1x128xi32, #tpu.memory_space<vmem>> -> memref<128xi32, #tpu.memory_space<vmem>>
      %dma_wait3A_901 = arith.constant 0 : i32
      %dma_wait3A_902 = tpu.memref_slice %arg15[%dma_wait3A_901] : memref<4352xf32, #tpu.memory_space<vmem_shared>> -> memref<4352xf32, #tpu.memory_space<vmem_shared>>
      tpu.wait_indirect_dma semaphore(%arg17 : memref<!tpu.dma_semaphore, #tpu.memory_space<semaphore_mem>>) src(%arg8 : memref<128xf32, #tpu.memory_space<vmem>>) dst(%dma_wait3A_902 : memref<4352xf32, #tpu.memory_space<vmem_shared>>)
      %barrier3A_903 = arith.constant 0 : index
      tpu.barrier barrier_id(%barrier3A_903)
      "tpu.region"() ({
        %run_scoped3A = tpu.sem_alloc : memref<!tpu.dma_semaphore, #tpu.memory_space<semaphore_mem>>
        tpu.enqueue_dma source(%arg15 : memref<4352xf32, #tpu.memory_space<vmem_shared>>) target(%arg10 : memref<4352xf32, #tpu.memory_space<vmem>>) target_semaphore(%run_scoped3A : memref<!tpu.dma_semaphore, #tpu.memory_space<semaphore_mem>>)
        tpu.wait_dma2 semaphore(%run_scoped3A : memref<!tpu.dma_semaphore, #tpu.memory_space<semaphore_mem>>) src(%arg15 : memref<4352xf32, #tpu.memory_space<vmem_shared>>) dst(%arg10 : memref<4352xf32, #tpu.memory_space<vmem>>)
        tpu.yield
      }) : () -> ()
      %scan3A_904 = arith.constant 0 : i32
      %scan3A_905 = arith.constant 0 : i32
      %scan3A_906 = arith.constant 17 : i32
      %scan3A_907 = arith.addi %scan3A_905, %scan3A_906 : i32
      %scan3A_908 = arith.constant 1 : i32
      %scan3A_909 = scf.for %scan3A_1145 = %scan3A_905 to %scan3A_907 step %scan3A_908 iter_args(%scan3A_1146 = %scan3A_904) -> (i32)  : i32 {
        %broadcast_in_dim3A_1147 = arith.constant 0.000000e+00 : f32
        %broadcast_in_dim3A_1148 = vector.broadcast %broadcast_in_dim3A_1147 : f32 to vector<16xf32>
        %mul3A_1149 = arith.constant 16 : i32
        %mul3A_1150 = arith.muli %scan3A_1145, %mul3A_1149 : i32
        %swap3A_1151 = arith.index_cast %mul3A_1150 : i32 to index
        %swap3A_1152 = tpu.vector_load %arg5[%swap3A_1151] {strides = array<i32>} : memref<272xf32, #tpu.memory_space<vmem>>, vector<16xf32>,
        %swap3A_1153 = vector.shape_cast %swap3A_1152 : vector<16xf32> to vector<16xf32>
        %swap3A_1154 = vector.shape_cast %broadcast_in_dim3A_1148 : vector<16xf32> to vector<16xf32>
        tpu.vector_store %arg5[%swap3A_1151], %swap3A_1154 {strides = array<i32>} : memref<272xf32, #tpu.memory_space<vmem>>, vector<16xf32>,
        %scan3A_1155 = arith.constant 0 : i32
        scf.yield %scan3A_1155 : i32
      }
      %scan3A_910 = arith.constant 17 : i32
      %scan3A_911 = arith.constant 0 : i32
      %scan3A_912 = arith.constant 0 : i32
      %scan3A_913 = arith.constant 16 : i32
      %scan3A_914 = arith.addi %scan3A_912, %scan3A_913 : i32
      %scan3A_915 = arith.constant 1 : i32
      %scan3A_916 = scf.for %scan3A_1145 = %scan3A_912 to %scan3A_914 step %scan3A_915 iter_args(%scan3A_1146 = %scan3A_911) -> (i32)  : i32 {
        %scan3A_1147 = arith.constant 0 : i32
        %scan3A_1148 = arith.constant 0 : i32
        %scan3A_1149 = arith.constant 17 : i32
        %scan3A_1150 = arith.addi %scan3A_1148, %scan3A_1149 : i32
        %scan3A_1151 = arith.constant 1 : i32
        %scan3A_1152 = scf.for %scan3A_1155 = %scan3A_1148 to %scan3A_1150 step %scan3A_1151 iter_args(%scan3A_1156 = %scan3A_1147) -> (i32)  : i32 {
          %mul3A_1157 = arith.constant 16 : i32
          %mul3A_1158 = arith.muli %scan3A_1155, %mul3A_1157 : i32
          %get3A_1159 = arith.index_cast %mul3A_1158 : i32 to index
          %get3A_1160 = tpu.vector_load %arg5[%get3A_1159] {strides = array<i32>} : memref<272xf32, #tpu.memory_space<vmem>>, vector<16xf32>,
          %get3A_1161 = vector.shape_cast %get3A_1160 : vector<16xf32> to vector<16xf32>
          %mul3A_1162 = arith.constant 272 : i32
          %mul3A_1163 = arith.muli %scan3A_1145, %mul3A_1162 : i32
          %mul3A_1164 = arith.constant 16 : i32
          %mul3A_1165 = arith.muli %scan3A_1155, %mul3A_1164 : i32
          %add3A_1166 = arith.addi %mul3A_1163, %mul3A_1165 : i32
          %get3A_1167 = arith.index_cast %add3A_1166 : i32 to index
          %get3A_1168 = tpu.vector_load %arg10[%get3A_1167] {strides = array<i32>} : memref<4352xf32, #tpu.memory_space<vmem>>, vector<16xf32>,
          %get3A_1169 = vector.shape_cast %get3A_1168 : vector<16xf32> to vector<16xf32>
          %add3A_1170 = arith.addf %get3A_1161, %get3A_1169 : vector<16xf32>
          %swap3A_1171 = arith.index_cast %mul3A_1158 : i32 to index
          %swap3A_1172 = tpu.vector_load %arg5[%swap3A_1171] {strides = array<i32>} : memref<272xf32, #tpu.memory_space<vmem>>, vector<16xf32>,
          %swap3A_1173 = vector.shape_cast %swap3A_1172 : vector<16xf32> to vector<16xf32>
          %swap3A_1174 = vector.shape_cast %add3A_1170 : vector<16xf32> to vector<16xf32>
          tpu.vector_store %arg5[%swap3A_1171], %swap3A_1174 {strides = array<i32>} : memref<272xf32, #tpu.memory_space<vmem>>, vector<16xf32>,
          %scan3A_1175 = arith.constant 0 : i32
          scf.yield %scan3A_1175 : i32
        }
        %scan3A_1153 = arith.constant 17 : i32
        %scan3A_1154 = arith.constant 0 : i32
        scf.yield %scan3A_1154 : i32
      }
      %scan3A_917 = arith.constant 16 : i32
      %convert_element_type3A_918 = arith.sitofp %sub3A_695 : i32 to f32
      %scan3A_919 = arith.constant 0 : i32
      %scan3A_920 = arith.constant 0 : i32
      %scan3A_921 = arith.constant 7 : i32
      %scan3A_922 = arith.addi %scan3A_920, %scan3A_921 : i32
      %scan3A_923 = arith.constant 1 : i32
      %scan3A_924 = scf.for %scan3A_1145 = %scan3A_920 to %scan3A_922 step %scan3A_923 iter_args(%scan3A_1146 = %scan3A_919) -> (i32)  : i32 {
        %sub3A_1147 = arith.constant 6 : i32
        %sub3A_1148 = arith.subi %sub3A_1147, %scan3A_1145 : i32
        %shift_left3A_1149 = arith.constant 1 : i32
        %shift_left3A_1150 = arith.shli %shift_left3A_1149, %sub3A_1148 : i32
        %or3A_1151 = arith.ori %scan3A_1146, %shift_left3A_1150 : i32
        %broadcast_in_dim3A_1152 = arith.constant 0.000000e+00 : f32
        %broadcast_in_dim3A_1153 = vector.broadcast %broadcast_in_dim3A_1152 : f32 to vector<16xf32>
        %scan3A_1154 = arith.constant 0 : i32
        %scan3A_1155 = arith.constant 16 : i32
        %scan3A_1156 = arith.addi %scan3A_1154, %scan3A_1155 : i32
        %scan3A_1157 = arith.constant 1 : i32
        %scan3A_1158 = scf.for %scan3A_1190 = %scan3A_1154 to %scan3A_1156 step %scan3A_1157 iter_args(%scan3A_1191 = %broadcast_in_dim3A_1153) -> (vector<16xf32>)  : i32 {
          %mul3A_1192 = arith.constant 16 : i32
          %mul3A_1193 = arith.muli %scan3A_1190, %mul3A_1192 : i32
          %add3A_1194 = vector.broadcast %mul3A_1193 : i32 to vector<16xi32>
          %add3A_1195 = arith.addi %add3A_1194, %iota3A : vector<16xi32>
          %mul3A_1196 = arith.constant 16 : i32
          %mul3A_1197 = arith.muli %scan3A_1190, %mul3A_1196 : i32
          %get3A_1198 = arith.index_cast %mul3A_1197 : i32 to index
          %get3A_1199 = tpu.vector_load %arg5[%get3A_1198] {strides = array<i32>} : memref<272xf32, #tpu.memory_space<vmem>>, vector<16xf32>,
          %get3A_1200 = vector.shape_cast %get3A_1199 : vector<16xf32> to vector<16xf32>
          %ge3A_1201 = vector.broadcast %or3A_1151 : i32 to vector<16xi32>
          %ge3A_1202 = arith.cmpi sge, %add3A_1195, %ge3A_1201 : vector<16xi32>
          %jit3A = arith.constant 0.000000e+00 : f32
          %broadcast_in_dim3A_1203 = vector.broadcast %jit3A : f32 to vector<16xf32>
          %select_n3A_1204 = arith.select %ge3A_1202, %get3A_1200, %broadcast_in_dim3A_1203 : vector<16xi1>, vector<16xf32>
          %add3A_1205 = arith.addf %scan3A_1191, %select_n3A_1204 : vector<16xf32>
          scf.yield %add3A_1205 : vector<16xf32>
        }
        %scan3A_1159 = arith.constant 16 : i32
        %xor3A_1160 = arith.constant 8 : i32
        %xor3A_1161 = vector.broadcast %xor3A_1160 : i32 to vector<16xi32>
        %xor3A_1162 = arith.xori %iota3A, %xor3A_1161 : vector<16xi32>
        %reshape3A_1163 = vector.shape_cast %xor3A_1162 : vector<16xi32> to vector<16x1xi32>
        %gather3A_1164 = vector.shape_cast %reshape3A_1163 : vector<16x1xi32> to vector<16xi32>
        %gather3A_1165 = tpu.dynamic_gather %scan3A_1158[%gather3A_1164] in [0] : vector<16xf32>, vector<16xi32> -> vector<16xf32>
        %add3A_1166 = arith.addf %scan3A_1158, %gather3A_1165 : vector<16xf32>
        %xor3A_1167 = arith.constant 4 : i32
        %xor3A_1168 = vector.broadcast %xor3A_1167 : i32 to vector<16xi32>
        %xor3A_1169 = arith.xori %iota3A, %xor3A_1168 : vector<16xi32>
        %reshape3A_1170 = vector.shape_cast %xor3A_1169 : vector<16xi32> to vector<16x1xi32>
        %gather3A_1171 = vector.shape_cast %reshape3A_1170 : vector<16x1xi32> to vector<16xi32>
        %gather3A_1172 = tpu.dynamic_gather %add3A_1166[%gather3A_1171] in [0] : vector<16xf32>, vector<16xi32> -> vector<16xf32>
        %add3A_1173 = arith.addf %add3A_1166, %gather3A_1172 : vector<16xf32>
        %xor3A_1174 = arith.constant 2 : i32
        %xor3A_1175 = vector.broadcast %xor3A_1174 : i32 to vector<16xi32>
        %xor3A_1176 = arith.xori %iota3A, %xor3A_1175 : vector<16xi32>
        %reshape3A_1177 = vector.shape_cast %xor3A_1176 : vector<16xi32> to vector<16x1xi32>
        %gather3A_1178 = vector.shape_cast %reshape3A_1177 : vector<16x1xi32> to vector<16xi32>
        %gather3A_1179 = tpu.dynamic_gather %add3A_1173[%gather3A_1178] in [0] : vector<16xf32>, vector<16xi32> -> vector<16xf32>
        %add3A_1180 = arith.addf %add3A_1173, %gather3A_1179 : vector<16xf32>
        %xor3A_1181 = arith.constant 1 : i32
        %xor3A_1182 = vector.broadcast %xor3A_1181 : i32 to vector<16xi32>
        %xor3A_1183 = arith.xori %iota3A, %xor3A_1182 : vector<16xi32>
        %reshape3A_1184 = vector.shape_cast %xor3A_1183 : vector<16xi32> to vector<16x1xi32>
        %gather3A_1185 = vector.shape_cast %reshape3A_1184 : vector<16x1xi32> to vector<16xi32>
        %gather3A_1186 = tpu.dynamic_gather %add3A_1180[%gather3A_1185] in [0] : vector<16xf32>, vector<16xi32> -> vector<16xf32>
        %add3A_1187 = arith.addf %add3A_1180, %gather3A_1186 : vector<16xf32>
        %slice3A_1188 = vector.extract_strided_slice %add3A_1187 {offsets = [0], sizes = [1], strides = [1]} : vector<16xf32> to vector<1xf32>
        %squeeze3A_1189 = vector.extract %slice3A_1188[0] : f32 from vector<1xf32>
        %ge3A = arith.cmpf oge, %squeeze3A_1189, %convert_element_type3A_918 : f32
        %select_n3A = arith.select %ge3A, %or3A_1151, %scan3A_1146 : i32
        scf.yield %select_n3A : i32
      }
      %scan3A_925 = arith.constant 7 : i32
      %add3A_926 = arith.constant 1 : i32
      %add3A_927 = arith.addi %scan3A_924, %add3A_926 : i32
      %broadcast_in_dim3A_928 = arith.constant 0.000000e+00 : f32
      %broadcast_in_dim3A_929 = vector.broadcast %broadcast_in_dim3A_928 : f32 to vector<16xf32>
      %scan3A_930 = arith.constant 0 : i32
      %scan3A_931 = arith.constant 16 : i32
      %scan3A_932 = arith.addi %scan3A_930, %scan3A_931 : i32
      %scan3A_933 = arith.constant 1 : i32
      %scan3A_934 = scf.for %scan3A_1145 = %scan3A_930 to %scan3A_932 step %scan3A_933 iter_args(%scan3A_1146 = %broadcast_in_dim3A_929) -> (vector<16xf32>)  : i32 {
        %mul3A_1147 = arith.constant 16 : i32
        %mul3A_1148 = arith.muli %scan3A_1145, %mul3A_1147 : i32
        %add3A_1149 = vector.broadcast %mul3A_1148 : i32 to vector<16xi32>
        %add3A_1150 = arith.addi %add3A_1149, %iota3A : vector<16xi32>
        %mul3A_1151 = arith.constant 16 : i32
        %mul3A_1152 = arith.muli %scan3A_1145, %mul3A_1151 : i32
        %get3A_1153 = arith.index_cast %mul3A_1152 : i32 to index
        %get3A_1154 = tpu.vector_load %arg5[%get3A_1153] {strides = array<i32>} : memref<272xf32, #tpu.memory_space<vmem>>, vector<16xf32>,
        %get3A_1155 = vector.shape_cast %get3A_1154 : vector<16xf32> to vector<16xf32>
        %ge3A = vector.broadcast %add3A_927 : i32 to vector<16xi32>
        %ge3A_1156 = arith.cmpi sge, %add3A_1150, %ge3A : vector<16xi32>
        %jit3A = arith.constant 0.000000e+00 : f32
        %broadcast_in_dim3A_1157 = vector.broadcast %jit3A : f32 to vector<16xf32>
        %select_n3A = arith.select %ge3A_1156, %get3A_1155, %broadcast_in_dim3A_1157 : vector<16xi1>, vector<16xf32>
        %add3A_1158 = arith.addf %scan3A_1146, %select_n3A : vector<16xf32>
        scf.yield %add3A_1158 : vector<16xf32>
      }
      %scan3A_935 = arith.constant 16 : i32
      %xor3A_936 = arith.constant 8 : i32
      %xor3A_937 = vector.broadcast %xor3A_936 : i32 to vector<16xi32>
      %xor3A_938 = arith.xori %iota3A, %xor3A_937 : vector<16xi32>
      %reshape3A_939 = vector.shape_cast %xor3A_938 : vector<16xi32> to vector<16x1xi32>
      %gather3A_940 = vector.shape_cast %reshape3A_939 : vector<16x1xi32> to vector<16xi32>
      %gather3A_941 = tpu.dynamic_gather %scan3A_934[%gather3A_940] in [0] : vector<16xf32>, vector<16xi32> -> vector<16xf32>
      %add3A_942 = arith.addf %scan3A_934, %gather3A_941 : vector<16xf32>
      %xor3A_943 = arith.constant 4 : i32
      %xor3A_944 = vector.broadcast %xor3A_943 : i32 to vector<16xi32>
      %xor3A_945 = arith.xori %iota3A, %xor3A_944 : vector<16xi32>
      %reshape3A_946 = vector.shape_cast %xor3A_945 : vector<16xi32> to vector<16x1xi32>
      %gather3A_947 = vector.shape_cast %reshape3A_946 : vector<16x1xi32> to vector<16xi32>
      %gather3A_948 = tpu.dynamic_gather %add3A_942[%gather3A_947] in [0] : vector<16xf32>, vector<16xi32> -> vector<16xf32>
      %add3A_949 = arith.addf %add3A_942, %gather3A_948 : vector<16xf32>
      %xor3A_950 = arith.constant 2 : i32
      %xor3A_951 = vector.broadcast %xor3A_950 : i32 to vector<16xi32>
      %xor3A_952 = arith.xori %iota3A, %xor3A_951 : vector<16xi32>
      %reshape3A_953 = vector.shape_cast %xor3A_952 : vector<16xi32> to vector<16x1xi32>
      %gather3A_954 = vector.shape_cast %reshape3A_953 : vector<16x1xi32> to vector<16xi32>
      %gather3A_955 = tpu.dynamic_gather %add3A_949[%gather3A_954] in [0] : vector<16xf32>, vector<16xi32> -> vector<16xf32>
      %add3A_956 = arith.addf %add3A_949, %gather3A_955 : vector<16xf32>
      %xor3A_957 = arith.constant 1 : i32
      %xor3A_958 = vector.broadcast %xor3A_957 : i32 to vector<16xi32>
      %xor3A_959 = arith.xori %iota3A, %xor3A_958 : vector<16xi32>
      %reshape3A_960 = vector.shape_cast %xor3A_959 : vector<16xi32> to vector<16x1xi32>
      %gather3A_961 = vector.shape_cast %reshape3A_960 : vector<16x1xi32> to vector<16xi32>
      %gather3A_962 = tpu.dynamic_gather %add3A_956[%gather3A_961] in [0] : vector<16xf32>, vector<16xi32> -> vector<16xf32>
      %add3A_963 = arith.addf %add3A_956, %gather3A_962 : vector<16xf32>
      %slice3A_964 = vector.extract_strided_slice %add3A_963 {offsets = [0], sizes = [1], strides = [1]} : vector<16xf32> to vector<1xf32>
      %squeeze3A_965 = vector.extract %slice3A_964[0] : f32 from vector<1xf32>
      %convert_element_type3A_966 = arith.fptosi %squeeze3A_965 : f32 to i32
      %sub3A_967 = arith.subi %sub3A_695, %convert_element_type3A_966 : i32
      %scan3A_968 = arith.constant 0 : i32
      %scan3A_969 = arith.constant 0 : i32
      %scan3A_970 = arith.constant 64 : i32
      %scan3A_971 = arith.addi %scan3A_969, %scan3A_970 : i32
      %scan3A_972 = arith.constant 1 : i32
      %scan3A_973 = scf.for %scan3A_1145 = %scan3A_969 to %scan3A_971 step %scan3A_972 iter_args(%scan3A_1146 = %scan3A_968) -> (i32)  : i32 {
        %mul3A_1147 = arith.constant 16 : i32
        %mul3A_1148 = arith.muli %scan3A_1145, %mul3A_1147 : i32
        %get3A_1149 = arith.index_cast %mul3A_1148 : i32 to index
        %get3A_1150 = tpu.vector_load %arg4[%get3A_1149] {strides = array<i32>} : memref<1024xi32, #tpu.memory_space<vmem>>, vector<16xi32>,
        %get3A_1151 = vector.shape_cast %get3A_1150 : vector<16xi32> to vector<16xi32>
        %mul3A_1152 = arith.constant 16 : i32
        %mul3A_1153 = arith.muli %scan3A_1145, %mul3A_1152 : i32
        %add3A_1154 = arith.addi %mul3A_0, %mul3A_1153 : i32
        %add3A_1155 = vector.broadcast %add3A_1154 : i32 to vector<16xi32>
        %add3A_1156 = arith.addi %add3A_1155, %iota3A : vector<16xi32>
        %sub3A_1157 = arith.constant 16383 : i32
        %sub3A_1158 = vector.broadcast %sub3A_1157 : i32 to vector<16xi32>
        %sub3A_1159 = arith.subi %sub3A_1158, %add3A_1156 : vector<16xi32>
        %eq3A = vector.broadcast %or3A_698 : i32 to vector<16xi32>
        %eq3A_1160 = arith.cmpi eq, %get3A_1151, %eq3A : vector<16xi32>
        %shift_right_logical3A = arith.constant 7 : i32
        %shift_right_logical3A_1161 = vector.broadcast %shift_right_logical3A : i32 to vector<16xi32>
        %shift_right_logical3A_1162 = arith.shrui %sub3A_1159, %shift_right_logical3A_1161 : vector<16xi32>
        %eq3A_1163 = vector.broadcast %scan3A_924 : i32 to vector<16xi32>
        %eq3A_1164 = arith.cmpi eq, %shift_right_logical3A_1162, %eq3A_1163 : vector<16xi32>
        %and3A = arith.andi %eq3A_1160, %eq3A_1164 : vector<16xi1>
        %and3A_1165 = arith.constant 127 : i32
        %and3A_1166 = vector.broadcast %and3A_1165 : i32 to vector<16xi32>
        %and3A_1167 = arith.andi %sub3A_1159, %and3A_1166 : vector<16xi32>
        %jit3A = arith.constant 256 : i32
        %broadcast_in_dim3A_1168 = vector.broadcast %jit3A : i32 to vector<16xi32>
        %select_n3A = arith.select %and3A, %and3A_1167, %broadcast_in_dim3A_1168 : vector<16xi1>, vector<16xi32>
        %mul3A_1169 = arith.constant 272 : i32
        %mul3A_1170 = arith.muli %arg1, %mul3A_1169 : i32
        %add3A_1171 = vector.broadcast %mul3A_1170 : i32 to vector<16xi32>
        %add3A_1172 = arith.addi %select_n3A, %add3A_1171 : vector<16xi32>
        %jit3A_1173 = arith.constant 8 : i32
        %div3A = arith.divsi %scan3A_1145, %jit3A_1173 : i32
        %sign3A = arith.constant 0 : i32
        %sign3A_1174 = arith.cmpi sgt, %scan3A_1145, %sign3A : i32
        %sign3A_1175 = arith.extui %sign3A_1174 : i1 to i32
        %sign3A_1176 = arith.constant 0 : i32
        %sign3A_1177 = arith.cmpi slt, %scan3A_1145, %sign3A_1176 : i32
        %sign3A_1178 = arith.extui %sign3A_1177 : i1 to i32
        %sign3A_1179 = arith.subi %sign3A_1175, %sign3A_1178 : i32
        %sign3A_1180 = arith.constant 0 : i32
        %sign3A_1181 = arith.cmpi sgt, %jit3A_1173, %sign3A_1180 : i32
        %sign3A_1182 = arith.extui %sign3A_1181 : i1 to i32
        %sign3A_1183 = arith.constant 0 : i32
        %sign3A_1184 = arith.cmpi slt, %jit3A_1173, %sign3A_1183 : i32
        %sign3A_1185 = arith.extui %sign3A_1184 : i1 to i32
        %sign3A_1186 = arith.subi %sign3A_1182, %sign3A_1185 : i32
        %ne3A = arith.cmpi ne, %sign3A_1179, %sign3A_1186 : i32
        %rem3A = arith.remsi %scan3A_1145, %jit3A_1173 : i32
        %ne3A_1187 = arith.constant 0 : i32
        %ne3A_1188 = arith.cmpi ne, %rem3A, %ne3A_1187 : i32
        %and3A_1189 = arith.andi %ne3A, %ne3A_1188 : i1
        %sub3A_1190 = arith.constant 1 : i32
        %sub3A_1191 = arith.subi %div3A, %sub3A_1190 : i32
        %select_n3A_1192 = arith.select %and3A_1189, %sub3A_1191, %div3A : i32
        %jit3A_1193 = arith.constant 8 : i32
        %eq3A_1194 = arith.constant 0 : i32
        %eq3A_1195 = arith.cmpi eq, %jit3A_1193, %eq3A_1194 : i32
        %jit3A_1196 = arith.constant 1 : i32
        %select_n3A_1197 = arith.select %eq3A_1195, %jit3A_1196, %jit3A_1193 : i32
        %rem3A_1198 = arith.remsi %scan3A_1145, %select_n3A_1197 : i32
        %ne3A_1199 = arith.constant 0 : i32
        %ne3A_1200 = arith.cmpi ne, %rem3A_1198, %ne3A_1199 : i32
        %lt3A = arith.constant 0 : i32
        %lt3A_1201 = arith.cmpi slt, %rem3A_1198, %lt3A : i32
        %lt3A_1202 = arith.constant 0 : i32
        %lt3A_1203 = arith.cmpi slt, %select_n3A_1197, %lt3A_1202 : i32
        %ne3A_1204 = arith.xori %lt3A_1201, %lt3A_1203 : i1
        %and3A_1205 = arith.andi %ne3A_1204, %ne3A_1200 : i1
        %add3A_1206 = arith.addi %rem3A_1198, %select_n3A_1197 : i32
        %select_n3A_1207 = arith.select %and3A_1205, %add3A_1206, %rem3A_1198 : i32
        %mul3A_1208 = arith.constant 16 : i32
        %mul3A_1209 = arith.muli %select_n3A_1207, %mul3A_1208 : i32
        %swap3A_1210 = arith.index_cast %select_n3A_1192 : i32 to index
        %swap3A_1211 = arith.index_cast %mul3A_1209 : i32 to index
        %swap3A_1212 = tpu.vector_load %arg7[%swap3A_1210, %swap3A_1211] {strides = array<i32>} : memref<8x128xi32, #tpu.memory_space<vmem>>, vector<1x16xi32>,
        %swap3A_1213 = vector.shape_cast %swap3A_1212 : vector<1x16xi32> to vector<16xi32>
        %swap3A_1214 = vector.shape_cast %add3A_1172 : vector<16xi32> to vector<1x16xi32>
        tpu.vector_store %arg7[%swap3A_1210, %swap3A_1211], %swap3A_1214 {strides = array<i32>} : memref<8x128xi32, #tpu.memory_space<vmem>>, vector<1x16xi32>,
        %scan3A_1215 = arith.constant 0 : i32
        scf.yield %scan3A_1215 : i32
      }
      %scan3A_974 = arith.constant 64 : i32
      %dma_start3A_975 = arith.constant 0 : i32
      %dma_start3A_976 = arith.constant 0 : i32
      %dma_start3A_977 = tpu.memref_slice %arg7[%dma_start3A_975, %dma_start3A_976] : memref<8x128xi32, #tpu.memory_space<vmem>> -> memref<1x128xi32, #tpu.memory_space<vmem>>
      %dma_start3A_978 = tpu.memref_squeeze %dma_start3A_977 : memref<1x128xi32, #tpu.memory_space<vmem>> -> memref<128xi32, #tpu.memory_space<vmem>>
      %dma_start3A_979 = arith.constant 0 : i32
      %dma_start3A_980 = tpu.memref_slice %arg16[%dma_start3A_979] : memref<4352xf32, #tpu.memory_space<vmem_shared>> -> memref<4352xf32, #tpu.memory_space<vmem_shared>>
      tpu.enqueue_indirect_dma source(%arg8 : memref<128xf32, #tpu.memory_space<vmem>>) target(%dma_start3A_980 : memref<4352xf32, #tpu.memory_space<vmem_shared>>) offsets(%dma_start3A_978 : memref<128xi32, #tpu.memory_space<vmem>>) semaphore(%arg17 : memref<!tpu.dma_semaphore, #tpu.memory_space<semaphore_mem>>) {add = true}
      %dma_start3A_981 = arith.constant 1 : i32
      %dma_start3A_982 = arith.constant 0 : i32
      %dma_start3A_983 = tpu.memref_slice %arg7[%dma_start3A_981, %dma_start3A_982] : memref<8x128xi32, #tpu.memory_space<vmem>> -> memref<1x128xi32, #tpu.memory_space<vmem>>
      %dma_start3A_984 = tpu.memref_squeeze %dma_start3A_983 : memref<1x128xi32, #tpu.memory_space<vmem>> -> memref<128xi32, #tpu.memory_space<vmem>>
      %dma_start3A_985 = arith.constant 0 : i32
      %dma_start3A_986 = tpu.memref_slice %arg16[%dma_start3A_985] : memref<4352xf32, #tpu.memory_space<vmem_shared>> -> memref<4352xf32, #tpu.memory_space<vmem_shared>>
      tpu.enqueue_indirect_dma source(%arg8 : memref<128xf32, #tpu.memory_space<vmem>>) target(%dma_start3A_986 : memref<4352xf32, #tpu.memory_space<vmem_shared>>) offsets(%dma_start3A_984 : memref<128xi32, #tpu.memory_space<vmem>>) semaphore(%arg17 : memref<!tpu.dma_semaphore, #tpu.memory_space<semaphore_mem>>) {add = true}
      %dma_start3A_987 = arith.constant 2 : i32
      %dma_start3A_988 = arith.constant 0 : i32
      %dma_start3A_989 = tpu.memref_slice %arg7[%dma_start3A_987, %dma_start3A_988] : memref<8x128xi32, #tpu.memory_space<vmem>> -> memref<1x128xi32, #tpu.memory_space<vmem>>
      %dma_start3A_990 = tpu.memref_squeeze %dma_start3A_989 : memref<1x128xi32, #tpu.memory_space<vmem>> -> memref<128xi32, #tpu.memory_space<vmem>>
      %dma_start3A_991 = arith.constant 0 : i32
      %dma_start3A_992 = tpu.memref_slice %arg16[%dma_start3A_991] : memref<4352xf32, #tpu.memory_space<vmem_shared>> -> memref<4352xf32, #tpu.memory_space<vmem_shared>>
      tpu.enqueue_indirect_dma source(%arg8 : memref<128xf32, #tpu.memory_space<vmem>>) target(%dma_start3A_992 : memref<4352xf32, #tpu.memory_space<vmem_shared>>) offsets(%dma_start3A_990 : memref<128xi32, #tpu.memory_space<vmem>>) semaphore(%arg17 : memref<!tpu.dma_semaphore, #tpu.memory_space<semaphore_mem>>) {add = true}
      %dma_start3A_993 = arith.constant 3 : i32
      %dma_start3A_994 = arith.constant 0 : i32
      %dma_start3A_995 = tpu.memref_slice %arg7[%dma_start3A_993, %dma_start3A_994] : memref<8x128xi32, #tpu.memory_space<vmem>> -> memref<1x128xi32, #tpu.memory_space<vmem>>
      %dma_start3A_996 = tpu.memref_squeeze %dma_start3A_995 : memref<1x128xi32, #tpu.memory_space<vmem>> -> memref<128xi32, #tpu.memory_space<vmem>>
      %dma_start3A_997 = arith.constant 0 : i32
      %dma_start3A_998 = tpu.memref_slice %arg16[%dma_start3A_997] : memref<4352xf32, #tpu.memory_space<vmem_shared>> -> memref<4352xf32, #tpu.memory_space<vmem_shared>>
      tpu.enqueue_indirect_dma source(%arg8 : memref<128xf32, #tpu.memory_space<vmem>>) target(%dma_start3A_998 : memref<4352xf32, #tpu.memory_space<vmem_shared>>) offsets(%dma_start3A_996 : memref<128xi32, #tpu.memory_space<vmem>>) semaphore(%arg17 : memref<!tpu.dma_semaphore, #tpu.memory_space<semaphore_mem>>) {add = true}
      %dma_start3A_999 = arith.constant 4 : i32
      %dma_start3A_1000 = arith.constant 0 : i32
      %dma_start3A_1001 = tpu.memref_slice %arg7[%dma_start3A_999, %dma_start3A_1000] : memref<8x128xi32, #tpu.memory_space<vmem>> -> memref<1x128xi32, #tpu.memory_space<vmem>>
      %dma_start3A_1002 = tpu.memref_squeeze %dma_start3A_1001 : memref<1x128xi32, #tpu.memory_space<vmem>> -> memref<128xi32, #tpu.memory_space<vmem>>
      %dma_start3A_1003 = arith.constant 0 : i32
      %dma_start3A_1004 = tpu.memref_slice %arg16[%dma_start3A_1003] : memref<4352xf32, #tpu.memory_space<vmem_shared>> -> memref<4352xf32, #tpu.memory_space<vmem_shared>>
      tpu.enqueue_indirect_dma source(%arg8 : memref<128xf32, #tpu.memory_space<vmem>>) target(%dma_start3A_1004 : memref<4352xf32, #tpu.memory_space<vmem_shared>>) offsets(%dma_start3A_1002 : memref<128xi32, #tpu.memory_space<vmem>>) semaphore(%arg17 : memref<!tpu.dma_semaphore, #tpu.memory_space<semaphore_mem>>) {add = true}
      %dma_start3A_1005 = arith.constant 5 : i32
      %dma_start3A_1006 = arith.constant 0 : i32
      %dma_start3A_1007 = tpu.memref_slice %arg7[%dma_start3A_1005, %dma_start3A_1006] : memref<8x128xi32, #tpu.memory_space<vmem>> -> memref<1x128xi32, #tpu.memory_space<vmem>>
      %dma_start3A_1008 = tpu.memref_squeeze %dma_start3A_1007 : memref<1x128xi32, #tpu.memory_space<vmem>> -> memref<128xi32, #tpu.memory_space<vmem>>
      %dma_start3A_1009 = arith.constant 0 : i32
      %dma_start3A_1010 = tpu.memref_slice %arg16[%dma_start3A_1009] : memref<4352xf32, #tpu.memory_space<vmem_shared>> -> memref<4352xf32, #tpu.memory_space<vmem_shared>>
      tpu.enqueue_indirect_dma source(%arg8 : memref<128xf32, #tpu.memory_space<vmem>>) target(%dma_start3A_1010 : memref<4352xf32, #tpu.memory_space<vmem_shared>>) offsets(%dma_start3A_1008 : memref<128xi32, #tpu.memory_space<vmem>>) semaphore(%arg17 : memref<!tpu.dma_semaphore, #tpu.memory_space<semaphore_mem>>) {add = true}
      %dma_start3A_1011 = arith.constant 6 : i32
      %dma_start3A_1012 = arith.constant 0 : i32
      %dma_start3A_1013 = tpu.memref_slice %arg7[%dma_start3A_1011, %dma_start3A_1012] : memref<8x128xi32, #tpu.memory_space<vmem>> -> memref<1x128xi32, #tpu.memory_space<vmem>>
      %dma_start3A_1014 = tpu.memref_squeeze %dma_start3A_1013 : memref<1x128xi32, #tpu.memory_space<vmem>> -> memref<128xi32, #tpu.memory_space<vmem>>
      %dma_start3A_1015 = arith.constant 0 : i32
      %dma_start3A_1016 = tpu.memref_slice %arg16[%dma_start3A_1015] : memref<4352xf32, #tpu.memory_space<vmem_shared>> -> memref<4352xf32, #tpu.memory_space<vmem_shared>>
      tpu.enqueue_indirect_dma source(%arg8 : memref<128xf32, #tpu.memory_space<vmem>>) target(%dma_start3A_1016 : memref<4352xf32, #tpu.memory_space<vmem_shared>>) offsets(%dma_start3A_1014 : memref<128xi32, #tpu.memory_space<vmem>>) semaphore(%arg17 : memref<!tpu.dma_semaphore, #tpu.memory_space<semaphore_mem>>) {add = true}
      %dma_start3A_1017 = arith.constant 7 : i32
      %dma_start3A_1018 = arith.constant 0 : i32
      %dma_start3A_1019 = tpu.memref_slice %arg7[%dma_start3A_1017, %dma_start3A_1018] : memref<8x128xi32, #tpu.memory_space<vmem>> -> memref<1x128xi32, #tpu.memory_space<vmem>>
      %dma_start3A_1020 = tpu.memref_squeeze %dma_start3A_1019 : memref<1x128xi32, #tpu.memory_space<vmem>> -> memref<128xi32, #tpu.memory_space<vmem>>
      %dma_start3A_1021 = arith.constant 0 : i32
      %dma_start3A_1022 = tpu.memref_slice %arg16[%dma_start3A_1021] : memref<4352xf32, #tpu.memory_space<vmem_shared>> -> memref<4352xf32, #tpu.memory_space<vmem_shared>>
      tpu.enqueue_indirect_dma source(%arg8 : memref<128xf32, #tpu.memory_space<vmem>>) target(%dma_start3A_1022 : memref<4352xf32, #tpu.memory_space<vmem_shared>>) offsets(%dma_start3A_1020 : memref<128xi32, #tpu.memory_space<vmem>>) semaphore(%arg17 : memref<!tpu.dma_semaphore, #tpu.memory_space<semaphore_mem>>) {add = true}
      %dma_wait3A_1023 = arith.constant 0 : i32
      %dma_wait3A_1024 = arith.constant 0 : i32
      %dma_wait3A_1025 = tpu.memref_slice %arg7[%dma_wait3A_1023, %dma_wait3A_1024] : memref<8x128xi32, #tpu.memory_space<vmem>> -> memref<1x128xi32, #tpu.memory_space<vmem>>
      %dma_wait3A_1026 = tpu.memref_squeeze %dma_wait3A_1025 : memref<1x128xi32, #tpu.memory_space<vmem>> -> memref<128xi32, #tpu.memory_space<vmem>>
      %dma_wait3A_1027 = arith.constant 0 : i32
      %dma_wait3A_1028 = tpu.memref_slice %arg16[%dma_wait3A_1027] : memref<4352xf32, #tpu.memory_space<vmem_shared>> -> memref<4352xf32, #tpu.memory_space<vmem_shared>>
      tpu.wait_indirect_dma semaphore(%arg17 : memref<!tpu.dma_semaphore, #tpu.memory_space<semaphore_mem>>) src(%arg8 : memref<128xf32, #tpu.memory_space<vmem>>) dst(%dma_wait3A_1028 : memref<4352xf32, #tpu.memory_space<vmem_shared>>)
      %dma_wait3A_1029 = arith.constant 1 : i32
      %dma_wait3A_1030 = arith.constant 0 : i32
      %dma_wait3A_1031 = tpu.memref_slice %arg7[%dma_wait3A_1029, %dma_wait3A_1030] : memref<8x128xi32, #tpu.memory_space<vmem>> -> memref<1x128xi32, #tpu.memory_space<vmem>>
      %dma_wait3A_1032 = tpu.memref_squeeze %dma_wait3A_1031 : memref<1x128xi32, #tpu.memory_space<vmem>> -> memref<128xi32, #tpu.memory_space<vmem>>
      %dma_wait3A_1033 = arith.constant 0 : i32
      %dma_wait3A_1034 = tpu.memref_slice %arg16[%dma_wait3A_1033] : memref<4352xf32, #tpu.memory_space<vmem_shared>> -> memref<4352xf32, #tpu.memory_space<vmem_shared>>
      tpu.wait_indirect_dma semaphore(%arg17 : memref<!tpu.dma_semaphore, #tpu.memory_space<semaphore_mem>>) src(%arg8 : memref<128xf32, #tpu.memory_space<vmem>>) dst(%dma_wait3A_1034 : memref<4352xf32, #tpu.memory_space<vmem_shared>>)
      %dma_wait3A_1035 = arith.constant 2 : i32
      %dma_wait3A_1036 = arith.constant 0 : i32
      %dma_wait3A_1037 = tpu.memref_slice %arg7[%dma_wait3A_1035, %dma_wait3A_1036] : memref<8x128xi32, #tpu.memory_space<vmem>> -> memref<1x128xi32, #tpu.memory_space<vmem>>
      %dma_wait3A_1038 = tpu.memref_squeeze %dma_wait3A_1037 : memref<1x128xi32, #tpu.memory_space<vmem>> -> memref<128xi32, #tpu.memory_space<vmem>>
      %dma_wait3A_1039 = arith.constant 0 : i32
      %dma_wait3A_1040 = tpu.memref_slice %arg16[%dma_wait3A_1039] : memref<4352xf32, #tpu.memory_space<vmem_shared>> -> memref<4352xf32, #tpu.memory_space<vmem_shared>>
      tpu.wait_indirect_dma semaphore(%arg17 : memref<!tpu.dma_semaphore, #tpu.memory_space<semaphore_mem>>) src(%arg8 : memref<128xf32, #tpu.memory_space<vmem>>) dst(%dma_wait3A_1040 : memref<4352xf32, #tpu.memory_space<vmem_shared>>)
      %dma_wait3A_1041 = arith.constant 3 : i32
      %dma_wait3A_1042 = arith.constant 0 : i32
      %dma_wait3A_1043 = tpu.memref_slice %arg7[%dma_wait3A_1041, %dma_wait3A_1042] : memref<8x128xi32, #tpu.memory_space<vmem>> -> memref<1x128xi32, #tpu.memory_space<vmem>>
      %dma_wait3A_1044 = tpu.memref_squeeze %dma_wait3A_1043 : memref<1x128xi32, #tpu.memory_space<vmem>> -> memref<128xi32, #tpu.memory_space<vmem>>
      %dma_wait3A_1045 = arith.constant 0 : i32
      %dma_wait3A_1046 = tpu.memref_slice %arg16[%dma_wait3A_1045] : memref<4352xf32, #tpu.memory_space<vmem_shared>> -> memref<4352xf32, #tpu.memory_space<vmem_shared>>
      tpu.wait_indirect_dma semaphore(%arg17 : memref<!tpu.dma_semaphore, #tpu.memory_space<semaphore_mem>>) src(%arg8 : memref<128xf32, #tpu.memory_space<vmem>>) dst(%dma_wait3A_1046 : memref<4352xf32, #tpu.memory_space<vmem_shared>>)
      %dma_wait3A_1047 = arith.constant 4 : i32
      %dma_wait3A_1048 = arith.constant 0 : i32
      %dma_wait3A_1049 = tpu.memref_slice %arg7[%dma_wait3A_1047, %dma_wait3A_1048] : memref<8x128xi32, #tpu.memory_space<vmem>> -> memref<1x128xi32, #tpu.memory_space<vmem>>
      %dma_wait3A_1050 = tpu.memref_squeeze %dma_wait3A_1049 : memref<1x128xi32, #tpu.memory_space<vmem>> -> memref<128xi32, #tpu.memory_space<vmem>>
      %dma_wait3A_1051 = arith.constant 0 : i32
      %dma_wait3A_1052 = tpu.memref_slice %arg16[%dma_wait3A_1051] : memref<4352xf32, #tpu.memory_space<vmem_shared>> -> memref<4352xf32, #tpu.memory_space<vmem_shared>>
      tpu.wait_indirect_dma semaphore(%arg17 : memref<!tpu.dma_semaphore, #tpu.memory_space<semaphore_mem>>) src(%arg8 : memref<128xf32, #tpu.memory_space<vmem>>) dst(%dma_wait3A_1052 : memref<4352xf32, #tpu.memory_space<vmem_shared>>)
      %dma_wait3A_1053 = arith.constant 5 : i32
      %dma_wait3A_1054 = arith.constant 0 : i32
      %dma_wait3A_1055 = tpu.memref_slice %arg7[%dma_wait3A_1053, %dma_wait3A_1054] : memref<8x128xi32, #tpu.memory_space<vmem>> -> memref<1x128xi32, #tpu.memory_space<vmem>>
      %dma_wait3A_1056 = tpu.memref_squeeze %dma_wait3A_1055 : memref<1x128xi32, #tpu.memory_space<vmem>> -> memref<128xi32, #tpu.memory_space<vmem>>
      %dma_wait3A_1057 = arith.constant 0 : i32
      %dma_wait3A_1058 = tpu.memref_slice %arg16[%dma_wait3A_1057] : memref<4352xf32, #tpu.memory_space<vmem_shared>> -> memref<4352xf32, #tpu.memory_space<vmem_shared>>
      tpu.wait_indirect_dma semaphore(%arg17 : memref<!tpu.dma_semaphore, #tpu.memory_space<semaphore_mem>>) src(%arg8 : memref<128xf32, #tpu.memory_space<vmem>>) dst(%dma_wait3A_1058 : memref<4352xf32, #tpu.memory_space<vmem_shared>>)
      %dma_wait3A_1059 = arith.constant 6 : i32
      %dma_wait3A_1060 = arith.constant 0 : i32
      %dma_wait3A_1061 = tpu.memref_slice %arg7[%dma_wait3A_1059, %dma_wait3A_1060] : memref<8x128xi32, #tpu.memory_space<vmem>> -> memref<1x128xi32, #tpu.memory_space<vmem>>
      %dma_wait3A_1062 = tpu.memref_squeeze %dma_wait3A_1061 : memref<1x128xi32, #tpu.memory_space<vmem>> -> memref<128xi32, #tpu.memory_space<vmem>>
      %dma_wait3A_1063 = arith.constant 0 : i32
      %dma_wait3A_1064 = tpu.memref_slice %arg16[%dma_wait3A_1063] : memref<4352xf32, #tpu.memory_space<vmem_shared>> -> memref<4352xf32, #tpu.memory_space<vmem_shared>>
      tpu.wait_indirect_dma semaphore(%arg17 : memref<!tpu.dma_semaphore, #tpu.memory_space<semaphore_mem>>) src(%arg8 : memref<128xf32, #tpu.memory_space<vmem>>) dst(%dma_wait3A_1064 : memref<4352xf32, #tpu.memory_space<vmem_shared>>)
      %dma_wait3A_1065 = arith.constant 7 : i32
      %dma_wait3A_1066 = arith.constant 0 : i32
      %dma_wait3A_1067 = tpu.memref_slice %arg7[%dma_wait3A_1065, %dma_wait3A_1066] : memref<8x128xi32, #tpu.memory_space<vmem>> -> memref<1x128xi32, #tpu.memory_space<vmem>>
      %dma_wait3A_1068 = tpu.memref_squeeze %dma_wait3A_1067 : memref<1x128xi32, #tpu.memory_space<vmem>> -> memref<128xi32, #tpu.memory_space<vmem>>
      %dma_wait3A_1069 = arith.constant 0 : i32
      %dma_wait3A_1070 = tpu.memref_slice %arg16[%dma_wait3A_1069] : memref<4352xf32, #tpu.memory_space<vmem_shared>> -> memref<4352xf32, #tpu.memory_space<vmem_shared>>
      tpu.wait_indirect_dma semaphore(%arg17 : memref<!tpu.dma_semaphore, #tpu.memory_space<semaphore_mem>>) src(%arg8 : memref<128xf32, #tpu.memory_space<vmem>>) dst(%dma_wait3A_1070 : memref<4352xf32, #tpu.memory_space<vmem_shared>>)
      %barrier3A_1071 = arith.constant 0 : index
      tpu.barrier barrier_id(%barrier3A_1071)
      "tpu.region"() ({
        %run_scoped3A = tpu.sem_alloc : memref<!tpu.dma_semaphore, #tpu.memory_space<semaphore_mem>>
        tpu.enqueue_dma source(%arg16 : memref<4352xf32, #tpu.memory_space<vmem_shared>>) target(%arg10 : memref<4352xf32, #tpu.memory_space<vmem>>) target_semaphore(%run_scoped3A : memref<!tpu.dma_semaphore, #tpu.memory_space<semaphore_mem>>)
        tpu.wait_dma2 semaphore(%run_scoped3A : memref<!tpu.dma_semaphore, #tpu.memory_space<semaphore_mem>>) src(%arg16 : memref<4352xf32, #tpu.memory_space<vmem_shared>>) dst(%arg10 : memref<4352xf32, #tpu.memory_space<vmem>>)
        tpu.yield
      }) : () -> ()
      %scan3A_1072 = arith.constant 0 : i32
      %scan3A_1073 = arith.constant 0 : i32
      %scan3A_1074 = arith.constant 17 : i32
      %scan3A_1075 = arith.addi %scan3A_1073, %scan3A_1074 : i32
      %scan3A_1076 = arith.constant 1 : i32
      %scan3A_1077 = scf.for %scan3A_1145 = %scan3A_1073 to %scan3A_1075 step %scan3A_1076 iter_args(%scan3A_1146 = %scan3A_1072) -> (i32)  : i32 {
        %broadcast_in_dim3A_1147 = arith.constant 0.000000e+00 : f32
        %broadcast_in_dim3A_1148 = vector.broadcast %broadcast_in_dim3A_1147 : f32 to vector<16xf32>
        %mul3A_1149 = arith.constant 16 : i32
        %mul3A_1150 = arith.muli %scan3A_1145, %mul3A_1149 : i32
        %swap3A_1151 = arith.index_cast %mul3A_1150 : i32 to index
        %swap3A_1152 = tpu.vector_load %arg5[%swap3A_1151] {strides = array<i32>} : memref<272xf32, #tpu.memory_space<vmem>>, vector<16xf32>,
        %swap3A_1153 = vector.shape_cast %swap3A_1152 : vector<16xf32> to vector<16xf32>
        %swap3A_1154 = vector.shape_cast %broadcast_in_dim3A_1148 : vector<16xf32> to vector<16xf32>
        tpu.vector_store %arg5[%swap3A_1151], %swap3A_1154 {strides = array<i32>} : memref<272xf32, #tpu.memory_space<vmem>>, vector<16xf32>,
        %scan3A_1155 = arith.constant 0 : i32
        scf.yield %scan3A_1155 : i32
      }
      %scan3A_1078 = arith.constant 17 : i32
      %scan3A_1079 = arith.constant 0 : i32
      %scan3A_1080 = arith.constant 0 : i32
      %scan3A_1081 = arith.constant 16 : i32
      %scan3A_1082 = arith.addi %scan3A_1080, %scan3A_1081 : i32
      %scan3A_1083 = arith.constant 1 : i32
      %scan3A_1084 = scf.for %scan3A_1145 = %scan3A_1080 to %scan3A_1082 step %scan3A_1083 iter_args(%scan3A_1146 = %scan3A_1079) -> (i32)  : i32 {
        %scan3A_1147 = arith.constant 0 : i32
        %scan3A_1148 = arith.constant 0 : i32
        %scan3A_1149 = arith.constant 17 : i32
        %scan3A_1150 = arith.addi %scan3A_1148, %scan3A_1149 : i32
        %scan3A_1151 = arith.constant 1 : i32
        %scan3A_1152 = scf.for %scan3A_1155 = %scan3A_1148 to %scan3A_1150 step %scan3A_1151 iter_args(%scan3A_1156 = %scan3A_1147) -> (i32)  : i32 {
          %mul3A_1157 = arith.constant 16 : i32
          %mul3A_1158 = arith.muli %scan3A_1155, %mul3A_1157 : i32
          %get3A_1159 = arith.index_cast %mul3A_1158 : i32 to index
          %get3A_1160 = tpu.vector_load %arg5[%get3A_1159] {strides = array<i32>} : memref<272xf32, #tpu.memory_space<vmem>>, vector<16xf32>,
          %get3A_1161 = vector.shape_cast %get3A_1160 : vector<16xf32> to vector<16xf32>
          %mul3A_1162 = arith.constant 272 : i32
          %mul3A_1163 = arith.muli %scan3A_1145, %mul3A_1162 : i32
          %mul3A_1164 = arith.constant 16 : i32
          %mul3A_1165 = arith.muli %scan3A_1155, %mul3A_1164 : i32
          %add3A_1166 = arith.addi %mul3A_1163, %mul3A_1165 : i32
          %get3A_1167 = arith.index_cast %add3A_1166 : i32 to index
          %get3A_1168 = tpu.vector_load %arg10[%get3A_1167] {strides = array<i32>} : memref<4352xf32, #tpu.memory_space<vmem>>, vector<16xf32>,
          %get3A_1169 = vector.shape_cast %get3A_1168 : vector<16xf32> to vector<16xf32>
          %add3A_1170 = arith.addf %get3A_1161, %get3A_1169 : vector<16xf32>
          %swap3A_1171 = arith.index_cast %mul3A_1158 : i32 to index
          %swap3A_1172 = tpu.vector_load %arg5[%swap3A_1171] {strides = array<i32>} : memref<272xf32, #tpu.memory_space<vmem>>, vector<16xf32>,
          %swap3A_1173 = vector.shape_cast %swap3A_1172 : vector<16xf32> to vector<16xf32>
          %swap3A_1174 = vector.shape_cast %add3A_1170 : vector<16xf32> to vector<16xf32>
          tpu.vector_store %arg5[%swap3A_1171], %swap3A_1174 {strides = array<i32>} : memref<272xf32, #tpu.memory_space<vmem>>, vector<16xf32>,
          %scan3A_1175 = arith.constant 0 : i32
          scf.yield %scan3A_1175 : i32
        }
        %scan3A_1153 = arith.constant 17 : i32
        %scan3A_1154 = arith.constant 0 : i32
        scf.yield %scan3A_1154 : i32
      }
      %scan3A_1085 = arith.constant 16 : i32
      %convert_element_type3A_1086 = arith.sitofp %sub3A_967 : i32 to f32
      %scan3A_1087 = arith.constant 0 : i32
      %scan3A_1088 = arith.constant 0 : i32
      %scan3A_1089 = arith.constant 7 : i32
      %scan3A_1090 = arith.addi %scan3A_1088, %scan3A_1089 : i32
      %scan3A_1091 = arith.constant 1 : i32
      %scan3A_1092 = scf.for %scan3A_1145 = %scan3A_1088 to %scan3A_1090 step %scan3A_1091 iter_args(%scan3A_1146 = %scan3A_1087) -> (i32)  : i32 {
        %sub3A_1147 = arith.constant 6 : i32
        %sub3A_1148 = arith.subi %sub3A_1147, %scan3A_1145 : i32
        %shift_left3A_1149 = arith.constant 1 : i32
        %shift_left3A_1150 = arith.shli %shift_left3A_1149, %sub3A_1148 : i32
        %or3A_1151 = arith.ori %scan3A_1146, %shift_left3A_1150 : i32
        %broadcast_in_dim3A_1152 = arith.constant 0.000000e+00 : f32
        %broadcast_in_dim3A_1153 = vector.broadcast %broadcast_in_dim3A_1152 : f32 to vector<16xf32>
        %scan3A_1154 = arith.constant 0 : i32
        %scan3A_1155 = arith.constant 16 : i32
        %scan3A_1156 = arith.addi %scan3A_1154, %scan3A_1155 : i32
        %scan3A_1157 = arith.constant 1 : i32
        %scan3A_1158 = scf.for %scan3A_1190 = %scan3A_1154 to %scan3A_1156 step %scan3A_1157 iter_args(%scan3A_1191 = %broadcast_in_dim3A_1153) -> (vector<16xf32>)  : i32 {
          %mul3A_1192 = arith.constant 16 : i32
          %mul3A_1193 = arith.muli %scan3A_1190, %mul3A_1192 : i32
          %add3A_1194 = vector.broadcast %mul3A_1193 : i32 to vector<16xi32>
          %add3A_1195 = arith.addi %add3A_1194, %iota3A : vector<16xi32>
          %mul3A_1196 = arith.constant 16 : i32
          %mul3A_1197 = arith.muli %scan3A_1190, %mul3A_1196 : i32
          %get3A_1198 = arith.index_cast %mul3A_1197 : i32 to index
          %get3A_1199 = tpu.vector_load %arg5[%get3A_1198] {strides = array<i32>} : memref<272xf32, #tpu.memory_space<vmem>>, vector<16xf32>,
          %get3A_1200 = vector.shape_cast %get3A_1199 : vector<16xf32> to vector<16xf32>
          %ge3A_1201 = vector.broadcast %or3A_1151 : i32 to vector<16xi32>
          %ge3A_1202 = arith.cmpi sge, %add3A_1195, %ge3A_1201 : vector<16xi32>
          %jit3A = arith.constant 0.000000e+00 : f32
          %broadcast_in_dim3A_1203 = vector.broadcast %jit3A : f32 to vector<16xf32>
          %select_n3A_1204 = arith.select %ge3A_1202, %get3A_1200, %broadcast_in_dim3A_1203 : vector<16xi1>, vector<16xf32>
          %add3A_1205 = arith.addf %scan3A_1191, %select_n3A_1204 : vector<16xf32>
          scf.yield %add3A_1205 : vector<16xf32>
        }
        %scan3A_1159 = arith.constant 16 : i32
        %xor3A_1160 = arith.constant 8 : i32
        %xor3A_1161 = vector.broadcast %xor3A_1160 : i32 to vector<16xi32>
        %xor3A_1162 = arith.xori %iota3A, %xor3A_1161 : vector<16xi32>
        %reshape3A_1163 = vector.shape_cast %xor3A_1162 : vector<16xi32> to vector<16x1xi32>
        %gather3A_1164 = vector.shape_cast %reshape3A_1163 : vector<16x1xi32> to vector<16xi32>
        %gather3A_1165 = tpu.dynamic_gather %scan3A_1158[%gather3A_1164] in [0] : vector<16xf32>, vector<16xi32> -> vector<16xf32>
        %add3A_1166 = arith.addf %scan3A_1158, %gather3A_1165 : vector<16xf32>
        %xor3A_1167 = arith.constant 4 : i32
        %xor3A_1168 = vector.broadcast %xor3A_1167 : i32 to vector<16xi32>
        %xor3A_1169 = arith.xori %iota3A, %xor3A_1168 : vector<16xi32>
        %reshape3A_1170 = vector.shape_cast %xor3A_1169 : vector<16xi32> to vector<16x1xi32>
        %gather3A_1171 = vector.shape_cast %reshape3A_1170 : vector<16x1xi32> to vector<16xi32>
        %gather3A_1172 = tpu.dynamic_gather %add3A_1166[%gather3A_1171] in [0] : vector<16xf32>, vector<16xi32> -> vector<16xf32>
        %add3A_1173 = arith.addf %add3A_1166, %gather3A_1172 : vector<16xf32>
        %xor3A_1174 = arith.constant 2 : i32
        %xor3A_1175 = vector.broadcast %xor3A_1174 : i32 to vector<16xi32>
        %xor3A_1176 = arith.xori %iota3A, %xor3A_1175 : vector<16xi32>
        %reshape3A_1177 = vector.shape_cast %xor3A_1176 : vector<16xi32> to vector<16x1xi32>
        %gather3A_1178 = vector.shape_cast %reshape3A_1177 : vector<16x1xi32> to vector<16xi32>
        %gather3A_1179 = tpu.dynamic_gather %add3A_1173[%gather3A_1178] in [0] : vector<16xf32>, vector<16xi32> -> vector<16xf32>
        %add3A_1180 = arith.addf %add3A_1173, %gather3A_1179 : vector<16xf32>
        %xor3A_1181 = arith.constant 1 : i32
        %xor3A_1182 = vector.broadcast %xor3A_1181 : i32 to vector<16xi32>
        %xor3A_1183 = arith.xori %iota3A, %xor3A_1182 : vector<16xi32>
        %reshape3A_1184 = vector.shape_cast %xor3A_1183 : vector<16xi32> to vector<16x1xi32>
        %gather3A_1185 = vector.shape_cast %reshape3A_1184 : vector<16x1xi32> to vector<16xi32>
        %gather3A_1186 = tpu.dynamic_gather %add3A_1180[%gather3A_1185] in [0] : vector<16xf32>, vector<16xi32> -> vector<16xf32>
        %add3A_1187 = arith.addf %add3A_1180, %gather3A_1186 : vector<16xf32>
        %slice3A_1188 = vector.extract_strided_slice %add3A_1187 {offsets = [0], sizes = [1], strides = [1]} : vector<16xf32> to vector<1xf32>
        %squeeze3A_1189 = vector.extract %slice3A_1188[0] : f32 from vector<1xf32>
        %ge3A = arith.cmpf oge, %squeeze3A_1189, %convert_element_type3A_1086 : f32
        %select_n3A = arith.select %ge3A, %or3A_1151, %scan3A_1146 : i32
        scf.yield %select_n3A : i32
      }
      %scan3A_1093 = arith.constant 7 : i32
      %add3A_1094 = arith.constant 1 : i32
      %add3A_1095 = arith.addi %scan3A_1092, %add3A_1094 : i32
      %broadcast_in_dim3A_1096 = arith.constant 0.000000e+00 : f32
      %broadcast_in_dim3A_1097 = vector.broadcast %broadcast_in_dim3A_1096 : f32 to vector<16xf32>
      %scan3A_1098 = arith.constant 0 : i32
      %scan3A_1099 = arith.constant 16 : i32
      %scan3A_1100 = arith.addi %scan3A_1098, %scan3A_1099 : i32
      %scan3A_1101 = arith.constant 1 : i32
      %scan3A_1102 = scf.for %scan3A_1145 = %scan3A_1098 to %scan3A_1100 step %scan3A_1101 iter_args(%scan3A_1146 = %broadcast_in_dim3A_1097) -> (vector<16xf32>)  : i32 {
        %mul3A_1147 = arith.constant 16 : i32
        %mul3A_1148 = arith.muli %scan3A_1145, %mul3A_1147 : i32
        %add3A_1149 = vector.broadcast %mul3A_1148 : i32 to vector<16xi32>
        %add3A_1150 = arith.addi %add3A_1149, %iota3A : vector<16xi32>
        %mul3A_1151 = arith.constant 16 : i32
        %mul3A_1152 = arith.muli %scan3A_1145, %mul3A_1151 : i32
        %get3A_1153 = arith.index_cast %mul3A_1152 : i32 to index
        %get3A_1154 = tpu.vector_load %arg5[%get3A_1153] {strides = array<i32>} : memref<272xf32, #tpu.memory_space<vmem>>, vector<16xf32>,
        %get3A_1155 = vector.shape_cast %get3A_1154 : vector<16xf32> to vector<16xf32>
        %ge3A = vector.broadcast %add3A_1095 : i32 to vector<16xi32>
        %ge3A_1156 = arith.cmpi sge, %add3A_1150, %ge3A : vector<16xi32>
        %jit3A = arith.constant 0.000000e+00 : f32
        %broadcast_in_dim3A_1157 = vector.broadcast %jit3A : f32 to vector<16xf32>
        %select_n3A = arith.select %ge3A_1156, %get3A_1155, %broadcast_in_dim3A_1157 : vector<16xi1>, vector<16xf32>
        %add3A_1158 = arith.addf %scan3A_1146, %select_n3A : vector<16xf32>
        scf.yield %add3A_1158 : vector<16xf32>
      }
      %scan3A_1103 = arith.constant 16 : i32
      %xor3A_1104 = arith.constant 8 : i32
      %xor3A_1105 = vector.broadcast %xor3A_1104 : i32 to vector<16xi32>
      %xor3A_1106 = arith.xori %iota3A, %xor3A_1105 : vector<16xi32>
      %reshape3A_1107 = vector.shape_cast %xor3A_1106 : vector<16xi32> to vector<16x1xi32>
      %gather3A_1108 = vector.shape_cast %reshape3A_1107 : vector<16x1xi32> to vector<16xi32>
      %gather3A_1109 = tpu.dynamic_gather %scan3A_1102[%gather3A_1108] in [0] : vector<16xf32>, vector<16xi32> -> vector<16xf32>
      %add3A_1110 = arith.addf %scan3A_1102, %gather3A_1109 : vector<16xf32>
      %xor3A_1111 = arith.constant 4 : i32
      %xor3A_1112 = vector.broadcast %xor3A_1111 : i32 to vector<16xi32>
      %xor3A_1113 = arith.xori %iota3A, %xor3A_1112 : vector<16xi32>
      %reshape3A_1114 = vector.shape_cast %xor3A_1113 : vector<16xi32> to vector<16x1xi32>
      %gather3A_1115 = vector.shape_cast %reshape3A_1114 : vector<16x1xi32> to vector<16xi32>
      %gather3A_1116 = tpu.dynamic_gather %add3A_1110[%gather3A_1115] in [0] : vector<16xf32>, vector<16xi32> -> vector<16xf32>
      %add3A_1117 = arith.addf %add3A_1110, %gather3A_1116 : vector<16xf32>
      %xor3A_1118 = arith.constant 2 : i32
      %xor3A_1119 = vector.broadcast %xor3A_1118 : i32 to vector<16xi32>
      %xor3A_1120 = arith.xori %iota3A, %xor3A_1119 : vector<16xi32>
      %reshape3A_1121 = vector.shape_cast %xor3A_1120 : vector<16xi32> to vector<16x1xi32>
      %gather3A_1122 = vector.shape_cast %reshape3A_1121 : vector<16x1xi32> to vector<16xi32>
      %gather3A_1123 = tpu.dynamic_gather %add3A_1117[%gather3A_1122] in [0] : vector<16xf32>, vector<16xi32> -> vector<16xf32>
      %add3A_1124 = arith.addf %add3A_1117, %gather3A_1123 : vector<16xf32>
      %xor3A_1125 = arith.constant 1 : i32
      %xor3A_1126 = vector.broadcast %xor3A_1125 : i32 to vector<16xi32>
      %xor3A_1127 = arith.xori %iota3A, %xor3A_1126 : vector<16xi32>
      %reshape3A_1128 = vector.shape_cast %xor3A_1127 : vector<16xi32> to vector<16x1xi32>
      %gather3A_1129 = vector.shape_cast %reshape3A_1128 : vector<16x1xi32> to vector<16xi32>
      %gather3A_1130 = tpu.dynamic_gather %add3A_1124[%gather3A_1129] in [0] : vector<16xf32>, vector<16xi32> -> vector<16xf32>
      %add3A_1131 = arith.addf %add3A_1124, %gather3A_1130 : vector<16xf32>
      %slice3A_1132 = vector.extract_strided_slice %add3A_1131 {offsets = [0], sizes = [1], strides = [1]} : vector<16xf32> to vector<1xf32>
      %squeeze3A_1133 = vector.extract %slice3A_1132[0] : f32 from vector<1xf32>
      %convert_element_type3A_1134 = arith.fptosi %squeeze3A_1133 : f32 to i32
      %sub3A_1135 = arith.subi %sub3A_967, %convert_element_type3A_1134 : i32
      %shift_left3A_1136 = arith.constant 7 : i32
      %shift_left3A_1137 = arith.shli %scan3A_924, %shift_left3A_1136 : i32
      %or3A_1138 = arith.ori %shift_left3A_1137, %scan3A_1092 : i32
      %broadcast_in_dim3A_1139 = vector.broadcast %or3A_1138 : i32 to vector<16xi32>
      %swap3A = arith.constant 0 : i32
      %swap3A_1140 = arith.index_cast %swap3A : i32 to index
      %swap3A_1141 = arith.constant 0 : index
      %swap3A_1142 = tpu.vector_load %arg7[%swap3A_1140, %swap3A_1141] {strides = array<i32>} : memref<8x128xi32, #tpu.memory_space<vmem>>, vector<1x16xi32>,
      %swap3A_1143 = vector.shape_cast %swap3A_1142 : vector<1x16xi32> to vector<16xi32>
      %swap3A_1144 = vector.shape_cast %broadcast_in_dim3A_1139 : vector<16xi32> to vector<1x16xi32>
      tpu.vector_store %arg7[%swap3A_1140, %swap3A_1141], %swap3A_1144 {strides = array<i32>} : memref<8x128xi32, #tpu.memory_space<vmem>>, vector<1x16xi32>,
    } else {
    }
    %not3A = arith.constant true
    %not3A_781 = arith.xori %gt3A, %not3A : i1
    %convert_element_type3A_782 = arith.extui %not3A_781 : i1 to i32
    %cond3A_783 = arith.constant 0 : i32
    %cond3A_784 = arith.cmpi ne, %convert_element_type3A_782, %cond3A_783 : i32
    scf.if %cond3A_784 {
      %broadcast_in_dim3A_800 = arith.constant 0 : i32
      %broadcast_in_dim3A_801 = vector.broadcast %broadcast_in_dim3A_800 : i32 to vector<16xi32>
      %swap3A = arith.constant 0 : i32
      %swap3A_802 = arith.index_cast %swap3A : i32 to index
      %swap3A_803 = arith.constant 0 : index
      %swap3A_804 = tpu.vector_load %arg7[%swap3A_802, %swap3A_803] {strides = array<i32>} : memref<8x128xi32, #tpu.memory_space<vmem>>, vector<1x16xi32>,
      %swap3A_805 = vector.shape_cast %swap3A_804 : vector<1x16xi32> to vector<16xi32>
      %swap3A_806 = vector.shape_cast %broadcast_in_dim3A_801 : vector<16xi32> to vector<1x16xi32>
      tpu.vector_store %arg7[%swap3A_802, %swap3A_803], %swap3A_806 {strides = array<i32>} : memref<8x128xi32, #tpu.memory_space<vmem>>, vector<1x16xi32>,
    } else {
    }
    %get3A = arith.constant 0 : i32
    %get3A_785 = arith.index_cast %get3A : i32 to index
    %get3A_786 = arith.constant 0 : index
    %get3A_787 = tpu.vector_load %arg7[%get3A_785, %get3A_786] {strides = array<i32>} : memref<8x128xi32, #tpu.memory_space<vmem>>, vector<1x16xi32>,
    %get3A_788 = vector.shape_cast %get3A_787 : vector<1x16xi32> to vector<16xi32>
    %slice3A_789 = vector.extract_strided_slice %get3A_788 {offsets = [0], sizes = [1], strides = [1]} : vector<16xi32> to vector<1xi32>
    %squeeze3A_790 = vector.extract %slice3A_789[0] : i32 from vector<1xi32>
    %xor3A_791 = arith.constant -2147483648 : i32
    %xor3A_792 = arith.xori %or3A_698, %xor3A_791 : i32
    %scan3A_793 = arith.constant 0 : i32
    %scan3A_794 = arith.constant 0 : i32
    %scan3A_795 = arith.constant 64 : i32
    %scan3A_796 = arith.addi %scan3A_794, %scan3A_795 : i32
    %scan3A_797 = arith.constant 1 : i32
    %scan3A_798 = scf.for %scan3A_800 = %scan3A_794 to %scan3A_796 step %scan3A_797 iter_args(%scan3A_801 = %scan3A_793) -> (i32)  : i32 {
      %mul3A_802 = arith.constant 16 : i32
      %mul3A_803 = arith.muli %scan3A_800, %mul3A_802 : i32
      %get3A_804 = arith.index_cast %mul3A_803 : i32 to index
      %get3A_805 = tpu.vector_load %arg4[%get3A_804] {strides = array<i32>} : memref<1024xi32, #tpu.memory_space<vmem>>, vector<16xi32>,
      %get3A_806 = vector.shape_cast %get3A_805 : vector<16xi32> to vector<16xi32>
      %xor3A_807 = arith.constant -2147483648 : i32
      %xor3A_808 = vector.broadcast %xor3A_807 : i32 to vector<16xi32>
      %xor3A_809 = arith.xori %get3A_806, %xor3A_808 : vector<16xi32>
      %mul3A_810 = arith.constant 16 : i32
      %mul3A_811 = arith.muli %scan3A_800, %mul3A_810 : i32
      %add3A_812 = arith.addi %mul3A_0, %mul3A_811 : i32
      %add3A_813 = vector.broadcast %add3A_812 : i32 to vector<16xi32>
      %add3A_814 = arith.addi %add3A_813, %iota3A : vector<16xi32>
      %sub3A_815 = arith.constant 16383 : i32
      %sub3A_816 = vector.broadcast %sub3A_815 : i32 to vector<16xi32>
      %sub3A_817 = arith.subi %sub3A_816, %add3A_814 : vector<16xi32>
      %gt3A_818 = vector.broadcast %xor3A_792 : i32 to vector<16xi32>
      %gt3A_819 = arith.cmpi sgt, %xor3A_809, %gt3A_818 : vector<16xi32>
      %eq3A = vector.broadcast %xor3A_792 : i32 to vector<16xi32>
      %eq3A_820 = arith.cmpi eq, %xor3A_809, %eq3A : vector<16xi32>
      %ge3A = vector.broadcast %squeeze3A_790 : i32 to vector<16xi32>
      %ge3A_821 = arith.cmpi sge, %sub3A_817, %ge3A : vector<16xi32>
      %and3A = arith.andi %eq3A_820, %ge3A_821 : vector<16xi1>
      %or3A_822 = arith.ori %gt3A_819, %and3A : vector<16xi1>
      %jit3A = arith.constant 1 : i32
      %jit3A_823 = arith.constant 0 : i32
      %broadcast_in_dim3A_824 = vector.broadcast %jit3A : i32 to vector<16xi32>
      %broadcast_in_dim3A_825 = vector.broadcast %jit3A_823 : i32 to vector<16xi32>
      %select_n3A = arith.select %or3A_822, %broadcast_in_dim3A_824, %broadcast_in_dim3A_825 : vector<16xi1>, vector<16xi32>
      %mul3A_826 = arith.constant 16 : i32
      %mul3A_827 = arith.muli %scan3A_800, %mul3A_826 : i32
      %swap3A = arith.index_cast %mul3A_827 : i32 to index
      %swap3A_828 = tpu.vector_load %arg6[%swap3A] {strides = array<i32>} : memref<1024xi32, #tpu.memory_space<vmem>>, vector<16xi32>,
      %swap3A_829 = vector.shape_cast %swap3A_828 : vector<16xi32> to vector<16xi32>
      %swap3A_830 = vector.shape_cast %select_n3A : vector<16xi32> to vector<16xi32>
      tpu.vector_store %arg6[%swap3A], %swap3A_830 {strides = array<i32>} : memref<1024xi32, #tpu.memory_space<vmem>>, vector<16xi32>,
      %scan3A_831 = arith.constant 0 : i32
      scf.yield %scan3A_831 : i32
    }
    %scan3A_799 = arith.constant 64 : i32
    "tpu.region"() ({
      %run_scoped3A = tpu.sem_alloc : memref<!tpu.dma_semaphore, #tpu.memory_space<semaphore_mem>>
      %dma_start3A_800 = tpu.memref_slice %arg3[%mul3A_0] : memref<16384xi32, #tpu.memory_space<hbm>> -> memref<1024xi32, #tpu.memory_space<hbm>>
      %dma_start3A_801 = tpu.memref_slice %arg3[%mul3A_0] : memref<16384xi32, #tpu.memory_space<hbm>> -> memref<1024xi32, #tpu.memory_space<hbm>>
      tpu.enqueue_dma source(%arg6 : memref<1024xi32, #tpu.memory_space<vmem>>) target(%dma_start3A_801 : memref<1024xi32, #tpu.memory_space<hbm>>) target_semaphore(%run_scoped3A : memref<!tpu.dma_semaphore, #tpu.memory_space<semaphore_mem>>)
      %dma_wait3A_802 = tpu.memref_slice %arg3[%mul3A_0] : memref<16384xi32, #tpu.memory_space<hbm>> -> memref<1024xi32, #tpu.memory_space<hbm>>
      %dma_wait3A_803 = tpu.memref_slice %arg3[%mul3A_0] : memref<16384xi32, #tpu.memory_space<hbm>> -> memref<1024xi32, #tpu.memory_space<hbm>>
      tpu.wait_dma2 semaphore(%run_scoped3A : memref<!tpu.dma_semaphore, #tpu.memory_space<semaphore_mem>>) src(%arg6 : memref<1024xi32, #tpu.memory_space<vmem>>) dst(%dma_wait3A_803 : memref<1024xi32, #tpu.memory_space<hbm>>)
      tpu.yield
    }) : () -> ()
    return
  }
}

module attributes {stable_mosaic.version = 14 : i64} {
  func.func @_tc_kernel(%arg0: i32, %arg1: memref<1x1024x2048xf32, #tpu.memory_space<vmem>>, %arg2: memref<1x2048xf32, #tpu.memory_space<vmem>>, %arg3: memref<8x128xf32, #tpu.memory_space<vmem>>, %arg4: memref<1xf32, #tpu.memory_space<smem>>, %arg5: memref<128x128xi32, #tpu.memory_space<vmem>>, %arg6: memref<1x1xf32, #tpu.memory_space<vmem>>, %arg7: memref<8x128xf32, #tpu.memory_space<vmem>>, %arg8: memref<8x128xf32, #tpu.memory_space<vmem>>) attributes {dimension_semantics = [#tpu.dimension_semantics<arbitrary>], iteration_bounds = array<i64: 16>, scalar_prefetch = 0 : i64, scratch_operands = 2 : i64, tpu.core_type = #tpu.core_type<tc>, window_params = [{transform_indices = @transform_0, window_bounds = array<i64: 1, 1024, 2048>}, {pipeline_mode = #tpu.pipeline_mode<synchronous>, transform_indices = @transform_1, window_bounds = array<i64: 1, 2048>}, {transform_indices = @transform_2, window_bounds = array<i64: 8, 128>}, {transform_indices = @transform_3, window_bounds = array<i64: 1>}, {pipeline_mode = #tpu.pipeline_mode<synchronous>, transform_indices = @transform_4, window_bounds = array<i64: 128, 128>}, {pipeline_mode = #tpu.pipeline_mode<synchronous>, transform_indices = @transform_5, window_bounds = array<i64: 1, 1>}]} {
    %get3A = arith.constant 0 : index
    %get3A_0 = arith.constant 0 : index
    %get3A_1 = arith.constant 0 : index
    %get3A_2 = vector.load %arg1[%get3A, %get3A_0, %get3A_1] : memref<1x1024x2048xf32, #tpu.memory_space<vmem>>, vector<1x1024x2048xf32>
    %get3A_3 = vector.shape_cast %get3A_2 : vector<1x1024x2048xf32> to vector<1024x2048xf32>
    %convert_element_type3A = arith.truncf %get3A_3 : vector<1024x2048xf32> to vector<1024x2048xbf16>
    %get3A_4 = arith.constant 0 : index
    %get3A_5 = arith.constant 0 : index
    %get3A_6 = vector.load %arg2[%get3A_4, %get3A_5] : memref<1x2048xf32, #tpu.memory_space<vmem>>, vector<1x2048xf32>
    %broadcast_in_dim3A = vector.shape_cast %get3A_6 : vector<1x2048xf32> to vector<1x2048xf32>
    %broadcast_in_dim3A_7 = vector.broadcast %broadcast_in_dim3A : vector<1x2048xf32> to vector<8x2048xf32>
    %convert_element_type3A_8 = arith.truncf %broadcast_in_dim3A_7 : vector<8x2048xf32> to vector<8x2048xbf16>
    %dot_general3A = arith.constant dense<0.000000e+00> : vector<8x1024xf32>
    %dot_general3A_9 = tpu.matmul %convert_element_type3A_8, %convert_element_type3A, %dot_general3A {dimension_numbers = #tpu.dot_dimension_numbers<[1], [1], [0], [0], [0, 0, 1, 0], [], []>, transpose_lhs_hint = false} : vector<8x2048xbf16>, vector<1024x2048xbf16>, vector<8x1024xf32> -> vector<8x1024xf32>
    %slice3A = vector.extract_strided_slice %dot_general3A_9 {offsets = [0, 0], sizes = [1, 1024], strides = [1, 1]} : vector<8x1024xf32> to vector<1x1024xf32>
    %reshape3A = vector.shape_cast %slice3A : vector<1x1024xf32> to vector<8x128xf32>
    %get3A_10 = arith.constant 0 : index
    %get3A_11 = memref.load %arg4[%get3A_10] : memref<1xf32, #tpu.memory_space<smem>>
    %add3A = vector.broadcast %get3A_11 : f32 to vector<8x128xf32>
    %add3A_12 = arith.addf %reshape3A, %add3A : vector<8x128xf32>
    %get3A_13 = arith.constant 0 : index
    %get3A_14 = arith.constant 0 : index
    %get3A_15 = vector.load %arg3[%get3A_13, %get3A_14] : memref<8x128xf32, #tpu.memory_space<vmem>>, vector<8x128xf32>
    %add3A_16 = arith.constant 1.000000e-10 : f32
    %add3A_17 = vector.broadcast %add3A_16 : f32 to vector<8x128xf32>
    %add3A_18 = arith.addf %get3A_15, %add3A_17 : vector<8x128xf32>
    %log3A = math.log %add3A_18 : vector<8x128xf32>
    %neg3A = arith.constant 0.000000e+00 : f32
    %neg3A_19 = vector.broadcast %neg3A : f32 to vector<8x128xf32>
    %neg3A_20 = arith.subf %neg3A_19, %log3A : vector<8x128xf32>
    %add3A_21 = arith.constant 1.000000e-10 : f32
    %add3A_22 = vector.broadcast %add3A_21 : f32 to vector<8x128xf32>
    %add3A_23 = arith.addf %neg3A_20, %add3A_22 : vector<8x128xf32>
    %log3A_24 = math.log %add3A_23 : vector<8x128xf32>
    %neg3A_25 = arith.constant 0.000000e+00 : f32
    %neg3A_26 = vector.broadcast %neg3A_25 : f32 to vector<8x128xf32>
    %neg3A_27 = arith.subf %neg3A_26, %log3A_24 : vector<8x128xf32>
    %add3A_28 = arith.addf %add3A_12, %neg3A_27 : vector<8x128xf32>
    %div3A = arith.constant 5.000000e-01 : f32
    %div3A_29 = vector.broadcast %div3A : f32 to vector<8x128xf32>
    %div3A_30 = arith.divf %add3A_28, %div3A_29 : vector<8x128xf32>
    %bitcast_convert_type3A = tpu.bitcast %div3A_30 : vector<8x128xf32> -> vector<8x128xi32>
    %lt3A = arith.constant 0 : i32
    %lt3A_31 = vector.broadcast %lt3A : i32 to vector<8x128xi32>
    %lt3A_32 = arith.cmpi slt, %bitcast_convert_type3A, %lt3A_31 : vector<8x128xi32>
    %not3A = arith.constant dense<-1> : vector<8x128xi32>
    %not3A_33 = arith.xori %bitcast_convert_type3A, %not3A : vector<8x128xi32>
    %xor3A = arith.constant -2147483648 : i32
    %xor3A_34 = vector.broadcast %xor3A : i32 to vector<8x128xi32>
    %xor3A_35 = arith.xori %bitcast_convert_type3A, %xor3A_34 : vector<8x128xi32>
    %select_n3A = arith.select %lt3A_32, %not3A_33, %xor3A_35 : vector<8x128xi1>, vector<8x128xi32>
    %mul3A = arith.constant 8 : i32
    %mul3A_36 = arith.muli %arg0, %mul3A : i32
    %swap3A = arith.index_cast %mul3A_36 : i32 to index
    %swap3A_37 = arith.constant 0 : index
    %swap3A_38 = vector.load %arg5[%swap3A, %swap3A_37] : memref<128x128xi32, #tpu.memory_space<vmem>>, vector<8x128xi32>
    tpu.vector_store %arg5[%swap3A, %swap3A_37], %select_n3A {strides = array<i32>} : memref<128x128xi32, #tpu.memory_space<vmem>>, vector<8x128xi32>,
    %logistic3A = arith.negf %add3A_12 : vector<8x128xf32>
    %logistic3A_39 = math.exp %logistic3A : vector<8x128xf32>
    %logistic3A_40 = arith.constant 1.000000e+00 : f32
    %logistic3A_41 = vector.broadcast %logistic3A_40 : f32 to vector<8x128xf32>
    %logistic3A_42 = arith.addf %logistic3A_41, %logistic3A_39 : vector<8x128xf32>
    %logistic3A_43 = arith.divf %logistic3A_41, %logistic3A_42 : vector<8x128xf32>
    %mul3A_44 = arith.mulf %add3A_12, %add3A_12 : vector<8x128xf32>
    %eq3A = arith.constant 0 : i32
    %eq3A_45 = arith.cmpi eq, %arg0, %eq3A : i32
    %convert_element_type3A_46 = arith.extui %eq3A_45 : i1 to i32
    %cond3A = arith.constant 0 : i32
    %cond3A_47 = arith.cmpi ne, %convert_element_type3A_46, %cond3A : i32
    scf.if %cond3A_47 {
      %swap3A_57 = arith.constant 0 : index
      %swap3A_58 = arith.constant 0 : index
      %swap3A_59 = vector.load %arg7[%swap3A_57, %swap3A_58] : memref<8x128xf32, #tpu.memory_space<vmem>>, vector<8x128xf32>
      tpu.vector_store %arg7[%swap3A_57, %swap3A_58], %logistic3A_43 {strides = array<i32>} : memref<8x128xf32, #tpu.memory_space<vmem>>, vector<8x128xf32>,
      %swap3A_60 = arith.constant 0 : index
      %swap3A_61 = arith.constant 0 : index
      %swap3A_62 = vector.load %arg8[%swap3A_60, %swap3A_61] : memref<8x128xf32, #tpu.memory_space<vmem>>, vector<8x128xf32>
      tpu.vector_store %arg8[%swap3A_60, %swap3A_61], %mul3A_44 {strides = array<i32>} : memref<8x128xf32, #tpu.memory_space<vmem>>, vector<8x128xf32>,
    } else {
    }
    %gt3A = arith.constant 0 : i32
    %gt3A_48 = arith.cmpi sgt, %arg0, %gt3A : i32
    %convert_element_type3A_49 = arith.extui %gt3A_48 : i1 to i32
    %cond3A_50 = arith.constant 0 : i32
    %cond3A_51 = arith.cmpi ne, %convert_element_type3A_49, %cond3A_50 : i32
    scf.if %cond3A_51 {
      %get3A_57 = arith.constant 0 : index
      %get3A_58 = arith.constant 0 : index
      %get3A_59 = vector.load %arg7[%get3A_57, %get3A_58] : memref<8x128xf32, #tpu.memory_space<vmem>>, vector<8x128xf32>
      %add3A_60 = arith.addf %get3A_59, %logistic3A_43 : vector<8x128xf32>
      %swap3A_61 = arith.constant 0 : index
      %swap3A_62 = arith.constant 0 : index
      %swap3A_63 = vector.load %arg7[%swap3A_61, %swap3A_62] : memref<8x128xf32, #tpu.memory_space<vmem>>, vector<8x128xf32>
      tpu.vector_store %arg7[%swap3A_61, %swap3A_62], %add3A_60 {strides = array<i32>} : memref<8x128xf32, #tpu.memory_space<vmem>>, vector<8x128xf32>,
      %get3A_64 = arith.constant 0 : index
      %get3A_65 = arith.constant 0 : index
      %get3A_66 = vector.load %arg8[%get3A_64, %get3A_65] : memref<8x128xf32, #tpu.memory_space<vmem>>, vector<8x128xf32>
      %add3A_67 = arith.addf %get3A_66, %mul3A_44 : vector<8x128xf32>
      %swap3A_68 = arith.constant 0 : index
      %swap3A_69 = arith.constant 0 : index
      %swap3A_70 = vector.load %arg8[%swap3A_68, %swap3A_69] : memref<8x128xf32, #tpu.memory_space<vmem>>, vector<8x128xf32>
      tpu.vector_store %arg8[%swap3A_68, %swap3A_69], %add3A_67 {strides = array<i32>} : memref<8x128xf32, #tpu.memory_space<vmem>>, vector<8x128xf32>,
    } else {
    }
    %eq3A_52 = arith.constant 15 : i32
    %eq3A_53 = arith.cmpi eq, %arg0, %eq3A_52 : i32
    %convert_element_type3A_54 = arith.extui %eq3A_53 : i1 to i32
    %cond3A_55 = arith.constant 0 : i32
    %cond3A_56 = arith.cmpi ne, %convert_element_type3A_54, %cond3A_55 : i32
    scf.if %cond3A_56 {
      %get3A_57 = arith.constant 0 : index
      %get3A_58 = arith.constant 0 : index
      %get3A_59 = vector.load %arg7[%get3A_57, %get3A_58] : memref<8x128xf32, #tpu.memory_space<vmem>>, vector<8x128xf32>
      %reduce_sum3A = vector.shape_cast %get3A_59 : vector<8x128xf32> to vector<1x8x128xf32>
      %reduce_sum3A_60 = arith.constant dense<0.000000e+00> : vector<1xf32>
      %reduce_sum3A_61 = vector.multi_reduction <add>, %reduce_sum3A, %reduce_sum3A_60 [1, 2] : vector<1x8x128xf32> to vector<1xf32>
      %reduce_sum3A_62 = vector.shape_cast %reduce_sum3A_61 : vector<1xf32> to vector<1x1x1xf32>
      %reduce_sum3A_63 = vector.extract %reduce_sum3A_62[0, 0, 0] : f32 from vector<1x1x1xf32>
      %div3A_64 = arith.constant 1.638400e+04 : f32
      %div3A_65 = arith.divf %reduce_sum3A_63, %div3A_64 : f32
      %get3A_66 = arith.constant 0 : index
      %get3A_67 = arith.constant 0 : index
      %get3A_68 = vector.load %arg8[%get3A_66, %get3A_67] : memref<8x128xf32, #tpu.memory_space<vmem>>, vector<8x128xf32>
      %reduce_sum3A_69 = vector.shape_cast %get3A_68 : vector<8x128xf32> to vector<1x8x128xf32>
      %reduce_sum3A_70 = arith.constant dense<0.000000e+00> : vector<1xf32>
      %reduce_sum3A_71 = vector.multi_reduction <add>, %reduce_sum3A_69, %reduce_sum3A_70 [1, 2] : vector<1x8x128xf32> to vector<1xf32>
      %reduce_sum3A_72 = vector.shape_cast %reduce_sum3A_71 : vector<1xf32> to vector<1x1x1xf32>
      %reduce_sum3A_73 = vector.extract %reduce_sum3A_72[0, 0, 0] : f32 from vector<1x1x1xf32>
      %div3A_74 = arith.constant 1.638400e+04 : f32
      %div3A_75 = arith.divf %reduce_sum3A_73, %div3A_74 : f32
      %sub3A = arith.constant 0.699999988 : f32
      %sub3A_76 = arith.subf %div3A_65, %sub3A : f32
      %integer_pow3A = arith.mulf %sub3A_76, %sub3A_76 : f32
      %add3A_77 = arith.constant 2.38302178E-9 : f32
      %add3A_78 = arith.addf %add3A_77, %integer_pow3A : f32
      %mul3A_79 = arith.constant 5.000000e-03 : f32
      %mul3A_80 = arith.mulf %mul3A_79, %add3A_78 : f32
      %mul3A_81 = arith.constant 5.000000e-06 : f32
      %mul3A_82 = arith.mulf %mul3A_81, %div3A_75 : f32
      %add3A_83 = arith.addf %mul3A_80, %mul3A_82 : f32
      %reshape3A_84 = vector.broadcast %add3A_83 : f32 to vector<1x1xf32>
      %swap3A_85 = arith.constant 0 : index
      %swap3A_86 = arith.constant 0 : index
      %swap3A_87 = vector.load %arg6[%swap3A_85, %swap3A_86] : memref<1x1xf32, #tpu.memory_space<vmem>>, vector<1x1xf32>
      tpu.vector_store %arg6[%swap3A_85, %swap3A_86], %reshape3A_84 {strides = array<i32>} : memref<1x1xf32, #tpu.memory_space<vmem>>, vector<1x1xf32>,
    } else {
    }
    return
  }
  func.func @transform_0(%arg0: i32) -> (i32, i32, i32) {
    %jit3A = arith.constant 4 : i32
    %div3A = arith.divsi %arg0, %jit3A : i32
    %sign3A = arith.constant 0 : i32
    %sign3A_0 = arith.cmpi sgt, %arg0, %sign3A : i32
    %sign3A_1 = arith.extui %sign3A_0 : i1 to i32
    %sign3A_2 = arith.constant 0 : i32
    %sign3A_3 = arith.cmpi slt, %arg0, %sign3A_2 : i32
    %sign3A_4 = arith.extui %sign3A_3 : i1 to i32
    %sign3A_5 = arith.subi %sign3A_1, %sign3A_4 : i32
    %sign3A_6 = arith.constant 0 : i32
    %sign3A_7 = arith.cmpi sgt, %jit3A, %sign3A_6 : i32
    %sign3A_8 = arith.extui %sign3A_7 : i1 to i32
    %sign3A_9 = arith.constant 0 : i32
    %sign3A_10 = arith.cmpi slt, %jit3A, %sign3A_9 : i32
    %sign3A_11 = arith.extui %sign3A_10 : i1 to i32
    %sign3A_12 = arith.subi %sign3A_8, %sign3A_11 : i32
    %ne3A = arith.cmpi ne, %sign3A_5, %sign3A_12 : i32
    %rem3A = arith.remsi %arg0, %jit3A : i32
    %ne3A_13 = arith.constant 0 : i32
    %ne3A_14 = arith.cmpi ne, %rem3A, %ne3A_13 : i32
    %and3A = arith.andi %ne3A, %ne3A_14 : i1
    %sub3A = arith.constant 1 : i32
    %sub3A_15 = arith.subi %div3A, %sub3A : i32
    %select_n3A = arith.select %and3A, %sub3A_15, %div3A : i32
    %jit3A_16 = arith.constant 4 : i32
    %eq3A = arith.constant 0 : i32
    %eq3A_17 = arith.cmpi eq, %jit3A_16, %eq3A : i32
    %jit3A_18 = arith.constant 1 : i32
    %select_n3A_19 = arith.select %eq3A_17, %jit3A_18, %jit3A_16 : i32
    %rem3A_20 = arith.remsi %arg0, %select_n3A_19 : i32
    %ne3A_21 = arith.constant 0 : i32
    %ne3A_22 = arith.cmpi ne, %rem3A_20, %ne3A_21 : i32
    %lt3A = arith.constant 0 : i32
    %lt3A_23 = arith.cmpi slt, %rem3A_20, %lt3A : i32
    %lt3A_24 = arith.constant 0 : i32
    %lt3A_25 = arith.cmpi slt, %select_n3A_19, %lt3A_24 : i32
    %ne3A_26 = arith.xori %lt3A_23, %lt3A_25 : i1
    %and3A_27 = arith.andi %ne3A_26, %ne3A_22 : i1
    %add3A = arith.addi %rem3A_20, %select_n3A_19 : i32
    %select_n3A_28 = arith.select %and3A_27, %add3A, %rem3A_20 : i32
    %c0_i32 = arith.constant 0 : i32
    %c0_i32_29 = arith.constant 0 : i32
    return %select_n3A, %select_n3A_28, %c0_i32 : i32, i32, i32
  }
  func.func @transform_1(%arg0: i32) -> (i32, i32) {
    %c0_i32 = arith.constant 0 : i32
    %c0_i32_0 = arith.constant 0 : i32
    %c0_i32_1 = arith.constant 0 : i32
    return %c0_i32, %c0_i32_0 : i32, i32
  }
  func.func @transform_2(%arg0: i32) -> (i32, i32) {
    %c0_i32 = arith.constant 0 : i32
    %c0_i32_0 = arith.constant 0 : i32
    return %arg0, %c0_i32 : i32, i32
  }
  func.func @transform_3(%arg0: i32) -> i32 {
    %c0_i32 = arith.constant 0 : i32
    %c0_i32_0 = arith.constant 0 : i32
    return %c0_i32 : i32
  }
  func.func @transform_4(%arg0: i32) -> (i32, i32) {
    %c0_i32 = arith.constant 0 : i32
    %c0_i32_0 = arith.constant 0 : i32
    %c0_i32_1 = arith.constant 0 : i32
    return %c0_i32, %c0_i32_0 : i32, i32
  }
  func.func @transform_5(%arg0: i32) -> (i32, i32) {
    %c0_i32 = arith.constant 0 : i32
    %c0_i32_0 = arith.constant 0 : i32
    %c0_i32_1 = arith.constant 0 : i32
    return %c0_i32, %c0_i32_0 : i32, i32
  }
}

</mosaic_0001>

<sc_bundles>
// kernel: kernel.4.cloned.1.call-start
scs
__scs_entry_jumppad:
0x0: {  	(pc) =	sbr.rel $0x88, $3  }
0x1: {  	(tag) =	ssettag $0x0;
	lr =	simm.s32 $0x1  }
0x2: {  	[smem:$0x3F9D] =	sst lr;
	_ =	strace $0xD0000000  }
0x3: {  	_ = 	snop  }
0x4: {  	_ = 	snop  }
0x5: {  	_ = 	snop  }
0x6: {  	_ = 	snop  }
0x7: {  	_ = 	snop  }
__scs_overlays_trampoline_lowered:
0x8: {  	[smem:$0x3FAC] =	sst s0  }
0x9: {  	[smem:$0x3FAD] =	sst s1  }
0xa: {  	[smem:$0x3FAE] =	sst s2  }
0xb: {  	[smem:$0x3FAF] =	sst s3  }
0xc: {  	[smem:$0x3FB0] =	sst s4  }
0xd: {  	[smem:$0x3FB1] =	sst s5  }
0xe: {  	[smem:$0x3FB2] =	sst s6  }
0xf: {  	[smem:$0x3FB3] =	sst s7  }
0x10: {  	[smem:$0x3FB4] =	sst s8  }
0x11: {  	[smem:$0x3FB5] =	sst s9;
	s0 =	simm.s32 @!p0 $0x0  }
0x12: {  	s1 =	sld [smem:$0x3F9B];
	s0 =	simm.s32 @p0 $0x1  }
0x13: {  	[smem:$0x3FB6] =	sst s0;
	s0 =	simm.s32 @!p1 $0x0  }
0x14: {  	s2 =	sld [smem:$0x3F9A];
	s0 =	simm.s32 @p1 $0x1  }
0x15: {  	[smem:$0x3FB7] =	sst s0;
	s0 =	simm.s32 @!p2 $0x0  }
0x16: {  	s3 =	sld [smem:$0x3FDB];
	s0 =	simm.s32 @p2 $0x1  }
0x17: {  	s4 =	simm.s32 $0x1BF5;
	[smem:$0x3FB9] =	sst s0  }
0x18: {  	s0 =	sld [smem:$0x3F9C];
	_ =	swait.ge [sflag:s4], $0x0  }
0x19: {  	s7 =	sld [smem:$0x3F9D]  }
0x1a: {  	s8 =	sadd.s32 $0xFFFFE003, lr  }
0x1b: {  	s9 =	sadd.s32 $0xFFFFFEF7, lr;
	s5 =	simm.s32 $0xFFFFFFFF;
	p2 =	slt.u32 s8, $0xFFFFF086  }
0x1c: {  	p1 =	slt.u32 s9, $0xF7A;
	s5 =	simm.s32 @!p2 $0x0  }
0x1d: {  	s5 =	simm.s32 @p1 $0x1;
	p0 =	seq.s32 s7, s2  }
0x1e: {  	s7 =	smul.u32 @!p0 $0xF7A, s2;
	p2 =	seq.s32 @!p0 s5, $0x0  }
0x1f: {  	s9 =	smul.u32 $0xF7A, s1;
	s8 =	simm.s32 @!p0 $0x1BF5;
	p2 =	por !p2, p0  }
0x20: {  	[sflag:s8] =	ssyncset.s32 @!p0 $0xFFFFF086;
	s6 =	sadd.s32 @!p0 s3, s7;
	s7 =	simm.s32 @!p0 $0x108  }
0x21: {  	s3 =	sadd.s32 s3, s9;
	s6 =	sadd.s32 @!p0 $0x88, s6;
	s7 =	simm.s32 @p2 $0x1082  }
0x22: {  	[simem:s7], [sflag:s8] =	dma.local @!p0 [hbm:s6], $0xF7A  }
0x23: {  	s9 =	sor.u32 $0xD0000000, s2;
	s6 =	simm.s32 $0x108;
	_ =	swait.ge @!p0 [sflag:s8], $0x0  }
0x24: {  	s3 =	sadd.s32 $0x88, s3;
	s6 =	simm.s32 @!p1 $0x1082;
	[sflag:s4] =	ssyncset.s32 $0xFFFFF086  }
0x25: {  	[simem:s6], [sflag:s4] =	dma.local [hbm:s3], $0xF7A  }
0x26: {  	[smem:$0x3F9D] =	sst s1;
	(tag) =	ssettag s2;
	_ =	strace s9  }
0x27: {  	s1 =	sld [smem:$0x3FAD]  }
0x28: {  	s2 =	sld [smem:$0x3FAE]  }
0x29: {  	s4 =	sld [smem:$0x3FB0]  }
0x2a: {  	p0 =	seq.s32 s5, $0x0;
	s5 =	sld [smem:$0x3FB1]  }
0x2b: {  	s6 =	sld [smem:$0x3FB2]  }
0x2c: {  	s7 =	sld [smem:$0x3FB3]  }
0x2d: {  	s3 =	simm.s32 $0x108;
	s8 =	sld [smem:$0x3FB4]  }
0x2e: {  	s3 =	simm.s32 @!p0 $0x1082;
	s9 =	sld [smem:$0x3FB5]  }
0x2f: {  	lr =	sadd.s32 s0, s3;
	s0 =	sld [smem:$0x3FAC]  }
0x30: {  	s3 =	sld [smem:$0x3FAF]  }
0x31: {  	[smem:$0x3FB8] =	sst s10  }
0x32: {  	s10 =	sld [smem:$0x3FB6];
	_ =	sdelay $0x3  }
0x33: {  	p0 =	seq.s32 s10, $0x1;
	s10 =	sld [smem:$0x3FB8];
	_ =	sdelay $0x3  }
0x34: {  	[smem:$0x3FB8] =	sst s10  }
0x35: {  	s10 =	sld [smem:$0x3FB7];
	_ =	sdelay $0x3  }
0x36: {  	p1 =	seq.s32 s10, $0x1;
	s10 =	sld [smem:$0x3FB8];
	_ =	sdelay $0x3  }
0x37: {  	[smem:$0x3FB8] =	sst s10  }
0x38: {  	s10 =	sld [smem:$0x3FB9]  }
0x39: {  	_ = 	snop;
	(pc) =	sbr.ind lr, $3  }
0x3a: {  	_ = 	snop  }
0x3b: {  	_ = 	snop  }
0x3c: {  	p2 =	seq.s32 s10, $0x1;
	s10 =	sld [smem:$0x3FB8]  }
0x3d: {  	_ =	shalt  }
0x3e: {  	_ =	shalt  }
0x3f: {  	_ =	shalt  }
0x40: {  	_ =	shalt  }
0x41: {  	_ =	shalt  }
0x42: {  	_ =	shalt  }
0x43: {  	_ =	shalt  }
0x44: {  	_ =	shalt  }
0x45: {  	_ =	shalt  }
0x46: {  	_ =	shalt  }
0x47: {  	_ =	shalt  }
0x48: {  	_ =	shalt  }
0x49: {  	_ =	shalt  }
0x4a: {  	_ =	shalt  }
0x4b: {  	_ =	shalt  }
0x4c: {  	_ =	shalt  }
0x4d: {  	_ =	shalt  }
0x4e: {  	_ =	shalt  }
0x4f: {  	_ =	shalt  }
0x50: {  	_ =	shalt  }
0x51: {  	_ =	shalt  }
0x52: {  	_ =	shalt  }
0x53: {  	_ =	shalt  }
0x54: {  	_ =	shalt  }
0x55: {  	_ =	shalt  }
0x56: {  	_ =	shalt  }
0x57: {  	_ =	shalt  }
0x58: {  	_ =	shalt  }
0x59: {  	_ =	shalt  }
0x5a: {  	_ =	shalt  }
0x5b: {  	_ =	shalt  }
0x5c: {  	_ =	shalt  }
0x5d: {  	_ =	shalt  }
0x5e: {  	_ =	shalt  }
0x5f: {  	_ =	shalt  }
0x60: {  	_ =	shalt  }
0x61: {  	_ =	shalt  }
0x62: {  	_ =	shalt  }
0x63: {  	_ =	shalt  }
0x64: {  	_ =	shalt  }
0x65: {  	_ =	shalt  }
0x66: {  	_ =	shalt  }
0x67: {  	_ =	shalt  }
0x68: {  	_ =	shalt  }
0x69: {  	_ =	shalt  }
0x6a: {  	_ =	shalt  }
0x6b: {  	_ =	shalt  }
0x6c: {  	_ =	shalt  }
0x6d: {  	_ =	shalt  }
0x6e: {  	_ =	shalt  }
0x6f: {  	_ =	shalt  }
0x70: {  	_ =	shalt  }
0x71: {  	_ =	shalt  }
0x72: {  	_ =	shalt  }
0x73: {  	_ =	shalt  }
0x74: {  	_ =	shalt  }
0x75: {  	_ =	shalt  }
0x76: {  	_ =	shalt  }
0x77: {  	_ =	shalt  }
0x78: {  	_ =	shalt  }
0x79: {  	_ =	shalt  }
0x7a: {  	_ =	shalt  }
0x7b: {  	_ =	shalt  }
0x7c: {  	_ =	shalt  }
0x7d: {  	_ =	shalt  }
0x7e: {  	_ =	shalt  }
0x7f: {  	_ =	shalt  }
0x80: {  	_ =	shalt  }
0x81: {  	_ =	shalt  }
0x82: {  	_ =	shalt  }
0x83: {  	_ =	shalt  }
0x84: {  	_ =	shalt  }
0x85: {  	_ =	shalt  }
0x86: {  	_ =	shalt  }
0x87: {  	_ =	shalt  }
.Lfunc_end0:
.L_simem_size_0:
called_computation_lowered:
.L_overlay_start_0:
0x88: {  	s0 =	sld [smem:$0x3FD9]  }
0x89: {  	s1 =	sld [smem:$0x3FFE];
	_ =	sdelay $0x3  }
0x8a: {  	s0 =	sadd.s32 s1, s0  }
0x8b: {  	[smem:$0x3FC4] =	sst s0  }
0x8c: {  	_ = 	snop  }
0x8d: {  	(tm) =	ssettm $0x1  }
0x8e: {  	s15 =	sld [smem:$0x3FFB];
	_ =	sdelay $0x3  }
0x8f: {  	_ =	strace s15  }
0x90: {  	s0 =	sld [smem:$0x3FFC];
	_ =	sdelay $0x3  }
0x91: {  	_ =	strace s0  }
0x92: {  	s0 =	sld [smem:$0x3FFD];
	_ =	sdelay $0x3  }
0x93: {  	_ =	strace s0  }
0x94: {  	_ =	strace $0x8FFFFFFF  }
0x95: {  	s16 =	sld [smem:$0x3FDB];
	_ =	sdelay $0x1  }
0x96: {  	s17 =	simm.s32 $_scs_section_size  }
0x97: {  	s2 =	simm.s32 $_size__tile_overlayer_lowered;
	s3 =	simm.s32 $_tile_overlayer_lowered  }
0x98: {  	s20 =	simm.s32 $0x1BFF;
	s19 =	sshll.u32 s3, $0x1;
	s0 =	sadd.s32 s17, s16  }
0x99: {  	s4 =	simm.s32 $0x0;
	s18 =	sshll.u32 s2, $0x1;
	s2 =	sadd.s32 s19, s0  }
0x9a: {  	[timem:s4], [sflag:s20] =	dma.local [hbm:s2], s18  }
0x9b: {  	_ =	swait.ge [sflag:s20], s18  }
0x9c: {  	s1 =	ssub.s32 $0x0, s18;
	[sflag:s20] =	ssyncset.done $0x0  }
0x9d: {  	[sflag:s20] =	ssyncadd.s32 s1;
	_ =	sdelay $0x1  }
0x9e: {  	s21 =	simm.s32 $0x1B8B  }
0x9f: {  	_ =	swait.ge [sflag:s21], $0x1  }
0xa0: {  	[sflag:s21] =	ssyncset.done $0x0  }
0xa1: {  	s23 =	simm.s32 $0x1B8E;
	s22 =	sld [smem:$0x3FFE];
	[sflag:s21] =	ssyncadd.s32 $0xFFFFFFFF  }
0xa2: {  	s24 =	simm.s32 $execute0_lowered;
	[smem:$0x3FD2] =	sst s23  }
0xa3: {  	s2 =	sshll.u32 s24, $0x1;
	_ =	strace $0x80000046;
	[dreg:$0x1] =	wrdreg $0xFFFFFFFF  }
0xa4: {  	s25 =	simm.s32 $_size_execute0_lowered;
	s0 =	sadd.s32 s0, s2;
	[dreg:$0x0] =	wrdreg $0x0  }
0xa5: {  	s2 =	sshll.u32 s25, $0x1;
	[dreg:$0x2] =	wrdreg s0  }
0xa6: {  	[dreg:$0x3] =	wrdreg s2  }
0xa7: {  	[dreg:$0x4] =	wrdreg $0xC0  }
0xa8: {  	_ =	task [dreg:s4], $0x5FFFF  }
0xa9: {  	[dreg:$0x1] =	wrdreg $0xFFFFFFFF  }
0xaa: {  	[dreg:$0x0] =	wrdreg $0x60  }
0xab: {  	[dreg:$0x2] =	wrdreg s22  }
0xac: {  	[dreg:$0x3] =	wrdreg $0x20800  }
0xad: {  	[dreg:$0x4] =	wrdreg $0x21900  }
0xae: {  	[dreg:$0x5] =	wrdreg $0x22A00  }
0xaf: {  	[dreg:$0x6] =	wrdreg $0x23B00  }
0xb0: {  	[dreg:$0x7] =	wrdreg $0x24C00  }
0xb1: {  	[dreg:$0x8] =	wrdreg $0x25D00  }
0xb2: {  	[dreg:$0x9] =	wrdreg $0x9  }
0xb3: {  	_ =	task.clear_ibuf [dreg:s4], $0xAFFFF;
	_ =	strace $0x90000046  }
0xb4: {  	s26 =	simm.s32 $0x9;
	_ =	strace $0x80000048  }
0xb5: {  	_ =	swait.ge [sflag:s26], $0x1  }
0xb6: {  	[sflag:s26] =	ssyncadd.s32 $0xFFFFFFFF  }
0xb7: {  	_ =	strace $0x90000048  }
0xb8: {  	_ =	sfence  }
0xb9: {  	s28 =	sld [smem:$0x0];
	_ =	sdelay $0x1  }
0xba: {  	s29 =	srdreg.scid  }
0xbb: {  	s30 =	sshll.u32 s29, $0xD;
	s31 =	sshrl.u32 s29, $0x2  }
0xbc: {  	s1 =	sand.u32 $0x1, s29;
	s2 =	sand.u32 $0x4000, s30;
	s0 =	sadd.s32 s31, s28  }
0xbd: {  	s1 =	sor.u32 s2, s1;
	s0 =	sshll.u32 s0, $0x11  }
0xbe: {  	s0 =	sor.u32 s0, s1  }
0xbf: {  	s0 =	sadd.s32 $0x8F2B, s0  }
0xc0: {  	[sflag:s0] =	ssyncadd.remote.s32 $0x1  }
0xc1: {  	_ =	sfence.sel $0xFFFF  }
0xc2: {  	[dreg:$0x0] =	wrdreg $0xFFFFFFFF;
	(pc) =	sbr.abs _section_cstart, $3  }
0xc3: {  	[dreg:$0x1] =	wrdreg $0xFFFFFFFF  }
0xc4: {  	_ =	task.clear_ibuf [dreg:s4], $0x2FFFF;
	_ =	strace $0x9FFFFFFF  }
0xc5: {  	(tm) =	ssettm $0x7FFFFFFF  }
tec
execute0_lowered:
.L_overlay_start_1:
0x0: {  	(tag) =	ssettag $0x1  }
0x1: {  	s3 =	rddreg [dreg:$0x0]  }
0x2: {  	s8 =	rddreg [dreg:$0x1]  }
0x3: {  	s9 =	rddreg [dreg:$0x2]  }
0x4: {  	s7 =	rddreg [dreg:$0x3]  }
0x5: {  	s6 =	rddreg [dreg:$0x4]  }
0x6: {  	s5 =	rddreg [dreg:$0x5]  }
0x7: {  	s4 =	rddreg [dreg:$0x6];
	s1 =	stileid.u32  }
0x8: {  	s0 =	rddreg [dreg:$0x7];
	s10 =	simm.s32 $0x0;
	s2 =	sshll.u32 s1, $0x7  }
0x9: {  	[smem:$0x7FF] =	sst s10;
	s11 =	sadd.s32 s2, s3  }
0xa: {  	s25 =	simm.s32 $0x2;
	_ =	strace $0x80000047;
	s11 =	sadd.s32 $0xA00, s11  }
0xb: {  	[tilespmem:s10], [sflag:$0x2] =	stream.linear.gather [hbm4b:s11+s10], $0x400, $0x38;
	[tilespmem:$0x26E0] =	vst v63  }
0xc: {  	_ =	swait.ge [sflag:s25], $0x400  }
0xd: {  	[sflag:s25] =	ssyncset.done $0x0  }
0xe: {  	v0 =	vimm.f32 $1.000000000e+00;
	[sflag:s25] =	ssyncadd.s32 $0xFFFFFC00  }
0xf: {  	[tilespmem:$0xD80] =	vst v0  }
0x10: {  	[tilespmem:$0xD90] =	vst v0  }
0x11: {  	[tilespmem:$0xDA0] =	vst v0  }
0x12: {  	[tilespmem:$0xDB0] =	vst v0  }
0x13: {  	[tilespmem:$0xDC0] =	vst v0  }
0x14: {  	[tilespmem:$0xDD0] =	vst v0  }
0x15: {  	[tilespmem:$0xDE0] =	vst v0  }
0x16: {  	[tilespmem:$0xDF0] =	vst v0;
	v0 =	vimm.f32 $0.0e+00  }
0x17: {  	[tilespmem:$0xE00] =	vst v0  }
0x18: {  	[tilespmem:$0xE10] =	vst v0  }
0x19: {  	[tilespmem:$0xE20] =	vst v0  }
0x1a: {  	[tilespmem:$0xE30] =	vst v0  }
0x1b: {  	[tilespmem:$0xE40] =	vst v0  }
0x1c: {  	[tilespmem:$0xE50] =	vst v0  }
0x1d: {  	[tilespmem:$0xE60] =	vst v0  }
0x1e: {  	[tilespmem:$0xE70] =	vst v0  }
0x1f: {  	[tilespmem:$0xE80] =	vst v0  }
0x20: {  	[tilespmem:$0xE90] =	vst v0  }
0x21: {  	[tilespmem:$0xEA0] =	vst v0  }
0x22: {  	[tilespmem:$0xEB0] =	vst v0  }
0x23: {  	[tilespmem:$0xEC0] =	vst v0  }
0x24: {  	[tilespmem:$0xED0] =	vst v0  }
0x25: {  	s12 =	smul.u32 $0x110, s1;
	[tilespmem:$0xEE0] =	vst v0  }
0x26: {  	[tilespmem:$0xEF0] =	vst v0  }
0x27: {  	s14 =	simm.s32 $0xE00;
	s13 =	sadd.s32 s12, s8;
	[tilespmem:$0xF00] =	vst v0  }
0x28: {  	[spmem:s13] =	stream.linear.scatter [tilespmem:s14], [sflag:$0x2], $0x110, $0x38;
	[tilespmem:$0x26E0] =	vst v63  }
0x29: {  	_ =	swait.ge [sflag:s25], $0x110  }
0x2a: {  	[sflag:s25] =	ssyncset.done $0x0  }
0x2b: {  	s26 =	sadd.s32 s12, s9;
	[sflag:s25] =	ssyncadd.s32 $0xFFFFFEF0  }
0x2c: {  	[spmem:s26] =	stream.linear.scatter [tilespmem:s14], [sflag:$0x2], $0x110, $0x38;
	[tilespmem:$0x26E0] =	vst v63  }
0x2d: {  	_ =	swait.ge [sflag:s25], $0x110  }
0x2e: {  	[sflag:s25] =	ssyncset.done $0x0  }
0x2f: {  	s28 =	sadd.s32 s12, s7;
	[sflag:s25] =	ssyncadd.s32 $0xFFFFFEF0  }
0x30: {  	[spmem:s28] =	stream.linear.scatter [tilespmem:s14], [sflag:$0x2], $0x110, $0x38;
	[tilespmem:$0x26E0] =	vst v63  }
0x31: {  	_ =	swait.ge [sflag:s25], $0x110  }
0x32: {  	[sflag:s25] =	ssyncset.done $0x0  }
0x33: {  	s29 =	sadd.s32 s12, s6;
	[sflag:s25] =	ssyncadd.s32 $0xFFFFFEF0  }
0x34: {  	[spmem:s29] =	stream.linear.scatter [tilespmem:s14], [sflag:$0x2], $0x110, $0x38;
	[tilespmem:$0x26E0] =	vst v63  }
0x35: {  	_ =	swait.ge [sflag:s25], $0x110  }
0x36: {  	[sflag:s25] =	ssyncset.done $0x0  }
0x37: {  	s30 =	sadd.s32 s12, s5;
	[sflag:s25] =	ssyncadd.s32 $0xFFFFFEF0  }
0x38: {  	[spmem:s30] =	stream.linear.scatter [tilespmem:s14], [sflag:$0x2], $0x110, $0x38;
	[tilespmem:$0x26E0] =	vst v63  }
0x39: {  	_ =	swait.ge [sflag:s25], $0x110  }
0x3a: {  	[sflag:s25] =	ssyncset.done $0x0  }
0x3b: {  	s31 =	sadd.s32 s12, s4;
	[sflag:s25] =	ssyncadd.s32 $0xFFFFFEF0  }
0x3c: {  	[spmem:s31] =	stream.linear.scatter [tilespmem:s14], [sflag:$0x2], $0x110, $0x38;
	[tilespmem:$0x26E0] =	vst v63  }
0x3d: {  	_ =	swait.ge [sflag:s25], $0x110  }
0x3e: {  	[sflag:s25] =	ssyncset.done $0x0  }
0x3f: {  	s3 =	sadd.s32 $0x1200, s3;
	s11 =	simm.s32 $0x0;
	[sflag:s25] =	ssyncadd.s32 $0xFFFFFEF0  }
0x40: {  	v0 =	vmov s12;
	s12 =	simm.s32 $0x10;
	s13 =	simm.s32 $0x0;
	[bflag:$0x0] =	sbarrier.arrive $0xFFFF  }
.LBB2_1:
0x41: {  	p0 =	sne.s32 s12, $0x3F0;
	v1 =	vld [tilespmem:s13+$0x0];
	_ =	sdelay $0x2  }
.Ltmp0:
0x42: {  	(pc) =	sbr.rel @p0 .LBB2_1-.Ltmp0, $4  }
0x43: {  	s13 =	sand.u32 $0xE00, s10  }
0x44: {  	s14 =	sand.u32 $0x70, s11;
	s11 =	smov.u32 s12;
	s13 =	sshrl.u32 s13, $0x2;
	v1 =	vshrl.u32 v1, $0x18  }
0x45: {  	s10 =	sadd.s32 $0x40, s10;
	s14 =	sor.u32 s14, s13;
	v1 =	vadd.s32 v0, v1  }
0x46: {  	s12 =	sadd.s32 $0x10, s12;
	s13 =	sshra.s32 s10, $0x2;
	[tilespmem:s14+$0x980] =	vst v1  }
0x47: {  	v1 =	vld [tilespmem:s13+$0x0];
	_ =	sdelay $0x3  }
0x48: {  	s10 =	sand.u32 $0xE00, s10  }
0x49: {  	s11 =	sand.u32 $0x70, s11;
	s10 =	sshrl.u32 s10, $0x2;
	v1 =	vshrl.u32 v1, $0x18  }
0x4a: {  	s10 =	sor.u32 s11, s10;
	v1 =	vadd.s32 v0, v1  }
0x4b: {  	s19 =	simm.s32 $0x80;
	s20 =	simm.s32 $0x980;
	s12 =	simm.s32 $0xD80;
	[tilespmem:s10+$0x980] =	vst v1  }
0x4c: {  	[spmem:s8] =	stream.indirect.scatter.add.f32 [tilespmem:s12], [sflag:$0x1], $0x1, s20, s19, $0xb8;
	[tilespmem:$0x26E0] =	vst v63  }
0x4d: {  	s21 =	simm.s32 $0xA00  }
0x4e: {  	[spmem:s8] =	stream.indirect.scatter.add.f32 [tilespmem:s12], [sflag:$0x1], $0x1, s21, s19, $0xb8;
	[tilespmem:$0x26E0] =	vst v63  }
0x4f: {  	s22 =	simm.s32 $0xA80  }
0x50: {  	[spmem:s8] =	stream.indirect.scatter.add.f32 [tilespmem:s12], [sflag:$0x1], $0x1, s22, s19, $0xb8;
	[tilespmem:$0x26E0] =	vst v63  }
0x51: {  	s23 =	simm.s32 $0xB00  }
0x52: {  	[spmem:s8] =	stream.indirect.scatter.add.f32 [tilespmem:s12], [sflag:$0x1], $0x1, s23, s19, $0xb8;
	[tilespmem:$0x26E0] =	vst v63  }
0x53: {  	s24 =	simm.s32 $0xB80  }
0x54: {  	[spmem:s8] =	stream.indirect.scatter.add.f32 [tilespmem:s12], [sflag:$0x1], $0x1, s24, s19, $0xb8;
	[tilespmem:$0x26E0] =	vst v63  }
0x55: {  	s25 =	simm.s32 $0xC00  }
0x56: {  	[spmem:s8] =	stream.indirect.scatter.add.f32 [tilespmem:s12], [sflag:$0x1], $0x1, s25, s19, $0xb8;
	[tilespmem:$0x26E0] =	vst v63  }
0x57: {  	s26 =	simm.s32 $0xC80  }
0x58: {  	[spmem:s8] =	stream.indirect.scatter.add.f32 [tilespmem:s12], [sflag:$0x1], $0x1, s26, s19, $0xb8;
	[tilespmem:$0x26E0] =	vst v63  }
0x59: {  	s28 =	simm.s32 $0xD00;
	s29 =	simm.s32 $0x1  }
0x5a: {  	[spmem:s8] =	stream.indirect.scatter.add.f32 [tilespmem:s12], [sflag:$0x1], $0x1, s28, s19, $0xb8;
	[tilespmem:$0x26E0] =	vst v63  }
0x5b: {  	_ =	swait.ge [sflag:s29], $0x80  }
0x5c: {  	[sflag:s29] =	ssyncset.done $0x0  }
0x5d: {  	[sflag:s29] =	ssyncadd.s32 $0xFFFFFF80  }
0x5e: {  	_ =	swait.ge [sflag:s29], $0x80  }
0x5f: {  	[sflag:s29] =	ssyncset.done $0x0  }
0x60: {  	[sflag:s29] =	ssyncadd.s32 $0xFFFFFF80  }
0x61: {  	_ =	swait.ge [sflag:s29], $0x80  }
0x62: {  	[sflag:s29] =	ssyncset.done $0x0  }
0x63: {  	[sflag:s29] =	ssyncadd.s32 $0xFFFFFF80  }
0x64: {  	_ =	swait.ge [sflag:s29], $0x80  }
0x65: {  	[sflag:s29] =	ssyncset.done $0x0  }
0x66: {  	[sflag:s29] =	ssyncadd.s32 $0xFFFFFF80  }
0x67: {  	_ =	swait.ge [sflag:s29], $0x80  }
0x68: {  	[sflag:s29] =	ssyncset.done $0x0  }
0x69: {  	[sflag:s29] =	ssyncadd.s32 $0xFFFFFF80  }
0x6a: {  	_ =	swait.ge [sflag:s29], $0x80  }
0x6b: {  	[sflag:s29] =	ssyncset.done $0x0  }
0x6c: {  	[sflag:s29] =	ssyncadd.s32 $0xFFFFFF80  }
0x6d: {  	_ =	swait.ge [sflag:s29], $0x80  }
0x6e: {  	[sflag:s29] =	ssyncset.done $0x0  }
0x6f: {  	[sflag:s29] =	ssyncadd.s32 $0xFFFFFF80  }
0x70: {  	_ =	swait.ge [sflag:s29], $0x80  }
0x71: {  	[sflag:s29] =	ssyncset.done $0x0  }
0x72: {  	[sflag:s29] =	ssyncadd.s32 $0xFFFFFF80  }
0x73: {  	s30 =	simm.s32 $0xF80;
	s31 =	simm.s32 $0x2;
	[bflag:$0x0] =	sbarrier.arrive $0xFFFF  }
0x74: {  	[tilespmem:s30], [sflag:$0x2] =	stream.linear.gather [spmem:s8], $0x1100, $0x38;
	[tilespmem:$0x26E0] =	vst v63  }
0x75: {  	_ =	swait.ge [sflag:s31], $0x1100  }
0x76: {  	[sflag:s31] =	ssyncset.done $0x0  }
0x77: {  	v9 =	vimm.f32 $0.0e+00;
	[sflag:s31] =	ssyncadd.s32 $0xFFFFEF00  }
0x78: {  	[tilespmem:$0x400] =	vst v9  }
0x79: {  	[tilespmem:$0x410] =	vst v9  }
0x7a: {  	[tilespmem:$0x420] =	vst v9  }
0x7b: {  	[tilespmem:$0x430] =	vst v9  }
0x7c: {  	[tilespmem:$0x440] =	vst v9  }
0x7d: {  	[tilespmem:$0x450] =	vst v9  }
0x7e: {  	[tilespmem:$0x460] =	vst v9  }
0x7f: {  	[tilespmem:$0x470] =	vst v9  }
0x80: {  	[tilespmem:$0x480] =	vst v9  }
0x81: {  	[tilespmem:$0x490] =	vst v9  }
0x82: {  	[tilespmem:$0x4A0] =	vst v9  }
0x83: {  	[tilespmem:$0x4B0] =	vst v9  }
0x84: {  	v16 =	vimm.f32 $0.0e+00;
	v15 =	vimm.f32 $0.0e+00;
	v14 =	vimm.f32 $0.0e+00;
	[tilespmem:$0x4C0] =	vst v9  }
0x85: {  	v13 =	vimm.f32 $0.0e+00;
	v12 =	vimm.f32 $0.0e+00;
	v11 =	vimm.f32 $0.0e+00;
	[tilespmem:$0x4D0] =	vst v9  }
0x86: {  	v10 =	vimm.f32 $0.0e+00;
	v8 =	vimm.f32 $0.0e+00;
	v7 =	vimm.f32 $0.0e+00;
	[tilespmem:$0x4E0] =	vst v9  }
0x87: {  	v6 =	vimm.f32 $0.0e+00;
	v4 =	vimm.f32 $0.0e+00;
	v2 =	vimm.f32 $0.0e+00;
	[tilespmem:$0x4F0] =	vst v9  }
0x88: {  	v5 =	vimm.f32 $0.0e+00;
	v3 =	vimm.f32 $0.0e+00;
	s11 =	simm.s32 $0x440;
	s10 =	simm.s32 $0x0;
	v1 =	vimm.f32 $0.0e+00;
	s8 =	simm.s32 $0x0;
	[tilespmem:$0x500] =	vst v9;
	v17 =	vld [tilespmem:$0x400]  }
.LBB2_3:
0x89: {  	p0 =	sne.s32 s11, $0x3FC0;
	v18 =	vld [tilespmem:s10+$0xF80];
	_ =	sdelay $0x4  }
0x8a: {  	v17 =	vadd.f32 v18, v17;
	_ =	sdelay $0x1  }
0x8b: {  	[tilespmem:$0x400] =	vst v17  }
0x8c: {  	v18 =	vld [tilespmem:s10+$0xF90];
	_ =	sdelay $0x4  }
0x8d: {  	v9 =	vadd.f32 v18, v9;
	_ =	sdelay $0x1  }
0x8e: {  	[tilespmem:$0x410] =	vst v9  }
0x8f: {  	v18 =	vld [tilespmem:s10+$0xFA0];
	_ =	sdelay $0x4  }
0x90: {  	v16 =	vadd.f32 v18, v16;
	_ =	sdelay $0x1  }
0x91: {  	[tilespmem:$0x420] =	vst v16  }
0x92: {  	v18 =	vld [tilespmem:s10+$0xFB0];
	_ =	sdelay $0x4  }
0x93: {  	v15 =	vadd.f32 v18, v15;
	_ =	sdelay $0x1  }
0x94: {  	[tilespmem:$0x430] =	vst v15  }
0x95: {  	v18 =	vld [tilespmem:s10+$0xFC0];
	_ =	sdelay $0x4  }
0x96: {  	v14 =	vadd.f32 v18, v14;
	_ =	sdelay $0x1  }
0x97: {  	[tilespmem:$0x440] =	vst v14  }
0x98: {  	v18 =	vld [tilespmem:s10+$0xFD0];
	_ =	sdelay $0x4  }
0x99: {  	v13 =	vadd.f32 v18, v13;
	_ =	sdelay $0x1  }
0x9a: {  	[tilespmem:$0x450] =	vst v13  }
0x9b: {  	v18 =	vld [tilespmem:s10+$0xFE0];
	_ =	sdelay $0x4  }
0x9c: {  	v12 =	vadd.f32 v18, v12;
	_ =	sdelay $0x1  }
0x9d: {  	[tilespmem:$0x460] =	vst v12  }
0x9e: {  	v18 =	vld [tilespmem:s10+$0xFF0];
	_ =	sdelay $0x4  }
0x9f: {  	v11 =	vadd.f32 v18, v11;
	_ =	sdelay $0x1  }
0xa0: {  	[tilespmem:$0x470] =	vst v11  }
0xa1: {  	v18 =	vld [tilespmem:s10+$0x1000];
	_ =	sdelay $0x4  }
0xa2: {  	v10 =	vadd.f32 v18, v10;
	_ =	sdelay $0x1  }
0xa3: {  	[tilespmem:$0x480] =	vst v10  }
0xa4: {  	v18 =	vld [tilespmem:s10+$0x1010];
	_ =	sdelay $0x4  }
0xa5: {  	v8 =	vadd.f32 v18, v8;
	_ =	sdelay $0x1  }
0xa6: {  	[tilespmem:$0x490] =	vst v8  }
0xa7: {  	v18 =	vld [tilespmem:s10+$0x1020];
	_ =	sdelay $0x4  }
0xa8: {  	v7 =	vadd.f32 v18, v7;
	_ =	sdelay $0x1  }
0xa9: {  	[tilespmem:$0x4A0] =	vst v7  }
0xaa: {  	v18 =	vld [tilespmem:s10+$0x1030];
	_ =	sdelay $0x4  }
0xab: {  	v6 =	vadd.f32 v18, v6;
	_ =	sdelay $0x1  }
0xac: {  	[tilespmem:$0x4B0] =	vst v6  }
0xad: {  	v18 =	vld [tilespmem:s10+$0x1040];
	_ =	sdelay $0x4  }
0xae: {  	v4 =	vadd.f32 v18, v4;
	_ =	sdelay $0x1  }
0xaf: {  	[tilespmem:$0x4C0] =	vst v4  }
0xb0: {  	v18 =	vld [tilespmem:s10+$0x1050];
	_ =	sdelay $0x4  }
0xb1: {  	v2 =	vadd.f32 v18, v2;
	_ =	sdelay $0x1  }
0xb2: {  	[tilespmem:$0x4D0] =	vst v2  }
0xb3: {  	v18 =	vld [tilespmem:s10+$0x1060];
	_ =	sdelay $0x4  }
0xb4: {  	v5 =	vadd.f32 v18, v5;
	_ =	sdelay $0x1  }
0xb5: {  	[tilespmem:$0x4E0] =	vst v5  }
0xb6: {  	v18 =	vld [tilespmem:s10+$0x1070];
	_ =	sdelay $0x4  }
0xb7: {  	v3 =	vadd.f32 v18, v3;
	_ =	sdelay $0x1  }
0xb8: {  	[tilespmem:$0x4F0] =	vst v3  }
0xb9: {  	v18 =	vld [tilespmem:s10+$0x1080];
	_ =	sdelay $0x2  }
.Ltmp1:
0xba: {  	(pc) =	sbr.rel @p0 .LBB2_3-.Ltmp1, $3  }
0xbb: {  	_ = 	snop  }
0xbc: {  	v1 =	vadd.f32 v18, v1;
	_ =	sdelay $0x1  }
0xbd: {  	s10 =	sshra.s32 s11, $0x2;
	s11 =	sadd.s32 $0x440, s11;
	[tilespmem:$0x500] =	vst v1  }
0xbe: {  	v18 =	vld [tilespmem:s10+$0xF80];
	_ =	sdelay $0x4  }
0xbf: {  	v17 =	vadd.f32 v18, v17;
	_ =	sdelay $0x1  }
0xc0: {  	[tilespmem:$0x400] =	vst v17  }
0xc1: {  	v17 =	vld [tilespmem:s10+$0xF90];
	_ =	sdelay $0x4  }
0xc2: {  	v9 =	vadd.f32 v17, v9;
	_ =	sdelay $0x1  }
0xc3: {  	[tilespmem:$0x410] =	vst v9  }
0xc4: {  	v9 =	vld [tilespmem:s10+$0xFA0];
	_ =	sdelay $0x4  }
0xc5: {  	v9 =	vadd.f32 v9, v16;
	_ =	sdelay $0x1  }
0xc6: {  	[tilespmem:$0x420] =	vst v9  }
0xc7: {  	v9 =	vld [tilespmem:s10+$0xFB0];
	_ =	sdelay $0x4  }
0xc8: {  	v9 =	vadd.f32 v9, v15;
	_ =	sdelay $0x1  }
0xc9: {  	[tilespmem:$0x430] =	vst v9  }
0xca: {  	v9 =	vld [tilespmem:s10+$0xFC0];
	_ =	sdelay $0x4  }
0xcb: {  	v9 =	vadd.f32 v9, v14;
	_ =	sdelay $0x1  }
0xcc: {  	[tilespmem:$0x440] =	vst v9  }
0xcd: {  	v9 =	vld [tilespmem:s10+$0xFD0];
	_ =	sdelay $0x4  }
0xce: {  	v9 =	vadd.f32 v9, v13;
	_ =	sdelay $0x1  }
0xcf: {  	[tilespmem:$0x450] =	vst v9  }
0xd0: {  	v9 =	vld [tilespmem:s10+$0xFE0];
	_ =	sdelay $0x4  }
0xd1: {  	v9 =	vadd.f32 v9, v12;
	_ =	sdelay $0x1  }
0xd2: {  	[tilespmem:$0x460] =	vst v9  }
0xd3: {  	v9 =	vld [tilespmem:s10+$0xFF0];
	_ =	sdelay $0x4  }
0xd4: {  	v9 =	vadd.f32 v9, v11;
	_ =	sdelay $0x1  }
0xd5: {  	[tilespmem:$0x470] =	vst v9  }
0xd6: {  	v9 =	vld [tilespmem:s10+$0x1000];
	_ =	sdelay $0x4  }
0xd7: {  	v9 =	vadd.f32 v9, v10;
	_ =	sdelay $0x1  }
0xd8: {  	[tilespmem:$0x480] =	vst v9  }
0xd9: {  	v9 =	vld [tilespmem:s10+$0x1010];
	_ =	sdelay $0x4  }
0xda: {  	v8 =	vadd.f32 v9, v8;
	_ =	sdelay $0x1  }
0xdb: {  	[tilespmem:$0x490] =	vst v8  }
0xdc: {  	v8 =	vld [tilespmem:s10+$0x1020];
	_ =	sdelay $0x4  }
0xdd: {  	v7 =	vadd.f32 v8, v7;
	_ =	sdelay $0x1  }
0xde: {  	[tilespmem:$0x4A0] =	vst v7  }
0xdf: {  	v7 =	vld [tilespmem:s10+$0x1030];
	_ =	sdelay $0x4  }
0xe0: {  	v6 =	vadd.f32 v7, v6;
	_ =	sdelay $0x1  }
0xe1: {  	[tilespmem:$0x4B0] =	vst v6  }
0xe2: {  	v6 =	vld [tilespmem:s10+$0x1040];
	_ =	sdelay $0x4  }
0xe3: {  	v4 =	vadd.f32 v6, v4;
	_ =	sdelay $0x1  }
0xe4: {  	[tilespmem:$0x4C0] =	vst v4  }
0xe5: {  	v4 =	vld [tilespmem:s10+$0x1050];
	_ =	sdelay $0x4  }
0xe6: {  	v2 =	vadd.f32 v4, v2;
	_ =	sdelay $0x1  }
0xe7: {  	[tilespmem:$0x4D0] =	vst v2  }
0xe8: {  	v2 =	vld [tilespmem:s10+$0x1060];
	_ =	sdelay $0x4  }
0xe9: {  	v2 =	vadd.f32 v2, v5;
	_ =	sdelay $0x1  }
0xea: {  	[tilespmem:$0x4E0] =	vst v2  }
0xeb: {  	v2 =	vld [tilespmem:s10+$0x1070];
	_ =	sdelay $0x4  }
0xec: {  	v2 =	vadd.f32 v2, v3;
	_ =	sdelay $0x1  }
0xed: {  	[tilespmem:$0x4F0] =	vst v2  }
0xee: {  	v2 =	vld [tilespmem:s10+$0x1080]  }
0xef: {  	v62 =	vimm.s32 $0xEFCDAB89;
	v3 =	vimm.s32 $0xFEDCBA98  }
0xf0: {  	v63 =	vimm.s32 $0x67452301;
	v4 =	vimm.s32 $0x76543210;
	v3 =	vunpack.c.l.s4.s8 v3  }
0xf1: {  	v9 =	vunpack.c.l.s4.s8 v63;
	v7 =	vimm.s32 $0x54761032;
	v4 =	vunpack.c.l.s4.s8 v4  }
0xf2: {  	v8 =	vunpack.c.l.s4.s8 v62;
	v7 =	vunpack.c.l.s4.s8 v7;
	v3 =	vunpack.c.0.s8.s32 v3  }
0xf3: {  	v6 =	vimm.s32 $0xDCFE98BA;
	v5 =	vadd.f32 v2, v1;
	v1 =	vunpack.c.0.s8.s32 v4  }
0xf4: {  	v2 =	vand.u32 $0xF, v3;
	v3 =	vimm.s32 $0xBA98FEDC;
	v4 =	vimm.s32 $0x32107654  }
0xf5: {  	v6 =	vunpack.c.l.s4.s8 v6;
	v3 =	vunpack.c.l.s4.s8 v3;
	v4 =	vunpack.c.l.s4.s8 v4  }
0xf6: {  	v9 =	vunpack.c.0.s8.s32 v9;
	v8 =	vunpack.c.0.s8.s32 v8;
	v7 =	vunpack.c.0.s8.s32 v7  }
0xf7: {  	v6 =	vunpack.c.0.s8.s32 v6;
	v3 =	vunpack.c.0.s8.s32 v3;
	v4 =	vunpack.c.0.s8.s32 v4  }
0xf8: {  	v1 =	vcombine.low v2, v1;
	[tilespmem:$0x500] =	vst v5;
	v5 =	vcombine.low v9, v8  }
0xf9: {  	s11 =	simm.s32 $0x0;
	s10 =	simm.s32 $0x80;
	v2 =	vcombine.low v4, v3;
	v3 =	vlaneseq.u32;
	v4 =	vcombine.low v7, v6  }
.LBB2_5:
0xfa: {  	s12 =	simm.s32 $0x400  }
0xfb: {  	v8 =	vld [tilespmem:s12+$0x0]  }
0xfc: {  	s31 =	sshrl.u32 s10, s11  }
0xfd: {  	s13 =	simm.s32 $0x0;
	s12 =	sor.u32 s31, s8  }
0xfe: {  	v7 =	vor.u32 s13, v3;
	v6 =	vmov s12  }
0xff: {  	vm0 =	vlt.s32 v7, v6  }
0x100: {  	s14 =	simm.s32 $0x410;
	s13 =	simm.s32 $0x10;
	v7 =	vimm.f32 $0.0e+00;
	v8 =	vsel vm0, $0x0, v8  }
.LBB2_6:
0x101: {  	v9 =	vld [tilespmem:s14+$0x0];
	p0 =	sne.s32 s13, $0xF0;
	v7 =	vadd.f32 v8, v7;
	s15 =	smov.u32 s13;
	s13 =	sadd.s32 $0x10, s13  }
.Ltmp2:
0x102: {  	(pc) =	sbr.rel @p0 .LBB2_6-.Ltmp2, $4  }
0x103: {  	_ = 	snop  }
0x104: {  	v8 =	vor.u32 s15, v3  }
0x105: {  	vm0 =	vlt.s32 v8, v6  }
0x106: {  	s14 =	sadd.s32 $0x10, s14;
	v8 =	vsel vm0, $0x0, v9  }
0x107: {  	v6 =	vadd.f32 v8, v7;
	_ =	sdelay $0x1  }
0x108: {  	v7 =	vperm.xlane v6, v1;
	_ =	sdelay $0x1  }
0x109: {  	v6 =	vadd.f32 v7, v6;
	_ =	sdelay $0x1  }
0x10a: {  	v7 =	vperm.xlane v6, v2;
	_ =	sdelay $0x1  }
0x10b: {  	v6 =	vadd.f32 v7, v6;
	_ =	sdelay $0x1  }
0x10c: {  	v7 =	vperm.xlane v6, v4;
	_ =	sdelay $0x1  }
0x10d: {  	v6 =	vadd.f32 v7, v6;
	_ =	sdelay $0x1  }
0x10e: {  	v7 =	vperm.xlane v6, v5;
	_ =	sdelay $0x1  }
0x10f: {  	v6 =	vadd.f32 v7, v6;
	_ =	sdelay $0x1  }
0x110: {  	(v2sf) =	vpush v6, $0x0;
	_ =	sdelay $0xb  }
0x111: {  	s11 =	sadd.s32 $0x1, s11  }
0x112: {  	p1 =	sne.s32 s11, $0x8  }
.Ltmp3:
0x113: {  	_ = 	snop;
	(pc) =	sbr.rel @p1 .LBB2_5-.Ltmp3, $3  }
0x114: {  	s13 =	spop (v2sf)  }
0x115: {  	p0 =	sge.f32 s13, $1.146800000e+04;
	_ =	sdelay $0x1  }
0x116: {  	s8 =	smov.u32 @p0 s12  }
0x117: {  	s10 =	simm.s32 $0x400  }
0x118: {  	v4 =	vld [tilespmem:s10+$0x0];
	_ =	sdelay $0x1  }
0x119: {  	s31 =	sadd.s32 $0x1, s8;
	s11 =	simm.s32 $0x0;
	v2 =	vlaneseq.u32  }
0x11a: {  	v3 =	vmov s31;
	v1 =	vor.u32 s11, v2  }
0x11b: {  	vm0 =	vlt.s32 v1, v3  }
0x11c: {  	s10 =	simm.s32 $0x10;
	s11 =	simm.s32 $0x410;
	v1 =	vimm.f32 $0.0e+00;
	v4 =	vsel vm0, $0x0, v4  }
.LBB2_9:
0x11d: {  	v5 =	vld [tilespmem:s11+$0x0];
	p0 =	sne.s32 s10, $0xF0;
	v1 =	vadd.f32 v4, v1;
	s12 =	smov.u32 s10;
	s10 =	sadd.s32 $0x10, s10  }
.Ltmp4:
0x11e: {  	(pc) =	sbr.rel @p0 .LBB2_9-.Ltmp4, $4  }
0x11f: {  	_ = 	snop  }
0x120: {  	v4 =	vor.u32 s12, v2  }
0x121: {  	vm0 =	vlt.s32 v4, v3  }
0x122: {  	s11 =	sadd.s32 $0x10, s11;
	v4 =	vsel vm0, $0x0, v5  }
0x123: {  	v2 =	vimm.s32 $0xFEDCBA98  }
0x124: {  	v3 =	vimm.s32 $0x76543210;
	v2 =	vunpack.c.l.s4.s8 v2  }
0x125: {  	v3 =	vunpack.c.l.s4.s8 v3  }
0x126: {  	v2 =	vunpack.c.0.s8.s32 v2  }
0x127: {  	v3 =	vunpack.c.0.s8.s32 v3  }
0x128: {  	v1 =	vadd.f32 v4, v1;
	v2 =	vand.u32 $0xF, v2  }
0x129: {  	v4 =	vimm.s32 $0x32107654;
	v2 =	vcombine.low v2, v3;
	v3 =	vimm.s32 $0xBA98FEDC  }
0x12a: {  	v4 =	vunpack.c.l.s4.s8 v4;
	v3 =	vunpack.c.l.s4.s8 v3  }
0x12b: {  	v2 =	vperm.xlane v1, v2  }
0x12c: {  	v4 =	vunpack.c.0.s8.s32 v4;
	v3 =	vunpack.c.0.s8.s32 v3  }
0x12d: {  	v1 =	vadd.f32 v2, v1  }
0x12e: {  	v2 =	vcombine.low v4, v3;
	v3 =	vimm.s32 $0xDCFE98BA;
	v4 =	vimm.s32 $0x54761032  }
0x12f: {  	v3 =	vunpack.c.l.s4.s8 v3;
	v4 =	vunpack.c.l.s4.s8 v4  }
0x130: {  	v2 =	vperm.xlane v1, v2  }
0x131: {  	v3 =	vunpack.c.0.s8.s32 v3;
	v4 =	vunpack.c.0.s8.s32 v4  }
0x132: {  	v5 =	vimm.s32 $0x67452301;
	v1 =	vadd.f32 v2, v1;
	v2 =	vimm.s32 $0xEFCDAB89  }
0x133: {  	v3 =	vcombine.low v4, v3;
	v2 =	vunpack.c.l.s4.s8 v2;
	v4 =	vunpack.c.l.s4.s8 v5;
	_ =	sdelay $0x1  }
0x134: {  	v3 =	vperm.xlane v1, v3;
	v2 =	vunpack.c.0.s8.s32 v2;
	v4 =	vunpack.c.0.s8.s32 v4;
	_ =	sdelay $0x1  }
0x135: {  	v1 =	vadd.f32 v3, v1;
	v2 =	vcombine.low v4, v2  }
0x136: {  	s10 =	simm.s32 $0x0  }
0x137: {  	s13 =	simm.s32 $0x0;
	s12 =	simm.s32 $0x10;
	s11 =	simm.s32 $0x0;
	v3 =	vmov s8;
	v2 =	vperm.xlane v1, v2  }
.LBB2_11:
0x138: {  	p0 =	sne.s32 s12, $0x3F0;
	v4 =	vld [tilespmem:s13+$0x0];
	_ =	sdelay $0x4  }
.Ltmp5:
0x139: {  	v5 =	vshrl.u32 v4, $0x10;
	v4 =	vshrl.u32 v4, $0x18;
	(pc) =	sbr.rel @p0 .LBB2_11-.Ltmp5, $4  }
0x13a: {  	s13 =	sand.u32 $0xE00, s10;
	v5 =	vand.u32 $0xFF, v5;
	vm0 =	veq.s32 v4, v3  }
0x13b: {  	s14 =	sand.u32 $0x70, s11;
	s11 =	smov.u32 s12;
	s13 =	sshrl.u32 s13, $0x2;
	v4 =	vnsel vm0, $0x100, v5  }
0x13c: {  	s10 =	sadd.s32 $0x40, s10;
	s14 =	sor.u32 s14, s13;
	v4 =	vadd.s32 v0, v4  }
0x13d: {  	s12 =	sadd.s32 $0x10, s12;
	s13 =	sshra.s32 s10, $0x2;
	[tilespmem:s14+$0x980] =	vst v4  }
0x13e: {  	v4 =	vld [tilespmem:s13+$0x0];
	_ =	sdelay $0x4  }
0x13f: {  	v5 =	vshrl.u32 v4, $0x10;
	v4 =	vshrl.u32 v4, $0x18  }
0x140: {  	s10 =	sand.u32 $0xE00, s10;
	v5 =	vand.u32 $0xFF, v5;
	vm0 =	veq.s32 v4, v3  }
0x141: {  	s11 =	sand.u32 $0x70, s11;
	s10 =	sshrl.u32 s10, $0x2;
	v3 =	vnsel vm0, $0x100, v5  }
0x142: {  	s10 =	sor.u32 s11, s10;
	v3 =	vadd.s32 v0, v3  }
0x143: {  	s19 =	simm.s32 $0x80;
	s20 =	simm.s32 $0x980;
	s12 =	simm.s32 $0xD80;
	[tilespmem:s10+$0x980] =	vst v3  }
0x144: {  	[spmem:s9] =	stream.indirect.scatter.add.f32 [tilespmem:s12], [sflag:$0x1], $0x1, s20, s19, $0xb8;
	[tilespmem:$0x26E0] =	vst v63  }
0x145: {  	s21 =	simm.s32 $0xA00  }
0x146: {  	[spmem:s9] =	stream.indirect.scatter.add.f32 [tilespmem:s12], [sflag:$0x1], $0x1, s21, s19, $0xb8;
	[tilespmem:$0x26E0] =	vst v63  }
0x147: {  	s22 =	simm.s32 $0xA80  }
0x148: {  	[spmem:s9] =	stream.indirect.scatter.add.f32 [tilespmem:s12], [sflag:$0x1], $0x1, s22, s19, $0xb8;
	[tilespmem:$0x26E0] =	vst v63  }
0x149: {  	s23 =	simm.s32 $0xB00  }
0x14a: {  	[spmem:s9] =	stream.indirect.scatter.add.f32 [tilespmem:s12], [sflag:$0x1], $0x1, s23, s19, $0xb8;
	[tilespmem:$0x26E0] =	vst v63  }
0x14b: {  	s24 =	simm.s32 $0xB80  }
0x14c: {  	[spmem:s9] =	stream.indirect.scatter.add.f32 [tilespmem:s12], [sflag:$0x1], $0x1, s24, s19, $0xb8;
	[tilespmem:$0x26E0] =	vst v63  }
0x14d: {  	s25 =	simm.s32 $0xC00  }
0x14e: {  	[spmem:s9] =	stream.indirect.scatter.add.f32 [tilespmem:s12], [sflag:$0x1], $0x1, s25, s19, $0xb8;
	[tilespmem:$0x26E0] =	vst v63  }
0x14f: {  	s26 =	simm.s32 $0xC80  }
0x150: {  	[spmem:s9] =	stream.indirect.scatter.add.f32 [tilespmem:s12], [sflag:$0x1], $0x1, s26, s19, $0xb8;
	[tilespmem:$0x26E0] =	vst v63  }
0x151: {  	s28 =	simm.s32 $0xD00;
	s29 =	simm.s32 $0x1  }
0x152: {  	[spmem:s9] =	stream.indirect.scatter.add.f32 [tilespmem:s12], [sflag:$0x1], $0x1, s28, s19, $0xb8;
	[tilespmem:$0x26E0] =	vst v63  }
0x153: {  	_ =	swait.ge [sflag:s29], $0x80  }
0x154: {  	[sflag:s29] =	ssyncset.done $0x0  }
0x155: {  	[sflag:s29] =	ssyncadd.s32 $0xFFFFFF80  }
0x156: {  	_ =	swait.ge [sflag:s29], $0x80  }
0x157: {  	[sflag:s29] =	ssyncset.done $0x0  }
0x158: {  	[sflag:s29] =	ssyncadd.s32 $0xFFFFFF80  }
0x159: {  	_ =	swait.ge [sflag:s29], $0x80  }
0x15a: {  	[sflag:s29] =	ssyncset.done $0x0  }
0x15b: {  	[sflag:s29] =	ssyncadd.s32 $0xFFFFFF80  }
0x15c: {  	_ =	swait.ge [sflag:s29], $0x80  }
0x15d: {  	[sflag:s29] =	ssyncset.done $0x0  }
0x15e: {  	[sflag:s29] =	ssyncadd.s32 $0xFFFFFF80  }
0x15f: {  	_ =	swait.ge [sflag:s29], $0x80  }
0x160: {  	[sflag:s29] =	ssyncset.done $0x0  }
0x161: {  	[sflag:s29] =	ssyncadd.s32 $0xFFFFFF80  }
0x162: {  	_ =	swait.ge [sflag:s29], $0x80  }
0x163: {  	[sflag:s29] =	ssyncset.done $0x0  }
0x164: {  	[sflag:s29] =	ssyncadd.s32 $0xFFFFFF80  }
0x165: {  	_ =	swait.ge [sflag:s29], $0x80  }
0x166: {  	[sflag:s29] =	ssyncset.done $0x0  }
0x167: {  	[sflag:s29] =	ssyncadd.s32 $0xFFFFFF80  }
0x168: {  	_ =	swait.ge [sflag:s29], $0x80  }
0x169: {  	[sflag:s29] =	ssyncset.done $0x0  }
0x16a: {  	[sflag:s29] =	ssyncadd.s32 $0xFFFFFF80  }
0x16b: {  	s30 =	simm.s32 $0xF80;
	s31 =	simm.s32 $0x2;
	[bflag:$0x0] =	sbarrier.arrive $0xFFFF  }
0x16c: {  	[tilespmem:s30], [sflag:$0x2] =	stream.linear.gather [spmem:s9], $0x1100, $0x38;
	[tilespmem:$0x26E0] =	vst v63  }
0x16d: {  	_ =	swait.ge [sflag:s31], $0x1100  }
0x16e: {  	[sflag:s31] =	ssyncset.done $0x0  }
0x16f: {  	v11 =	vimm.f32 $0.0e+00;
	[sflag:s31] =	ssyncadd.s32 $0xFFFFEF00  }
0x170: {  	[tilespmem:$0x400] =	vst v11  }
0x171: {  	[tilespmem:$0x410] =	vst v11  }
0x172: {  	[tilespmem:$0x420] =	vst v11  }
0x173: {  	[tilespmem:$0x430] =	vst v11  }
0x174: {  	[tilespmem:$0x440] =	vst v11  }
0x175: {  	[tilespmem:$0x450] =	vst v11  }
0x176: {  	[tilespmem:$0x460] =	vst v11  }
0x177: {  	[tilespmem:$0x470] =	vst v11  }
0x178: {  	[tilespmem:$0x480] =	vst v11  }
0x179: {  	[tilespmem:$0x490] =	vst v11  }
0x17a: {  	[tilespmem:$0x4A0] =	vst v11  }
0x17b: {  	[tilespmem:$0x4B0] =	vst v11  }
0x17c: {  	v18 =	vimm.f32 $0.0e+00;
	v17 =	vimm.f32 $0.0e+00;
	v16 =	vimm.f32 $0.0e+00;
	[tilespmem:$0x4C0] =	vst v11  }
0x17d: {  	v15 =	vimm.f32 $0.0e+00;
	v14 =	vimm.f32 $0.0e+00;
	v13 =	vimm.f32 $0.0e+00;
	[tilespmem:$0x4D0] =	vst v11  }
0x17e: {  	v12 =	vimm.f32 $0.0e+00;
	v10 =	vimm.f32 $0.0e+00;
	v9 =	vimm.f32 $0.0e+00;
	[tilespmem:$0x4E0] =	vst v11  }
0x17f: {  	v8 =	vimm.f32 $0.0e+00;
	v6 =	vimm.f32 $0.0e+00;
	v7 =	vimm.f32 $0.0e+00;
	[tilespmem:$0x4F0] =	vst v11  }
0x180: {  	v4 =	vimm.f32 $0.0e+00;
	v5 =	vimm.f32 $0.0e+00;
	s10 =	simm.s32 $0x440;
	v3 =	vimm.f32 $0.0e+00;
	s9 =	simm.s32 $0x0;
	[tilespmem:$0x500] =	vst v11;
	v19 =	vld [tilespmem:$0x400]  }
.LBB2_13:
0x181: {  	p0 =	sne.s32 s10, $0x3FC0;
	v20 =	vld [tilespmem:s9+$0xF80];
	_ =	sdelay $0x4  }
0x182: {  	v19 =	vadd.f32 v20, v19;
	_ =	sdelay $0x1  }
0x183: {  	[tilespmem:$0x400] =	vst v19  }
0x184: {  	v20 =	vld [tilespmem:s9+$0xF90];
	_ =	sdelay $0x4  }
0x185: {  	v11 =	vadd.f32 v20, v11;
	_ =	sdelay $0x1  }
0x186: {  	[tilespmem:$0x410] =	vst v11  }
0x187: {  	v20 =	vld [tilespmem:s9+$0xFA0];
	_ =	sdelay $0x4  }
0x188: {  	v18 =	vadd.f32 v20, v18;
	_ =	sdelay $0x1  }
0x189: {  	[tilespmem:$0x420] =	vst v18  }
0x18a: {  	v20 =	vld [tilespmem:s9+$0xFB0];
	_ =	sdelay $0x4  }
0x18b: {  	v17 =	vadd.f32 v20, v17;
	_ =	sdelay $0x1  }
0x18c: {  	[tilespmem:$0x430] =	vst v17  }
0x18d: {  	v20 =	vld [tilespmem:s9+$0xFC0];
	_ =	sdelay $0x4  }
0x18e: {  	v16 =	vadd.f32 v20, v16;
	_ =	sdelay $0x1  }
0x18f: {  	[tilespmem:$0x440] =	vst v16  }
0x190: {  	v20 =	vld [tilespmem:s9+$0xFD0];
	_ =	sdelay $0x4  }
0x191: {  	v15 =	vadd.f32 v20, v15;
	_ =	sdelay $0x1  }
0x192: {  	[tilespmem:$0x450] =	vst v15  }
0x193: {  	v20 =	vld [tilespmem:s9+$0xFE0];
	_ =	sdelay $0x4  }
0x194: {  	v14 =	vadd.f32 v20, v14;
	_ =	sdelay $0x1  }
0x195: {  	[tilespmem:$0x460] =	vst v14  }
0x196: {  	v20 =	vld [tilespmem:s9+$0xFF0];
	_ =	sdelay $0x4  }
0x197: {  	v13 =	vadd.f32 v20, v13;
	_ =	sdelay $0x1  }
0x198: {  	[tilespmem:$0x470] =	vst v13  }
0x199: {  	v20 =	vld [tilespmem:s9+$0x1000];
	_ =	sdelay $0x4  }
0x19a: {  	v12 =	vadd.f32 v20, v12;
	_ =	sdelay $0x1  }
0x19b: {  	[tilespmem:$0x480] =	vst v12  }
0x19c: {  	v20 =	vld [tilespmem:s9+$0x1010];
	_ =	sdelay $0x4  }
0x19d: {  	v10 =	vadd.f32 v20, v10;
	_ =	sdelay $0x1  }
0x19e: {  	[tilespmem:$0x490] =	vst v10  }
0x19f: {  	v20 =	vld [tilespmem:s9+$0x1020];
	_ =	sdelay $0x4  }
0x1a0: {  	v9 =	vadd.f32 v20, v9;
	_ =	sdelay $0x1  }
0x1a1: {  	[tilespmem:$0x4A0] =	vst v9  }
0x1a2: {  	v20 =	vld [tilespmem:s9+$0x1030];
	_ =	sdelay $0x4  }
0x1a3: {  	v8 =	vadd.f32 v20, v8;
	_ =	sdelay $0x1  }
0x1a4: {  	[tilespmem:$0x4B0] =	vst v8  }
0x1a5: {  	v20 =	vld [tilespmem:s9+$0x1040];
	_ =	sdelay $0x4  }
0x1a6: {  	v6 =	vadd.f32 v20, v6;
	_ =	sdelay $0x1  }
0x1a7: {  	[tilespmem:$0x4C0] =	vst v6  }
0x1a8: {  	v20 =	vld [tilespmem:s9+$0x1050];
	_ =	sdelay $0x4  }
0x1a9: {  	v5 =	vadd.f32 v20, v5;
	_ =	sdelay $0x1  }
0x1aa: {  	[tilespmem:$0x4D0] =	vst v5  }
0x1ab: {  	v20 =	vld [tilespmem:s9+$0x1060];
	_ =	sdelay $0x4  }
0x1ac: {  	v7 =	vadd.f32 v20, v7;
	_ =	sdelay $0x1  }
0x1ad: {  	[tilespmem:$0x4E0] =	vst v7  }
0x1ae: {  	v20 =	vld [tilespmem:s9+$0x1070];
	_ =	sdelay $0x4  }
0x1af: {  	v4 =	vadd.f32 v20, v4;
	_ =	sdelay $0x1  }
0x1b0: {  	[tilespmem:$0x4F0] =	vst v4  }
0x1b1: {  	v20 =	vld [tilespmem:s9+$0x1080];
	_ =	sdelay $0x2  }
.Ltmp6:
0x1b2: {  	(pc) =	sbr.rel @p0 .LBB2_13-.Ltmp6, $3  }
0x1b3: {  	_ = 	snop  }
0x1b4: {  	v3 =	vadd.f32 v20, v3;
	_ =	sdelay $0x1  }
0x1b5: {  	s9 =	sshra.s32 s10, $0x2;
	s10 =	sadd.s32 $0x440, s10;
	[tilespmem:$0x500] =	vst v3  }
0x1b6: {  	v20 =	vld [tilespmem:s9+$0xF80];
	_ =	sdelay $0x4  }
0x1b7: {  	v19 =	vadd.f32 v20, v19;
	_ =	sdelay $0x1  }
0x1b8: {  	[tilespmem:$0x400] =	vst v19  }
0x1b9: {  	v19 =	vld [tilespmem:s9+$0xF90];
	_ =	sdelay $0x4  }
0x1ba: {  	v11 =	vadd.f32 v19, v11;
	_ =	sdelay $0x1  }
0x1bb: {  	[tilespmem:$0x410] =	vst v11  }
0x1bc: {  	v11 =	vld [tilespmem:s9+$0xFA0];
	_ =	sdelay $0x4  }
0x1bd: {  	v11 =	vadd.f32 v11, v18;
	_ =	sdelay $0x1  }
0x1be: {  	[tilespmem:$0x420] =	vst v11  }
0x1bf: {  	v11 =	vld [tilespmem:s9+$0xFB0];
	_ =	sdelay $0x4  }
0x1c0: {  	v11 =	vadd.f32 v11, v17;
	_ =	sdelay $0x1  }
0x1c1: {  	[tilespmem:$0x430] =	vst v11  }
0x1c2: {  	v11 =	vld [tilespmem:s9+$0xFC0];
	_ =	sdelay $0x4  }
0x1c3: {  	v11 =	vadd.f32 v11, v16;
	_ =	sdelay $0x1  }
0x1c4: {  	[tilespmem:$0x440] =	vst v11  }
0x1c5: {  	v11 =	vld [tilespmem:s9+$0xFD0];
	_ =	sdelay $0x4  }
0x1c6: {  	v11 =	vadd.f32 v11, v15;
	_ =	sdelay $0x1  }
0x1c7: {  	[tilespmem:$0x450] =	vst v11  }
0x1c8: {  	v11 =	vld [tilespmem:s9+$0xFE0];
	_ =	sdelay $0x4  }
0x1c9: {  	v11 =	vadd.f32 v11, v14;
	_ =	sdelay $0x1  }
0x1ca: {  	[tilespmem:$0x460] =	vst v11  }
0x1cb: {  	v11 =	vld [tilespmem:s9+$0xFF0];
	_ =	sdelay $0x4  }
0x1cc: {  	v11 =	vadd.f32 v11, v13;
	_ =	sdelay $0x1  }
0x1cd: {  	[tilespmem:$0x470] =	vst v11  }
0x1ce: {  	v11 =	vld [tilespmem:s9+$0x1000];
	_ =	sdelay $0x4  }
0x1cf: {  	v11 =	vadd.f32 v11, v12;
	_ =	sdelay $0x1  }
0x1d0: {  	[tilespmem:$0x480] =	vst v11  }
0x1d1: {  	v11 =	vld [tilespmem:s9+$0x1010];
	_ =	sdelay $0x4  }
0x1d2: {  	v10 =	vadd.f32 v11, v10;
	_ =	sdelay $0x1  }
0x1d3: {  	[tilespmem:$0x490] =	vst v10  }
0x1d4: {  	v10 =	vld [tilespmem:s9+$0x1020];
	_ =	sdelay $0x4  }
0x1d5: {  	v9 =	vadd.f32 v10, v9;
	_ =	sdelay $0x1  }
0x1d6: {  	[tilespmem:$0x4A0] =	vst v9  }
0x1d7: {  	v9 =	vld [tilespmem:s9+$0x1030];
	_ =	sdelay $0x4  }
0x1d8: {  	v8 =	vadd.f32 v9, v8;
	_ =	sdelay $0x1  }
0x1d9: {  	[tilespmem:$0x4B0] =	vst v8  }
0x1da: {  	v8 =	vld [tilespmem:s9+$0x1040];
	_ =	sdelay $0x4  }
0x1db: {  	v6 =	vadd.f32 v8, v6;
	_ =	sdelay $0x1  }
0x1dc: {  	[tilespmem:$0x4C0] =	vst v6  }
0x1dd: {  	v6 =	vld [tilespmem:s9+$0x1050];
	_ =	sdelay $0x4  }
0x1de: {  	v5 =	vadd.f32 v6, v5;
	_ =	sdelay $0x1  }
0x1df: {  	[tilespmem:$0x4D0] =	vst v5  }
0x1e0: {  	v5 =	vld [tilespmem:s9+$0x1060];
	_ =	sdelay $0x4  }
0x1e1: {  	v5 =	vadd.f32 v5, v7  }
0x1e2: {  	v1 =	vadd.f32 v2, v1  }
0x1e3: {  	[tilespmem:$0x4E0] =	vst v5  }
0x1e4: {  	(v2sf) =	vpush v1, $0x0;
	v2 =	vld [tilespmem:s9+$0x1070];
	_ =	sdelay $0x4  }
0x1e5: {  	v1 =	vadd.f32 v2, v4;
	_ =	sdelay $0x1  }
0x1e6: {  	v63 =	vimm.s32 $0x67452301;
	[tilespmem:$0x4F0] =	vst v1  }
0x1e7: {  	v9 =	vunpack.c.l.s4.s8 v63;
	v1 =	vld [tilespmem:s9+$0x1080];
	_ =	sdelay $0x1  }
0x1e8: {  	v62 =	vimm.s32 $0xEFCDAB89;
	v9 =	vunpack.c.0.s8.s32 v9;
	v4 =	vimm.s32 $0x76543210  }
0x1e9: {  	v8 =	vunpack.c.l.s4.s8 v62;
	v2 =	vimm.s32 $0xFEDCBA98;
	v4 =	vunpack.c.l.s4.s8 v4  }
0x1ea: {  	v6 =	vimm.s32 $0xDCFE98BA;
	v5 =	vimm.s32 $0x32107654;
	v2 =	vunpack.c.l.s4.s8 v2  }
0x1eb: {  	v3 =	vadd.f32 v1, v3;
	v1 =	vunpack.c.0.s8.s32 v4;
	v4 =	vimm.s32 $0xBA98FEDC  }
0x1ec: {  	v7 =	vimm.s32 $0x54761032;
	v5 =	vunpack.c.l.s4.s8 v5;
	v4 =	vunpack.c.l.s4.s8 v4  }
0x1ed: {  	s31 =	spop (v2sf);
	v6 =	vunpack.c.l.s4.s8 v6;
	v7 =	vunpack.c.l.s4.s8 v7;
	v2 =	vunpack.c.0.s8.s32 v2  }
0x1ee: {  	v8 =	vunpack.c.0.s8.s32 v8;
	v5 =	vunpack.c.0.s8.s32 v5;
	s9 =	scvt.f32.s32 s31;
	v4 =	vunpack.c.0.s8.s32 v4  }
0x1ef: {  	v6 =	vunpack.c.0.s8.s32 v6;
	v7 =	vunpack.c.0.s8.s32 v7;
	v2 =	vand.u32 $0xF, v2  }
0x1f0: {  	s12 =	simm.s32 $0x0;
	s13 =	simm.s32 $0x80;
	s9 =	ssub.s32 $0x2CCC, s9;
	v1 =	vcombine.low v2, v1;
	v2 =	vcombine.low v5, v4  }
0x1f1: {  	s10 =	simm.s32 $0x0;
	s14 =	simm.s32 $0x0;
	s11 =	scvt.s32.f32 s9;
	[tilespmem:$0x500] =	vst v3;
	v3 =	vlaneseq.u32;
	v4 =	vcombine.low v7, v6;
	v5 =	vcombine.low v9, v8  }
.LBB2_15:
0x1f2: {  	s15 =	simm.s32 $0x400  }
0x1f3: {  	v8 =	vld [tilespmem:s15+$0x0]  }
0x1f4: {  	s31 =	sshrl.u32 s13, s14  }
0x1f5: {  	s15 =	sor.u32 s31, s10  }
0x1f6: {  	v7 =	vor.u32 s12, v3;
	v6 =	vmov s15  }
0x1f7: {  	vm0 =	vlt.s32 v7, v6  }
0x1f8: {  	s16 =	simm.s32 $0x10;
	s17 =	simm.s32 $0x410;
	v7 =	vimm.f32 $0.0e+00;
	v8 =	vsel vm0, $0x0, v8  }
.LBB2_16:
0x1f9: {  	v9 =	vld [tilespmem:s17+$0x0];
	p0 =	sne.s32 s16, $0xF0;
	v7 =	vadd.f32 v8, v7;
	s18 =	smov.u32 s16;
	s16 =	sadd.s32 $0x10, s16  }
.Ltmp7:
0x1fa: {  	(pc) =	sbr.rel @p0 .LBB2_16-.Ltmp7, $4  }
0x1fb: {  	_ = 	snop  }
0x1fc: {  	v8 =	vor.u32 s18, v3  }
0x1fd: {  	vm0 =	vlt.s32 v8, v6  }
0x1fe: {  	s17 =	sadd.s32 $0x10, s17;
	v8 =	vsel vm0, $0x0, v9  }
0x1ff: {  	v6 =	vadd.f32 v8, v7;
	_ =	sdelay $0x1  }
0x200: {  	v7 =	vperm.xlane v6, v1;
	_ =	sdelay $0x1  }
0x201: {  	v6 =	vadd.f32 v7, v6;
	_ =	sdelay $0x1  }
0x202: {  	v7 =	vperm.xlane v6, v2;
	_ =	sdelay $0x1  }
0x203: {  	v6 =	vadd.f32 v7, v6;
	_ =	sdelay $0x1  }
0x204: {  	v7 =	vperm.xlane v6, v4;
	_ =	sdelay $0x1  }
0x205: {  	v6 =	vadd.f32 v7, v6;
	_ =	sdelay $0x1  }
0x206: {  	v7 =	vperm.xlane v6, v5;
	_ =	sdelay $0x1  }
0x207: {  	v6 =	vadd.f32 v7, v6;
	_ =	sdelay $0x1  }
0x208: {  	(v2sf) =	vpush v6, $0x0;
	_ =	sdelay $0xb  }
0x209: {  	s14 =	sadd.s32 $0x1, s14  }
0x20a: {  	p1 =	sne.s32 s14, $0x8  }
.Ltmp8:
0x20b: {  	_ = 	snop;
	(pc) =	sbr.rel @p1 .LBB2_15-.Ltmp8, $3  }
0x20c: {  	s16 =	spop (v2sf)  }
0x20d: {  	p0 =	sge.f32 s16, s11;
	_ =	sdelay $0x1  }
0x20e: {  	s10 =	smov.u32 @p0 s15  }
0x20f: {  	s11 =	simm.s32 $0x400  }
0x210: {  	v4 =	vld [tilespmem:s11+$0x0];
	_ =	sdelay $0x1  }
0x211: {  	s31 =	sadd.s32 $0x1, s10;
	s12 =	simm.s32 $0x0;
	v2 =	vlaneseq.u32  }
0x212: {  	v3 =	vmov s31;
	v1 =	vor.u32 s12, v2  }
0x213: {  	vm0 =	vlt.s32 v1, v3  }
0x214: {  	s11 =	simm.s32 $0x10;
	s12 =	simm.s32 $0x410;
	v1 =	vimm.f32 $0.0e+00;
	v4 =	vsel vm0, $0x0, v4  }
.LBB2_19:
0x215: {  	v5 =	vld [tilespmem:s12+$0x0];
	p0 =	sne.s32 s11, $0xF0;
	v1 =	vadd.f32 v4, v1;
	s13 =	smov.u32 s11;
	s11 =	sadd.s32 $0x10, s11  }
.Ltmp9:
0x216: {  	(pc) =	sbr.rel @p0 .LBB2_19-.Ltmp9, $4  }
0x217: {  	_ = 	snop  }
0x218: {  	v4 =	vor.u32 s13, v2  }
0x219: {  	vm0 =	vlt.s32 v4, v3  }
0x21a: {  	s12 =	sadd.s32 $0x10, s12;
	v4 =	vsel vm0, $0x0, v5  }
0x21b: {  	v2 =	vimm.s32 $0xFEDCBA98  }
0x21c: {  	v3 =	vimm.s32 $0x76543210;
	v2 =	vunpack.c.l.s4.s8 v2  }
0x21d: {  	v3 =	vunpack.c.l.s4.s8 v3  }
0x21e: {  	v2 =	vunpack.c.0.s8.s32 v2  }
0x21f: {  	v3 =	vunpack.c.0.s8.s32 v3  }
0x220: {  	v1 =	vadd.f32 v4, v1;
	v2 =	vand.u32 $0xF, v2  }
0x221: {  	v4 =	vimm.s32 $0x32107654;
	v2 =	vcombine.low v2, v3;
	v3 =	vimm.s32 $0xBA98FEDC  }
0x222: {  	v4 =	vunpack.c.l.s4.s8 v4;
	v3 =	vunpack.c.l.s4.s8 v3  }
0x223: {  	v2 =	vperm.xlane v1, v2  }
0x224: {  	v4 =	vunpack.c.0.s8.s32 v4;
	v3 =	vunpack.c.0.s8.s32 v3  }
0x225: {  	v1 =	vadd.f32 v2, v1  }
0x226: {  	v2 =	vcombine.low v4, v3;
	v3 =	vimm.s32 $0xDCFE98BA;
	v4 =	vimm.s32 $0x54761032  }
0x227: {  	v3 =	vunpack.c.l.s4.s8 v3;
	v4 =	vunpack.c.l.s4.s8 v4  }
0x228: {  	v2 =	vperm.xlane v1, v2  }
0x229: {  	v3 =	vunpack.c.0.s8.s32 v3;
	v4 =	vunpack.c.0.s8.s32 v4  }
0x22a: {  	v5 =	vimm.s32 $0x67452301;
	v1 =	vadd.f32 v2, v1;
	v2 =	vimm.s32 $0xEFCDAB89  }
0x22b: {  	v3 =	vcombine.low v4, v3;
	v2 =	vunpack.c.l.s4.s8 v2;
	v4 =	vunpack.c.l.s4.s8 v5;
	_ =	sdelay $0x1  }
0x22c: {  	v3 =	vperm.xlane v1, v3;
	v2 =	vunpack.c.0.s8.s32 v2;
	v4 =	vunpack.c.0.s8.s32 v4  }
0x22d: {  	s8 =	sshll.u32 s8, $0x18;
	s10 =	sshll.u32 s10, $0x10  }
0x22e: {  	s8 =	sor.u32 s8, s10;
	v1 =	vadd.f32 v3, v1;
	v2 =	vcombine.low v4, v2  }
0x22f: {  	s13 =	simm.s32 $0x0;
	s11 =	sshrl.u32 s8, $0x10  }
0x230: {  	s12 =	simm.s32 $0x10;
	s10 =	simm.s32 $0x0;
	v3 =	vmov s11;
	s11 =	simm.s32 $0x0;
	v2 =	vperm.xlane v1, v2  }
.LBB2_21:
0x231: {  	p0 =	sne.s32 s12, $0x3F0;
	v4 =	vld [tilespmem:s13+$0x0];
	_ =	sdelay $0x4  }
.Ltmp10:
0x232: {  	v5 =	vshrl.u32 v4, $0x8;
	v4 =	vshrl.u32 v4, $0x10;
	(pc) =	sbr.rel @p0 .LBB2_21-.Ltmp10, $4  }
0x233: {  	s13 =	sand.u32 $0xE00, s10;
	v5 =	vand.u32 $0xFF, v5;
	vm0 =	veq.s32 v4, v3  }
0x234: {  	s14 =	sand.u32 $0x70, s11;
	s11 =	smov.u32 s12;
	s13 =	sshrl.u32 s13, $0x2;
	v4 =	vnsel vm0, $0x100, v5  }
0x235: {  	s10 =	sadd.s32 $0x40, s10;
	s14 =	sor.u32 s14, s13;
	v4 =	vadd.s32 v0, v4  }
0x236: {  	s12 =	sadd.s32 $0x10, s12;
	s13 =	sshra.s32 s10, $0x2;
	[tilespmem:s14+$0x980] =	vst v4  }
0x237: {  	v4 =	vld [tilespmem:s13+$0x0];
	_ =	sdelay $0x4  }
0x238: {  	v5 =	vshrl.u32 v4, $0x8;
	v4 =	vshrl.u32 v4, $0x10  }
0x239: {  	s10 =	sand.u32 $0xE00, s10;
	v5 =	vand.u32 $0xFF, v5;
	vm0 =	veq.s32 v4, v3  }
0x23a: {  	s11 =	sand.u32 $0x70, s11;
	s10 =	sshrl.u32 s10, $0x2;
	v3 =	vnsel vm0, $0x100, v5  }
0x23b: {  	s10 =	sor.u32 s11, s10;
	v3 =	vadd.s32 v0, v3  }
0x23c: {  	s19 =	simm.s32 $0x80;
	s20 =	simm.s32 $0x980;
	s12 =	simm.s32 $0xD80;
	[tilespmem:s10+$0x980] =	vst v3  }
0x23d: {  	[spmem:s7] =	stream.indirect.scatter.add.f32 [tilespmem:s12], [sflag:$0x1], $0x1, s20, s19, $0xb8;
	[tilespmem:$0x26E0] =	vst v63  }
0x23e: {  	s21 =	simm.s32 $0xA00  }
0x23f: {  	[spmem:s7] =	stream.indirect.scatter.add.f32 [tilespmem:s12], [sflag:$0x1], $0x1, s21, s19, $0xb8;
	[tilespmem:$0x26E0] =	vst v63  }
0x240: {  	s22 =	simm.s32 $0xA80  }
0x241: {  	[spmem:s7] =	stream.indirect.scatter.add.f32 [tilespmem:s12], [sflag:$0x1], $0x1, s22, s19, $0xb8;
	[tilespmem:$0x26E0] =	vst v63  }
0x242: {  	s23 =	simm.s32 $0xB00  }
0x243: {  	[spmem:s7] =	stream.indirect.scatter.add.f32 [tilespmem:s12], [sflag:$0x1], $0x1, s23, s19, $0xb8;
	[tilespmem:$0x26E0] =	vst v63  }
0x244: {  	s24 =	simm.s32 $0xB80  }
0x245: {  	[spmem:s7] =	stream.indirect.scatter.add.f32 [tilespmem:s12], [sflag:$0x1], $0x1, s24, s19, $0xb8;
	[tilespmem:$0x26E0] =	vst v63  }
0x246: {  	s25 =	simm.s32 $0xC00  }
0x247: {  	[spmem:s7] =	stream.indirect.scatter.add.f32 [tilespmem:s12], [sflag:$0x1], $0x1, s25, s19, $0xb8;
	[tilespmem:$0x26E0] =	vst v63  }
0x248: {  	s26 =	simm.s32 $0xC80  }
0x249: {  	[spmem:s7] =	stream.indirect.scatter.add.f32 [tilespmem:s12], [sflag:$0x1], $0x1, s26, s19, $0xb8;
	[tilespmem:$0x26E0] =	vst v63  }
0x24a: {  	s28 =	simm.s32 $0xD00;
	s29 =	simm.s32 $0x1  }
0x24b: {  	[spmem:s7] =	stream.indirect.scatter.add.f32 [tilespmem:s12], [sflag:$0x1], $0x1, s28, s19, $0xb8;
	[tilespmem:$0x26E0] =	vst v63  }
0x24c: {  	_ =	swait.ge [sflag:s29], $0x80  }
0x24d: {  	[sflag:s29] =	ssyncset.done $0x0  }
0x24e: {  	[sflag:s29] =	ssyncadd.s32 $0xFFFFFF80  }
0x24f: {  	_ =	swait.ge [sflag:s29], $0x80  }
0x250: {  	[sflag:s29] =	ssyncset.done $0x0  }
0x251: {  	[sflag:s29] =	ssyncadd.s32 $0xFFFFFF80  }
0x252: {  	_ =	swait.ge [sflag:s29], $0x80  }
0x253: {  	[sflag:s29] =	ssyncset.done $0x0  }
0x254: {  	[sflag:s29] =	ssyncadd.s32 $0xFFFFFF80  }
0x255: {  	_ =	swait.ge [sflag:s29], $0x80  }
0x256: {  	[sflag:s29] =	ssyncset.done $0x0  }
0x257: {  	[sflag:s29] =	ssyncadd.s32 $0xFFFFFF80  }
0x258: {  	_ =	swait.ge [sflag:s29], $0x80  }
0x259: {  	[sflag:s29] =	ssyncset.done $0x0  }
0x25a: {  	[sflag:s29] =	ssyncadd.s32 $0xFFFFFF80  }
0x25b: {  	_ =	swait.ge [sflag:s29], $0x80  }
0x25c: {  	[sflag:s29] =	ssyncset.done $0x0  }
0x25d: {  	[sflag:s29] =	ssyncadd.s32 $0xFFFFFF80  }
0x25e: {  	_ =	swait.ge [sflag:s29], $0x80  }
0x25f: {  	[sflag:s29] =	ssyncset.done $0x0  }
0x260: {  	[sflag:s29] =	ssyncadd.s32 $0xFFFFFF80  }
0x261: {  	_ =	swait.ge [sflag:s29], $0x80  }
0x262: {  	[sflag:s29] =	ssyncset.done $0x0  }
0x263: {  	[sflag:s29] =	ssyncadd.s32 $0xFFFFFF80  }
0x264: {  	s30 =	simm.s32 $0xF80;
	s31 =	simm.s32 $0x2;
	[bflag:$0x0] =	sbarrier.arrive $0xFFFF  }
0x265: {  	[tilespmem:s30], [sflag:$0x2] =	stream.linear.gather [spmem:s7], $0x1100, $0x38;
	[tilespmem:$0x26E0] =	vst v63  }
0x266: {  	_ =	swait.ge [sflag:s31], $0x1100  }
0x267: {  	[sflag:s31] =	ssyncset.done $0x0  }
0x268: {  	v11 =	vimm.f32 $0.0e+00;
	[sflag:s31] =	ssyncadd.s32 $0xFFFFEF00  }
0x269: {  	[tilespmem:$0x400] =	vst v11  }
0x26a: {  	[tilespmem:$0x410] =	vst v11  }
0x26b: {  	[tilespmem:$0x420] =	vst v11  }
0x26c: {  	[tilespmem:$0x430] =	vst v11  }
0x26d: {  	[tilespmem:$0x440] =	vst v11  }
0x26e: {  	[tilespmem:$0x450] =	vst v11  }
0x26f: {  	[tilespmem:$0x460] =	vst v11  }
0x270: {  	[tilespmem:$0x470] =	vst v11  }
0x271: {  	[tilespmem:$0x480] =	vst v11  }
0x272: {  	[tilespmem:$0x490] =	vst v11  }
0x273: {  	[tilespmem:$0x4A0] =	vst v11  }
0x274: {  	[tilespmem:$0x4B0] =	vst v11  }
0x275: {  	v18 =	vimm.f32 $0.0e+00;
	v17 =	vimm.f32 $0.0e+00;
	v16 =	vimm.f32 $0.0e+00;
	[tilespmem:$0x4C0] =	vst v11  }
0x276: {  	v15 =	vimm.f32 $0.0e+00;
	v14 =	vimm.f32 $0.0e+00;
	v13 =	vimm.f32 $0.0e+00;
	[tilespmem:$0x4D0] =	vst v11  }
0x277: {  	v12 =	vimm.f32 $0.0e+00;
	v10 =	vimm.f32 $0.0e+00;
	v9 =	vimm.f32 $0.0e+00;
	[tilespmem:$0x4E0] =	vst v11  }
0x278: {  	v8 =	vimm.f32 $0.0e+00;
	v6 =	vimm.f32 $0.0e+00;
	v7 =	vimm.f32 $0.0e+00;
	[tilespmem:$0x4F0] =	vst v11  }
0x279: {  	v4 =	vimm.f32 $0.0e+00;
	v5 =	vimm.f32 $0.0e+00;
	s10 =	simm.s32 $0x440;
	v3 =	vimm.f32 $0.0e+00;
	s7 =	simm.s32 $0x0;
	[tilespmem:$0x500] =	vst v11;
	v19 =	vld [tilespmem:$0x400]  }
.LBB2_23:
0x27a: {  	p0 =	sne.s32 s10, $0x3FC0;
	v20 =	vld [tilespmem:s7+$0xF80];
	_ =	sdelay $0x4  }
0x27b: {  	v19 =	vadd.f32 v20, v19;
	_ =	sdelay $0x1  }
0x27c: {  	[tilespmem:$0x400] =	vst v19  }
0x27d: {  	v20 =	vld [tilespmem:s7+$0xF90];
	_ =	sdelay $0x4  }
0x27e: {  	v11 =	vadd.f32 v20, v11;
	_ =	sdelay $0x1  }
0x27f: {  	[tilespmem:$0x410] =	vst v11  }
0x280: {  	v20 =	vld [tilespmem:s7+$0xFA0];
	_ =	sdelay $0x4  }
0x281: {  	v18 =	vadd.f32 v20, v18;
	_ =	sdelay $0x1  }
0x282: {  	[tilespmem:$0x420] =	vst v18  }
0x283: {  	v20 =	vld [tilespmem:s7+$0xFB0];
	_ =	sdelay $0x4  }
0x284: {  	v17 =	vadd.f32 v20, v17;
	_ =	sdelay $0x1  }
0x285: {  	[tilespmem:$0x430] =	vst v17  }
0x286: {  	v20 =	vld [tilespmem:s7+$0xFC0];
	_ =	sdelay $0x4  }
0x287: {  	v16 =	vadd.f32 v20, v16;
	_ =	sdelay $0x1  }
0x288: {  	[tilespmem:$0x440] =	vst v16  }
0x289: {  	v20 =	vld [tilespmem:s7+$0xFD0];
	_ =	sdelay $0x4  }
0x28a: {  	v15 =	vadd.f32 v20, v15;
	_ =	sdelay $0x1  }
0x28b: {  	[tilespmem:$0x450] =	vst v15  }
0x28c: {  	v20 =	vld [tilespmem:s7+$0xFE0];
	_ =	sdelay $0x4  }
0x28d: {  	v14 =	vadd.f32 v20, v14;
	_ =	sdelay $0x1  }
0x28e: {  	[tilespmem:$0x460] =	vst v14  }
0x28f: {  	v20 =	vld [tilespmem:s7+$0xFF0];
	_ =	sdelay $0x4  }
0x290: {  	v13 =	vadd.f32 v20, v13;
	_ =	sdelay $0x1  }
0x291: {  	[tilespmem:$0x470] =	vst v13  }
0x292: {  	v20 =	vld [tilespmem:s7+$0x1000];
	_ =	sdelay $0x4  }
0x293: {  	v12 =	vadd.f32 v20, v12;
	_ =	sdelay $0x1  }
0x294: {  	[tilespmem:$0x480] =	vst v12  }
0x295: {  	v20 =	vld [tilespmem:s7+$0x1010];
	_ =	sdelay $0x4  }
0x296: {  	v10 =	vadd.f32 v20, v10;
	_ =	sdelay $0x1  }
0x297: {  	[tilespmem:$0x490] =	vst v10  }
0x298: {  	v20 =	vld [tilespmem:s7+$0x1020];
	_ =	sdelay $0x4  }
0x299: {  	v9 =	vadd.f32 v20, v9;
	_ =	sdelay $0x1  }
0x29a: {  	[tilespmem:$0x4A0] =	vst v9  }
0x29b: {  	v20 =	vld [tilespmem:s7+$0x1030];
	_ =	sdelay $0x4  }
0x29c: {  	v8 =	vadd.f32 v20, v8;
	_ =	sdelay $0x1  }
0x29d: {  	[tilespmem:$0x4B0] =	vst v8  }
0x29e: {  	v20 =	vld [tilespmem:s7+$0x1040];
	_ =	sdelay $0x4  }
0x29f: {  	v6 =	vadd.f32 v20, v6;
	_ =	sdelay $0x1  }
0x2a0: {  	[tilespmem:$0x4C0] =	vst v6  }
0x2a1: {  	v20 =	vld [tilespmem:s7+$0x1050];
	_ =	sdelay $0x4  }
0x2a2: {  	v5 =	vadd.f32 v20, v5;
	_ =	sdelay $0x1  }
0x2a3: {  	[tilespmem:$0x4D0] =	vst v5  }
0x2a4: {  	v20 =	vld [tilespmem:s7+$0x1060];
	_ =	sdelay $0x4  }
0x2a5: {  	v7 =	vadd.f32 v20, v7;
	_ =	sdelay $0x1  }
0x2a6: {  	[tilespmem:$0x4E0] =	vst v7  }
0x2a7: {  	v20 =	vld [tilespmem:s7+$0x1070];
	_ =	sdelay $0x4  }
0x2a8: {  	v4 =	vadd.f32 v20, v4;
	_ =	sdelay $0x1  }
0x2a9: {  	[tilespmem:$0x4F0] =	vst v4  }
0x2aa: {  	v20 =	vld [tilespmem:s7+$0x1080];
	_ =	sdelay $0x2  }
.Ltmp11:
0x2ab: {  	(pc) =	sbr.rel @p0 .LBB2_23-.Ltmp11, $3  }
0x2ac: {  	_ = 	snop  }
0x2ad: {  	v3 =	vadd.f32 v20, v3;
	_ =	sdelay $0x1  }
0x2ae: {  	s7 =	sshra.s32 s10, $0x2;
	s10 =	sadd.s32 $0x440, s10;
	[tilespmem:$0x500] =	vst v3  }
0x2af: {  	v20 =	vld [tilespmem:s7+$0xF80];
	_ =	sdelay $0x4  }
0x2b0: {  	v19 =	vadd.f32 v20, v19;
	_ =	sdelay $0x1  }
0x2b1: {  	[tilespmem:$0x400] =	vst v19  }
0x2b2: {  	v19 =	vld [tilespmem:s7+$0xF90];
	_ =	sdelay $0x4  }
0x2b3: {  	v11 =	vadd.f32 v19, v11;
	_ =	sdelay $0x1  }
0x2b4: {  	[tilespmem:$0x410] =	vst v11  }
0x2b5: {  	v11 =	vld [tilespmem:s7+$0xFA0];
	_ =	sdelay $0x4  }
0x2b6: {  	v11 =	vadd.f32 v11, v18;
	_ =	sdelay $0x1  }
0x2b7: {  	[tilespmem:$0x420] =	vst v11  }
0x2b8: {  	v11 =	vld [tilespmem:s7+$0xFB0];
	_ =	sdelay $0x4  }
0x2b9: {  	v11 =	vadd.f32 v11, v17;
	_ =	sdelay $0x1  }
0x2ba: {  	[tilespmem:$0x430] =	vst v11  }
0x2bb: {  	v11 =	vld [tilespmem:s7+$0xFC0];
	_ =	sdelay $0x4  }
0x2bc: {  	v11 =	vadd.f32 v11, v16;
	_ =	sdelay $0x1  }
0x2bd: {  	[tilespmem:$0x440] =	vst v11  }
0x2be: {  	v11 =	vld [tilespmem:s7+$0xFD0];
	_ =	sdelay $0x4  }
0x2bf: {  	v11 =	vadd.f32 v11, v15;
	_ =	sdelay $0x1  }
0x2c0: {  	[tilespmem:$0x450] =	vst v11  }
0x2c1: {  	v11 =	vld [tilespmem:s7+$0xFE0];
	_ =	sdelay $0x4  }
0x2c2: {  	v11 =	vadd.f32 v11, v14;
	_ =	sdelay $0x1  }
0x2c3: {  	[tilespmem:$0x460] =	vst v11  }
0x2c4: {  	v11 =	vld [tilespmem:s7+$0xFF0];
	_ =	sdelay $0x4  }
0x2c5: {  	v11 =	vadd.f32 v11, v13;
	_ =	sdelay $0x1  }
0x2c6: {  	[tilespmem:$0x470] =	vst v11  }
0x2c7: {  	v11 =	vld [tilespmem:s7+$0x1000];
	_ =	sdelay $0x4  }
0x2c8: {  	v11 =	vadd.f32 v11, v12;
	_ =	sdelay $0x1  }
0x2c9: {  	[tilespmem:$0x480] =	vst v11  }
0x2ca: {  	v11 =	vld [tilespmem:s7+$0x1010];
	_ =	sdelay $0x4  }
0x2cb: {  	v10 =	vadd.f32 v11, v10;
	_ =	sdelay $0x1  }
0x2cc: {  	[tilespmem:$0x490] =	vst v10  }
0x2cd: {  	v10 =	vld [tilespmem:s7+$0x1020];
	_ =	sdelay $0x4  }
0x2ce: {  	v9 =	vadd.f32 v10, v9;
	_ =	sdelay $0x1  }
0x2cf: {  	[tilespmem:$0x4A0] =	vst v9  }
0x2d0: {  	v9 =	vld [tilespmem:s7+$0x1030];
	_ =	sdelay $0x4  }
0x2d1: {  	v8 =	vadd.f32 v9, v8;
	_ =	sdelay $0x1  }
0x2d2: {  	[tilespmem:$0x4B0] =	vst v8  }
0x2d3: {  	v8 =	vld [tilespmem:s7+$0x1040];
	_ =	sdelay $0x4  }
0x2d4: {  	v6 =	vadd.f32 v8, v6;
	_ =	sdelay $0x1  }
0x2d5: {  	[tilespmem:$0x4C0] =	vst v6  }
0x2d6: {  	v6 =	vld [tilespmem:s7+$0x1050];
	_ =	sdelay $0x4  }
0x2d7: {  	v5 =	vadd.f32 v6, v5;
	_ =	sdelay $0x1  }
0x2d8: {  	[tilespmem:$0x4D0] =	vst v5  }
0x2d9: {  	v5 =	vld [tilespmem:s7+$0x1060];
	_ =	sdelay $0x4  }
0x2da: {  	v5 =	vadd.f32 v5, v7  }
0x2db: {  	v1 =	vadd.f32 v2, v1  }
0x2dc: {  	[tilespmem:$0x4E0] =	vst v5  }
0x2dd: {  	(v2sf) =	vpush v1, $0x0;
	v2 =	vld [tilespmem:s7+$0x1070];
	_ =	sdelay $0x4  }
0x2de: {  	v1 =	vadd.f32 v2, v4;
	_ =	sdelay $0x1  }
0x2df: {  	v63 =	vimm.s32 $0x67452301;
	[tilespmem:$0x4F0] =	vst v1  }
0x2e0: {  	v9 =	vunpack.c.l.s4.s8 v63;
	v1 =	vld [tilespmem:s7+$0x1080];
	_ =	sdelay $0x1  }
0x2e1: {  	v62 =	vimm.s32 $0xEFCDAB89;
	v9 =	vunpack.c.0.s8.s32 v9;
	v4 =	vimm.s32 $0x76543210  }
0x2e2: {  	v8 =	vunpack.c.l.s4.s8 v62;
	v2 =	vimm.s32 $0xFEDCBA98;
	v4 =	vunpack.c.l.s4.s8 v4  }
0x2e3: {  	v6 =	vimm.s32 $0xDCFE98BA;
	v5 =	vimm.s32 $0x32107654;
	v2 =	vunpack.c.l.s4.s8 v2  }
0x2e4: {  	v3 =	vadd.f32 v1, v3;
	v1 =	vunpack.c.0.s8.s32 v4;
	v4 =	vimm.s32 $0xBA98FEDC  }
0x2e5: {  	v7 =	vimm.s32 $0x54761032;
	v5 =	vunpack.c.l.s4.s8 v5;
	v4 =	vunpack.c.l.s4.s8 v4  }
0x2e6: {  	s31 =	spop (v2sf);
	v6 =	vunpack.c.l.s4.s8 v6;
	v7 =	vunpack.c.l.s4.s8 v7;
	v2 =	vunpack.c.0.s8.s32 v2  }
0x2e7: {  	v8 =	vunpack.c.0.s8.s32 v8;
	v5 =	vunpack.c.0.s8.s32 v5;
	s7 =	scvt.f32.s32 s31;
	v4 =	vunpack.c.0.s8.s32 v4  }
0x2e8: {  	v6 =	vunpack.c.0.s8.s32 v6;
	v7 =	vunpack.c.0.s8.s32 v7;
	v2 =	vand.u32 $0xF, v2  }
0x2e9: {  	s11 =	simm.s32 $0x0;
	s12 =	simm.s32 $0x80;
	s9 =	ssub.s32 s9, s7;
	v1 =	vcombine.low v2, v1;
	v2 =	vcombine.low v5, v4  }
0x2ea: {  	s13 =	simm.s32 $0x0;
	s7 =	simm.s32 $0x0;
	s10 =	scvt.s32.f32 s9;
	[tilespmem:$0x500] =	vst v3;
	v3 =	vlaneseq.u32;
	v4 =	vcombine.low v7, v6;
	v5 =	vcombine.low v9, v8  }
.LBB2_25:
0x2eb: {  	s14 =	simm.s32 $0x400  }
0x2ec: {  	v8 =	vld [tilespmem:s14+$0x0]  }
0x2ed: {  	s31 =	sshrl.u32 s12, s13  }
0x2ee: {  	s14 =	sor.u32 s31, s7  }
0x2ef: {  	v7 =	vor.u32 s11, v3;
	v6 =	vmov s14  }
0x2f0: {  	vm0 =	vlt.s32 v7, v6  }
0x2f1: {  	s15 =	simm.s32 $0x10;
	s16 =	simm.s32 $0x410;
	v7 =	vimm.f32 $0.0e+00;
	v8 =	vsel vm0, $0x0, v8  }
.LBB2_26:
0x2f2: {  	v9 =	vld [tilespmem:s16+$0x0];
	p0 =	sne.s32 s15, $0xF0;
	v7 =	vadd.f32 v8, v7;
	s17 =	smov.u32 s15;
	s15 =	sadd.s32 $0x10, s15  }
.Ltmp12:
0x2f3: {  	(pc) =	sbr.rel @p0 .LBB2_26-.Ltmp12, $4  }
0x2f4: {  	_ = 	snop  }
0x2f5: {  	v8 =	vor.u32 s17, v3  }
0x2f6: {  	vm0 =	vlt.s32 v8, v6  }
0x2f7: {  	s16 =	sadd.s32 $0x10, s16;
	v8 =	vsel vm0, $0x0, v9  }
0x2f8: {  	v6 =	vadd.f32 v8, v7;
	_ =	sdelay $0x1  }
0x2f9: {  	v7 =	vperm.xlane v6, v1;
	_ =	sdelay $0x1  }
0x2fa: {  	v6 =	vadd.f32 v7, v6;
	_ =	sdelay $0x1  }
0x2fb: {  	v7 =	vperm.xlane v6, v2;
	_ =	sdelay $0x1  }
0x2fc: {  	v6 =	vadd.f32 v7, v6;
	_ =	sdelay $0x1  }
0x2fd: {  	v7 =	vperm.xlane v6, v4;
	_ =	sdelay $0x1  }
0x2fe: {  	v6 =	vadd.f32 v7, v6;
	_ =	sdelay $0x1  }
0x2ff: {  	v7 =	vperm.xlane v6, v5;
	_ =	sdelay $0x1  }
0x300: {  	v6 =	vadd.f32 v7, v6;
	_ =	sdelay $0x1  }
0x301: {  	(v2sf) =	vpush v6, $0x0;
	_ =	sdelay $0xb  }
0x302: {  	s13 =	sadd.s32 $0x1, s13  }
0x303: {  	p1 =	sne.s32 s13, $0x8  }
.Ltmp13:
0x304: {  	_ = 	snop;
	(pc) =	sbr.rel @p1 .LBB2_25-.Ltmp13, $3  }
0x305: {  	s15 =	spop (v2sf)  }
0x306: {  	p0 =	sge.f32 s15, s10;
	_ =	sdelay $0x1  }
0x307: {  	s7 =	smov.u32 @p0 s14  }
0x308: {  	s10 =	simm.s32 $0x400  }
0x309: {  	v4 =	vld [tilespmem:s10+$0x0];
	_ =	sdelay $0x1  }
0x30a: {  	s31 =	sadd.s32 $0x1, s7;
	s11 =	simm.s32 $0x0;
	v2 =	vlaneseq.u32  }
0x30b: {  	v3 =	vmov s31;
	v1 =	vor.u32 s11, v2  }
0x30c: {  	vm0 =	vlt.s32 v1, v3  }
0x30d: {  	s10 =	simm.s32 $0x10;
	s11 =	simm.s32 $0x410;
	v1 =	vimm.f32 $0.0e+00;
	v4 =	vsel vm0, $0x0, v4  }
.LBB2_29:
0x30e: {  	v5 =	vld [tilespmem:s11+$0x0];
	p0 =	sne.s32 s10, $0xF0;
	v1 =	vadd.f32 v4, v1;
	s12 =	smov.u32 s10;
	s10 =	sadd.s32 $0x10, s10  }
.Ltmp14:
0x30f: {  	(pc) =	sbr.rel @p0 .LBB2_29-.Ltmp14, $4  }
0x310: {  	_ = 	snop  }
0x311: {  	v4 =	vor.u32 s12, v2  }
0x312: {  	vm0 =	vlt.s32 v4, v3  }
0x313: {  	s11 =	sadd.s32 $0x10, s11;
	v4 =	vsel vm0, $0x0, v5  }
0x314: {  	v2 =	vimm.s32 $0xFEDCBA98  }
0x315: {  	v3 =	vimm.s32 $0x76543210;
	v2 =	vunpack.c.l.s4.s8 v2  }
0x316: {  	v3 =	vunpack.c.l.s4.s8 v3  }
0x317: {  	v2 =	vunpack.c.0.s8.s32 v2  }
0x318: {  	v3 =	vunpack.c.0.s8.s32 v3  }
0x319: {  	v1 =	vadd.f32 v4, v1;
	v2 =	vand.u32 $0xF, v2  }
0x31a: {  	v4 =	vimm.s32 $0x32107654;
	v2 =	vcombine.low v2, v3;
	v3 =	vimm.s32 $0xBA98FEDC  }
0x31b: {  	v4 =	vunpack.c.l.s4.s8 v4;
	v3 =	vunpack.c.l.s4.s8 v3  }
0x31c: {  	v2 =	vperm.xlane v1, v2  }
0x31d: {  	v4 =	vunpack.c.0.s8.s32 v4;
	v3 =	vunpack.c.0.s8.s32 v3  }
0x31e: {  	v1 =	vadd.f32 v2, v1  }
0x31f: {  	v2 =	vcombine.low v4, v3;
	v3 =	vimm.s32 $0xDCFE98BA;
	v4 =	vimm.s32 $0x54761032  }
0x320: {  	v3 =	vunpack.c.l.s4.s8 v3;
	v4 =	vunpack.c.l.s4.s8 v4  }
0x321: {  	v2 =	vperm.xlane v1, v2  }
0x322: {  	v3 =	vunpack.c.0.s8.s32 v3;
	v4 =	vunpack.c.0.s8.s32 v4  }
0x323: {  	v5 =	vimm.s32 $0x67452301;
	v1 =	vadd.f32 v2, v1;
	v2 =	vimm.s32 $0xEFCDAB89  }
0x324: {  	v3 =	vcombine.low v4, v3;
	v2 =	vunpack.c.l.s4.s8 v2;
	v4 =	vunpack.c.l.s4.s8 v5;
	_ =	sdelay $0x1  }
0x325: {  	v3 =	vperm.xlane v1, v3;
	v2 =	vunpack.c.0.s8.s32 v2;
	v4 =	vunpack.c.0.s8.s32 v4  }
0x326: {  	s7 =	sshll.u32 s7, $0x8  }
0x327: {  	s7 =	sor.u32 s8, s7;
	v1 =	vadd.f32 v3, v1;
	v2 =	vcombine.low v4, v2  }
0x328: {  	s12 =	simm.s32 $0x0;
	s10 =	sshrl.u32 s7, $0x8  }
0x329: {  	s11 =	simm.s32 $0x10;
	s8 =	simm.s32 $0x0;
	v3 =	vmov s10;
	s10 =	simm.s32 $0x0;
	v2 =	vperm.xlane v1, v2  }
.LBB2_31:
0x32a: {  	p0 =	sne.s32 s11, $0x3F0;
	v4 =	vld [tilespmem:s12+$0x0];
	_ =	sdelay $0x4  }
.Ltmp15:
0x32b: {  	v5 =	vshrl.u32 v4, $0x8;
	(pc) =	sbr.rel @p0 .LBB2_31-.Ltmp15, $4  }
0x32c: {  	s12 =	sand.u32 $0xE00, s8;
	v4 =	vand.u32 $0xFF, v4;
	vm0 =	veq.s32 v5, v3  }
0x32d: {  	s13 =	sand.u32 $0x70, s10;
	s10 =	smov.u32 s11;
	s12 =	sshrl.u32 s12, $0x2;
	v4 =	vnsel vm0, $0x100, v4  }
0x32e: {  	s8 =	sadd.s32 $0x40, s8;
	s13 =	sor.u32 s13, s12;
	v4 =	vadd.s32 v0, v4  }
0x32f: {  	s11 =	sadd.s32 $0x10, s11;
	s12 =	sshra.s32 s8, $0x2;
	[tilespmem:s13+$0x980] =	vst v4  }
0x330: {  	v4 =	vld [tilespmem:s12+$0x0];
	_ =	sdelay $0x4  }
0x331: {  	v5 =	vshrl.u32 v4, $0x8  }
0x332: {  	s8 =	sand.u32 $0xE00, s8;
	v4 =	vand.u32 $0xFF, v4;
	vm0 =	veq.s32 v5, v3  }
0x333: {  	s10 =	sand.u32 $0x70, s10;
	s8 =	sshrl.u32 s8, $0x2;
	v3 =	vnsel vm0, $0x100, v4  }
0x334: {  	s8 =	sor.u32 s10, s8;
	v3 =	vadd.s32 v0, v3  }
0x335: {  	s19 =	simm.s32 $0x80;
	s20 =	simm.s32 $0x980;
	s11 =	simm.s32 $0xD80;
	[tilespmem:s8+$0x980] =	vst v3  }
0x336: {  	[spmem:s6] =	stream.indirect.scatter.add.f32 [tilespmem:s11], [sflag:$0x1], $0x1, s20, s19, $0xb8;
	[tilespmem:$0x26E0] =	vst v63  }
0x337: {  	s21 =	simm.s32 $0xA00  }
0x338: {  	[spmem:s6] =	stream.indirect.scatter.add.f32 [tilespmem:s11], [sflag:$0x1], $0x1, s21, s19, $0xb8;
	[tilespmem:$0x26E0] =	vst v63  }
0x339: {  	s22 =	simm.s32 $0xA80  }
0x33a: {  	[spmem:s6] =	stream.indirect.scatter.add.f32 [tilespmem:s11], [sflag:$0x1], $0x1, s22, s19, $0xb8;
	[tilespmem:$0x26E0] =	vst v63  }
0x33b: {  	s23 =	simm.s32 $0xB00  }
0x33c: {  	[spmem:s6] =	stream.indirect.scatter.add.f32 [tilespmem:s11], [sflag:$0x1], $0x1, s23, s19, $0xb8;
	[tilespmem:$0x26E0] =	vst v63  }
0x33d: {  	s24 =	simm.s32 $0xB80  }
0x33e: {  	[spmem:s6] =	stream.indirect.scatter.add.f32 [tilespmem:s11], [sflag:$0x1], $0x1, s24, s19, $0xb8;
	[tilespmem:$0x26E0] =	vst v63  }
0x33f: {  	s25 =	simm.s32 $0xC00  }
0x340: {  	[spmem:s6] =	stream.indirect.scatter.add.f32 [tilespmem:s11], [sflag:$0x1], $0x1, s25, s19, $0xb8;
	[tilespmem:$0x26E0] =	vst v63  }
0x341: {  	s26 =	simm.s32 $0xC80  }
0x342: {  	[spmem:s6] =	stream.indirect.scatter.add.f32 [tilespmem:s11], [sflag:$0x1], $0x1, s26, s19, $0xb8;
	[tilespmem:$0x26E0] =	vst v63  }
0x343: {  	s28 =	simm.s32 $0xD00;
	s29 =	simm.s32 $0x1  }
0x344: {  	[spmem:s6] =	stream.indirect.scatter.add.f32 [tilespmem:s11], [sflag:$0x1], $0x1, s28, s19, $0xb8;
	[tilespmem:$0x26E0] =	vst v63  }
0x345: {  	_ =	swait.ge [sflag:s29], $0x80  }
0x346: {  	[sflag:s29] =	ssyncset.done $0x0  }
0x347: {  	[sflag:s29] =	ssyncadd.s32 $0xFFFFFF80  }
0x348: {  	_ =	swait.ge [sflag:s29], $0x80  }
0x349: {  	[sflag:s29] =	ssyncset.done $0x0  }
0x34a: {  	[sflag:s29] =	ssyncadd.s32 $0xFFFFFF80  }
0x34b: {  	_ =	swait.ge [sflag:s29], $0x80  }
0x34c: {  	[sflag:s29] =	ssyncset.done $0x0  }
0x34d: {  	[sflag:s29] =	ssyncadd.s32 $0xFFFFFF80  }
0x34e: {  	_ =	swait.ge [sflag:s29], $0x80  }
0x34f: {  	[sflag:s29] =	ssyncset.done $0x0  }
0x350: {  	[sflag:s29] =	ssyncadd.s32 $0xFFFFFF80  }
0x351: {  	_ =	swait.ge [sflag:s29], $0x80  }
0x352: {  	[sflag:s29] =	ssyncset.done $0x0  }
0x353: {  	[sflag:s29] =	ssyncadd.s32 $0xFFFFFF80  }
0x354: {  	_ =	swait.ge [sflag:s29], $0x80  }
0x355: {  	[sflag:s29] =	ssyncset.done $0x0  }
0x356: {  	[sflag:s29] =	ssyncadd.s32 $0xFFFFFF80  }
0x357: {  	_ =	swait.ge [sflag:s29], $0x80  }
0x358: {  	[sflag:s29] =	ssyncset.done $0x0  }
0x359: {  	[sflag:s29] =	ssyncadd.s32 $0xFFFFFF80  }
0x35a: {  	_ =	swait.ge [sflag:s29], $0x80  }
0x35b: {  	[sflag:s29] =	ssyncset.done $0x0  }
0x35c: {  	[sflag:s29] =	ssyncadd.s32 $0xFFFFFF80  }
0x35d: {  	s30 =	simm.s32 $0xF80;
	s31 =	simm.s32 $0x2;
	[bflag:$0x0] =	sbarrier.arrive $0xFFFF  }
0x35e: {  	[tilespmem:s30], [sflag:$0x2] =	stream.linear.gather [spmem:s6], $0x1100, $0x38;
	[tilespmem:$0x26E0] =	vst v63  }
0x35f: {  	_ =	swait.ge [sflag:s31], $0x1100  }
0x360: {  	[sflag:s31] =	ssyncset.done $0x0  }
0x361: {  	v11 =	vimm.f32 $0.0e+00;
	[sflag:s31] =	ssyncadd.s32 $0xFFFFEF00  }
0x362: {  	[tilespmem:$0x400] =	vst v11  }
0x363: {  	[tilespmem:$0x410] =	vst v11  }
0x364: {  	[tilespmem:$0x420] =	vst v11  }
0x365: {  	[tilespmem:$0x430] =	vst v11  }
0x366: {  	[tilespmem:$0x440] =	vst v11  }
0x367: {  	[tilespmem:$0x450] =	vst v11  }
0x368: {  	[tilespmem:$0x460] =	vst v11  }
0x369: {  	[tilespmem:$0x470] =	vst v11  }
0x36a: {  	[tilespmem:$0x480] =	vst v11  }
0x36b: {  	[tilespmem:$0x490] =	vst v11  }
0x36c: {  	[tilespmem:$0x4A0] =	vst v11  }
0x36d: {  	[tilespmem:$0x4B0] =	vst v11  }
0x36e: {  	v18 =	vimm.f32 $0.0e+00;
	v17 =	vimm.f32 $0.0e+00;
	v16 =	vimm.f32 $0.0e+00;
	[tilespmem:$0x4C0] =	vst v11  }
0x36f: {  	v15 =	vimm.f32 $0.0e+00;
	v14 =	vimm.f32 $0.0e+00;
	v13 =	vimm.f32 $0.0e+00;
	[tilespmem:$0x4D0] =	vst v11  }
0x370: {  	v12 =	vimm.f32 $0.0e+00;
	v10 =	vimm.f32 $0.0e+00;
	v9 =	vimm.f32 $0.0e+00;
	[tilespmem:$0x4E0] =	vst v11  }
0x371: {  	v8 =	vimm.f32 $0.0e+00;
	v6 =	vimm.f32 $0.0e+00;
	v7 =	vimm.f32 $0.0e+00;
	[tilespmem:$0x4F0] =	vst v11  }
0x372: {  	v5 =	vimm.f32 $0.0e+00;
	v4 =	vimm.f32 $0.0e+00;
	s8 =	simm.s32 $0x440;
	v3 =	vimm.f32 $0.0e+00;
	s6 =	simm.s32 $0x0;
	[tilespmem:$0x500] =	vst v11;
	v19 =	vld [tilespmem:$0x400]  }
.LBB2_33:
0x373: {  	p0 =	sne.s32 s8, $0x3FC0;
	v20 =	vld [tilespmem:s6+$0xF80];
	_ =	sdelay $0x4  }
0x374: {  	v19 =	vadd.f32 v20, v19;
	_ =	sdelay $0x1  }
0x375: {  	[tilespmem:$0x400] =	vst v19  }
0x376: {  	v20 =	vld [tilespmem:s6+$0xF90];
	_ =	sdelay $0x4  }
0x377: {  	v11 =	vadd.f32 v20, v11;
	_ =	sdelay $0x1  }
0x378: {  	[tilespmem:$0x410] =	vst v11  }
0x379: {  	v20 =	vld [tilespmem:s6+$0xFA0];
	_ =	sdelay $0x4  }
0x37a: {  	v18 =	vadd.f32 v20, v18;
	_ =	sdelay $0x1  }
0x37b: {  	[tilespmem:$0x420] =	vst v18  }
0x37c: {  	v20 =	vld [tilespmem:s6+$0xFB0];
	_ =	sdelay $0x4  }
0x37d: {  	v17 =	vadd.f32 v20, v17;
	_ =	sdelay $0x1  }
0x37e: {  	[tilespmem:$0x430] =	vst v17  }
0x37f: {  	v20 =	vld [tilespmem:s6+$0xFC0];
	_ =	sdelay $0x4  }
0x380: {  	v16 =	vadd.f32 v20, v16;
	_ =	sdelay $0x1  }
0x381: {  	[tilespmem:$0x440] =	vst v16  }
0x382: {  	v20 =	vld [tilespmem:s6+$0xFD0];
	_ =	sdelay $0x4  }
0x383: {  	v15 =	vadd.f32 v20, v15;
	_ =	sdelay $0x1  }
0x384: {  	[tilespmem:$0x450] =	vst v15  }
0x385: {  	v20 =	vld [tilespmem:s6+$0xFE0];
	_ =	sdelay $0x4  }
0x386: {  	v14 =	vadd.f32 v20, v14;
	_ =	sdelay $0x1  }
0x387: {  	[tilespmem:$0x460] =	vst v14  }
0x388: {  	v20 =	vld [tilespmem:s6+$0xFF0];
	_ =	sdelay $0x4  }
0x389: {  	v13 =	vadd.f32 v20, v13;
	_ =	sdelay $0x1  }
0x38a: {  	[tilespmem:$0x470] =	vst v13  }
0x38b: {  	v20 =	vld [tilespmem:s6+$0x1000];
	_ =	sdelay $0x4  }
0x38c: {  	v12 =	vadd.f32 v20, v12;
	_ =	sdelay $0x1  }
0x38d: {  	[tilespmem:$0x480] =	vst v12  }
0x38e: {  	v20 =	vld [tilespmem:s6+$0x1010];
	_ =	sdelay $0x4  }
0x38f: {  	v10 =	vadd.f32 v20, v10;
	_ =	sdelay $0x1  }
0x390: {  	[tilespmem:$0x490] =	vst v10  }
0x391: {  	v20 =	vld [tilespmem:s6+$0x1020];
	_ =	sdelay $0x4  }
0x392: {  	v9 =	vadd.f32 v20, v9;
	_ =	sdelay $0x1  }
0x393: {  	[tilespmem:$0x4A0] =	vst v9  }
0x394: {  	v20 =	vld [tilespmem:s6+$0x1030];
	_ =	sdelay $0x4  }
0x395: {  	v8 =	vadd.f32 v20, v8;
	_ =	sdelay $0x1  }
0x396: {  	[tilespmem:$0x4B0] =	vst v8  }
0x397: {  	v20 =	vld [tilespmem:s6+$0x1040];
	_ =	sdelay $0x4  }
0x398: {  	v6 =	vadd.f32 v20, v6;
	_ =	sdelay $0x1  }
0x399: {  	[tilespmem:$0x4C0] =	vst v6  }
0x39a: {  	v20 =	vld [tilespmem:s6+$0x1050];
	_ =	sdelay $0x4  }
0x39b: {  	v5 =	vadd.f32 v20, v5;
	_ =	sdelay $0x1  }
0x39c: {  	[tilespmem:$0x4D0] =	vst v5  }
0x39d: {  	v20 =	vld [tilespmem:s6+$0x1060];
	_ =	sdelay $0x4  }
0x39e: {  	v7 =	vadd.f32 v20, v7;
	_ =	sdelay $0x1  }
0x39f: {  	[tilespmem:$0x4E0] =	vst v7  }
0x3a0: {  	v20 =	vld [tilespmem:s6+$0x1070];
	_ =	sdelay $0x4  }
0x3a1: {  	v4 =	vadd.f32 v20, v4;
	_ =	sdelay $0x1  }
0x3a2: {  	[tilespmem:$0x4F0] =	vst v4  }
0x3a3: {  	v20 =	vld [tilespmem:s6+$0x1080];
	_ =	sdelay $0x2  }
.Ltmp16:
0x3a4: {  	(pc) =	sbr.rel @p0 .LBB2_33-.Ltmp16, $3  }
0x3a5: {  	_ = 	snop  }
0x3a6: {  	v3 =	vadd.f32 v20, v3;
	_ =	sdelay $0x1  }
0x3a7: {  	s6 =	sshra.s32 s8, $0x2;
	s8 =	sadd.s32 $0x440, s8;
	[tilespmem:$0x500] =	vst v3  }
0x3a8: {  	v20 =	vld [tilespmem:s6+$0xF80];
	_ =	sdelay $0x4  }
0x3a9: {  	v19 =	vadd.f32 v20, v19;
	_ =	sdelay $0x1  }
0x3aa: {  	[tilespmem:$0x400] =	vst v19  }
0x3ab: {  	v19 =	vld [tilespmem:s6+$0xF90];
	_ =	sdelay $0x4  }
0x3ac: {  	v11 =	vadd.f32 v19, v11;
	_ =	sdelay $0x1  }
0x3ad: {  	[tilespmem:$0x410] =	vst v11  }
0x3ae: {  	v11 =	vld [tilespmem:s6+$0xFA0];
	_ =	sdelay $0x4  }
0x3af: {  	v11 =	vadd.f32 v11, v18;
	_ =	sdelay $0x1  }
0x3b0: {  	[tilespmem:$0x420] =	vst v11  }
0x3b1: {  	v11 =	vld [tilespmem:s6+$0xFB0];
	_ =	sdelay $0x4  }
0x3b2: {  	v11 =	vadd.f32 v11, v17;
	_ =	sdelay $0x1  }
0x3b3: {  	[tilespmem:$0x430] =	vst v11  }
0x3b4: {  	v11 =	vld [tilespmem:s6+$0xFC0];
	_ =	sdelay $0x4  }
0x3b5: {  	v11 =	vadd.f32 v11, v16;
	_ =	sdelay $0x1  }
0x3b6: {  	[tilespmem:$0x440] =	vst v11  }
0x3b7: {  	v11 =	vld [tilespmem:s6+$0xFD0];
	_ =	sdelay $0x4  }
0x3b8: {  	v11 =	vadd.f32 v11, v15;
	_ =	sdelay $0x1  }
0x3b9: {  	[tilespmem:$0x450] =	vst v11  }
0x3ba: {  	v11 =	vld [tilespmem:s6+$0xFE0];
	_ =	sdelay $0x4  }
0x3bb: {  	v11 =	vadd.f32 v11, v14;
	_ =	sdelay $0x1  }
0x3bc: {  	[tilespmem:$0x460] =	vst v11  }
0x3bd: {  	v11 =	vld [tilespmem:s6+$0xFF0];
	_ =	sdelay $0x4  }
0x3be: {  	v11 =	vadd.f32 v11, v13;
	_ =	sdelay $0x1  }
0x3bf: {  	[tilespmem:$0x470] =	vst v11  }
0x3c0: {  	v11 =	vld [tilespmem:s6+$0x1000];
	_ =	sdelay $0x4  }
0x3c1: {  	v11 =	vadd.f32 v11, v12;
	_ =	sdelay $0x1  }
0x3c2: {  	[tilespmem:$0x480] =	vst v11  }
0x3c3: {  	v11 =	vld [tilespmem:s6+$0x1010];
	_ =	sdelay $0x4  }
0x3c4: {  	v10 =	vadd.f32 v11, v10;
	_ =	sdelay $0x1  }
0x3c5: {  	[tilespmem:$0x490] =	vst v10  }
0x3c6: {  	v10 =	vld [tilespmem:s6+$0x1020];
	_ =	sdelay $0x4  }
0x3c7: {  	v9 =	vadd.f32 v10, v9;
	_ =	sdelay $0x1  }
0x3c8: {  	[tilespmem:$0x4A0] =	vst v9  }
0x3c9: {  	v9 =	vld [tilespmem:s6+$0x1030];
	_ =	sdelay $0x4  }
0x3ca: {  	v8 =	vadd.f32 v9, v8;
	_ =	sdelay $0x1  }
0x3cb: {  	[tilespmem:$0x4B0] =	vst v8  }
0x3cc: {  	v8 =	vld [tilespmem:s6+$0x1040];
	_ =	sdelay $0x4  }
0x3cd: {  	v6 =	vadd.f32 v8, v6;
	_ =	sdelay $0x1  }
0x3ce: {  	[tilespmem:$0x4C0] =	vst v6  }
0x3cf: {  	v6 =	vld [tilespmem:s6+$0x1050];
	_ =	sdelay $0x4  }
0x3d0: {  	v5 =	vadd.f32 v6, v5;
	_ =	sdelay $0x1  }
0x3d1: {  	[tilespmem:$0x4D0] =	vst v5  }
0x3d2: {  	v5 =	vld [tilespmem:s6+$0x1060];
	_ =	sdelay $0x4  }
0x3d3: {  	v5 =	vadd.f32 v5, v7  }
0x3d4: {  	v1 =	vadd.f32 v2, v1  }
0x3d5: {  	[tilespmem:$0x4E0] =	vst v5  }
0x3d6: {  	(v2sf) =	vpush v1, $0x0;
	v2 =	vld [tilespmem:s6+$0x1070];
	_ =	sdelay $0x4  }
0x3d7: {  	v1 =	vadd.f32 v2, v4;
	_ =	sdelay $0x1  }
0x3d8: {  	v63 =	vimm.s32 $0x67452301;
	[tilespmem:$0x4F0] =	vst v1  }
0x3d9: {  	v9 =	vunpack.c.l.s4.s8 v63;
	v1 =	vld [tilespmem:s6+$0x1080];
	_ =	sdelay $0x1  }
0x3da: {  	v62 =	vimm.s32 $0xEFCDAB89;
	v9 =	vunpack.c.0.s8.s32 v9;
	v4 =	vimm.s32 $0x76543210  }
0x3db: {  	v8 =	vunpack.c.l.s4.s8 v62;
	v2 =	vimm.s32 $0xFEDCBA98;
	v4 =	vunpack.c.l.s4.s8 v4  }
0x3dc: {  	v6 =	vimm.s32 $0xDCFE98BA;
	v5 =	vimm.s32 $0x32107654;
	v2 =	vunpack.c.l.s4.s8 v2  }
0x3dd: {  	v3 =	vadd.f32 v1, v3;
	v1 =	vunpack.c.0.s8.s32 v4;
	v4 =	vimm.s32 $0xBA98FEDC  }
0x3de: {  	v7 =	vimm.s32 $0x54761032;
	v5 =	vunpack.c.l.s4.s8 v5;
	v4 =	vunpack.c.l.s4.s8 v4  }
0x3df: {  	s31 =	spop (v2sf);
	v6 =	vunpack.c.l.s4.s8 v6;
	v7 =	vunpack.c.l.s4.s8 v7;
	v2 =	vunpack.c.0.s8.s32 v2  }
0x3e0: {  	v8 =	vunpack.c.0.s8.s32 v8;
	v5 =	vunpack.c.0.s8.s32 v5;
	s6 =	scvt.f32.s32 s31;
	v4 =	vunpack.c.0.s8.s32 v4  }
0x3e1: {  	v6 =	vunpack.c.0.s8.s32 v6;
	v7 =	vunpack.c.0.s8.s32 v7;
	v2 =	vand.u32 $0xF, v2  }
0x3e2: {  	s11 =	simm.s32 $0x80;
	s10 =	simm.s32 $0x0;
	s6 =	ssub.s32 s9, s6;
	v1 =	vcombine.low v2, v1;
	v2 =	vcombine.low v5, v4  }
0x3e3: {  	s12 =	simm.s32 $0x0;
	s9 =	simm.s32 $0x0;
	s8 =	scvt.s32.f32 s6;
	[tilespmem:$0x500] =	vst v3;
	v3 =	vlaneseq.u32;
	v4 =	vcombine.low v7, v6;
	v5 =	vcombine.low v9, v8  }
.LBB2_35:
0x3e4: {  	s13 =	simm.s32 $0x400  }
0x3e5: {  	v8 =	vld [tilespmem:s13+$0x0]  }
0x3e6: {  	s31 =	sshrl.u32 s11, s12  }
0x3e7: {  	s13 =	sor.u32 s31, s10  }
0x3e8: {  	v7 =	vor.u32 s9, v3;
	v6 =	vmov s13  }
0x3e9: {  	vm0 =	vlt.s32 v7, v6  }
0x3ea: {  	s14 =	simm.s32 $0x10;
	s15 =	simm.s32 $0x410;
	v7 =	vimm.f32 $0.0e+00;
	v8 =	vsel vm0, $0x0, v8  }
.LBB2_36:
0x3eb: {  	v9 =	vld [tilespmem:s15+$0x0];
	p0 =	sne.s32 s14, $0xF0;
	v7 =	vadd.f32 v8, v7;
	s16 =	smov.u32 s14;
	s14 =	sadd.s32 $0x10, s14  }
.Ltmp17:
0x3ec: {  	(pc) =	sbr.rel @p0 .LBB2_36-.Ltmp17, $4  }
0x3ed: {  	_ = 	snop  }
0x3ee: {  	v8 =	vor.u32 s16, v3  }
0x3ef: {  	vm0 =	vlt.s32 v8, v6  }
0x3f0: {  	s15 =	sadd.s32 $0x10, s15;
	v8 =	vsel vm0, $0x0, v9  }
0x3f1: {  	v6 =	vadd.f32 v8, v7;
	_ =	sdelay $0x1  }
0x3f2: {  	v7 =	vperm.xlane v6, v1;
	_ =	sdelay $0x1  }
0x3f3: {  	v6 =	vadd.f32 v7, v6;
	_ =	sdelay $0x1  }
0x3f4: {  	v7 =	vperm.xlane v6, v2;
	_ =	sdelay $0x1  }
0x3f5: {  	v6 =	vadd.f32 v7, v6;
	_ =	sdelay $0x1  }
0x3f6: {  	v7 =	vperm.xlane v6, v4;
	_ =	sdelay $0x1  }
0x3f7: {  	v6 =	vadd.f32 v7, v6;
	_ =	sdelay $0x1  }
0x3f8: {  	v7 =	vperm.xlane v6, v5;
	_ =	sdelay $0x1  }
0x3f9: {  	v6 =	vadd.f32 v7, v6;
	_ =	sdelay $0x1  }
0x3fa: {  	(v2sf) =	vpush v6, $0x0;
	_ =	sdelay $0xb  }
0x3fb: {  	s12 =	sadd.s32 $0x1, s12  }
0x3fc: {  	p1 =	sne.s32 s12, $0x8  }
.Ltmp18:
0x3fd: {  	_ = 	snop;
	(pc) =	sbr.rel @p1 .LBB2_35-.Ltmp18, $3  }
0x3fe: {  	s14 =	spop (v2sf)  }
0x3ff: {  	p0 =	sge.f32 s14, s8;
	_ =	sdelay $0x1  }
0x400: {  	s10 =	smov.u32 @p0 s13  }
0x401: {  	s8 =	simm.s32 $0x400  }
0x402: {  	v4 =	vld [tilespmem:s8+$0x0];
	_ =	sdelay $0x1  }
0x403: {  	s31 =	sadd.s32 $0x1, s10;
	s9 =	simm.s32 $0x0;
	v3 =	vlaneseq.u32  }
0x404: {  	v1 =	vmov s31;
	v2 =	vor.u32 s9, v3  }
0x405: {  	vm0 =	vlt.s32 v2, v1  }
0x406: {  	s8 =	simm.s32 $0x10;
	s9 =	simm.s32 $0x410;
	v2 =	vimm.f32 $0.0e+00;
	v4 =	vsel vm0, $0x0, v4  }
.LBB2_39:
0x407: {  	v5 =	vld [tilespmem:s9+$0x0];
	p0 =	sne.s32 s8, $0xF0;
	v2 =	vadd.f32 v4, v2;
	s11 =	smov.u32 s8;
	s8 =	sadd.s32 $0x10, s8  }
.Ltmp19:
0x408: {  	(pc) =	sbr.rel @p0 .LBB2_39-.Ltmp19, $4  }
0x409: {  	_ = 	snop  }
0x40a: {  	v4 =	vor.u32 s11, v3  }
0x40b: {  	vm0 =	vlt.s32 v4, v1  }
0x40c: {  	s9 =	sadd.s32 $0x10, s9;
	v4 =	vsel vm0, $0x0, v5  }
0x40d: {  	v3 =	vimm.s32 $0xFEDCBA98  }
0x40e: {  	v5 =	vimm.s32 $0x76543210;
	v3 =	vunpack.c.l.s4.s8 v3  }
0x40f: {  	v5 =	vunpack.c.l.s4.s8 v5  }
0x410: {  	v3 =	vunpack.c.0.s8.s32 v3  }
0x411: {  	v5 =	vunpack.c.0.s8.s32 v5  }
0x412: {  	v2 =	vadd.f32 v4, v2;
	v3 =	vand.u32 $0xF, v3  }
0x413: {  	v4 =	vimm.s32 $0xBA98FEDC;
	v3 =	vcombine.low v3, v5;
	v5 =	vimm.s32 $0x32107654  }
0x414: {  	v4 =	vunpack.c.l.s4.s8 v4;
	v5 =	vunpack.c.l.s4.s8 v5  }
0x415: {  	v3 =	vperm.xlane v2, v3  }
0x416: {  	v4 =	vunpack.c.0.s8.s32 v4;
	v5 =	vunpack.c.0.s8.s32 v5  }
0x417: {  	v2 =	vadd.f32 v3, v2  }
0x418: {  	v3 =	vcombine.low v5, v4;
	v4 =	vimm.s32 $0xDCFE98BA;
	v5 =	vimm.s32 $0x54761032  }
0x419: {  	v4 =	vunpack.c.l.s4.s8 v4;
	v5 =	vunpack.c.l.s4.s8 v5  }
0x41a: {  	v3 =	vperm.xlane v2, v3  }
0x41b: {  	v4 =	vunpack.c.0.s8.s32 v4;
	v5 =	vunpack.c.0.s8.s32 v5  }
0x41c: {  	v2 =	vadd.f32 v3, v2  }
0x41d: {  	v3 =	vcombine.low v5, v4;
	v4 =	vimm.s32 $0xEFCDAB89;
	v5 =	vimm.s32 $0x67452301  }
0x41e: {  	s8 =	simm.s32 $0x400;
	v4 =	vunpack.c.l.s4.s8 v4;
	v5 =	vunpack.c.l.s4.s8 v5  }
0x41f: {  	v7 =	vld [tilespmem:s8+$0x0];
	v3 =	vperm.xlane v2, v3  }
0x420: {  	v4 =	vunpack.c.0.s8.s32 v4;
	v6 =	vunpack.c.0.s8.s32 v5  }
0x421: {  	s31 =	simm.s32 $0x0;
	v5 =	vlaneseq.u32;
	v2 =	vadd.f32 v3, v2  }
0x422: {  	v3 =	vcombine.low v6, v4;
	v6 =	vmov s10;
	v4 =	vor.u32 s31, v5  }
0x423: {  	vm0 =	vlt.s32 v4, v6  }
0x424: {  	s9 =	simm.s32 $0x410;
	s8 =	simm.s32 $0x10;
	v4 =	vimm.f32 $0.0e+00;
	v3 =	vperm.xlane v2, v3;
	v7 =	vsel vm0, $0x0, v7  }
.LBB2_41:
0x425: {  	v8 =	vld [tilespmem:s9+$0x0];
	p0 =	sne.s32 s8, $0xF0;
	v4 =	vadd.f32 v7, v4;
	s11 =	smov.u32 s8;
	s8 =	sadd.s32 $0x10, s8  }
.Ltmp20:
0x426: {  	(pc) =	sbr.rel @p0 .LBB2_41-.Ltmp20, $4  }
0x427: {  	_ = 	snop  }
0x428: {  	v7 =	vor.u32 s11, v5  }
0x429: {  	vm0 =	vlt.s32 v7, v6  }
0x42a: {  	s9 =	sadd.s32 $0x10, s9;
	v7 =	vsel vm0, $0x0, v8  }
0x42b: {  	v5 =	vimm.s32 $0xFEDCBA98  }
0x42c: {  	v6 =	vimm.s32 $0x76543210;
	v5 =	vunpack.c.l.s4.s8 v5  }
0x42d: {  	v6 =	vunpack.c.l.s4.s8 v6  }
0x42e: {  	v5 =	vunpack.c.0.s8.s32 v5  }
0x42f: {  	v6 =	vunpack.c.0.s8.s32 v6  }
0x430: {  	v4 =	vadd.f32 v7, v4;
	v5 =	vand.u32 $0xF, v5  }
0x431: {  	v7 =	vimm.s32 $0x32107654;
	v5 =	vcombine.low v5, v6;
	v6 =	vimm.s32 $0xBA98FEDC  }
0x432: {  	v7 =	vunpack.c.l.s4.s8 v7;
	v6 =	vunpack.c.l.s4.s8 v6  }
0x433: {  	v5 =	vperm.xlane v4, v5  }
0x434: {  	v7 =	vunpack.c.0.s8.s32 v7;
	v6 =	vunpack.c.0.s8.s32 v6  }
0x435: {  	v4 =	vadd.f32 v5, v4  }
0x436: {  	v5 =	vcombine.low v7, v6;
	v6 =	vimm.s32 $0xDCFE98BA;
	v7 =	vimm.s32 $0x54761032  }
0x437: {  	v6 =	vunpack.c.l.s4.s8 v6;
	v7 =	vunpack.c.l.s4.s8 v7  }
0x438: {  	v5 =	vperm.xlane v4, v5  }
0x439: {  	v6 =	vunpack.c.0.s8.s32 v6;
	v7 =	vunpack.c.0.s8.s32 v7  }
0x43a: {  	v8 =	vimm.s32 $0x67452301;
	v4 =	vadd.f32 v5, v4;
	v5 =	vimm.s32 $0xEFCDAB89  }
0x43b: {  	s8 =	simm.s32 $0x400;
	v6 =	vcombine.low v7, v6;
	v5 =	vunpack.c.l.s4.s8 v5;
	v7 =	vunpack.c.l.s4.s8 v8  }
0x43c: {  	v8 =	vld [tilespmem:s8+$0x0]  }
0x43d: {  	v6 =	vperm.xlane v4, v6;
	v5 =	vunpack.c.0.s8.s32 v5;
	v9 =	vunpack.c.0.s8.s32 v7  }
0x43e: {  	s31 =	simm.s32 $0x0;
	v7 =	vlaneseq.u32  }
0x43f: {  	v4 =	vadd.f32 v6, v4;
	v5 =	vcombine.low v9, v5;
	v6 =	vor.u32 s31, v7  }
0x440: {  	vm0 =	vlt.s32 v6, v1  }
0x441: {  	s9 =	simm.s32 $0x410;
	s8 =	simm.s32 $0x10;
	v6 =	vimm.f32 $0.0e+00;
	v5 =	vperm.xlane v4, v5;
	v8 =	vsel vm0, $0x0, v8  }
.LBB2_43:
0x442: {  	v9 =	vld [tilespmem:s9+$0x0];
	p0 =	sne.s32 s8, $0xF0;
	v6 =	vadd.f32 v8, v6;
	s11 =	smov.u32 s8;
	s8 =	sadd.s32 $0x10, s8  }
.Ltmp21:
0x443: {  	(pc) =	sbr.rel @p0 .LBB2_43-.Ltmp21, $4  }
0x444: {  	_ = 	snop  }
0x445: {  	v8 =	vor.u32 s11, v7  }
0x446: {  	vm0 =	vlt.s32 v8, v1  }
0x447: {  	s9 =	sadd.s32 $0x10, s9;
	v8 =	vsel vm0, $0x0, v9  }
0x448: {  	v1 =	vimm.s32 $0xFEDCBA98  }
0x449: {  	v7 =	vimm.s32 $0x76543210;
	v1 =	vunpack.c.l.s4.s8 v1  }
0x44a: {  	v7 =	vunpack.c.l.s4.s8 v7  }
0x44b: {  	v1 =	vunpack.c.0.s8.s32 v1  }
0x44c: {  	v7 =	vunpack.c.0.s8.s32 v7  }
0x44d: {  	v6 =	vadd.f32 v8, v6;
	v1 =	vand.u32 $0xF, v1  }
0x44e: {  	v57 =	vimm.s32 $0xBA98FEDC;
	v58 =	vimm.s32 $0x32107654;
	v1 =	vcombine.low v1, v7  }
0x44f: {  	v8 =	vunpack.c.l.s4.s8 v58;
	v7 =	vunpack.c.l.s4.s8 v57  }
0x450: {  	v1 =	vperm.xlane v6, v1  }
0x451: {  	v8 =	vunpack.c.0.s8.s32 v8;
	v7 =	vunpack.c.0.s8.s32 v7  }
0x452: {  	v60 =	vimm.s32 $0xDCFE98BA;
	v61 =	vimm.s32 $0x54761032;
	v1 =	vadd.f32 v1, v6  }
0x453: {  	v59 =	vcombine.low v8, v7;
	v7 =	vunpack.c.l.s4.s8 v60;
	v8 =	vunpack.c.l.s4.s8 v61  }
0x454: {  	v9 =	vimm.s32 $0x67452301  }
0x455: {  	v6 =	vperm.xlane v1, v59;
	v7 =	vunpack.c.0.s8.s32 v7;
	v8 =	vunpack.c.0.s8.s32 v8  }
0x456: {  	v62 =	vimm.s32 $0xEFCDAB89;
	v63 =	vunpack.c.l.s4.s8 v9  }
0x457: {  	v1 =	vadd.f32 v6, v1;
	v7 =	vcombine.low v8, v7;
	v6 =	vunpack.c.l.s4.s8 v62;
	_ =	sdelay $0x1  }
0x458: {  	v8 =	vunpack.c.0.s8.s32 v63;
	v7 =	vperm.xlane v1, v7;
	v6 =	vunpack.c.0.s8.s32 v6;
	_ =	sdelay $0x1  }
0x459: {  	v1 =	vadd.f32 v7, v1;
	v6 =	vcombine.low v8, v6  }
0x45a: {  	v2 =	vadd.f32 v3, v2  }
0x45b: {  	v3 =	vperm.xlane v1, v6  }
0x45c: {  	(v2sf) =	vpush v2, $0x0;
	v2 =	vadd.f32 v5, v4  }
0x45d: {  	v1 =	vadd.f32 v3, v1  }
0x45e: {  	(v2sf) =	vpush v2, $0x0  }
0x45f: {  	(v2sf) =	vpush v1, $0x0;
	_ =	sdelay $0xb  }
0x460: {  	s8 =	spop (v2sf)  }
0x461: {  	s8 =	scvt.f32.s32 s8  }
0x462: {  	s9 =	spop (v2sf)  }
0x463: {  	s8 =	ssub.s32 s6, s8;
	s31 =	spop (v2sf)  }
0x464: {  	s6 =	ssub.f32 s9, s31;
	s9 =	scvt.s32.f32 s8  }
0x465: {  	_ = 	snop  }
0x466: {  	p0 =	sgt.f32 s6, s9  }
.Ltmp22:
0x467: {  	_ = 	snop;
	(pc) =	sbr.rel @!p0 .LBB2_64-.Ltmp22, $2  }
0x468: {  	_ =	sdelay $0x2  }
0x469: {  	s7 =	sor.u32 s7, s10;
	v2 =	vimm.s32 $0x0;
	v1 =	vimm.s32 $0x0;
	s6 =	sshll.u32 s1, $0xA  }
0x46a: {  	s10 =	simm.s32 $0x0  }
0x46b: {  	v2 =	vlaneseq.u32;
	v4 =	vld [tilespmem:s10+$0x0]  }
0x46c: {  	v2 =	vmul.u32 $0xFFFFFFFF, v2  }
0x46d: {  	s31 =	sadd.s32 $0x0, s6  }
0x46e: {  	v5 =	vmov s31;
	v3 =	vadd.s32 $0x3FFF, v2  }
0x46f: {  	s10 =	simm.s32 $0x0;
	v2 =	vmov s7;
	v5 =	vsub.s32 v3, v5  }
0x470: {  	s11 =	sand.u32 $0xE00, s10;
	vm0 =	veq.s32 v4, v2;
	v4 =	vshrl.u32 v5, $0x7  }
0x471: {  	s12 =	sand.u32 $0x70, s10;
	s11 =	sshrl.u32 s11, $0x2;
	v4 =	vnsel vm0, $0x100, v4  }
0x472: {  	s14 =	sor.u32 s12, s11;
	v4 =	vadd.s32 v0, v4  }
0x473: {  	s13 =	simm.s32 $0x10;
	s11 =	simm.s32 $0x40;
	s12 =	simm.s32 $0x80;
	[tilespmem:s14+$0x980] =	vst v4  }
.LBB2_46:
0x474: {  	p0 =	sne.s32 s12, $0xFC0;
	v4 =	vld [tilespmem:s13+$0x0]  }
0x475: {  	s10 =	sadd.s32 $0x10, s10  }
0x476: {  	s13 =	sadd.s32 s10, s6  }
0x477: {  	v5 =	vmov s13  }
.Ltmp23:
0x478: {  	v5 =	vsub.s32 v3, v5;
	(pc) =	sbr.rel @p0 .LBB2_46-.Ltmp23, $4  }
0x479: {  	s13 =	sand.u32 $0xE00, s11;
	s11 =	smov.u32 s12;
	vm0 =	veq.s32 v4, v2;
	v4 =	vshrl.u32 v5, $0x7  }
0x47a: {  	s14 =	sand.u32 $0x70, s10;
	s13 =	sshrl.u32 s13, $0x2;
	v4 =	vnsel vm0, $0x100, v4  }
0x47b: {  	s14 =	sor.u32 s14, s13;
	v4 =	vadd.s32 v0, v4  }
0x47c: {  	s12 =	sadd.s32 $0x40, s12;
	s13 =	sshra.s32 s11, $0x2;
	[tilespmem:s14+$0x980] =	vst v4  }
0x47d: {  	v4 =	vld [tilespmem:s13+$0x0]  }
0x47e: {  	s10 =	sadd.s32 $0x10, s10  }
0x47f: {  	s12 =	sadd.s32 s10, s6  }
0x480: {  	v5 =	vmov s12  }
0x481: {  	v3 =	vsub.s32 v3, v5  }
0x482: {  	s11 =	sand.u32 $0xE00, s11;
	v3 =	vshrl.u32 v3, $0x7;
	vm0 =	veq.s32 v4, v2  }
0x483: {  	s10 =	sand.u32 $0x70, s10;
	s11 =	sshrl.u32 s11, $0x2;
	v3 =	vnsel vm0, $0x100, v3  }
0x484: {  	s10 =	sor.u32 s10, s11;
	v3 =	vadd.s32 v0, v3  }
0x485: {  	s18 =	simm.s32 $0x80;
	s19 =	simm.s32 $0x980;
	s20 =	simm.s32 $0xD80;
	[tilespmem:s10+$0x980] =	vst v3  }
0x486: {  	[spmem:s5] =	stream.indirect.scatter.add.f32 [tilespmem:s20], [sflag:$0x1], $0x1, s19, s18, $0xb8;
	[tilespmem:$0x26E0] =	vst v63  }
0x487: {  	s21 =	simm.s32 $0xA00  }
0x488: {  	[spmem:s5] =	stream.indirect.scatter.add.f32 [tilespmem:s20], [sflag:$0x1], $0x1, s21, s18, $0xb8;
	[tilespmem:$0x26E0] =	vst v63  }
0x489: {  	s22 =	simm.s32 $0xA80  }
0x48a: {  	[spmem:s5] =	stream.indirect.scatter.add.f32 [tilespmem:s20], [sflag:$0x1], $0x1, s22, s18, $0xb8;
	[tilespmem:$0x26E0] =	vst v63  }
0x48b: {  	s23 =	simm.s32 $0xB00  }
0x48c: {  	[spmem:s5] =	stream.indirect.scatter.add.f32 [tilespmem:s20], [sflag:$0x1], $0x1, s23, s18, $0xb8;
	[tilespmem:$0x26E0] =	vst v63  }
0x48d: {  	s24 =	simm.s32 $0xB80  }
0x48e: {  	[spmem:s5] =	stream.indirect.scatter.add.f32 [tilespmem:s20], [sflag:$0x1], $0x1, s24, s18, $0xb8;
	[tilespmem:$0x26E0] =	vst v63  }
0x48f: {  	s25 =	simm.s32 $0xC00  }
0x490: {  	[spmem:s5] =	stream.indirect.scatter.add.f32 [tilespmem:s20], [sflag:$0x1], $0x1, s25, s18, $0xb8;
	[tilespmem:$0x26E0] =	vst v63  }
0x491: {  	s26 =	simm.s32 $0xC80  }
0x492: {  	[spmem:s5] =	stream.indirect.scatter.add.f32 [tilespmem:s20], [sflag:$0x1], $0x1, s26, s18, $0xb8;
	[tilespmem:$0x26E0] =	vst v63  }
0x493: {  	s28 =	simm.s32 $0xD00;
	s29 =	simm.s32 $0x1  }
0x494: {  	[spmem:s5] =	stream.indirect.scatter.add.f32 [tilespmem:s20], [sflag:$0x1], $0x1, s28, s18, $0xb8;
	[tilespmem:$0x26E0] =	vst v63  }
0x495: {  	_ =	swait.ge [sflag:s29], $0x80  }
0x496: {  	[sflag:s29] =	ssyncset.done $0x0  }
0x497: {  	[sflag:s29] =	ssyncadd.s32 $0xFFFFFF80  }
0x498: {  	_ =	swait.ge [sflag:s29], $0x80  }
0x499: {  	[sflag:s29] =	ssyncset.done $0x0  }
0x49a: {  	[sflag:s29] =	ssyncadd.s32 $0xFFFFFF80  }
0x49b: {  	_ =	swait.ge [sflag:s29], $0x80  }
0x49c: {  	[sflag:s29] =	ssyncset.done $0x0  }
0x49d: {  	[sflag:s29] =	ssyncadd.s32 $0xFFFFFF80  }
0x49e: {  	_ =	swait.ge [sflag:s29], $0x80  }
0x49f: {  	[sflag:s29] =	ssyncset.done $0x0  }
0x4a0: {  	[sflag:s29] =	ssyncadd.s32 $0xFFFFFF80  }
0x4a1: {  	_ =	swait.ge [sflag:s29], $0x80  }
0x4a2: {  	[sflag:s29] =	ssyncset.done $0x0  }
0x4a3: {  	[sflag:s29] =	ssyncadd.s32 $0xFFFFFF80  }
0x4a4: {  	_ =	swait.ge [sflag:s29], $0x80  }
0x4a5: {  	[sflag:s29] =	ssyncset.done $0x0  }
0x4a6: {  	[sflag:s29] =	ssyncadd.s32 $0xFFFFFF80  }
0x4a7: {  	_ =	swait.ge [sflag:s29], $0x80  }
0x4a8: {  	[sflag:s29] =	ssyncset.done $0x0  }
0x4a9: {  	[sflag:s29] =	ssyncadd.s32 $0xFFFFFF80  }
0x4aa: {  	_ =	swait.ge [sflag:s29], $0x80  }
0x4ab: {  	[sflag:s29] =	ssyncset.done $0x0  }
0x4ac: {  	[sflag:s29] =	ssyncadd.s32 $0xFFFFFF80  }
0x4ad: {  	s30 =	simm.s32 $0xF80;
	s31 =	simm.s32 $0x2;
	[bflag:$0x0] =	sbarrier.arrive $0xFFFF  }
0x4ae: {  	[tilespmem:s30], [sflag:$0x2] =	stream.linear.gather [spmem:s5], $0x1100, $0x38;
	[tilespmem:$0x26E0] =	vst v63  }
0x4af: {  	_ =	swait.ge [sflag:s31], $0x1100  }
0x4b0: {  	[sflag:s31] =	ssyncset.done $0x0  }
0x4b1: {  	v11 =	vimm.f32 $0.0e+00;
	[sflag:s31] =	ssyncadd.s32 $0xFFFFEF00  }
0x4b2: {  	[tilespmem:$0x400] =	vst v11  }
0x4b3: {  	[tilespmem:$0x410] =	vst v11  }
0x4b4: {  	[tilespmem:$0x420] =	vst v11  }
0x4b5: {  	[tilespmem:$0x430] =	vst v11  }
0x4b6: {  	[tilespmem:$0x440] =	vst v11  }
0x4b7: {  	[tilespmem:$0x450] =	vst v11  }
0x4b8: {  	[tilespmem:$0x460] =	vst v11  }
0x4b9: {  	[tilespmem:$0x470] =	vst v11  }
0x4ba: {  	[tilespmem:$0x480] =	vst v11  }
0x4bb: {  	[tilespmem:$0x490] =	vst v11  }
0x4bc: {  	[tilespmem:$0x4A0] =	vst v11  }
0x4bd: {  	[tilespmem:$0x4B0] =	vst v11  }
0x4be: {  	v18 =	vimm.f32 $0.0e+00;
	v17 =	vimm.f32 $0.0e+00;
	v16 =	vimm.f32 $0.0e+00;
	[tilespmem:$0x4C0] =	vst v11  }
0x4bf: {  	v15 =	vimm.f32 $0.0e+00;
	v14 =	vimm.f32 $0.0e+00;
	v13 =	vimm.f32 $0.0e+00;
	[tilespmem:$0x4D0] =	vst v11  }
0x4c0: {  	v12 =	vimm.f32 $0.0e+00;
	v10 =	vimm.f32 $0.0e+00;
	v9 =	vimm.f32 $0.0e+00;
	[tilespmem:$0x4E0] =	vst v11  }
0x4c1: {  	v8 =	vimm.f32 $0.0e+00;
	v6 =	vimm.f32 $0.0e+00;
	v7 =	vimm.f32 $0.0e+00;
	[tilespmem:$0x4F0] =	vst v11  }
0x4c2: {  	s11 =	simm.s32 $0x440;
	v5 =	vimm.f32 $0.0e+00;
	v4 =	vimm.f32 $0.0e+00;
	s10 =	simm.s32 $0x0;
	v3 =	vimm.f32 $0.0e+00;
	s5 =	simm.s32 $0x0;
	[tilespmem:$0x500] =	vst v11;
	v19 =	vld [tilespmem:$0x400]  }
.LBB2_48:
0x4c3: {  	p0 =	sne.s32 s11, $0x3FC0;
	v20 =	vld [tilespmem:s10+$0xF80];
	_ =	sdelay $0x4  }
0x4c4: {  	v19 =	vadd.f32 v20, v19;
	_ =	sdelay $0x1  }
0x4c5: {  	[tilespmem:$0x400] =	vst v19  }
0x4c6: {  	v20 =	vld [tilespmem:s10+$0xF90];
	_ =	sdelay $0x4  }
0x4c7: {  	v11 =	vadd.f32 v20, v11;
	_ =	sdelay $0x1  }
0x4c8: {  	[tilespmem:$0x410] =	vst v11  }
0x4c9: {  	v20 =	vld [tilespmem:s10+$0xFA0];
	_ =	sdelay $0x4  }
0x4ca: {  	v18 =	vadd.f32 v20, v18;
	_ =	sdelay $0x1  }
0x4cb: {  	[tilespmem:$0x420] =	vst v18  }
0x4cc: {  	v20 =	vld [tilespmem:s10+$0xFB0];
	_ =	sdelay $0x4  }
0x4cd: {  	v17 =	vadd.f32 v20, v17;
	_ =	sdelay $0x1  }
0x4ce: {  	[tilespmem:$0x430] =	vst v17  }
0x4cf: {  	v20 =	vld [tilespmem:s10+$0xFC0];
	_ =	sdelay $0x4  }
0x4d0: {  	v16 =	vadd.f32 v20, v16;
	_ =	sdelay $0x1  }
0x4d1: {  	[tilespmem:$0x440] =	vst v16  }
0x4d2: {  	v20 =	vld [tilespmem:s10+$0xFD0];
	_ =	sdelay $0x4  }
0x4d3: {  	v15 =	vadd.f32 v20, v15;
	_ =	sdelay $0x1  }
0x4d4: {  	[tilespmem:$0x450] =	vst v15  }
0x4d5: {  	v20 =	vld [tilespmem:s10+$0xFE0];
	_ =	sdelay $0x4  }
0x4d6: {  	v14 =	vadd.f32 v20, v14;
	_ =	sdelay $0x1  }
0x4d7: {  	[tilespmem:$0x460] =	vst v14  }
0x4d8: {  	v20 =	vld [tilespmem:s10+$0xFF0];
	_ =	sdelay $0x4  }
0x4d9: {  	v13 =	vadd.f32 v20, v13;
	_ =	sdelay $0x1  }
0x4da: {  	[tilespmem:$0x470] =	vst v13  }
0x4db: {  	v20 =	vld [tilespmem:s10+$0x1000];
	_ =	sdelay $0x4  }
0x4dc: {  	v12 =	vadd.f32 v20, v12;
	_ =	sdelay $0x1  }
0x4dd: {  	[tilespmem:$0x480] =	vst v12  }
0x4de: {  	v20 =	vld [tilespmem:s10+$0x1010];
	_ =	sdelay $0x4  }
0x4df: {  	v10 =	vadd.f32 v20, v10;
	_ =	sdelay $0x1  }
0x4e0: {  	[tilespmem:$0x490] =	vst v10  }
0x4e1: {  	v20 =	vld [tilespmem:s10+$0x1020];
	_ =	sdelay $0x4  }
0x4e2: {  	v9 =	vadd.f32 v20, v9;
	_ =	sdelay $0x1  }
0x4e3: {  	[tilespmem:$0x4A0] =	vst v9  }
0x4e4: {  	v20 =	vld [tilespmem:s10+$0x1030];
	_ =	sdelay $0x4  }
0x4e5: {  	v8 =	vadd.f32 v20, v8;
	_ =	sdelay $0x1  }
0x4e6: {  	[tilespmem:$0x4B0] =	vst v8  }
0x4e7: {  	v20 =	vld [tilespmem:s10+$0x1040];
	_ =	sdelay $0x4  }
0x4e8: {  	v6 =	vadd.f32 v20, v6;
	_ =	sdelay $0x1  }
0x4e9: {  	[tilespmem:$0x4C0] =	vst v6  }
0x4ea: {  	v20 =	vld [tilespmem:s10+$0x1050];
	_ =	sdelay $0x4  }
0x4eb: {  	v4 =	vadd.f32 v20, v4;
	_ =	sdelay $0x1  }
0x4ec: {  	[tilespmem:$0x4D0] =	vst v4  }
0x4ed: {  	v20 =	vld [tilespmem:s10+$0x1060];
	_ =	sdelay $0x4  }
0x4ee: {  	v7 =	vadd.f32 v20, v7;
	_ =	sdelay $0x1  }
0x4ef: {  	[tilespmem:$0x4E0] =	vst v7  }
0x4f0: {  	v20 =	vld [tilespmem:s10+$0x1070];
	_ =	sdelay $0x4  }
0x4f1: {  	v5 =	vadd.f32 v20, v5;
	_ =	sdelay $0x1  }
0x4f2: {  	[tilespmem:$0x4F0] =	vst v5  }
0x4f3: {  	v20 =	vld [tilespmem:s10+$0x1080];
	_ =	sdelay $0x2  }
.Ltmp24:
0x4f4: {  	(pc) =	sbr.rel @p0 .LBB2_48-.Ltmp24, $3  }
0x4f5: {  	_ = 	snop  }
0x4f6: {  	v3 =	vadd.f32 v20, v3;
	_ =	sdelay $0x1  }
0x4f7: {  	s10 =	sshra.s32 s11, $0x2;
	s11 =	sadd.s32 $0x440, s11;
	[tilespmem:$0x500] =	vst v3  }
0x4f8: {  	v20 =	vld [tilespmem:s10+$0xF80];
	_ =	sdelay $0x4  }
0x4f9: {  	v19 =	vadd.f32 v20, v19;
	_ =	sdelay $0x1  }
0x4fa: {  	[tilespmem:$0x400] =	vst v19  }
0x4fb: {  	v19 =	vld [tilespmem:s10+$0xF90];
	_ =	sdelay $0x4  }
0x4fc: {  	v11 =	vadd.f32 v19, v11;
	_ =	sdelay $0x1  }
0x4fd: {  	[tilespmem:$0x410] =	vst v11  }
0x4fe: {  	v11 =	vld [tilespmem:s10+$0xFA0];
	_ =	sdelay $0x4  }
0x4ff: {  	v11 =	vadd.f32 v11, v18;
	_ =	sdelay $0x1  }
0x500: {  	[tilespmem:$0x420] =	vst v11  }
0x501: {  	v11 =	vld [tilespmem:s10+$0xFB0];
	_ =	sdelay $0x4  }
0x502: {  	v11 =	vadd.f32 v11, v17;
	_ =	sdelay $0x1  }
0x503: {  	[tilespmem:$0x430] =	vst v11  }
0x504: {  	v11 =	vld [tilespmem:s10+$0xFC0];
	_ =	sdelay $0x4  }
0x505: {  	v11 =	vadd.f32 v11, v16;
	_ =	sdelay $0x1  }
0x506: {  	[tilespmem:$0x440] =	vst v11  }
0x507: {  	v11 =	vld [tilespmem:s10+$0xFD0];
	_ =	sdelay $0x4  }
0x508: {  	v11 =	vadd.f32 v11, v15;
	_ =	sdelay $0x1  }
0x509: {  	[tilespmem:$0x450] =	vst v11  }
0x50a: {  	v11 =	vld [tilespmem:s10+$0xFE0];
	_ =	sdelay $0x4  }
0x50b: {  	v11 =	vadd.f32 v11, v14;
	_ =	sdelay $0x1  }
0x50c: {  	[tilespmem:$0x460] =	vst v11  }
0x50d: {  	v11 =	vld [tilespmem:s10+$0xFF0];
	_ =	sdelay $0x4  }
0x50e: {  	v11 =	vadd.f32 v11, v13;
	_ =	sdelay $0x1  }
0x50f: {  	[tilespmem:$0x470] =	vst v11  }
0x510: {  	v11 =	vld [tilespmem:s10+$0x1000];
	_ =	sdelay $0x4  }
0x511: {  	v11 =	vadd.f32 v11, v12;
	_ =	sdelay $0x1  }
0x512: {  	[tilespmem:$0x480] =	vst v11  }
0x513: {  	v11 =	vld [tilespmem:s10+$0x1010];
	_ =	sdelay $0x4  }
0x514: {  	v10 =	vadd.f32 v11, v10;
	_ =	sdelay $0x1  }
0x515: {  	[tilespmem:$0x490] =	vst v10  }
0x516: {  	v10 =	vld [tilespmem:s10+$0x1020];
	_ =	sdelay $0x4  }
0x517: {  	v9 =	vadd.f32 v10, v9;
	_ =	sdelay $0x1  }
0x518: {  	[tilespmem:$0x4A0] =	vst v9  }
0x519: {  	v9 =	vld [tilespmem:s10+$0x1030];
	_ =	sdelay $0x4  }
0x51a: {  	v8 =	vadd.f32 v9, v8;
	_ =	sdelay $0x1  }
0x51b: {  	[tilespmem:$0x4B0] =	vst v8  }
0x51c: {  	v8 =	vld [tilespmem:s10+$0x1040];
	_ =	sdelay $0x4  }
0x51d: {  	v6 =	vadd.f32 v8, v6;
	_ =	sdelay $0x1  }
0x51e: {  	[tilespmem:$0x4C0] =	vst v6  }
0x51f: {  	v6 =	vld [tilespmem:s10+$0x1050];
	_ =	sdelay $0x4  }
0x520: {  	v4 =	vadd.f32 v6, v4;
	_ =	sdelay $0x1  }
0x521: {  	[tilespmem:$0x4D0] =	vst v4  }
0x522: {  	v4 =	vld [tilespmem:s10+$0x1060];
	_ =	sdelay $0x4  }
0x523: {  	v4 =	vadd.f32 v4, v7;
	_ =	sdelay $0x1  }
0x524: {  	[tilespmem:$0x4E0] =	vst v4  }
0x525: {  	v4 =	vld [tilespmem:s10+$0x1070];
	_ =	sdelay $0x4  }
0x526: {  	v4 =	vadd.f32 v4, v5;
	_ =	sdelay $0x1  }
0x527: {  	[tilespmem:$0x4F0] =	vst v4  }
0x528: {  	v4 =	vld [tilespmem:s10+$0x1080]  }
0x529: {  	v61 =	vimm.s32 $0x54761032;
	v5 =	vimm.s32 $0xFEDCBA98  }
0x52a: {  	v63 =	vimm.s32 $0x67452301;
	v6 =	vimm.s32 $0x76543210;
	v5 =	vunpack.c.l.s4.s8 v5  }
0x52b: {  	v62 =	vimm.s32 $0xEFCDAB89;
	v11 =	vunpack.c.l.s4.s8 v63;
	v6 =	vunpack.c.l.s4.s8 v6  }
0x52c: {  	v10 =	vunpack.c.l.s4.s8 v62;
	v9 =	vunpack.c.l.s4.s8 v61;
	v5 =	vunpack.c.0.s8.s32 v5  }
0x52d: {  	v8 =	vimm.s32 $0xDCFE98BA;
	v7 =	vadd.f32 v4, v3;
	v3 =	vunpack.c.0.s8.s32 v6  }
0x52e: {  	v4 =	vand.u32 $0xF, v5;
	v5 =	vimm.s32 $0xBA98FEDC;
	v6 =	vimm.s32 $0x32107654  }
0x52f: {  	v8 =	vunpack.c.l.s4.s8 v8;
	v5 =	vunpack.c.l.s4.s8 v5;
	v6 =	vunpack.c.l.s4.s8 v6  }
0x530: {  	v11 =	vunpack.c.0.s8.s32 v11;
	v10 =	vunpack.c.0.s8.s32 v10;
	v9 =	vunpack.c.0.s8.s32 v9  }
0x531: {  	v8 =	vunpack.c.0.s8.s32 v8;
	v5 =	vunpack.c.0.s8.s32 v5;
	v6 =	vunpack.c.0.s8.s32 v6  }
0x532: {  	v3 =	vcombine.low v4, v3;
	[tilespmem:$0x500] =	vst v7;
	v7 =	vcombine.low v11, v10  }
0x533: {  	s11 =	simm.s32 $0x0;
	s10 =	simm.s32 $0x40;
	v4 =	vcombine.low v6, v5;
	v5 =	vlaneseq.u32;
	v6 =	vcombine.low v9, v8  }
.LBB2_50:
0x534: {  	s12 =	simm.s32 $0x400  }
0x535: {  	v10 =	vld [tilespmem:s12+$0x0]  }
0x536: {  	s31 =	sshrl.u32 s10, s11  }
0x537: {  	s13 =	simm.s32 $0x0;
	s12 =	sor.u32 s31, s5  }
0x538: {  	v9 =	vor.u32 s13, v5;
	v8 =	vmov s12  }
0x539: {  	vm0 =	vlt.s32 v9, v8  }
0x53a: {  	s14 =	simm.s32 $0x410;
	s13 =	simm.s32 $0x10;
	v9 =	vimm.f32 $0.0e+00;
	v10 =	vsel vm0, $0x0, v10  }
.LBB2_51:
0x53b: {  	v11 =	vld [tilespmem:s14+$0x0];
	p0 =	sne.s32 s13, $0xF0;
	v9 =	vadd.f32 v10, v9;
	s15 =	smov.u32 s13;
	s13 =	sadd.s32 $0x10, s13  }
.Ltmp25:
0x53c: {  	(pc) =	sbr.rel @p0 .LBB2_51-.Ltmp25, $4  }
0x53d: {  	_ = 	snop  }
0x53e: {  	v10 =	vor.u32 s15, v5  }
0x53f: {  	vm0 =	vlt.s32 v10, v8  }
0x540: {  	s14 =	sadd.s32 $0x10, s14;
	v10 =	vsel vm0, $0x0, v11  }
0x541: {  	v8 =	vadd.f32 v10, v9;
	_ =	sdelay $0x1  }
0x542: {  	v9 =	vperm.xlane v8, v3;
	_ =	sdelay $0x1  }
0x543: {  	v8 =	vadd.f32 v9, v8;
	_ =	sdelay $0x1  }
0x544: {  	v9 =	vperm.xlane v8, v4;
	_ =	sdelay $0x1  }
0x545: {  	v8 =	vadd.f32 v9, v8;
	_ =	sdelay $0x1  }
0x546: {  	v9 =	vperm.xlane v8, v6;
	_ =	sdelay $0x1  }
0x547: {  	v8 =	vadd.f32 v9, v8;
	_ =	sdelay $0x1  }
0x548: {  	v9 =	vperm.xlane v8, v7;
	_ =	sdelay $0x1  }
0x549: {  	v8 =	vadd.f32 v9, v8;
	_ =	sdelay $0x1  }
0x54a: {  	(v2sf) =	vpush v8, $0x0;
	_ =	sdelay $0xb  }
0x54b: {  	s11 =	sadd.s32 $0x1, s11  }
0x54c: {  	p1 =	sne.s32 s11, $0x7  }
.Ltmp26:
0x54d: {  	_ = 	snop;
	(pc) =	sbr.rel @p1 .LBB2_50-.Ltmp26, $3  }
0x54e: {  	s13 =	spop (v2sf)  }
0x54f: {  	p0 =	sge.f32 s13, s9;
	_ =	sdelay $0x1  }
0x550: {  	s5 =	smov.u32 @p0 s12  }
0x551: {  	s9 =	simm.s32 $0x400  }
0x552: {  	v6 =	vld [tilespmem:s9+$0x0];
	_ =	sdelay $0x1  }
0x553: {  	s31 =	sadd.s32 $0x1, s5;
	s10 =	simm.s32 $0x0;
	v4 =	vlaneseq.u32  }
0x554: {  	v5 =	vmov s31;
	v3 =	vor.u32 s10, v4  }
0x555: {  	vm0 =	vlt.s32 v3, v5  }
0x556: {  	s9 =	simm.s32 $0x10;
	s10 =	simm.s32 $0x410;
	v3 =	vimm.f32 $0.0e+00;
	v6 =	vsel vm0, $0x0, v6  }
.LBB2_54:
0x557: {  	v7 =	vld [tilespmem:s10+$0x0];
	p0 =	sne.s32 s9, $0xF0;
	v3 =	vadd.f32 v6, v3;
	s11 =	smov.u32 s9;
	s9 =	sadd.s32 $0x10, s9  }
.Ltmp27:
0x558: {  	(pc) =	sbr.rel @p0 .LBB2_54-.Ltmp27, $4  }
0x559: {  	_ = 	snop  }
0x55a: {  	v6 =	vor.u32 s11, v4  }
0x55b: {  	vm0 =	vlt.s32 v6, v5  }
0x55c: {  	s10 =	sadd.s32 $0x10, s10;
	v6 =	vsel vm0, $0x0, v7  }
0x55d: {  	v4 =	vimm.s32 $0xFEDCBA98  }
0x55e: {  	v5 =	vimm.s32 $0x76543210;
	v4 =	vunpack.c.l.s4.s8 v4  }
0x55f: {  	v5 =	vunpack.c.l.s4.s8 v5  }
0x560: {  	v4 =	vunpack.c.0.s8.s32 v4  }
0x561: {  	v5 =	vunpack.c.0.s8.s32 v5  }
0x562: {  	v3 =	vadd.f32 v6, v3;
	v4 =	vand.u32 $0xF, v4  }
0x563: {  	v6 =	vimm.s32 $0x32107654;
	v4 =	vcombine.low v4, v5;
	v5 =	vimm.s32 $0xBA98FEDC  }
0x564: {  	v6 =	vunpack.c.l.s4.s8 v6;
	v5 =	vunpack.c.l.s4.s8 v5  }
0x565: {  	v4 =	vperm.xlane v3, v4  }
0x566: {  	v6 =	vunpack.c.0.s8.s32 v6;
	v5 =	vunpack.c.0.s8.s32 v5  }
0x567: {  	v3 =	vadd.f32 v4, v3  }
0x568: {  	v4 =	vcombine.low v6, v5;
	v5 =	vimm.s32 $0xDCFE98BA;
	v6 =	vimm.s32 $0x54761032  }
0x569: {  	s9 =	simm.s32 $0x0;
	v5 =	vunpack.c.l.s4.s8 v5;
	v6 =	vunpack.c.l.s4.s8 v6  }
0x56a: {  	v7 =	vlaneseq.u32;
	v8 =	vld [tilespmem:s9+$0x0];
	v4 =	vperm.xlane v3, v4  }
0x56b: {  	v7 =	vmul.u32 $0xFFFFFFFF, v7;
	v5 =	vunpack.c.0.s8.s32 v5;
	v6 =	vunpack.c.0.s8.s32 v6  }
0x56c: {  	v3 =	vadd.f32 v4, v3  }
0x56d: {  	s31 =	sadd.s32 $0x0, s6;
	v4 =	vcombine.low v6, v5;
	v6 =	vimm.s32 $0xEFCDAB89;
	v5 =	vadd.s32 $0x3FFF, v7  }
0x56e: {  	v7 =	vmov s31;
	v9 =	vunpack.c.l.s4.s8 v6;
	v6 =	vimm.s32 $0x67452301  }
0x56f: {  	vm0 =	veq.s32 v8, v2;
	v7 =	vsub.s32 v5, v7;
	v10 =	vunpack.c.l.s4.s8 v6  }
0x570: {  	v6 =	vmov s5;
	v11 =	vshrl.u32 v7, $0x7;
	v4 =	vperm.xlane v3, v4  }
0x571: {  	s9 =	simm.s32 $0x0;
	vm1 =	veq.s32 v11, v6;
	v8 =	vunpack.c.0.s8.s32 v9;
	v63 =	vunpack.c.0.s8.s32 v10  }
0x572: {  	s10 =	sand.u32 $0xE00, s9;
	v7 =	vand.u32 $0x7F, v7;
	vm0 =	vmand vm1, vm0  }
0x573: {  	s11 =	sand.u32 $0x70, s9;
	s10 =	sshrl.u32 s10, $0x2;
	v3 =	vadd.f32 v4, v3;
	v7 =	vnsel vm0, $0x100, v7;
	v4 =	vcombine.low v63, v8  }
0x574: {  	s13 =	sor.u32 s11, s10;
	v7 =	vadd.s32 v0, v7  }
0x575: {  	s12 =	simm.s32 $0x10;
	s10 =	simm.s32 $0x40;
	s11 =	simm.s32 $0x80;
	[tilespmem:s13+$0x980] =	vst v7;
	v4 =	vperm.xlane v3, v4  }
.LBB2_56:
0x576: {  	p0 =	sne.s32 s11, $0xFC0;
	v7 =	vld [tilespmem:s12+$0x0];
	s9 =	sadd.s32 $0x10, s9  }
0x577: {  	s12 =	sadd.s32 s9, s6  }
0x578: {  	v8 =	vmov s12  }
0x579: {  	v8 =	vsub.s32 v5, v8  }
0x57a: {  	v9 =	vshrl.u32 v8, $0x7  }
.Ltmp28:
0x57b: {  	vm0 =	veq.s32 v7, v2;
	vm1 =	veq.s32 v9, v6;
	(pc) =	sbr.rel @p0 .LBB2_56-.Ltmp28, $4  }
0x57c: {  	s12 =	sand.u32 $0xE00, s10;
	s10 =	smov.u32 s11;
	v7 =	vand.u32 $0x7F, v8;
	vm0 =	vmand vm1, vm0  }
0x57d: {  	s13 =	sand.u32 $0x70, s9;
	s12 =	sshrl.u32 s12, $0x2;
	v7 =	vnsel vm0, $0x100, v7  }
0x57e: {  	s13 =	sor.u32 s13, s12;
	v7 =	vadd.s32 v0, v7  }
0x57f: {  	s11 =	sadd.s32 $0x40, s11;
	s12 =	sshra.s32 s10, $0x2;
	[tilespmem:s13+$0x980] =	vst v7  }
0x580: {  	v7 =	vld [tilespmem:s12+$0x0];
	s9 =	sadd.s32 $0x10, s9  }
0x581: {  	s11 =	sadd.s32 s9, s6  }
0x582: {  	v8 =	vmov s11  }
0x583: {  	v5 =	vsub.s32 v5, v8  }
0x584: {  	v8 =	vshrl.u32 v5, $0x7  }
0x585: {  	vm0 =	veq.s32 v7, v2;
	vm1 =	veq.s32 v8, v6  }
0x586: {  	s10 =	sand.u32 $0xE00, s10;
	v2 =	vand.u32 $0x7F, v5;
	vm0 =	vmand vm1, vm0  }
0x587: {  	s9 =	sand.u32 $0x70, s9;
	s10 =	sshrl.u32 s10, $0x2;
	v2 =	vnsel vm0, $0x100, v2  }
0x588: {  	s9 =	sor.u32 s9, s10;
	v0 =	vadd.s32 v0, v2  }
0x589: {  	s18 =	simm.s32 $0x80;
	s19 =	simm.s32 $0x980;
	s20 =	simm.s32 $0xD80;
	[tilespmem:s9+$0x980] =	vst v0  }
0x58a: {  	[spmem:s4] =	stream.indirect.scatter.add.f32 [tilespmem:s20], [sflag:$0x1], $0x1, s19, s18, $0xb8;
	[tilespmem:$0x26E0] =	vst v63  }
0x58b: {  	s21 =	simm.s32 $0xA00  }
0x58c: {  	[spmem:s4] =	stream.indirect.scatter.add.f32 [tilespmem:s20], [sflag:$0x1], $0x1, s21, s18, $0xb8;
	[tilespmem:$0x26E0] =	vst v63  }
0x58d: {  	s22 =	simm.s32 $0xA80  }
0x58e: {  	[spmem:s4] =	stream.indirect.scatter.add.f32 [tilespmem:s20], [sflag:$0x1], $0x1, s22, s18, $0xb8;
	[tilespmem:$0x26E0] =	vst v63  }
0x58f: {  	s23 =	simm.s32 $0xB00  }
0x590: {  	[spmem:s4] =	stream.indirect.scatter.add.f32 [tilespmem:s20], [sflag:$0x1], $0x1, s23, s18, $0xb8;
	[tilespmem:$0x26E0] =	vst v63  }
0x591: {  	s24 =	simm.s32 $0xB80  }
0x592: {  	[spmem:s4] =	stream.indirect.scatter.add.f32 [tilespmem:s20], [sflag:$0x1], $0x1, s24, s18, $0xb8;
	[tilespmem:$0x26E0] =	vst v63  }
0x593: {  	s25 =	simm.s32 $0xC00  }
0x594: {  	[spmem:s4] =	stream.indirect.scatter.add.f32 [tilespmem:s20], [sflag:$0x1], $0x1, s25, s18, $0xb8;
	[tilespmem:$0x26E0] =	vst v63  }
0x595: {  	s26 =	simm.s32 $0xC80  }
0x596: {  	[spmem:s4] =	stream.indirect.scatter.add.f32 [tilespmem:s20], [sflag:$0x1], $0x1, s26, s18, $0xb8;
	[tilespmem:$0x26E0] =	vst v63  }
0x597: {  	s28 =	simm.s32 $0xD00;
	s29 =	simm.s32 $0x1  }
0x598: {  	[spmem:s4] =	stream.indirect.scatter.add.f32 [tilespmem:s20], [sflag:$0x1], $0x1, s28, s18, $0xb8;
	[tilespmem:$0x26E0] =	vst v63  }
0x599: {  	_ =	swait.ge [sflag:s29], $0x80  }
0x59a: {  	[sflag:s29] =	ssyncset.done $0x0  }
0x59b: {  	[sflag:s29] =	ssyncadd.s32 $0xFFFFFF80  }
0x59c: {  	_ =	swait.ge [sflag:s29], $0x80  }
0x59d: {  	[sflag:s29] =	ssyncset.done $0x0  }
0x59e: {  	[sflag:s29] =	ssyncadd.s32 $0xFFFFFF80  }
0x59f: {  	_ =	swait.ge [sflag:s29], $0x80  }
0x5a0: {  	[sflag:s29] =	ssyncset.done $0x0  }
0x5a1: {  	[sflag:s29] =	ssyncadd.s32 $0xFFFFFF80  }
0x5a2: {  	_ =	swait.ge [sflag:s29], $0x80  }
0x5a3: {  	[sflag:s29] =	ssyncset.done $0x0  }
0x5a4: {  	[sflag:s29] =	ssyncadd.s32 $0xFFFFFF80  }
0x5a5: {  	_ =	swait.ge [sflag:s29], $0x80  }
0x5a6: {  	[sflag:s29] =	ssyncset.done $0x0  }
0x5a7: {  	[sflag:s29] =	ssyncadd.s32 $0xFFFFFF80  }
0x5a8: {  	_ =	swait.ge [sflag:s29], $0x80  }
0x5a9: {  	[sflag:s29] =	ssyncset.done $0x0  }
0x5aa: {  	[sflag:s29] =	ssyncadd.s32 $0xFFFFFF80  }
0x5ab: {  	_ =	swait.ge [sflag:s29], $0x80  }
0x5ac: {  	[sflag:s29] =	ssyncset.done $0x0  }
0x5ad: {  	[sflag:s29] =	ssyncadd.s32 $0xFFFFFF80  }
0x5ae: {  	_ =	swait.ge [sflag:s29], $0x80  }
0x5af: {  	[sflag:s29] =	ssyncset.done $0x0  }
0x5b0: {  	[sflag:s29] =	ssyncadd.s32 $0xFFFFFF80  }
0x5b1: {  	s30 =	simm.s32 $0xF80;
	s31 =	simm.s32 $0x2;
	[bflag:$0x0] =	sbarrier.arrive $0xFFFF  }
0x5b2: {  	[tilespmem:s30], [sflag:$0x2] =	stream.linear.gather [spmem:s4], $0x1100, $0x38;
	[tilespmem:$0x26E0] =	vst v63  }
0x5b3: {  	_ =	swait.ge [sflag:s31], $0x1100  }
0x5b4: {  	[sflag:s31] =	ssyncset.done $0x0  }
0x5b5: {  	v11 =	vimm.f32 $0.0e+00;
	[sflag:s31] =	ssyncadd.s32 $0xFFFFEF00  }
0x5b6: {  	[tilespmem:$0x400] =	vst v11  }
0x5b7: {  	[tilespmem:$0x410] =	vst v11  }
0x5b8: {  	[tilespmem:$0x420] =	vst v11  }
0x5b9: {  	[tilespmem:$0x430] =	vst v11  }
0x5ba: {  	[tilespmem:$0x440] =	vst v11  }
0x5bb: {  	[tilespmem:$0x450] =	vst v11  }
0x5bc: {  	[tilespmem:$0x460] =	vst v11  }
0x5bd: {  	[tilespmem:$0x470] =	vst v11  }
0x5be: {  	[tilespmem:$0x480] =	vst v11  }
0x5bf: {  	[tilespmem:$0x490] =	vst v11  }
0x5c0: {  	[tilespmem:$0x4A0] =	vst v11  }
0x5c1: {  	[tilespmem:$0x4B0] =	vst v11  }
0x5c2: {  	v18 =	vimm.f32 $0.0e+00;
	v17 =	vimm.f32 $0.0e+00;
	v16 =	vimm.f32 $0.0e+00;
	[tilespmem:$0x4C0] =	vst v11  }
0x5c3: {  	v15 =	vimm.f32 $0.0e+00;
	v14 =	vimm.f32 $0.0e+00;
	v13 =	vimm.f32 $0.0e+00;
	[tilespmem:$0x4D0] =	vst v11  }
0x5c4: {  	v12 =	vimm.f32 $0.0e+00;
	v10 =	vimm.f32 $0.0e+00;
	v9 =	vimm.f32 $0.0e+00;
	[tilespmem:$0x4E0] =	vst v11  }
0x5c5: {  	v8 =	vimm.f32 $0.0e+00;
	v6 =	vimm.f32 $0.0e+00;
	v5 =	vimm.f32 $0.0e+00;
	[tilespmem:$0x4F0] =	vst v11  }
0x5c6: {  	v7 =	vimm.f32 $0.0e+00;
	v2 =	vimm.f32 $0.0e+00;
	s9 =	simm.s32 $0x440;
	v0 =	vimm.f32 $0.0e+00;
	s4 =	simm.s32 $0x0;
	[tilespmem:$0x500] =	vst v11;
	v19 =	vld [tilespmem:$0x400]  }
.LBB2_58:
0x5c7: {  	p0 =	sne.s32 s9, $0x3FC0;
	v20 =	vld [tilespmem:s4+$0xF80];
	_ =	sdelay $0x4  }
0x5c8: {  	v19 =	vadd.f32 v20, v19;
	_ =	sdelay $0x1  }
0x5c9: {  	[tilespmem:$0x400] =	vst v19  }
0x5ca: {  	v20 =	vld [tilespmem:s4+$0xF90];
	_ =	sdelay $0x4  }
0x5cb: {  	v11 =	vadd.f32 v20, v11;
	_ =	sdelay $0x1  }
0x5cc: {  	[tilespmem:$0x410] =	vst v11  }
0x5cd: {  	v20 =	vld [tilespmem:s4+$0xFA0];
	_ =	sdelay $0x4  }
0x5ce: {  	v18 =	vadd.f32 v20, v18;
	_ =	sdelay $0x1  }
0x5cf: {  	[tilespmem:$0x420] =	vst v18  }
0x5d0: {  	v20 =	vld [tilespmem:s4+$0xFB0];
	_ =	sdelay $0x4  }
0x5d1: {  	v17 =	vadd.f32 v20, v17;
	_ =	sdelay $0x1  }
0x5d2: {  	[tilespmem:$0x430] =	vst v17  }
0x5d3: {  	v20 =	vld [tilespmem:s4+$0xFC0];
	_ =	sdelay $0x4  }
0x5d4: {  	v16 =	vadd.f32 v20, v16;
	_ =	sdelay $0x1  }
0x5d5: {  	[tilespmem:$0x440] =	vst v16  }
0x5d6: {  	v20 =	vld [tilespmem:s4+$0xFD0];
	_ =	sdelay $0x4  }
0x5d7: {  	v15 =	vadd.f32 v20, v15;
	_ =	sdelay $0x1  }
0x5d8: {  	[tilespmem:$0x450] =	vst v15  }
0x5d9: {  	v20 =	vld [tilespmem:s4+$0xFE0];
	_ =	sdelay $0x4  }
0x5da: {  	v14 =	vadd.f32 v20, v14;
	_ =	sdelay $0x1  }
0x5db: {  	[tilespmem:$0x460] =	vst v14  }
0x5dc: {  	v20 =	vld [tilespmem:s4+$0xFF0];
	_ =	sdelay $0x4  }
0x5dd: {  	v13 =	vadd.f32 v20, v13;
	_ =	sdelay $0x1  }
0x5de: {  	[tilespmem:$0x470] =	vst v13  }
0x5df: {  	v20 =	vld [tilespmem:s4+$0x1000];
	_ =	sdelay $0x4  }
0x5e0: {  	v12 =	vadd.f32 v20, v12;
	_ =	sdelay $0x1  }
0x5e1: {  	[tilespmem:$0x480] =	vst v12  }
0x5e2: {  	v20 =	vld [tilespmem:s4+$0x1010];
	_ =	sdelay $0x4  }
0x5e3: {  	v10 =	vadd.f32 v20, v10;
	_ =	sdelay $0x1  }
0x5e4: {  	[tilespmem:$0x490] =	vst v10  }
0x5e5: {  	v20 =	vld [tilespmem:s4+$0x1020];
	_ =	sdelay $0x4  }
0x5e6: {  	v9 =	vadd.f32 v20, v9;
	_ =	sdelay $0x1  }
0x5e7: {  	[tilespmem:$0x4A0] =	vst v9  }
0x5e8: {  	v20 =	vld [tilespmem:s4+$0x1030];
	_ =	sdelay $0x4  }
0x5e9: {  	v8 =	vadd.f32 v20, v8;
	_ =	sdelay $0x1  }
0x5ea: {  	[tilespmem:$0x4B0] =	vst v8  }
0x5eb: {  	v20 =	vld [tilespmem:s4+$0x1040];
	_ =	sdelay $0x4  }
0x5ec: {  	v6 =	vadd.f32 v20, v6;
	_ =	sdelay $0x1  }
0x5ed: {  	[tilespmem:$0x4C0] =	vst v6  }
0x5ee: {  	v20 =	vld [tilespmem:s4+$0x1050];
	_ =	sdelay $0x4  }
0x5ef: {  	v5 =	vadd.f32 v20, v5;
	_ =	sdelay $0x1  }
0x5f0: {  	[tilespmem:$0x4D0] =	vst v5  }
0x5f1: {  	v20 =	vld [tilespmem:s4+$0x1060];
	_ =	sdelay $0x4  }
0x5f2: {  	v7 =	vadd.f32 v20, v7;
	_ =	sdelay $0x1  }
0x5f3: {  	[tilespmem:$0x4E0] =	vst v7  }
0x5f4: {  	v20 =	vld [tilespmem:s4+$0x1070];
	_ =	sdelay $0x4  }
0x5f5: {  	v2 =	vadd.f32 v20, v2;
	_ =	sdelay $0x1  }
0x5f6: {  	[tilespmem:$0x4F0] =	vst v2  }
0x5f7: {  	v20 =	vld [tilespmem:s4+$0x1080];
	_ =	sdelay $0x2  }
.Ltmp29:
0x5f8: {  	(pc) =	sbr.rel @p0 .LBB2_58-.Ltmp29, $3  }
0x5f9: {  	_ = 	snop  }
0x5fa: {  	v0 =	vadd.f32 v20, v0;
	_ =	sdelay $0x1  }
0x5fb: {  	s4 =	sshra.s32 s9, $0x2;
	s9 =	sadd.s32 $0x440, s9;
	[tilespmem:$0x500] =	vst v0  }
0x5fc: {  	v20 =	vld [tilespmem:s4+$0xF80];
	_ =	sdelay $0x4  }
0x5fd: {  	v19 =	vadd.f32 v20, v19;
	_ =	sdelay $0x1  }
0x5fe: {  	[tilespmem:$0x400] =	vst v19  }
0x5ff: {  	v19 =	vld [tilespmem:s4+$0xF90];
	_ =	sdelay $0x4  }
0x600: {  	v11 =	vadd.f32 v19, v11;
	_ =	sdelay $0x1  }
0x601: {  	[tilespmem:$0x410] =	vst v11  }
0x602: {  	v11 =	vld [tilespmem:s4+$0xFA0];
	_ =	sdelay $0x4  }
0x603: {  	v11 =	vadd.f32 v11, v18;
	_ =	sdelay $0x1  }
0x604: {  	[tilespmem:$0x420] =	vst v11  }
0x605: {  	v11 =	vld [tilespmem:s4+$0xFB0];
	_ =	sdelay $0x4  }
0x606: {  	v11 =	vadd.f32 v11, v17;
	_ =	sdelay $0x1  }
0x607: {  	[tilespmem:$0x430] =	vst v11  }
0x608: {  	v11 =	vld [tilespmem:s4+$0xFC0];
	_ =	sdelay $0x4  }
0x609: {  	v11 =	vadd.f32 v11, v16;
	_ =	sdelay $0x1  }
0x60a: {  	[tilespmem:$0x440] =	vst v11  }
0x60b: {  	v11 =	vld [tilespmem:s4+$0xFD0];
	_ =	sdelay $0x4  }
0x60c: {  	v11 =	vadd.f32 v11, v15;
	_ =	sdelay $0x1  }
0x60d: {  	[tilespmem:$0x450] =	vst v11  }
0x60e: {  	v11 =	vld [tilespmem:s4+$0xFE0];
	_ =	sdelay $0x4  }
0x60f: {  	v11 =	vadd.f32 v11, v14;
	_ =	sdelay $0x1  }
0x610: {  	[tilespmem:$0x460] =	vst v11  }
0x611: {  	v11 =	vld [tilespmem:s4+$0xFF0];
	_ =	sdelay $0x4  }
0x612: {  	v11 =	vadd.f32 v11, v13;
	_ =	sdelay $0x1  }
0x613: {  	[tilespmem:$0x470] =	vst v11  }
0x614: {  	v11 =	vld [tilespmem:s4+$0x1000];
	_ =	sdelay $0x4  }
0x615: {  	v11 =	vadd.f32 v11, v12;
	_ =	sdelay $0x1  }
0x616: {  	[tilespmem:$0x480] =	vst v11  }
0x617: {  	v11 =	vld [tilespmem:s4+$0x1010];
	_ =	sdelay $0x4  }
0x618: {  	v10 =	vadd.f32 v11, v10;
	_ =	sdelay $0x1  }
0x619: {  	[tilespmem:$0x490] =	vst v10  }
0x61a: {  	v10 =	vld [tilespmem:s4+$0x1020];
	_ =	sdelay $0x4  }
0x61b: {  	v9 =	vadd.f32 v10, v9;
	_ =	sdelay $0x1  }
0x61c: {  	[tilespmem:$0x4A0] =	vst v9  }
0x61d: {  	v9 =	vld [tilespmem:s4+$0x1030];
	_ =	sdelay $0x4  }
0x61e: {  	v8 =	vadd.f32 v9, v8;
	_ =	sdelay $0x1  }
0x61f: {  	[tilespmem:$0x4B0] =	vst v8  }
0x620: {  	v8 =	vld [tilespmem:s4+$0x1040];
	_ =	sdelay $0x4  }
0x621: {  	v6 =	vadd.f32 v8, v6;
	_ =	sdelay $0x1  }
0x622: {  	[tilespmem:$0x4C0] =	vst v6  }
0x623: {  	v6 =	vld [tilespmem:s4+$0x1050];
	_ =	sdelay $0x4  }
0x624: {  	v5 =	vadd.f32 v6, v5;
	_ =	sdelay $0x1  }
0x625: {  	[tilespmem:$0x4D0] =	vst v5  }
0x626: {  	v5 =	vld [tilespmem:s4+$0x1060];
	_ =	sdelay $0x4  }
0x627: {  	v5 =	vadd.f32 v5, v7  }
0x628: {  	v3 =	vadd.f32 v4, v3  }
0x629: {  	[tilespmem:$0x4E0] =	vst v5  }
0x62a: {  	(v2sf) =	vpush v3, $0x0;
	v4 =	vld [tilespmem:s4+$0x1070];
	_ =	sdelay $0x4  }
0x62b: {  	v2 =	vadd.f32 v4, v2;
	_ =	sdelay $0x1  }
0x62c: {  	[tilespmem:$0x4F0] =	vst v2  }
0x62d: {  	v3 =	vimm.s32 $0xFEDCBA98;
	v2 =	vld [tilespmem:s4+$0x1080]  }
0x62e: {  	v3 =	vunpack.c.l.s4.s8 v3  }
0x62f: {  	v62 =	vimm.s32 $0xEFCDAB89;
	v63 =	vimm.s32 $0x67452301;
	v4 =	vimm.s32 $0x76543210  }
0x630: {  	v3 =	vunpack.c.0.s8.s32 v3;
	v6 =	vimm.s32 $0xDCFE98BA;
	v4 =	vunpack.c.l.s4.s8 v4  }
0x631: {  	v9 =	vunpack.c.l.s4.s8 v63;
	v8 =	vunpack.c.l.s4.s8 v62;
	v6 =	vunpack.c.l.s4.s8 v6  }
0x632: {  	v7 =	vimm.s32 $0x54761032;
	v5 =	vadd.f32 v2, v0;
	v0 =	vunpack.c.0.s8.s32 v4  }
0x633: {  	v2 =	vand.u32 $0xF, v3;
	v3 =	vimm.s32 $0xBA98FEDC;
	v4 =	vimm.s32 $0x32107654  }
0x634: {  	s31 =	spop (v2sf);
	v7 =	vunpack.c.l.s4.s8 v7;
	v3 =	vunpack.c.l.s4.s8 v3;
	v4 =	vunpack.c.l.s4.s8 v4  }
0x635: {  	v9 =	vunpack.c.0.s8.s32 v9;
	v8 =	vunpack.c.0.s8.s32 v8;
	v6 =	vunpack.c.0.s8.s32 v6;
	s4 =	scvt.f32.s32 s31  }
0x636: {  	v7 =	vunpack.c.0.s8.s32 v7;
	v3 =	vunpack.c.0.s8.s32 v3;
	v4 =	vunpack.c.0.s8.s32 v4  }
0x637: {  	s9 =	simm.s32 $0x40;
	s10 =	simm.s32 $0x0;
	s4 =	ssub.s32 s8, s4;
	v0 =	vcombine.low v2, v0;
	[tilespmem:$0x500] =	vst v5;
	v5 =	vcombine.low v9, v8  }
0x638: {  	s11 =	simm.s32 $0x0;
	s8 =	simm.s32 $0x0;
	s4 =	scvt.s32.f32 s4;
	v2 =	vcombine.low v4, v3;
	v3 =	vlaneseq.u32;
	v4 =	vcombine.low v7, v6  }
.LBB2_60:
0x639: {  	s12 =	simm.s32 $0x400  }
0x63a: {  	v8 =	vld [tilespmem:s12+$0x0]  }
0x63b: {  	s31 =	sshrl.u32 s9, s11  }
0x63c: {  	s12 =	sor.u32 s31, s10  }
0x63d: {  	v7 =	vor.u32 s8, v3;
	v6 =	vmov s12  }
0x63e: {  	vm0 =	vlt.s32 v7, v6  }
0x63f: {  	s13 =	simm.s32 $0x10;
	s14 =	simm.s32 $0x410;
	v7 =	vimm.f32 $0.0e+00;
	v8 =	vsel vm0, $0x0, v8  }
.LBB2_61:
0x640: {  	v9 =	vld [tilespmem:s14+$0x0];
	p0 =	sne.s32 s13, $0xF0;
	v7 =	vadd.f32 v8, v7;
	s15 =	smov.u32 s13;
	s13 =	sadd.s32 $0x10, s13  }
.Ltmp30:
0x641: {  	(pc) =	sbr.rel @p0 .LBB2_61-.Ltmp30, $4  }
0x642: {  	_ = 	snop  }
0x643: {  	v8 =	vor.u32 s15, v3  }
0x644: {  	vm0 =	vlt.s32 v8, v6  }
0x645: {  	s14 =	sadd.s32 $0x10, s14;
	v8 =	vsel vm0, $0x0, v9  }
0x646: {  	v6 =	vadd.f32 v8, v7;
	_ =	sdelay $0x1  }
0x647: {  	v7 =	vperm.xlane v6, v0;
	_ =	sdelay $0x1  }
0x648: {  	v6 =	vadd.f32 v7, v6;
	_ =	sdelay $0x1  }
0x649: {  	v7 =	vperm.xlane v6, v2;
	_ =	sdelay $0x1  }
0x64a: {  	v6 =	vadd.f32 v7, v6;
	_ =	sdelay $0x1  }
0x64b: {  	v7 =	vperm.xlane v6, v4;
	_ =	sdelay $0x1  }
0x64c: {  	v6 =	vadd.f32 v7, v6;
	_ =	sdelay $0x1  }
0x64d: {  	v7 =	vperm.xlane v6, v5;
	_ =	sdelay $0x1  }
0x64e: {  	v6 =	vadd.f32 v7, v6;
	_ =	sdelay $0x1  }
0x64f: {  	(v2sf) =	vpush v6, $0x0;
	_ =	sdelay $0xb  }
0x650: {  	s11 =	sadd.s32 $0x1, s11  }
0x651: {  	p1 =	sne.s32 s11, $0x7  }
.Ltmp31:
0x652: {  	_ = 	snop;
	(pc) =	sbr.rel @p1 .LBB2_60-.Ltmp31, $3  }
0x653: {  	s13 =	spop (v2sf)  }
0x654: {  	p0 =	sge.f32 s13, s4;
	_ =	sdelay $0x1  }
0x655: {  	s10 =	smov.u32 @p0 s12  }
0x656: {  	s4 =	sshll.u32 s5, $0x7  }
0x657: {  	s4 =	sor.u32 s4, s10  }
0x658: {  	v2 =	vmov s4  }
.LBB2_64:
0x659: {  	[tilespmem:$0x980] =	vst v2;
	s4 =	simm.s32 $0x0  }
0x65a: {  	v4 =	vld [tilespmem:s4+$0x0]  }
0x65b: {  	v0 =	vlaneseq.u32  }
0x65c: {  	v3 =	vmul.u32 $0xFFFFFFFF, v0  }
0x65d: {  	s5 =	sxor.u32 $0x80000000, s7  }
0x65e: {  	s2 =	sadd.s32 s3, s2;
	s3 =	simm.s32 $0x40;
	v5 =	vmov s6;
	v0 =	vmov s5;
	v3 =	vadd.s32 $0x3FFF, v3  }
.LBB2_65:
0x65f: {  	s5 =	sshra.s32 s3, $0x2;
	p0 =	sne.s32 s3, $0xFC0;
	s3 =	sadd.s32 $0x40, s3;
	v6 =	vxor.u32 $0x80000000, v4;
	v5 =	vsub.s32 v3, v5  }
.Ltmp32:
0x660: {  	v4 =	vld [tilespmem:s5+$0x0];
	vm0 =	veq.s32 v6, v0;
	vm1 =	vge.s32 v5, v2;
	(pc) =	sbr.rel @p0 .LBB2_65-.Ltmp32, $4  }
0x661: {  	vm2 =	vgt.s32 v6, v0;
	vm0 =	vmand vm1, vm0  }
0x662: {  	vm0 =	vmor vm2, vm0  }
0x663: {  	s6 =	sadd.s32 $0x10, s6;
	v6 =	vsel vm0, $0x1, v1  }
0x664: {  	v5 =	vmov s6;
	[tilespmem:s4+$0x580] =	vst v6;
	s4 =	smov.u32 s5  }
0x665: {  	v4 =	vxor.u32 $0x80000000, v4;
	v3 =	vsub.s32 v3, v5  }
0x666: {  	vm0 =	veq.s32 v4, v0;
	vm1 =	vge.s32 v3, v2  }
0x667: {  	vm2 =	vgt.s32 v4, v0;
	vm0 =	vmand vm1, vm0  }
0x668: {  	vm0 =	vmor vm2, vm0  }
0x669: {  	v63 =	vsel vm0, $0x1, v1  }
0x66a: {  	s3 =	simm.s32 $0x0;
	s30 =	simm.s32 $0x580;
	s31 =	simm.s32 $0x2;
	[tilespmem:s4+$0x580] =	vst v63  }
0x66b: {  	[hbm4b:s2+s3] =	stream.linear.scatter [tilespmem:s30], [sflag:$0x2], $0x400, $0x38;
	[tilespmem:$0x26E0] =	vst v63  }
0x66c: {  	_ =	swait.ge [sflag:s31], $0x400  }
0x66d: {  	[sflag:s31] =	ssyncset.done $0x0  }
0x66e: {  	[sflag:s31] =	ssyncadd.s32 $0xFFFFFC00  }
0x66f: {  	_ =	sfence.sel $0x180000  }
0x670: {  	[bflag:$0x0] =	sbarrier.arrive $0xFFFF  }
0x671: {  	p0 =	sne.s32 s1, $0x0;
	_ =	strace $0x90000047  }
0x672: {  	s0 =	sadd.s32 @!p0 $0x100000, s0;
	[bflag:$0x2] =	sbarrier.arrive $0xFFFF  }
0x673: {  	[sflag:s0] =	ssyncadd.tile.s32 @!p0 $0x1;
	_ =	shalt  }
.Lfunc_end2:
_tile_overlayer_lowered:
.L_overlay_start_2:
0x674: {  	(tag) =	ssettag $0x2  }
0x675: {  	s0 =	rddreg [dreg:$0x0];
	s2 =	stileid.u32  }
0x676: {  	s1 =	rddreg [dreg:$0x1];
	p0 =	sne.s32 s2, $0x0  }
0x677: {  	s3 =	rddreg [dreg:$0x2];
	[bflag:$0x3] =	sbarrier.arrive $0xFFFF;
	s2 =	simm.s32 @!p0 $0x1C02  }
0x678: {  	[timem:s3], [sflag:s2] =	dma.local @!p0 [hbm:s0], s1  }
0x679: {  	s0 =	simm.s32 @!p0 $0x2  }
0x67a: {  	_ =	swait.ge @!p0 [sflag:s0], s1  }
0x67b: {  	s1 =	ssub.s32 @!p0 $0x0, s1;
	[sflag:s0] =	ssyncset.done @!p0 $0x0  }
0x67c: {  	[sflag:s0] =	ssyncadd.s32 @!p0 s1  }
0x67d: {  	[bflag:$0x3] =	sbarrier.arrive $0xFFFF  }
0x67e: {  	_ =	shalt  }

</sc_bundles>
